<compile_context>
chip_gen: v7x
topology: tpu7x:2x2x1
jax: 0.10.2.dev20260603
libtpu: 0.0.44.dev20260713+nightly
codegen_flags: <defaults>
</compile_context>

<pallas_src>
import functools

import jax
import jax.numpy as jnp
from jax import lax
from jax.experimental import pallas as pl
from jax.experimental.pallas import tpu as pltpu
from jax.experimental.pallas import tpu_sc as plsc

N_NODES = 10000
N_EDGES = 320000
D_NODE = 128
D_EDGE = 16
NUM_CLASSES = 32

BN = 2000
BE = 2560


def _gelu_exact(x):
    return 0.5 * x * (1.0 + lax.erf(x * 0.7071067811865476))


def _k0_body(nf_ref, wst_ref, a_ref, b_ref):
    x = nf_ref[...]
    a_ref[...] = jnp.dot(x, wst_ref[:, :D_NODE],
                         preferred_element_type=jnp.float32)
    b_ref[...] = jnp.dot(x, wst_ref[:, D_NODE:],
                         preferred_element_type=jnp.float32)


def _precompute_ab(nf, W_msg):
    wst = jnp.concatenate([W_msg[:, :D_NODE].T, W_msg[:, D_NODE:2 * D_NODE].T],
                          axis=1)
    return pl.pallas_call(
        _k0_body,
        grid=(N_NODES // BN,),
        in_specs=[
            pl.BlockSpec((BN, D_NODE), lambda i: (i, 0)),
            pl.BlockSpec((D_NODE, 2 * D_NODE), lambda i: (0, 0)),
        ],
        out_specs=[
            pl.BlockSpec((BN, D_NODE), lambda i: (i, 0)),
            pl.BlockSpec((BN, D_NODE), lambda i: (i, 0)),
        ],
        out_shape=[
            jax.ShapeDtypeStruct((N_NODES, D_NODE), jnp.float32),
            jax.ShapeDtypeStruct((N_NODES, D_NODE), jnp.float32),
        ],
    )(nf, wst)


def _k1_body(ef_ref, we_ref, wce_ref, bmsg_ref, bc1_ref, emsg_ref, e2_ref):
    e = ef_ref[...]
    emsg_ref[...] = jnp.dot(e, we_ref[...],
                            preferred_element_type=jnp.float32) + bmsg_ref[...]
    e2_ref[...] = jnp.dot(e, wce_ref[...],
                          preferred_element_type=jnp.float32) + bc1_ref[...]


def _precompute_edge_terms(ef, W_msg, b_msg, Wc1, bc1):
    we_t = W_msg[:, 2 * D_NODE:].T
    wce_t = Wc1[:, 2 * D_NODE:].T
    return pl.pallas_call(
        _k1_body,
        grid=(N_EDGES // BE,),
        in_specs=[
            pl.BlockSpec((BE, D_EDGE), lambda i: (i, 0)),
            pl.BlockSpec((D_EDGE, D_NODE), lambda i: (0, 0)),
            pl.BlockSpec((D_EDGE, D_EDGE), lambda i: (0, 0)),
            pl.BlockSpec((1, D_NODE), lambda i: (0, 0)),
            pl.BlockSpec((1, D_EDGE), lambda i: (0, 0)),
        ],
        out_specs=[
            pl.BlockSpec((BE, D_NODE), lambda i: (i, 0)),
            pl.BlockSpec((BE, D_EDGE), lambda i: (i, 0)),
        ],
        out_shape=[
            jax.ShapeDtypeStruct((N_EDGES, D_NODE), jnp.float32),
            jax.ShapeDtypeStruct((N_EDGES, D_EDGE), jnp.float32),
        ],
    )(ef, we_t, wce_t, b_msg.reshape(1, -1), bc1.reshape(1, -1))


def _k3_body(aggp_ref, nf_ref, wih_ref, whh_ref, bih_ref, bhh_ref, wc_ref,
             t2_ref):
    agg = aggp_ref[0] + aggp_ref[1]
    h = nf_ref[...]
    gi = jnp.dot(agg, wih_ref[...], preferred_element_type=jnp.float32) \
        + bih_ref[...]
    gh = jnp.dot(h, whh_ref[...], preferred_element_type=jnp.float32) \
        + bhh_ref[...]
    i_r = gi[:, :D_NODE]
    i_z = gi[:, D_NODE:2 * D_NODE]
    i_n = gi[:, 2 * D_NODE:]
    h_r = gh[:, :D_NODE]
    h_z = gh[:, D_NODE:2 * D_NODE]
    h_n = gh[:, 2 * D_NODE:]
    r = jax.nn.sigmoid(i_r + h_r)
    z = jax.nn.sigmoid(i_z + h_z)
    n = jnp.tanh(i_n + r * h_n)
    nf_up = (1.0 - z) * n + z * h
    ab2 = jnp.dot(nf_up, wc_ref[...], preferred_element_type=jnp.float32)
    t2_ref[...] = jnp.concatenate(
        [ab2, jnp.zeros((ab2.shape[0], D_NODE - 2 * D_EDGE), jnp.float32)],
        axis=1)


def _gru_and_cls_precompute(agg_partials, nf, W_ih, W_hh, b_ih, b_hh, Wc1):
    wc_st = jnp.concatenate([Wc1[:, :D_NODE].T, Wc1[:, D_NODE:2 * D_NODE].T],
                            axis=1)
    return pl.pallas_call(
        _k3_body,
        grid=(N_NODES // BN,),
        in_specs=[
            pl.BlockSpec((2, BN, D_NODE), lambda i: (0, i, 0)),
            pl.BlockSpec((BN, D_NODE), lambda i: (i, 0)),
            pl.BlockSpec((D_NODE, 3 * D_NODE), lambda i: (0, 0)),
            pl.BlockSpec((D_NODE, 3 * D_NODE), lambda i: (0, 0)),
            pl.BlockSpec((1, 3 * D_NODE), lambda i: (0, 0)),
            pl.BlockSpec((1, 3 * D_NODE), lambda i: (0, 0)),
            pl.BlockSpec((D_NODE, 2 * D_EDGE), lambda i: (0, 0)),
        ],
        out_specs=pl.BlockSpec((BN, D_NODE), lambda i: (i, 0)),
        out_shape=jax.ShapeDtypeStruct((N_NODES, D_NODE), jnp.float32),
    )(agg_partials, nf, W_ih.T, W_hh.T, b_ih.reshape(1, -1),
      b_hh.reshape(1, -1), wc_st)


def _k5_body(z_ref, w2_ref, bc2_ref, out_ref):
    h = _gelu_exact(z_ref[...])
    out_ref[...] = jnp.dot(h, w2_ref[...],
                           preferred_element_type=jnp.float32) + bc2_ref[...]


def _cls_head(zcls, Wc2, bc2):
    return pl.pallas_call(
        _k5_body,
        grid=(N_EDGES // BE,),
        in_specs=[
            pl.BlockSpec((BE, D_EDGE), lambda i: (i, 0)),
            pl.BlockSpec((D_EDGE, NUM_CLASSES), lambda i: (0, 0)),
            pl.BlockSpec((1, NUM_CLASSES), lambda i: (0, 0)),
        ],
        out_specs=pl.BlockSpec((BE, NUM_CLASSES), lambda i: (i, 0)),
        out_shape=jax.ShapeDtypeStruct((N_EDGES, NUM_CLASSES), jnp.float32),
    )(zcls, Wc2.T, bc2.reshape(1, -1))


NUM_SC = 2
NUM_SUB = 16
NW = NUM_SC * NUM_SUB
EPW = N_EDGES // NW
NPS = 624
NREM = N_NODES - NUM_SUB * NPS
CH = 40
NCH = EPW // CH
CH2 = 40
NCH2 = EPW // CH2

_SC_MESH = plsc.VectorSubcoreMesh(core_axis_name="c", subcore_axis_name="s")


def _gelu_sc(x):
    x2 = x * x
    t = x * (-1.5957691216057308 - 0.07135481627357725 * x2)
    return x / (1.0 + jnp.exp(t))


def _k2_body(a_hbm, b_hbm, e_hbm, src_hbm, tgt_hbm, zeros_hbm, out_hbm,
             src0, tgt0, src1, tgt1, a0, b0, e0, a1, b1, e1, agg_sh,
             isem0, isem1, gsem0, gsem1):
    c = lax.axis_index("c")
    s = lax.axis_index("s")
    wid = s * NUM_SC + c
    tile_base = wid * EPW
    pltpu.sync_copy(zeros_hbm.at[pl.ds(s * NPS, NPS)],
                    agg_sh.at[pl.ds(s * NPS, NPS)])

    @pl.when(s == NUM_SUB - 1)
    def _():
        pltpu.sync_copy(zeros_hbm.at[pl.ds(NUM_SUB * NPS, NREM)],
                        agg_sh.at[pl.ds(NUM_SUB * NPS, NREM)])

    plsc.subcore_barrier()

    slots = ((src0, tgt0, a0, b0, e0, isem0, gsem0),
             (src1, tgt1, a1, b1, e1, isem1, gsem1))

    def issue_idx(k, slot):
        src_v, tgt_v = slot[0], slot[1]
        isem = slot[5]
        base = tile_base + k * CH
        pltpu.async_copy(src_hbm.at[pl.ds(base, CH)], src_v, isem)
        pltpu.async_copy(tgt_hbm.at[pl.ds(base, CH)], tgt_v, isem)

    def wait_idx(slot):
        src_v, tgt_v = slot[0], slot[1]
        isem = slot[5]
        pltpu.make_async_copy(src_hbm.at[pl.ds(0, CH)], src_v, isem).wait()
        pltpu.make_async_copy(tgt_hbm.at[pl.ds(0, CH)], tgt_v, isem).wait()

    def issue_gather(k, slot):
        src_v, tgt_v, a_rows, b_rows, e_rows, _, gsem = slot
        base = tile_base + k * CH
        pltpu.async_copy(a_hbm.at[src_v], a_rows, gsem)
        pltpu.async_copy(b_hbm.at[tgt_v], b_rows, gsem)
        pltpu.async_copy(e_hbm.at[pl.ds(base, CH)], e_rows, gsem)

    def wait_gather(slot):
        a_rows, b_rows, e_rows, gsem = slot[2], slot[3], slot[4], slot[6]
        pltpu.make_async_copy(a_hbm.at[pl.ds(0, CH)], a_rows, gsem).wait()
        pltpu.make_async_copy(b_hbm.at[pl.ds(0, CH)], b_rows, gsem).wait()
        pltpu.make_async_copy(e_hbm.at[pl.ds(0, CH)], e_rows, gsem).wait()

    def compute_scatter(slot):
        tgt_v, a_rows, b_rows, e_rows = slot[1], slot[2], slot[3], slot[4]

        def row4(i, rcarry):
            for u in range(4):
                r = i * 4 + u
                for j in range(D_NODE // 16):
                    sl = pl.ds(j * 16, 16)
                    x = a_rows[r, sl] + b_rows[r, sl] + e_rows[r, sl]
                    a_rows[r, sl] = _gelu_sc(x)
            return rcarry

        lax.fori_loop(0, CH // 4, row4, 0)
        pltpu.sync_copy(a_rows, agg_sh.at[tgt_v], add=True)

    pltpu.sync_copy(src_hbm.at[pl.ds(tile_base, CH)], src0)
    pltpu.sync_copy(tgt_hbm.at[pl.ds(tile_base, CH)], tgt0)
    issue_gather(0, slots[0])
    issue_idx(1, slots[1])

    def pair(p, carry):
        k0 = 2 * p
        wait_gather(slots[0])
        wait_idx(slots[1])
        issue_gather(k0 + 1, slots[1])
        compute_scatter(slots[0])

        @pl.when(k0 + 2 < NCH)
        def _():
            issue_idx(k0 + 2, slots[0])

        wait_gather(slots[1])

        @pl.when(k0 + 2 < NCH)
        def _():
            wait_idx(slots[0])
            issue_gather(k0 + 2, slots[0])

        compute_scatter(slots[1])

        @pl.when(k0 + 3 < NCH)
        def _():
            issue_idx(k0 + 3, slots[1])

        return carry

    lax.fori_loop(0, NCH // 2, pair, 0)
    plsc.subcore_barrier()
    pltpu.sync_copy(agg_sh.at[pl.ds(s * NPS, NPS)],
                    out_hbm.at[c, pl.ds(s * NPS, NPS)])

    @pl.when(s == NUM_SUB - 1)
    def _():
        pltpu.sync_copy(agg_sh.at[pl.ds(NUM_SUB * NPS, NREM)],
                        out_hbm.at[c, pl.ds(NUM_SUB * NPS, NREM)])


def _msg_aggregate(a, b, emsg, src, tgt):
    zeros = jnp.zeros((N_NODES, D_NODE), jnp.float32)
    run = pl.kernel(
        _k2_body,
        out_type=jax.ShapeDtypeStruct((NUM_SC, N_NODES, D_NODE), jnp.float32),
        mesh=_SC_MESH,
        scratch_types=[
            pltpu.VMEM((CH,), jnp.int32),
            pltpu.VMEM((CH,), jnp.int32),
            pltpu.VMEM((CH,), jnp.int32),
            pltpu.VMEM((CH,), jnp.int32),
            pltpu.VMEM((CH, D_NODE), jnp.float32),
            pltpu.VMEM((CH, D_NODE), jnp.float32),
            pltpu.VMEM((CH, D_NODE), jnp.float32),
            pltpu.VMEM((CH, D_NODE), jnp.float32),
            pltpu.VMEM((CH, D_NODE), jnp.float32),
            pltpu.VMEM((CH, D_NODE), jnp.float32),
            pltpu.VMEM_SHARED((N_NODES, D_NODE), jnp.float32),
            pltpu.SemaphoreType.DMA,
            pltpu.SemaphoreType.DMA,
            pltpu.SemaphoreType.DMA,
            pltpu.SemaphoreType.DMA,
        ],
    )
    return run(a, b, emsg, src, tgt, zeros)


def _k4_body(t2_hbm, e2_hbm, src_hbm, tgt_hbm, z_hbm,
             src0, tgt0, a0, b0, e20, src1, tgt1, a1, b1, e21, sem0, sem1):
    c = lax.axis_index("c")
    s = lax.axis_index("s")
    wid = s * NUM_SC + c
    tile_base = wid * EPW

    slots = ((src0, tgt0, a0, b0, e20, sem0),
             (src1, tgt1, a1, b1, e21, sem1))

    def issue(k, slot):
        src_v, tgt_v, a_rows, b_rows, e2_rows, sem = slot
        base = tile_base + k * CH2
        pltpu.sync_copy(src_hbm.at[pl.ds(base, CH2)], src_v)
        pltpu.sync_copy(tgt_hbm.at[pl.ds(base, CH2)], tgt_v)
        pltpu.async_copy(t2_hbm.at[src_v], a_rows, sem)
        pltpu.async_copy(t2_hbm.at[tgt_v], b_rows, sem)
        pltpu.async_copy(e2_hbm.at[pl.ds(base, CH2)], e2_rows, sem)

    def finish(k, slot):
        a_rows, b_rows, e2_rows, sem = slot[2], slot[3], slot[4], slot[5]
        pltpu.make_async_copy(t2_hbm.at[pl.ds(0, CH2)], a_rows, sem).wait()
        pltpu.make_async_copy(t2_hbm.at[pl.ds(0, CH2)], b_rows, sem).wait()
        pltpu.make_async_copy(e2_hbm.at[pl.ds(0, CH2)], e2_rows, sem).wait()

        def row4(i, rcarry):
            for u in range(4):
                r = i * 4 + u
                sl = pl.ds(0, D_EDGE)
                e2_rows[r, sl] = (a_rows[r, sl]
                                  + b_rows[r, pl.ds(D_EDGE, D_EDGE)]
                                  + e2_rows[r, sl])
            return rcarry

        lax.fori_loop(0, CH2 // 4, row4, 0)
        pltpu.sync_copy(e2_rows, z_hbm.at[pl.ds(tile_base + k * CH2, CH2)])

    issue(0, slots[0])

    def pair(p, carry):
        k0 = 2 * p
        issue(k0 + 1, slots[1])
        finish(k0, slots[0])

        @pl.when(k0 + 2 < NCH2)
        def _():
            issue(k0 + 2, slots[0])

        finish(k0 + 1, slots[1])
        return carry

    lax.fori_loop(0, NCH2 // 2, pair, 0)


def _cls_gather(t2, e2, src, tgt):
    run = pl.kernel(
        _k4_body,
        out_type=jax.ShapeDtypeStruct((N_EDGES, D_EDGE), jnp.float32),
        mesh=_SC_MESH,
        scratch_types=[
            pltpu.VMEM((CH2,), jnp.int32),
            pltpu.VMEM((CH2,), jnp.int32),
            pltpu.VMEM((CH2, D_NODE), jnp.float32),
            pltpu.VMEM((CH2, D_NODE), jnp.float32),
            pltpu.VMEM((CH2, D_EDGE), jnp.float32),
            pltpu.VMEM((CH2,), jnp.int32),
            pltpu.VMEM((CH2,), jnp.int32),
            pltpu.VMEM((CH2, D_NODE), jnp.float32),
            pltpu.VMEM((CH2, D_NODE), jnp.float32),
            pltpu.VMEM((CH2, D_EDGE), jnp.float32),
            pltpu.SemaphoreType.DMA,
            pltpu.SemaphoreType.DMA,
        ],
    )
    return run(t2, e2, src, tgt)


def kernel(node_features, edge_index, edge_features, W_msg, b_msg, W_ih, W_hh,
           b_ih, b_hh, Wc1, bc1, Wc2, bc2):
    src = edge_index[0]
    tgt = edge_index[1]

    a, b = _precompute_ab(node_features, W_msg)
    emsg, e2 = _precompute_edge_terms(edge_features, W_msg, b_msg, Wc1, bc1)

    agg_partials = _msg_aggregate(a, b, emsg, src, tgt)

    t2 = _gru_and_cls_precompute(agg_partials, node_features, W_ih, W_hh,
                                 b_ih, b_hh, Wc1)

    zcls = _cls_gather(t2, e2, src, tgt)
    return _cls_head(zcls, Wc2, bc2)

# --- scband reference (transcript-rebuilt; emitter-appended) ---
"""Pipeline reference for scband-comp-gcnclassifier-22393959481892 (READ-ONLY COPY).

The authoritative reference and input builder live on the scoring server;
editing this copy changes nothing except your own understanding.
"""

import jax, jax.numpy as jnp
import numpy as np

D_NODE = 128
D_EDGE = 16
NUM_CLASSES = 32
N_NODES = 10000
N_EDGES = 320000


def setup_inputs(seed: int = 0) -> dict:
    key = jax.random.key(seed)
    ks = jax.random.split(key, 16)
    node_features = jax.random.normal(ks[0], (N_NODES, D_NODE), dtype=jnp.float32)
    edge_index = jax.random.randint(ks[1], (2, N_EDGES), 0, N_NODES, dtype=jnp.int64 if jax.config.jax_enable_x64 else jnp.int32).astype(jnp.int32)
    edge_features = jax.random.normal(ks[2], (N_EDGES, D_EDGE), dtype=jnp.float32)
    d_in = D_NODE * 2 + D_EDGE
    s = 0.05
    W_msg = jax.random.normal(ks[3], (D_NODE, d_in), dtype=jnp.float32) * s
    b_msg = jnp.zeros((D_NODE,), dtype=jnp.float32)
    W_ih = jax.random.normal(ks[4], (3 * D_NODE, D_NODE), dtype=jnp.float32) * s
    W_hh = jax.random.normal(ks[5], (3 * D_NODE, D_NODE), dtype=jnp.float32) * s
    b_ih = jnp.zeros((3 * D_NODE,), dtype=jnp.float32)
    b_hh = jnp.zeros((3 * D_NODE,), dtype=jnp.float32)
    Wc1 = jax.random.normal(ks[6], (D_EDGE, d_in), dtype=jnp.float32) * s
    bc1 = jnp.zeros((D_EDGE,), dtype=jnp.float32)
    Wc2 = jax.random.normal(ks[7], (NUM_CLASSES, D_EDGE), dtype=jnp.float32) * s
    bc2 = jnp.zeros((NUM_CLASSES,), dtype=jnp.float32)
    return {
        "node_features": node_features,
        "edge_index": edge_index,
        "edge_features": edge_features,
        "W_msg": W_msg, "b_msg": b_msg,
        "W_ih": W_ih, "W_hh": W_hh, "b_ih": b_ih, "b_hh": b_hh,
        "Wc1": Wc1, "bc1": bc1, "Wc2": Wc2, "bc2": bc2,
    }


def _gelu(x):
    return jax.nn.gelu(x, approximate=False)


def _gru_cell(x, h, W_ih, W_hh, b_ih, b_hh):
    gi = x @ W_ih.T + b_ih
    gh = h @ W_hh.T + b_hh
    i_r, i_z, i_n = jnp.split(gi, 3, axis=-1)
    h_r, h_z, h_n = jnp.split(gh, 3, axis=-1)
    r = jax.nn.sigmoid(i_r + h_r)
    z = jax.nn.sigmoid(i_z + h_z)
    n = jnp.tanh(i_n + r * h_n)
    return (1.0 - z) * n + z * h


def reference(node_features, edge_index, edge_features, W_msg, b_msg, W_ih, W_hh, b_ih, b_hh, Wc1, bc1, Wc2, bc2):
    nf = node_features
    src = edge_index[0]
    tgt = edge_index[1]
    ef = edge_features
    msg_in = jnp.concatenate([nf[src], nf[tgt], ef], axis=-1)
    msg = _gelu(msg_in @ W_msg.T + b_msg)
    agg = jnp.zeros_like(nf).at[tgt].add(msg)
    nf_up = _gru_cell(agg, nf, W_ih, W_hh, b_ih, b_hh)
    cls_in = jnp.concatenate([nf_up[src], nf_up[tgt], ef], axis=-1)
    h = _gelu(cls_in @ Wc1.T + bc1)
    out = h @ Wc2.T + bc2
    return out

if __name__ == "__main__":
    import jax
    _d = setup_inputs()
    print(jax.jit(kernel)(*tuple(_d.values())))

</pallas_src>

<mosaic_0001>
#map = affine_map<(d0, d1) -> (0, 0)>
#map1 = affine_map<(d0, d1) -> (0)>
module attributes {stable_mosaic.version = 14 : i64} {
  func.func @_k4_body(%arg0: i32, %arg1: i32, %arg2: memref<10000x128xf32, #tpu.memory_space<hbm>>, %arg3: memref<320000x16xf32, #tpu.memory_space<hbm>>, %arg4: memref<320000xi32, #tpu.memory_space<hbm>>, %arg5: memref<320000xi32, #tpu.memory_space<hbm>>, %arg6: memref<320000x16xf32, #tpu.memory_space<hbm>>, %arg7: memref<40xi32, #tpu.memory_space<vmem>>, %arg8: memref<40xi32, #tpu.memory_space<vmem>>, %arg9: memref<40x128xf32, #tpu.memory_space<vmem>>, %arg10: memref<40x128xf32, #tpu.memory_space<vmem>>, %arg11: memref<40x16xf32, #tpu.memory_space<vmem>>, %arg12: memref<40xi32, #tpu.memory_space<vmem>>, %arg13: memref<40xi32, #tpu.memory_space<vmem>>, %arg14: memref<40x128xf32, #tpu.memory_space<vmem>>, %arg15: memref<40x128xf32, #tpu.memory_space<vmem>>, %arg16: memref<40x16xf32, #tpu.memory_space<vmem>>, %arg17: memref<!tpu.dma_semaphore, #tpu.memory_space<semaphore_mem>>, %arg18: memref<!tpu.dma_semaphore, #tpu.memory_space<semaphore_mem>>) attributes {dimension_semantics = [#tpu.dimension_semantics<core_parallel>, #tpu.dimension_semantics<subcore_parallel>], iteration_bounds = array<i64: 2, 16>, scalar_prefetch = 0 : i64, scratch_operands = 12 : i64, tpu.core_type = #tpu.core_type<sc_vector_subcore>, window_params = [{transform_indices = #map}, {transform_indices = #map}, {transform_indices = #map1}, {transform_indices = #map1}, {transform_indices = #map}]} {
    %mul3A = arith.constant 2 : i32
    %mul3A_0 = arith.muli %arg1, %mul3A : i32
    %add3A = arith.addi %mul3A_0, %arg0 : i32
    %mul3A_1 = arith.constant 10000 : i32
    %mul3A_2 = arith.muli %add3A, %mul3A_1 : i32
    %add3A_3 = arith.constant 0 : i32
    %add3A_4 = arith.addi %mul3A_2, %add3A_3 : i32
    "tpu.region"() ({
      %run_scoped3A = tpu.sem_alloc : memref<!tpu.dma_semaphore, #tpu.memory_space<semaphore_mem>>
      %dma_start3A_19 = tpu.memref_slice %arg4[%add3A_4] : memref<320000xi32, #tpu.memory_space<hbm>> -> memref<40xi32, #tpu.memory_space<hbm>>
      %dma_start3A_20 = tpu.memref_slice %arg4[%add3A_4] : memref<320000xi32, #tpu.memory_space<hbm>> -> memref<40xi32, #tpu.memory_space<hbm>>
      tpu.enqueue_dma source(%dma_start3A_20 : memref<40xi32, #tpu.memory_space<hbm>>) target(%arg7 : memref<40xi32, #tpu.memory_space<vmem>>) target_semaphore(%run_scoped3A : memref<!tpu.dma_semaphore, #tpu.memory_space<semaphore_mem>>)
      %dma_wait3A = tpu.memref_slice %arg4[%add3A_4] : memref<320000xi32, #tpu.memory_space<hbm>> -> memref<40xi32, #tpu.memory_space<hbm>>
      %dma_wait3A_21 = tpu.memref_slice %arg4[%add3A_4] : memref<320000xi32, #tpu.memory_space<hbm>> -> memref<40xi32, #tpu.memory_space<hbm>>
      tpu.wait_dma2 semaphore(%run_scoped3A : memref<!tpu.dma_semaphore, #tpu.memory_space<semaphore_mem>>) src(%dma_wait3A_21 : memref<40xi32, #tpu.memory_space<hbm>>) dst(%arg7 : memref<40xi32, #tpu.memory_space<vmem>>)
      tpu.yield
    }) : () -> ()
    "tpu.region"() ({
      %run_scoped3A = tpu.sem_alloc : memref<!tpu.dma_semaphore, #tpu.memory_space<semaphore_mem>>
      %dma_start3A_19 = tpu.memref_slice %arg5[%add3A_4] : memref<320000xi32, #tpu.memory_space<hbm>> -> memref<40xi32, #tpu.memory_space<hbm>>
      %dma_start3A_20 = tpu.memref_slice %arg5[%add3A_4] : memref<320000xi32, #tpu.memory_space<hbm>> -> memref<40xi32, #tpu.memory_space<hbm>>
      tpu.enqueue_dma source(%dma_start3A_20 : memref<40xi32, #tpu.memory_space<hbm>>) target(%arg8 : memref<40xi32, #tpu.memory_space<vmem>>) target_semaphore(%run_scoped3A : memref<!tpu.dma_semaphore, #tpu.memory_space<semaphore_mem>>)
      %dma_wait3A = tpu.memref_slice %arg5[%add3A_4] : memref<320000xi32, #tpu.memory_space<hbm>> -> memref<40xi32, #tpu.memory_space<hbm>>
      %dma_wait3A_21 = tpu.memref_slice %arg5[%add3A_4] : memref<320000xi32, #tpu.memory_space<hbm>> -> memref<40xi32, #tpu.memory_space<hbm>>
      tpu.wait_dma2 semaphore(%run_scoped3A : memref<!tpu.dma_semaphore, #tpu.memory_space<semaphore_mem>>) src(%dma_wait3A_21 : memref<40xi32, #tpu.memory_space<hbm>>) dst(%arg8 : memref<40xi32, #tpu.memory_space<vmem>>)
      tpu.yield
    }) : () -> ()
    %dma_start3A = arith.constant 0 : i32
    %dma_start3A_5 = arith.constant 0 : i32
    %dma_start3A_6 = tpu.memref_slice %arg2[%dma_start3A, %dma_start3A_5] : memref<10000x128xf32, #tpu.memory_space<hbm>> -> memref<10000x128xf32, #tpu.memory_space<hbm>>
    tpu.enqueue_indirect_dma source(%dma_start3A_6 : memref<10000x128xf32, #tpu.memory_space<hbm>>) target(%arg9 : memref<40x128xf32, #tpu.memory_space<vmem>>) offsets(%arg7 : memref<40xi32, #tpu.memory_space<vmem>>) semaphore(%arg17 : memref<!tpu.dma_semaphore, #tpu.memory_space<semaphore_mem>>)
    %dma_start3A_7 = arith.constant 0 : i32
    %dma_start3A_8 = arith.constant 0 : i32
    %dma_start3A_9 = tpu.memref_slice %arg2[%dma_start3A_7, %dma_start3A_8] : memref<10000x128xf32, #tpu.memory_space<hbm>> -> memref<10000x128xf32, #tpu.memory_space<hbm>>
    tpu.enqueue_indirect_dma source(%dma_start3A_9 : memref<10000x128xf32, #tpu.memory_space<hbm>>) target(%arg10 : memref<40x128xf32, #tpu.memory_space<vmem>>) offsets(%arg8 : memref<40xi32, #tpu.memory_space<vmem>>) semaphore(%arg17 : memref<!tpu.dma_semaphore, #tpu.memory_space<semaphore_mem>>)
    %dma_start3A_10 = arith.constant 0 : i32
    %dma_start3A_11 = tpu.memref_slice %arg3[%add3A_4, %dma_start3A_10] : memref<320000x16xf32, #tpu.memory_space<hbm>> -> memref<40x16xf32, #tpu.memory_space<hbm>>
    %dma_start3A_12 = arith.constant 0 : i32
    %dma_start3A_13 = tpu.memref_slice %arg3[%add3A_4, %dma_start3A_12] : memref<320000x16xf32, #tpu.memory_space<hbm>> -> memref<40x16xf32, #tpu.memory_space<hbm>>
    tpu.enqueue_dma source(%dma_start3A_13 : memref<40x16xf32, #tpu.memory_space<hbm>>) target(%arg11 : memref<40x16xf32, #tpu.memory_space<vmem>>) target_semaphore(%arg17 : memref<!tpu.dma_semaphore, #tpu.memory_space<semaphore_mem>>)
    %scan3A = arith.constant 0 : i32
    %scan3A_14 = arith.constant 0 : i32
    %scan3A_15 = arith.constant 125 : i32
    %scan3A_16 = arith.addi %scan3A_14, %scan3A_15 : i32
    %scan3A_17 = arith.constant 1 : i32
    scf.for %scan3A_19 = %scan3A_14 to %scan3A_16 step %scan3A_17  : i32 {
      %mul3A_20 = arith.constant 2 : i32
      %mul3A_21 = arith.muli %mul3A_20, %scan3A_19 : i32
      %add3A_22 = arith.constant 1 : i32
      %add3A_23 = arith.addi %mul3A_21, %add3A_22 : i32
      %mul3A_24 = arith.constant 40 : i32
      %mul3A_25 = arith.muli %add3A_23, %mul3A_24 : i32
      %add3A_26 = arith.addi %mul3A_2, %mul3A_25 : i32
      "tpu.region"() ({
        %run_scoped3A = tpu.sem_alloc : memref<!tpu.dma_semaphore, #tpu.memory_space<semaphore_mem>>
        %dma_start3A_96 = tpu.memref_slice %arg4[%add3A_26] : memref<320000xi32, #tpu.memory_space<hbm>> -> memref<40xi32, #tpu.memory_space<hbm>>
        %dma_start3A_97 = tpu.memref_slice %arg4[%add3A_26] : memref<320000xi32, #tpu.memory_space<hbm>> -> memref<40xi32, #tpu.memory_space<hbm>>
        tpu.enqueue_dma source(%dma_start3A_97 : memref<40xi32, #tpu.memory_space<hbm>>) target(%arg12 : memref<40xi32, #tpu.memory_space<vmem>>) target_semaphore(%run_scoped3A : memref<!tpu.dma_semaphore, #tpu.memory_space<semaphore_mem>>)
        %dma_wait3A_98 = tpu.memref_slice %arg4[%add3A_26] : memref<320000xi32, #tpu.memory_space<hbm>> -> memref<40xi32, #tpu.memory_space<hbm>>
        %dma_wait3A_99 = tpu.memref_slice %arg4[%add3A_26] : memref<320000xi32, #tpu.memory_space<hbm>> -> memref<40xi32, #tpu.memory_space<hbm>>
        tpu.wait_dma2 semaphore(%run_scoped3A : memref<!tpu.dma_semaphore, #tpu.memory_space<semaphore_mem>>) src(%dma_wait3A_99 : memref<40xi32, #tpu.memory_space<hbm>>) dst(%arg12 : memref<40xi32, #tpu.memory_space<vmem>>)
        tpu.yield
      }) : () -> ()
      "tpu.region"() ({
        %run_scoped3A = tpu.sem_alloc : memref<!tpu.dma_semaphore, #tpu.memory_space<semaphore_mem>>
        %dma_start3A_96 = tpu.memref_slice %arg5[%add3A_26] : memref<320000xi32, #tpu.memory_space<hbm>> -> memref<40xi32, #tpu.memory_space<hbm>>
        %dma_start3A_97 = tpu.memref_slice %arg5[%add3A_26] : memref<320000xi32, #tpu.memory_space<hbm>> -> memref<40xi32, #tpu.memory_space<hbm>>
        tpu.enqueue_dma source(%dma_start3A_97 : memref<40xi32, #tpu.memory_space<hbm>>) target(%arg13 : memref<40xi32, #tpu.memory_space<vmem>>) target_semaphore(%run_scoped3A : memref<!tpu.dma_semaphore, #tpu.memory_space<semaphore_mem>>)
        %dma_wait3A_98 = tpu.memref_slice %arg5[%add3A_26] : memref<320000xi32, #tpu.memory_space<hbm>> -> memref<40xi32, #tpu.memory_space<hbm>>
        %dma_wait3A_99 = tpu.memref_slice %arg5[%add3A_26] : memref<320000xi32, #tpu.memory_space<hbm>> -> memref<40xi32, #tpu.memory_space<hbm>>
        tpu.wait_dma2 semaphore(%run_scoped3A : memref<!tpu.dma_semaphore, #tpu.memory_space<semaphore_mem>>) src(%dma_wait3A_99 : memref<40xi32, #tpu.memory_space<hbm>>) dst(%arg13 : memref<40xi32, #tpu.memory_space<vmem>>)
        tpu.yield
      }) : () -> ()
      %dma_start3A_27 = arith.constant 0 : i32
      %dma_start3A_28 = arith.constant 0 : i32
      %dma_start3A_29 = tpu.memref_slice %arg2[%dma_start3A_27, %dma_start3A_28] : memref<10000x128xf32, #tpu.memory_space<hbm>> -> memref<10000x128xf32, #tpu.memory_space<hbm>>
      tpu.enqueue_indirect_dma source(%dma_start3A_29 : memref<10000x128xf32, #tpu.memory_space<hbm>>) target(%arg14 : memref<40x128xf32, #tpu.memory_space<vmem>>) offsets(%arg12 : memref<40xi32, #tpu.memory_space<vmem>>) semaphore(%arg18 : memref<!tpu.dma_semaphore, #tpu.memory_space<semaphore_mem>>)
      %dma_start3A_30 = arith.constant 0 : i32
      %dma_start3A_31 = arith.constant 0 : i32
      %dma_start3A_32 = tpu.memref_slice %arg2[%dma_start3A_30, %dma_start3A_31] : memref<10000x128xf32, #tpu.memory_space<hbm>> -> memref<10000x128xf32, #tpu.memory_space<hbm>>
      tpu.enqueue_indirect_dma source(%dma_start3A_32 : memref<10000x128xf32, #tpu.memory_space<hbm>>) target(%arg15 : memref<40x128xf32, #tpu.memory_space<vmem>>) offsets(%arg13 : memref<40xi32, #tpu.memory_space<vmem>>) semaphore(%arg18 : memref<!tpu.dma_semaphore, #tpu.memory_space<semaphore_mem>>)
      %dma_start3A_33 = arith.constant 0 : i32
      %dma_start3A_34 = tpu.memref_slice %arg3[%add3A_26, %dma_start3A_33] : memref<320000x16xf32, #tpu.memory_space<hbm>> -> memref<40x16xf32, #tpu.memory_space<hbm>>
      %dma_start3A_35 = arith.constant 0 : i32
      %dma_start3A_36 = tpu.memref_slice %arg3[%add3A_26, %dma_start3A_35] : memref<320000x16xf32, #tpu.memory_space<hbm>> -> memref<40x16xf32, #tpu.memory_space<hbm>>
      tpu.enqueue_dma source(%dma_start3A_36 : memref<40x16xf32, #tpu.memory_space<hbm>>) target(%arg16 : memref<40x16xf32, #tpu.memory_space<vmem>>) target_semaphore(%arg18 : memref<!tpu.dma_semaphore, #tpu.memory_space<semaphore_mem>>)
      %dma_wait3A = arith.constant 0 : i32
      %dma_wait3A_37 = arith.constant 0 : i32
      %dma_wait3A_38 = tpu.memref_slice %arg2[%dma_wait3A, %dma_wait3A_37] : memref<10000x128xf32, #tpu.memory_space<hbm>> -> memref<40x128xf32, #tpu.memory_space<hbm>>
      %dma_wait3A_39 = arith.constant 0 : i32
      %dma_wait3A_40 = arith.constant 0 : i32
      %dma_wait3A_41 = tpu.memref_slice %arg2[%dma_wait3A_39, %dma_wait3A_40] : memref<10000x128xf32, #tpu.memory_space<hbm>> -> memref<40x128xf32, #tpu.memory_space<hbm>>
      tpu.wait_dma2 semaphore(%arg17 : memref<!tpu.dma_semaphore, #tpu.memory_space<semaphore_mem>>) src(%dma_wait3A_41 : memref<40x128xf32, #tpu.memory_space<hbm>>) dst(%arg9 : memref<40x128xf32, #tpu.memory_space<vmem>>)
      %dma_wait3A_42 = arith.constant 0 : i32
      %dma_wait3A_43 = arith.constant 0 : i32
      %dma_wait3A_44 = tpu.memref_slice %arg2[%dma_wait3A_42, %dma_wait3A_43] : memref<10000x128xf32, #tpu.memory_space<hbm>> -> memref<40x128xf32, #tpu.memory_space<hbm>>
      %dma_wait3A_45 = arith.constant 0 : i32
      %dma_wait3A_46 = arith.constant 0 : i32
      %dma_wait3A_47 = tpu.memref_slice %arg2[%dma_wait3A_45, %dma_wait3A_46] : memref<10000x128xf32, #tpu.memory_space<hbm>> -> memref<40x128xf32, #tpu.memory_space<hbm>>
      tpu.wait_dma2 semaphore(%arg17 : memref<!tpu.dma_semaphore, #tpu.memory_space<semaphore_mem>>) src(%dma_wait3A_47 : memref<40x128xf32, #tpu.memory_space<hbm>>) dst(%arg10 : memref<40x128xf32, #tpu.memory_space<vmem>>)
      %dma_wait3A_48 = arith.constant 0 : i32
      %dma_wait3A_49 = arith.constant 0 : i32
      %dma_wait3A_50 = tpu.memref_slice %arg3[%dma_wait3A_48, %dma_wait3A_49] : memref<320000x16xf32, #tpu.memory_space<hbm>> -> memref<40x16xf32, #tpu.memory_space<hbm>>
      %dma_wait3A_51 = arith.constant 0 : i32
      %dma_wait3A_52 = arith.constant 0 : i32
      %dma_wait3A_53 = tpu.memref_slice %arg3[%dma_wait3A_51, %dma_wait3A_52] : memref<320000x16xf32, #tpu.memory_space<hbm>> -> memref<40x16xf32, #tpu.memory_space<hbm>>
      tpu.wait_dma2 semaphore(%arg17 : memref<!tpu.dma_semaphore, #tpu.memory_space<semaphore_mem>>) src(%dma_wait3A_53 : memref<40x16xf32, #tpu.memory_space<hbm>>) dst(%arg11 : memref<40x16xf32, #tpu.memory_space<vmem>>)
      %scan3A_54 = arith.constant 0 : i32
      %scan3A_55 = arith.constant 0 : i32
      %scan3A_56 = arith.constant 10 : i32
      %scan3A_57 = arith.addi %scan3A_55, %scan3A_56 : i32
      %scan3A_58 = arith.constant 1 : i32
      scf.for %scan3A_96 = %scan3A_55 to %scan3A_57 step %scan3A_58  : i32 {
        %mul3A_97 = arith.constant 4 : i32
        %mul3A_98 = arith.muli %scan3A_96, %mul3A_97 : i32
        %add3A_99 = arith.constant 0 : i32
        %add3A_100 = arith.addi %mul3A_98, %add3A_99 : i32
        %get3A = arith.index_cast %add3A_100 : i32 to index
        %get3A_101 = arith.constant 0 : index
        %get3A_102 = tpu.vector_load %arg9[%get3A, %get3A_101] {strides = array<i32>} : memref<40x128xf32, #tpu.memory_space<vmem>>, vector<1x16xf32>,
        %get3A_103 = vector.shape_cast %get3A_102 : vector<1x16xf32> to vector<16xf32>
        %get3A_104 = arith.index_cast %add3A_100 : i32 to index
        %get3A_105 = arith.constant 16 : index
        %get3A_106 = tpu.vector_load %arg10[%get3A_104, %get3A_105] {strides = array<i32>} : memref<40x128xf32, #tpu.memory_space<vmem>>, vector<1x16xf32>,
        %get3A_107 = vector.shape_cast %get3A_106 : vector<1x16xf32> to vector<16xf32>
        %add3A_108 = arith.addf %get3A_103, %get3A_107 : vector<16xf32>
        %get3A_109 = arith.index_cast %add3A_100 : i32 to index
        %get3A_110 = arith.constant 0 : index
        %get3A_111 = tpu.vector_load %arg11[%get3A_109, %get3A_110] {strides = array<i32>} : memref<40x16xf32, #tpu.memory_space<vmem>>, vector<1x16xf32>,
        %get3A_112 = vector.shape_cast %get3A_111 : vector<1x16xf32> to vector<16xf32>
        %add3A_113 = arith.addf %add3A_108, %get3A_112 : vector<16xf32>
        %swap3A = arith.index_cast %add3A_100 : i32 to index
        %swap3A_114 = arith.constant 0 : index
        %swap3A_115 = tpu.vector_load %arg11[%swap3A, %swap3A_114] {strides = array<i32>} : memref<40x16xf32, #tpu.memory_space<vmem>>, vector<1x16xf32>,
        %swap3A_116 = vector.shape_cast %swap3A_115 : vector<1x16xf32> to vector<16xf32>
        %swap3A_117 = vector.shape_cast %add3A_113 : vector<16xf32> to vector<1x16xf32>
        tpu.vector_store %arg11[%swap3A, %swap3A_114], %swap3A_117 {strides = array<i32>} : memref<40x16xf32, #tpu.memory_space<vmem>>, vector<1x16xf32>,
        %mul3A_118 = arith.constant 4 : i32
        %mul3A_119 = arith.muli %scan3A_96, %mul3A_118 : i32
        %add3A_120 = arith.constant 1 : i32
        %add3A_121 = arith.addi %mul3A_119, %add3A_120 : i32
        %get3A_122 = arith.index_cast %add3A_121 : i32 to index
        %get3A_123 = arith.constant 0 : index
        %get3A_124 = tpu.vector_load %arg9[%get3A_122, %get3A_123] {strides = array<i32>} : memref<40x128xf32, #tpu.memory_space<vmem>>, vector<1x16xf32>,
        %get3A_125 = vector.shape_cast %get3A_124 : vector<1x16xf32> to vector<16xf32>
        %get3A_126 = arith.index_cast %add3A_121 : i32 to index
        %get3A_127 = arith.constant 16 : index
        %get3A_128 = tpu.vector_load %arg10[%get3A_126, %get3A_127] {strides = array<i32>} : memref<40x128xf32, #tpu.memory_space<vmem>>, vector<1x16xf32>,
        %get3A_129 = vector.shape_cast %get3A_128 : vector<1x16xf32> to vector<16xf32>
        %add3A_130 = arith.addf %get3A_125, %get3A_129 : vector<16xf32>
        %get3A_131 = arith.index_cast %add3A_121 : i32 to index
        %get3A_132 = arith.constant 0 : index
        %get3A_133 = tpu.vector_load %arg11[%get3A_131, %get3A_132] {strides = array<i32>} : memref<40x16xf32, #tpu.memory_space<vmem>>, vector<1x16xf32>,
        %get3A_134 = vector.shape_cast %get3A_133 : vector<1x16xf32> to vector<16xf32>
        %add3A_135 = arith.addf %add3A_130, %get3A_134 : vector<16xf32>
        %swap3A_136 = arith.index_cast %add3A_121 : i32 to index
        %swap3A_137 = arith.constant 0 : index
        %swap3A_138 = tpu.vector_load %arg11[%swap3A_136, %swap3A_137] {strides = array<i32>} : memref<40x16xf32, #tpu.memory_space<vmem>>, vector<1x16xf32>,
        %swap3A_139 = vector.shape_cast %swap3A_138 : vector<1x16xf32> to vector<16xf32>
        %swap3A_140 = vector.shape_cast %add3A_135 : vector<16xf32> to vector<1x16xf32>
        tpu.vector_store %arg11[%swap3A_136, %swap3A_137], %swap3A_140 {strides = array<i32>} : memref<40x16xf32, #tpu.memory_space<vmem>>, vector<1x16xf32>,
        %mul3A_141 = arith.constant 4 : i32
        %mul3A_142 = arith.muli %scan3A_96, %mul3A_141 : i32
        %add3A_143 = arith.constant 2 : i32
        %add3A_144 = arith.addi %mul3A_142, %add3A_143 : i32
        %get3A_145 = arith.index_cast %add3A_144 : i32 to index
        %get3A_146 = arith.constant 0 : index
        %get3A_147 = tpu.vector_load %arg9[%get3A_145, %get3A_146] {strides = array<i32>} : memref<40x128xf32, #tpu.memory_space<vmem>>, vector<1x16xf32>,
        %get3A_148 = vector.shape_cast %get3A_147 : vector<1x16xf32> to vector<16xf32>
        %get3A_149 = arith.index_cast %add3A_144 : i32 to index
        %get3A_150 = arith.constant 16 : index
        %get3A_151 = tpu.vector_load %arg10[%get3A_149, %get3A_150] {strides = array<i32>} : memref<40x128xf32, #tpu.memory_space<vmem>>, vector<1x16xf32>,
        %get3A_152 = vector.shape_cast %get3A_151 : vector<1x16xf32> to vector<16xf32>
        %add3A_153 = arith.addf %get3A_148, %get3A_152 : vector<16xf32>
        %get3A_154 = arith.index_cast %add3A_144 : i32 to index
        %get3A_155 = arith.constant 0 : index
        %get3A_156 = tpu.vector_load %arg11[%get3A_154, %get3A_155] {strides = array<i32>} : memref<40x16xf32, #tpu.memory_space<vmem>>, vector<1x16xf32>,
        %get3A_157 = vector.shape_cast %get3A_156 : vector<1x16xf32> to vector<16xf32>
        %add3A_158 = arith.addf %add3A_153, %get3A_157 : vector<16xf32>
        %swap3A_159 = arith.index_cast %add3A_144 : i32 to index
        %swap3A_160 = arith.constant 0 : index
        %swap3A_161 = tpu.vector_load %arg11[%swap3A_159, %swap3A_160] {strides = array<i32>} : memref<40x16xf32, #tpu.memory_space<vmem>>, vector<1x16xf32>,
        %swap3A_162 = vector.shape_cast %swap3A_161 : vector<1x16xf32> to vector<16xf32>
        %swap3A_163 = vector.shape_cast %add3A_158 : vector<16xf32> to vector<1x16xf32>
        tpu.vector_store %arg11[%swap3A_159, %swap3A_160], %swap3A_163 {strides = array<i32>} : memref<40x16xf32, #tpu.memory_space<vmem>>, vector<1x16xf32>,
        %mul3A_164 = arith.constant 4 : i32
        %mul3A_165 = arith.muli %scan3A_96, %mul3A_164 : i32
        %add3A_166 = arith.constant 3 : i32
        %add3A_167 = arith.addi %mul3A_165, %add3A_166 : i32
        %get3A_168 = arith.index_cast %add3A_167 : i32 to index
        %get3A_169 = arith.constant 0 : index
        %get3A_170 = tpu.vector_load %arg9[%get3A_168, %get3A_169] {strides = array<i32>} : memref<40x128xf32, #tpu.memory_space<vmem>>, vector<1x16xf32>,
        %get3A_171 = vector.shape_cast %get3A_170 : vector<1x16xf32> to vector<16xf32>
        %get3A_172 = arith.index_cast %add3A_167 : i32 to index
        %get3A_173 = arith.constant 16 : index
        %get3A_174 = tpu.vector_load %arg10[%get3A_172, %get3A_173] {strides = array<i32>} : memref<40x128xf32, #tpu.memory_space<vmem>>, vector<1x16xf32>,
        %get3A_175 = vector.shape_cast %get3A_174 : vector<1x16xf32> to vector<16xf32>
        %add3A_176 = arith.addf %get3A_171, %get3A_175 : vector<16xf32>
        %get3A_177 = arith.index_cast %add3A_167 : i32 to index
        %get3A_178 = arith.constant 0 : index
        %get3A_179 = tpu.vector_load %arg11[%get3A_177, %get3A_178] {strides = array<i32>} : memref<40x16xf32, #tpu.memory_space<vmem>>, vector<1x16xf32>,
        %get3A_180 = vector.shape_cast %get3A_179 : vector<1x16xf32> to vector<16xf32>
        %add3A_181 = arith.addf %add3A_176, %get3A_180 : vector<16xf32>
        %swap3A_182 = arith.index_cast %add3A_167 : i32 to index
        %swap3A_183 = arith.constant 0 : index
        %swap3A_184 = tpu.vector_load %arg11[%swap3A_182, %swap3A_183] {strides = array<i32>} : memref<40x16xf32, #tpu.memory_space<vmem>>, vector<1x16xf32>,
        %swap3A_185 = vector.shape_cast %swap3A_184 : vector<1x16xf32> to vector<16xf32>
        %swap3A_186 = vector.shape_cast %add3A_181 : vector<16xf32> to vector<1x16xf32>
        tpu.vector_store %arg11[%swap3A_182, %swap3A_183], %swap3A_186 {strides = array<i32>} : memref<40x16xf32, #tpu.memory_space<vmem>>, vector<1x16xf32>,
      }
      %scan3A_59 = arith.constant 10 : i32
      %mul3A_60 = arith.constant 40 : i32
      %mul3A_61 = arith.muli %mul3A_21, %mul3A_60 : i32
      %add3A_62 = arith.addi %mul3A_2, %mul3A_61 : i32
      "tpu.region"() ({
        %run_scoped3A = tpu.sem_alloc : memref<!tpu.dma_semaphore, #tpu.memory_space<semaphore_mem>>
        %dma_start3A_96 = arith.constant 0 : i32
        %dma_start3A_97 = tpu.memref_slice %arg6[%add3A_62, %dma_start3A_96] : memref<320000x16xf32, #tpu.memory_space<hbm>> -> memref<40x16xf32, #tpu.memory_space<hbm>>
        %dma_start3A_98 = arith.constant 0 : i32
        %dma_start3A_99 = tpu.memref_slice %arg6[%add3A_62, %dma_start3A_98] : memref<320000x16xf32, #tpu.memory_space<hbm>> -> memref<40x16xf32, #tpu.memory_space<hbm>>
        tpu.enqueue_dma source(%arg11 : memref<40x16xf32, #tpu.memory_space<vmem>>) target(%dma_start3A_99 : memref<40x16xf32, #tpu.memory_space<hbm>>) target_semaphore(%run_scoped3A : memref<!tpu.dma_semaphore, #tpu.memory_space<semaphore_mem>>)
        %dma_wait3A_100 = arith.constant 0 : i32
        %dma_wait3A_101 = tpu.memref_slice %arg6[%add3A_62, %dma_wait3A_100] : memref<320000x16xf32, #tpu.memory_space<hbm>> -> memref<40x16xf32, #tpu.memory_space<hbm>>
        %dma_wait3A_102 = arith.constant 0 : i32
        %dma_wait3A_103 = tpu.memref_slice %arg6[%add3A_62, %dma_wait3A_102] : memref<320000x16xf32, #tpu.memory_space<hbm>> -> memref<40x16xf32, #tpu.memory_space<hbm>>
        tpu.wait_dma2 semaphore(%run_scoped3A : memref<!tpu.dma_semaphore, #tpu.memory_space<semaphore_mem>>) src(%arg11 : memref<40x16xf32, #tpu.memory_space<vmem>>) dst(%dma_wait3A_103 : memref<40x16xf32, #tpu.memory_space<hbm>>)
        tpu.yield
      }) : () -> ()
      %add3A_63 = arith.constant 2 : i32
      %add3A_64 = arith.addi %mul3A_21, %add3A_63 : i32
      %lt3A = arith.constant 250 : i32
      %lt3A_65 = arith.cmpi slt, %add3A_64, %lt3A : i32
      %convert_element_type3A = arith.extui %lt3A_65 : i1 to i32
      %cond3A = arith.constant 0 : i32
      %cond3A_66 = arith.cmpi ne, %convert_element_type3A, %cond3A : i32
      scf.if %cond3A_66 {
        %add3A_96 = arith.constant 2 : i32
        %add3A_97 = arith.addi %mul3A_21, %add3A_96 : i32
        %mul3A_98 = arith.constant 40 : i32
        %mul3A_99 = arith.muli %add3A_97, %mul3A_98 : i32
        %add3A_100 = arith.addi %mul3A_2, %mul3A_99 : i32
        "tpu.region"() ({
          %run_scoped3A = tpu.sem_alloc : memref<!tpu.dma_semaphore, #tpu.memory_space<semaphore_mem>>
          %dma_start3A_111 = tpu.memref_slice %arg4[%add3A_100] : memref<320000xi32, #tpu.memory_space<hbm>> -> memref<40xi32, #tpu.memory_space<hbm>>
          %dma_start3A_112 = tpu.memref_slice %arg4[%add3A_100] : memref<320000xi32, #tpu.memory_space<hbm>> -> memref<40xi32, #tpu.memory_space<hbm>>
          tpu.enqueue_dma source(%dma_start3A_112 : memref<40xi32, #tpu.memory_space<hbm>>) target(%arg7 : memref<40xi32, #tpu.memory_space<vmem>>) target_semaphore(%run_scoped3A : memref<!tpu.dma_semaphore, #tpu.memory_space<semaphore_mem>>)
          %dma_wait3A_113 = tpu.memref_slice %arg4[%add3A_100] : memref<320000xi32, #tpu.memory_space<hbm>> -> memref<40xi32, #tpu.memory_space<hbm>>
          %dma_wait3A_114 = tpu.memref_slice %arg4[%add3A_100] : memref<320000xi32, #tpu.memory_space<hbm>> -> memref<40xi32, #tpu.memory_space<hbm>>
          tpu.wait_dma2 semaphore(%run_scoped3A : memref<!tpu.dma_semaphore, #tpu.memory_space<semaphore_mem>>) src(%dma_wait3A_114 : memref<40xi32, #tpu.memory_space<hbm>>) dst(%arg7 : memref<40xi32, #tpu.memory_space<vmem>>)
          tpu.yield
        }) : () -> ()
        "tpu.region"() ({
          %run_scoped3A = tpu.sem_alloc : memref<!tpu.dma_semaphore, #tpu.memory_space<semaphore_mem>>
          %dma_start3A_111 = tpu.memref_slice %arg5[%add3A_100] : memref<320000xi32, #tpu.memory_space<hbm>> -> memref<40xi32, #tpu.memory_space<hbm>>
          %dma_start3A_112 = tpu.memref_slice %arg5[%add3A_100] : memref<320000xi32, #tpu.memory_space<hbm>> -> memref<40xi32, #tpu.memory_space<hbm>>
          tpu.enqueue_dma source(%dma_start3A_112 : memref<40xi32, #tpu.memory_space<hbm>>) target(%arg8 : memref<40xi32, #tpu.memory_space<vmem>>) target_semaphore(%run_scoped3A : memref<!tpu.dma_semaphore, #tpu.memory_space<semaphore_mem>>)
          %dma_wait3A_113 = tpu.memref_slice %arg5[%add3A_100] : memref<320000xi32, #tpu.memory_space<hbm>> -> memref<40xi32, #tpu.memory_space<hbm>>
          %dma_wait3A_114 = tpu.memref_slice %arg5[%add3A_100] : memref<320000xi32, #tpu.memory_space<hbm>> -> memref<40xi32, #tpu.memory_space<hbm>>
          tpu.wait_dma2 semaphore(%run_scoped3A : memref<!tpu.dma_semaphore, #tpu.memory_space<semaphore_mem>>) src(%dma_wait3A_114 : memref<40xi32, #tpu.memory_space<hbm>>) dst(%arg8 : memref<40xi32, #tpu.memory_space<vmem>>)
          tpu.yield
        }) : () -> ()
        %dma_start3A_101 = arith.constant 0 : i32
        %dma_start3A_102 = arith.constant 0 : i32
        %dma_start3A_103 = tpu.memref_slice %arg2[%dma_start3A_101, %dma_start3A_102] : memref<10000x128xf32, #tpu.memory_space<hbm>> -> memref<10000x128xf32, #tpu.memory_space<hbm>>
        tpu.enqueue_indirect_dma source(%dma_start3A_103 : memref<10000x128xf32, #tpu.memory_space<hbm>>) target(%arg9 : memref<40x128xf32, #tpu.memory_space<vmem>>) offsets(%arg7 : memref<40xi32, #tpu.memory_space<vmem>>) semaphore(%arg17 : memref<!tpu.dma_semaphore, #tpu.memory_space<semaphore_mem>>)
        %dma_start3A_104 = arith.constant 0 : i32
        %dma_start3A_105 = arith.constant 0 : i32
        %dma_start3A_106 = tpu.memref_slice %arg2[%dma_start3A_104, %dma_start3A_105] : memref<10000x128xf32, #tpu.memory_space<hbm>> -> memref<10000x128xf32, #tpu.memory_space<hbm>>
        tpu.enqueue_indirect_dma source(%dma_start3A_106 : memref<10000x128xf32, #tpu.memory_space<hbm>>) target(%arg10 : memref<40x128xf32, #tpu.memory_space<vmem>>) offsets(%arg8 : memref<40xi32, #tpu.memory_space<vmem>>) semaphore(%arg17 : memref<!tpu.dma_semaphore, #tpu.memory_space<semaphore_mem>>)
        %dma_start3A_107 = arith.constant 0 : i32
        %dma_start3A_108 = tpu.memref_slice %arg3[%add3A_100, %dma_start3A_107] : memref<320000x16xf32, #tpu.memory_space<hbm>> -> memref<40x16xf32, #tpu.memory_space<hbm>>
        %dma_start3A_109 = arith.constant 0 : i32
        %dma_start3A_110 = tpu.memref_slice %arg3[%add3A_100, %dma_start3A_109] : memref<320000x16xf32, #tpu.memory_space<hbm>> -> memref<40x16xf32, #tpu.memory_space<hbm>>
        tpu.enqueue_dma source(%dma_start3A_110 : memref<40x16xf32, #tpu.memory_space<hbm>>) target(%arg11 : memref<40x16xf32, #tpu.memory_space<vmem>>) target_semaphore(%arg17 : memref<!tpu.dma_semaphore, #tpu.memory_space<semaphore_mem>>)
      } else {
      }
      %add3A_67 = arith.constant 1 : i32
      %add3A_68 = arith.addi %mul3A_21, %add3A_67 : i32
      %dma_wait3A_69 = arith.constant 0 : i32
      %dma_wait3A_70 = arith.constant 0 : i32
      %dma_wait3A_71 = tpu.memref_slice %arg2[%dma_wait3A_69, %dma_wait3A_70] : memref<10000x128xf32, #tpu.memory_space<hbm>> -> memref<40x128xf32, #tpu.memory_space<hbm>>
      %dma_wait3A_72 = arith.constant 0 : i32
      %dma_wait3A_73 = arith.constant 0 : i32
      %dma_wait3A_74 = tpu.memref_slice %arg2[%dma_wait3A_72, %dma_wait3A_73] : memref<10000x128xf32, #tpu.memory_space<hbm>> -> memref<40x128xf32, #tpu.memory_space<hbm>>
      tpu.wait_dma2 semaphore(%arg18 : memref<!tpu.dma_semaphore, #tpu.memory_space<semaphore_mem>>) src(%dma_wait3A_74 : memref<40x128xf32, #tpu.memory_space<hbm>>) dst(%arg14 : memref<40x128xf32, #tpu.memory_space<vmem>>)
      %dma_wait3A_75 = arith.constant 0 : i32
      %dma_wait3A_76 = arith.constant 0 : i32
      %dma_wait3A_77 = tpu.memref_slice %arg2[%dma_wait3A_75, %dma_wait3A_76] : memref<10000x128xf32, #tpu.memory_space<hbm>> -> memref<40x128xf32, #tpu.memory_space<hbm>>
      %dma_wait3A_78 = arith.constant 0 : i32
      %dma_wait3A_79 = arith.constant 0 : i32
      %dma_wait3A_80 = tpu.memref_slice %arg2[%dma_wait3A_78, %dma_wait3A_79] : memref<10000x128xf32, #tpu.memory_space<hbm>> -> memref<40x128xf32, #tpu.memory_space<hbm>>
      tpu.wait_dma2 semaphore(%arg18 : memref<!tpu.dma_semaphore, #tpu.memory_space<semaphore_mem>>) src(%dma_wait3A_80 : memref<40x128xf32, #tpu.memory_space<hbm>>) dst(%arg15 : memref<40x128xf32, #tpu.memory_space<vmem>>)
      %dma_wait3A_81 = arith.constant 0 : i32
      %dma_wait3A_82 = arith.constant 0 : i32
      %dma_wait3A_83 = tpu.memref_slice %arg3[%dma_wait3A_81, %dma_wait3A_82] : memref<320000x16xf32, #tpu.memory_space<hbm>> -> memref<40x16xf32, #tpu.memory_space<hbm>>
      %dma_wait3A_84 = arith.constant 0 : i32
      %dma_wait3A_85 = arith.constant 0 : i32
      %dma_wait3A_86 = tpu.memref_slice %arg3[%dma_wait3A_84, %dma_wait3A_85] : memref<320000x16xf32, #tpu.memory_space<hbm>> -> memref<40x16xf32, #tpu.memory_space<hbm>>
      tpu.wait_dma2 semaphore(%arg18 : memref<!tpu.dma_semaphore, #tpu.memory_space<semaphore_mem>>) src(%dma_wait3A_86 : memref<40x16xf32, #tpu.memory_space<hbm>>) dst(%arg16 : memref<40x16xf32, #tpu.memory_space<vmem>>)
      %scan3A_87 = arith.constant 0 : i32
      %scan3A_88 = arith.constant 0 : i32
      %scan3A_89 = arith.constant 10 : i32
      %scan3A_90 = arith.addi %scan3A_88, %scan3A_89 : i32
      %scan3A_91 = arith.constant 1 : i32
      scf.for %scan3A_96 = %scan3A_88 to %scan3A_90 step %scan3A_91  : i32 {
        %mul3A_97 = arith.constant 4 : i32
        %mul3A_98 = arith.muli %scan3A_96, %mul3A_97 : i32
        %add3A_99 = arith.constant 0 : i32
        %add3A_100 = arith.addi %mul3A_98, %add3A_99 : i32
        %get3A = arith.index_cast %add3A_100 : i32 to index
        %get3A_101 = arith.constant 0 : index
        %get3A_102 = tpu.vector_load %arg14[%get3A, %get3A_101] {strides = array<i32>} : memref<40x128xf32, #tpu.memory_space<vmem>>, vector<1x16xf32>,
        %get3A_103 = vector.shape_cast %get3A_102 : vector<1x16xf32> to vector<16xf32>
        %get3A_104 = arith.index_cast %add3A_100 : i32 to index
        %get3A_105 = arith.constant 16 : index
        %get3A_106 = tpu.vector_load %arg15[%get3A_104, %get3A_105] {strides = array<i32>} : memref<40x128xf32, #tpu.memory_space<vmem>>, vector<1x16xf32>,
        %get3A_107 = vector.shape_cast %get3A_106 : vector<1x16xf32> to vector<16xf32>
        %add3A_108 = arith.addf %get3A_103, %get3A_107 : vector<16xf32>
        %get3A_109 = arith.index_cast %add3A_100 : i32 to index
        %get3A_110 = arith.constant 0 : index
        %get3A_111 = tpu.vector_load %arg16[%get3A_109, %get3A_110] {strides = array<i32>} : memref<40x16xf32, #tpu.memory_space<vmem>>, vector<1x16xf32>,
        %get3A_112 = vector.shape_cast %get3A_111 : vector<1x16xf32> to vector<16xf32>
        %add3A_113 = arith.addf %add3A_108, %get3A_112 : vector<16xf32>
        %swap3A = arith.index_cast %add3A_100 : i32 to index
        %swap3A_114 = arith.constant 0 : index
        %swap3A_115 = tpu.vector_load %arg16[%swap3A, %swap3A_114] {strides = array<i32>} : memref<40x16xf32, #tpu.memory_space<vmem>>, vector<1x16xf32>,
        %swap3A_116 = vector.shape_cast %swap3A_115 : vector<1x16xf32> to vector<16xf32>
        %swap3A_117 = vector.shape_cast %add3A_113 : vector<16xf32> to vector<1x16xf32>
        tpu.vector_store %arg16[%swap3A, %swap3A_114], %swap3A_117 {strides = array<i32>} : memref<40x16xf32, #tpu.memory_space<vmem>>, vector<1x16xf32>,
        %mul3A_118 = arith.constant 4 : i32
        %mul3A_119 = arith.muli %scan3A_96, %mul3A_118 : i32
        %add3A_120 = arith.constant 1 : i32
        %add3A_121 = arith.addi %mul3A_119, %add3A_120 : i32
        %get3A_122 = arith.index_cast %add3A_121 : i32 to index
        %get3A_123 = arith.constant 0 : index
        %get3A_124 = tpu.vector_load %arg14[%get3A_122, %get3A_123] {strides = array<i32>} : memref<40x128xf32, #tpu.memory_space<vmem>>, vector<1x16xf32>,
        %get3A_125 = vector.shape_cast %get3A_124 : vector<1x16xf32> to vector<16xf32>
        %get3A_126 = arith.index_cast %add3A_121 : i32 to index
        %get3A_127 = arith.constant 16 : index
        %get3A_128 = tpu.vector_load %arg15[%get3A_126, %get3A_127] {strides = array<i32>} : memref<40x128xf32, #tpu.memory_space<vmem>>, vector<1x16xf32>,
        %get3A_129 = vector.shape_cast %get3A_128 : vector<1x16xf32> to vector<16xf32>
        %add3A_130 = arith.addf %get3A_125, %get3A_129 : vector<16xf32>
        %get3A_131 = arith.index_cast %add3A_121 : i32 to index
        %get3A_132 = arith.constant 0 : index
        %get3A_133 = tpu.vector_load %arg16[%get3A_131, %get3A_132] {strides = array<i32>} : memref<40x16xf32, #tpu.memory_space<vmem>>, vector<1x16xf32>,
        %get3A_134 = vector.shape_cast %get3A_133 : vector<1x16xf32> to vector<16xf32>
        %add3A_135 = arith.addf %add3A_130, %get3A_134 : vector<16xf32>
        %swap3A_136 = arith.index_cast %add3A_121 : i32 to index
        %swap3A_137 = arith.constant 0 : index
        %swap3A_138 = tpu.vector_load %arg16[%swap3A_136, %swap3A_137] {strides = array<i32>} : memref<40x16xf32, #tpu.memory_space<vmem>>, vector<1x16xf32>,
        %swap3A_139 = vector.shape_cast %swap3A_138 : vector<1x16xf32> to vector<16xf32>
        %swap3A_140 = vector.shape_cast %add3A_135 : vector<16xf32> to vector<1x16xf32>
        tpu.vector_store %arg16[%swap3A_136, %swap3A_137], %swap3A_140 {strides = array<i32>} : memref<40x16xf32, #tpu.memory_space<vmem>>, vector<1x16xf32>,
        %mul3A_141 = arith.constant 4 : i32
        %mul3A_142 = arith.muli %scan3A_96, %mul3A_141 : i32
        %add3A_143 = arith.constant 2 : i32
        %add3A_144 = arith.addi %mul3A_142, %add3A_143 : i32
        %get3A_145 = arith.index_cast %add3A_144 : i32 to index
        %get3A_146 = arith.constant 0 : index
        %get3A_147 = tpu.vector_load %arg14[%get3A_145, %get3A_146] {strides = array<i32>} : memref<40x128xf32, #tpu.memory_space<vmem>>, vector<1x16xf32>,
        %get3A_148 = vector.shape_cast %get3A_147 : vector<1x16xf32> to vector<16xf32>
        %get3A_149 = arith.index_cast %add3A_144 : i32 to index
        %get3A_150 = arith.constant 16 : index
        %get3A_151 = tpu.vector_load %arg15[%get3A_149, %get3A_150] {strides = array<i32>} : memref<40x128xf32, #tpu.memory_space<vmem>>, vector<1x16xf32>,
        %get3A_152 = vector.shape_cast %get3A_151 : vector<1x16xf32> to vector<16xf32>
        %add3A_153 = arith.addf %get3A_148, %get3A_152 : vector<16xf32>
        %get3A_154 = arith.index_cast %add3A_144 : i32 to index
        %get3A_155 = arith.constant 0 : index
        %get3A_156 = tpu.vector_load %arg16[%get3A_154, %get3A_155] {strides = array<i32>} : memref<40x16xf32, #tpu.memory_space<vmem>>, vector<1x16xf32>,
        %get3A_157 = vector.shape_cast %get3A_156 : vector<1x16xf32> to vector<16xf32>
        %add3A_158 = arith.addf %add3A_153, %get3A_157 : vector<16xf32>
        %swap3A_159 = arith.index_cast %add3A_144 : i32 to index
        %swap3A_160 = arith.constant 0 : index
        %swap3A_161 = tpu.vector_load %arg16[%swap3A_159, %swap3A_160] {strides = array<i32>} : memref<40x16xf32, #tpu.memory_space<vmem>>, vector<1x16xf32>,
        %swap3A_162 = vector.shape_cast %swap3A_161 : vector<1x16xf32> to vector<16xf32>
        %swap3A_163 = vector.shape_cast %add3A_158 : vector<16xf32> to vector<1x16xf32>
        tpu.vector_store %arg16[%swap3A_159, %swap3A_160], %swap3A_163 {strides = array<i32>} : memref<40x16xf32, #tpu.memory_space<vmem>>, vector<1x16xf32>,
        %mul3A_164 = arith.constant 4 : i32
        %mul3A_165 = arith.muli %scan3A_96, %mul3A_164 : i32
        %add3A_166 = arith.constant 3 : i32
        %add3A_167 = arith.addi %mul3A_165, %add3A_166 : i32
        %get3A_168 = arith.index_cast %add3A_167 : i32 to index
        %get3A_169 = arith.constant 0 : index
        %get3A_170 = tpu.vector_load %arg14[%get3A_168, %get3A_169] {strides = array<i32>} : memref<40x128xf32, #tpu.memory_space<vmem>>, vector<1x16xf32>,
        %get3A_171 = vector.shape_cast %get3A_170 : vector<1x16xf32> to vector<16xf32>
        %get3A_172 = arith.index_cast %add3A_167 : i32 to index
        %get3A_173 = arith.constant 16 : index
        %get3A_174 = tpu.vector_load %arg15[%get3A_172, %get3A_173] {strides = array<i32>} : memref<40x128xf32, #tpu.memory_space<vmem>>, vector<1x16xf32>,
        %get3A_175 = vector.shape_cast %get3A_174 : vector<1x16xf32> to vector<16xf32>
        %add3A_176 = arith.addf %get3A_171, %get3A_175 : vector<16xf32>
        %get3A_177 = arith.index_cast %add3A_167 : i32 to index
        %get3A_178 = arith.constant 0 : index
        %get3A_179 = tpu.vector_load %arg16[%get3A_177, %get3A_178] {strides = array<i32>} : memref<40x16xf32, #tpu.memory_space<vmem>>, vector<1x16xf32>,
        %get3A_180 = vector.shape_cast %get3A_179 : vector<1x16xf32> to vector<16xf32>
        %add3A_181 = arith.addf %add3A_176, %get3A_180 : vector<16xf32>
        %swap3A_182 = arith.index_cast %add3A_167 : i32 to index
        %swap3A_183 = arith.constant 0 : index
        %swap3A_184 = tpu.vector_load %arg16[%swap3A_182, %swap3A_183] {strides = array<i32>} : memref<40x16xf32, #tpu.memory_space<vmem>>, vector<1x16xf32>,
        %swap3A_185 = vector.shape_cast %swap3A_184 : vector<1x16xf32> to vector<16xf32>
        %swap3A_186 = vector.shape_cast %add3A_181 : vector<16xf32> to vector<1x16xf32>
        tpu.vector_store %arg16[%swap3A_182, %swap3A_183], %swap3A_186 {strides = array<i32>} : memref<40x16xf32, #tpu.memory_space<vmem>>, vector<1x16xf32>,
      }
      %scan3A_92 = arith.constant 10 : i32
      %mul3A_93 = arith.constant 40 : i32
      %mul3A_94 = arith.muli %add3A_68, %mul3A_93 : i32
      %add3A_95 = arith.addi %mul3A_2, %mul3A_94 : i32
      "tpu.region"() ({
        %run_scoped3A = tpu.sem_alloc : memref<!tpu.dma_semaphore, #tpu.memory_space<semaphore_mem>>
        %dma_start3A_96 = arith.constant 0 : i32
        %dma_start3A_97 = tpu.memref_slice %arg6[%add3A_95, %dma_start3A_96] : memref<320000x16xf32, #tpu.memory_space<hbm>> -> memref<40x16xf32, #tpu.memory_space<hbm>>
        %dma_start3A_98 = arith.constant 0 : i32
        %dma_start3A_99 = tpu.memref_slice %arg6[%add3A_95, %dma_start3A_98] : memref<320000x16xf32, #tpu.memory_space<hbm>> -> memref<40x16xf32, #tpu.memory_space<hbm>>
        tpu.enqueue_dma source(%arg16 : memref<40x16xf32, #tpu.memory_space<vmem>>) target(%dma_start3A_99 : memref<40x16xf32, #tpu.memory_space<hbm>>) target_semaphore(%run_scoped3A : memref<!tpu.dma_semaphore, #tpu.memory_space<semaphore_mem>>)
        %dma_wait3A_100 = arith.constant 0 : i32
        %dma_wait3A_101 = tpu.memref_slice %arg6[%add3A_95, %dma_wait3A_100] : memref<320000x16xf32, #tpu.memory_space<hbm>> -> memref<40x16xf32, #tpu.memory_space<hbm>>
        %dma_wait3A_102 = arith.constant 0 : i32
        %dma_wait3A_103 = tpu.memref_slice %arg6[%add3A_95, %dma_wait3A_102] : memref<320000x16xf32, #tpu.memory_space<hbm>> -> memref<40x16xf32, #tpu.memory_space<hbm>>
        tpu.wait_dma2 semaphore(%run_scoped3A : memref<!tpu.dma_semaphore, #tpu.memory_space<semaphore_mem>>) src(%arg16 : memref<40x16xf32, #tpu.memory_space<vmem>>) dst(%dma_wait3A_103 : memref<40x16xf32, #tpu.memory_space<hbm>>)
        tpu.yield
      }) : () -> ()
    }
    %scan3A_18 = arith.constant 125 : i32
    return
  }
}

#map = affine_map<(d0, d1) -> (0, 0)>
#map1 = affine_map<(d0, d1) -> (0)>
#map2 = affine_map<(d0, d1) -> (0, 0, 0)>
module attributes {stable_mosaic.version = 14 : i64} {
  func.func @_k2_body(%arg0: i32, %arg1: i32, %arg2: memref<10000x128xf32, #tpu.memory_space<hbm>>, %arg3: memref<10000x128xf32, #tpu.memory_space<hbm>>, %arg4: memref<320000x128xf32, #tpu.memory_space<hbm>>, %arg5: memref<320000xi32, #tpu.memory_space<hbm>>, %arg6: memref<320000xi32, #tpu.memory_space<hbm>>, %arg7: memref<10000x128xf32, #tpu.memory_space<hbm>>, %arg8: memref<2x10000x128xf32, #tpu.memory_space<hbm>>, %arg9: memref<40xi32, #tpu.memory_space<vmem>>, %arg10: memref<40xi32, #tpu.memory_space<vmem>>, %arg11: memref<40xi32, #tpu.memory_space<vmem>>, %arg12: memref<40xi32, #tpu.memory_space<vmem>>, %arg13: memref<40x128xf32, #tpu.memory_space<vmem>>, %arg14: memref<40x128xf32, #tpu.memory_space<vmem>>, %arg15: memref<40x128xf32, #tpu.memory_space<vmem>>, %arg16: memref<40x128xf32, #tpu.memory_space<vmem>>, %arg17: memref<40x128xf32, #tpu.memory_space<vmem>>, %arg18: memref<40x128xf32, #tpu.memory_space<vmem>>, %arg19: memref<10000x128xf32, #tpu.memory_space<vmem_shared>>, %arg20: memref<!tpu.dma_semaphore, #tpu.memory_space<semaphore_mem>>, %arg21: memref<!tpu.dma_semaphore, #tpu.memory_space<semaphore_mem>>, %arg22: memref<!tpu.dma_semaphore, #tpu.memory_space<semaphore_mem>>, %arg23: memref<!tpu.dma_semaphore, #tpu.memory_space<semaphore_mem>>) attributes {dimension_semantics = [#tpu.dimension_semantics<core_parallel>, #tpu.dimension_semantics<subcore_parallel>], iteration_bounds = array<i64: 2, 16>, scalar_prefetch = 0 : i64, scratch_operands = 15 : i64, tpu.core_type = #tpu.core_type<sc_vector_subcore>, window_params = [{transform_indices = #map}, {transform_indices = #map}, {transform_indices = #map}, {transform_indices = #map1}, {transform_indices = #map1}, {transform_indices = #map}, {transform_indices = #map2}]} {
    %mul3A = arith.constant 2 : i32
    %mul3A_0 = arith.muli %arg1, %mul3A : i32
    %add3A = arith.addi %mul3A_0, %arg0 : i32
    %mul3A_1 = arith.constant 10000 : i32
    %mul3A_2 = arith.muli %add3A, %mul3A_1 : i32
    %mul3A_3 = arith.constant 624 : i32
    %mul3A_4 = arith.muli %arg1, %mul3A_3 : i32
    %mul3A_5 = arith.constant 624 : i32
    %mul3A_6 = arith.muli %arg1, %mul3A_5 : i32
    "tpu.region"() ({
      %run_scoped3A = tpu.sem_alloc : memref<!tpu.dma_semaphore, #tpu.memory_space<semaphore_mem>>
      %dma_start3A_41 = arith.constant 0 : i32
      %dma_start3A_42 = tpu.memref_slice %arg19[%mul3A_6, %dma_start3A_41] : memref<10000x128xf32, #tpu.memory_space<vmem_shared>> -> memref<624x128xf32, #tpu.memory_space<vmem_shared>>
      %dma_start3A_43 = arith.constant 0 : i32
      %dma_start3A_44 = tpu.memref_slice %arg7[%mul3A_4, %dma_start3A_43] : memref<10000x128xf32, #tpu.memory_space<hbm>> -> memref<624x128xf32, #tpu.memory_space<hbm>>
      tpu.enqueue_dma source(%dma_start3A_44 : memref<624x128xf32, #tpu.memory_space<hbm>>) target(%dma_start3A_42 : memref<624x128xf32, #tpu.memory_space<vmem_shared>>) target_semaphore(%run_scoped3A : memref<!tpu.dma_semaphore, #tpu.memory_space<semaphore_mem>>)
      %dma_wait3A = arith.constant 0 : i32
      %dma_wait3A_45 = tpu.memref_slice %arg19[%mul3A_6, %dma_wait3A] : memref<10000x128xf32, #tpu.memory_space<vmem_shared>> -> memref<624x128xf32, #tpu.memory_space<vmem_shared>>
      %dma_wait3A_46 = arith.constant 0 : i32
      %dma_wait3A_47 = tpu.memref_slice %arg7[%mul3A_4, %dma_wait3A_46] : memref<10000x128xf32, #tpu.memory_space<hbm>> -> memref<624x128xf32, #tpu.memory_space<hbm>>
      tpu.wait_dma2 semaphore(%run_scoped3A : memref<!tpu.dma_semaphore, #tpu.memory_space<semaphore_mem>>) src(%dma_wait3A_47 : memref<624x128xf32, #tpu.memory_space<hbm>>) dst(%dma_wait3A_45 : memref<624x128xf32, #tpu.memory_space<vmem_shared>>)
      tpu.yield
    }) : () -> ()
    %eq3A = arith.constant 15 : i32
    %eq3A_7 = arith.cmpi eq, %arg1, %eq3A : i32
    %convert_element_type3A = arith.extui %eq3A_7 : i1 to i32
    %cond3A = arith.constant 0 : i32
    %cond3A_8 = arith.cmpi ne, %convert_element_type3A, %cond3A : i32
    scf.if %cond3A_8 {
      "tpu.region"() ({
        %run_scoped3A = tpu.sem_alloc : memref<!tpu.dma_semaphore, #tpu.memory_space<semaphore_mem>>
        %dma_start3A_41 = arith.constant 9984 : i32
        %dma_start3A_42 = arith.constant 0 : i32
        %dma_start3A_43 = tpu.memref_slice %arg19[%dma_start3A_41, %dma_start3A_42] : memref<10000x128xf32, #tpu.memory_space<vmem_shared>> -> memref<16x128xf32, #tpu.memory_space<vmem_shared>>
        %dma_start3A_44 = arith.constant 9984 : i32
        %dma_start3A_45 = arith.constant 0 : i32
        %dma_start3A_46 = tpu.memref_slice %arg7[%dma_start3A_44, %dma_start3A_45] : memref<10000x128xf32, #tpu.memory_space<hbm>> -> memref<16x128xf32, #tpu.memory_space<hbm>>
        tpu.enqueue_dma source(%dma_start3A_46 : memref<16x128xf32, #tpu.memory_space<hbm>>) target(%dma_start3A_43 : memref<16x128xf32, #tpu.memory_space<vmem_shared>>) target_semaphore(%run_scoped3A : memref<!tpu.dma_semaphore, #tpu.memory_space<semaphore_mem>>)
        %dma_wait3A = arith.constant 9984 : i32
        %dma_wait3A_47 = arith.constant 0 : i32
        %dma_wait3A_48 = tpu.memref_slice %arg19[%dma_wait3A, %dma_wait3A_47] : memref<10000x128xf32, #tpu.memory_space<vmem_shared>> -> memref<16x128xf32, #tpu.memory_space<vmem_shared>>
        %dma_wait3A_49 = arith.constant 9984 : i32
        %dma_wait3A_50 = arith.constant 0 : i32
        %dma_wait3A_51 = tpu.memref_slice %arg7[%dma_wait3A_49, %dma_wait3A_50] : memref<10000x128xf32, #tpu.memory_space<hbm>> -> memref<16x128xf32, #tpu.memory_space<hbm>>
        tpu.wait_dma2 semaphore(%run_scoped3A : memref<!tpu.dma_semaphore, #tpu.memory_space<semaphore_mem>>) src(%dma_wait3A_51 : memref<16x128xf32, #tpu.memory_space<hbm>>) dst(%dma_wait3A_48 : memref<16x128xf32, #tpu.memory_space<vmem_shared>>)
        tpu.yield
      }) : () -> ()
    } else {
    }
    %barrier3A = arith.constant 0 : index
    tpu.barrier barrier_id(%barrier3A)
    "tpu.region"() ({
      %run_scoped3A = tpu.sem_alloc : memref<!tpu.dma_semaphore, #tpu.memory_space<semaphore_mem>>
      %dma_start3A_41 = tpu.memref_slice %arg5[%mul3A_2] : memref<320000xi32, #tpu.memory_space<hbm>> -> memref<40xi32, #tpu.memory_space<hbm>>
      %dma_start3A_42 = tpu.memref_slice %arg5[%mul3A_2] : memref<320000xi32, #tpu.memory_space<hbm>> -> memref<40xi32, #tpu.memory_space<hbm>>
      tpu.enqueue_dma source(%dma_start3A_42 : memref<40xi32, #tpu.memory_space<hbm>>) target(%arg9 : memref<40xi32, #tpu.memory_space<vmem>>) target_semaphore(%run_scoped3A : memref<!tpu.dma_semaphore, #tpu.memory_space<semaphore_mem>>)
      %dma_wait3A = tpu.memref_slice %arg5[%mul3A_2] : memref<320000xi32, #tpu.memory_space<hbm>> -> memref<40xi32, #tpu.memory_space<hbm>>
      %dma_wait3A_43 = tpu.memref_slice %arg5[%mul3A_2] : memref<320000xi32, #tpu.memory_space<hbm>> -> memref<40xi32, #tpu.memory_space<hbm>>
      tpu.wait_dma2 semaphore(%run_scoped3A : memref<!tpu.dma_semaphore, #tpu.memory_space<semaphore_mem>>) src(%dma_wait3A_43 : memref<40xi32, #tpu.memory_space<hbm>>) dst(%arg9 : memref<40xi32, #tpu.memory_space<vmem>>)
      tpu.yield
    }) : () -> ()
    "tpu.region"() ({
      %run_scoped3A = tpu.sem_alloc : memref<!tpu.dma_semaphore, #tpu.memory_space<semaphore_mem>>
      %dma_start3A_41 = tpu.memref_slice %arg6[%mul3A_2] : memref<320000xi32, #tpu.memory_space<hbm>> -> memref<40xi32, #tpu.memory_space<hbm>>
      %dma_start3A_42 = tpu.memref_slice %arg6[%mul3A_2] : memref<320000xi32, #tpu.memory_space<hbm>> -> memref<40xi32, #tpu.memory_space<hbm>>
      tpu.enqueue_dma source(%dma_start3A_42 : memref<40xi32, #tpu.memory_space<hbm>>) target(%arg10 : memref<40xi32, #tpu.memory_space<vmem>>) target_semaphore(%run_scoped3A : memref<!tpu.dma_semaphore, #tpu.memory_space<semaphore_mem>>)
      %dma_wait3A = tpu.memref_slice %arg6[%mul3A_2] : memref<320000xi32, #tpu.memory_space<hbm>> -> memref<40xi32, #tpu.memory_space<hbm>>
      %dma_wait3A_43 = tpu.memref_slice %arg6[%mul3A_2] : memref<320000xi32, #tpu.memory_space<hbm>> -> memref<40xi32, #tpu.memory_space<hbm>>
      tpu.wait_dma2 semaphore(%run_scoped3A : memref<!tpu.dma_semaphore, #tpu.memory_space<semaphore_mem>>) src(%dma_wait3A_43 : memref<40xi32, #tpu.memory_space<hbm>>) dst(%arg10 : memref<40xi32, #tpu.memory_space<vmem>>)
      tpu.yield
    }) : () -> ()
    %add3A_9 = arith.constant 0 : i32
    %add3A_10 = arith.addi %mul3A_2, %add3A_9 : i32
    %dma_start3A = arith.constant 0 : i32
    %dma_start3A_11 = arith.constant 0 : i32
    %dma_start3A_12 = tpu.memref_slice %arg2[%dma_start3A, %dma_start3A_11] : memref<10000x128xf32, #tpu.memory_space<hbm>> -> memref<10000x128xf32, #tpu.memory_space<hbm>>
    tpu.enqueue_indirect_dma source(%dma_start3A_12 : memref<10000x128xf32, #tpu.memory_space<hbm>>) target(%arg13 : memref<40x128xf32, #tpu.memory_space<vmem>>) offsets(%arg9 : memref<40xi32, #tpu.memory_space<vmem>>) semaphore(%arg22 : memref<!tpu.dma_semaphore, #tpu.memory_space<semaphore_mem>>)
    %dma_start3A_13 = arith.constant 0 : i32
    %dma_start3A_14 = arith.constant 0 : i32
    %dma_start3A_15 = tpu.memref_slice %arg3[%dma_start3A_13, %dma_start3A_14] : memref<10000x128xf32, #tpu.memory_space<hbm>> -> memref<10000x128xf32, #tpu.memory_space<hbm>>
    tpu.enqueue_indirect_dma source(%dma_start3A_15 : memref<10000x128xf32, #tpu.memory_space<hbm>>) target(%arg14 : memref<40x128xf32, #tpu.memory_space<vmem>>) offsets(%arg10 : memref<40xi32, #tpu.memory_space<vmem>>) semaphore(%arg22 : memref<!tpu.dma_semaphore, #tpu.memory_space<semaphore_mem>>)
    %dma_start3A_16 = arith.constant 0 : i32
    %dma_start3A_17 = tpu.memref_slice %arg4[%add3A_10, %dma_start3A_16] : memref<320000x128xf32, #tpu.memory_space<hbm>> -> memref<40x128xf32, #tpu.memory_space<hbm>>
    %dma_start3A_18 = arith.constant 0 : i32
    %dma_start3A_19 = tpu.memref_slice %arg4[%add3A_10, %dma_start3A_18] : memref<320000x128xf32, #tpu.memory_space<hbm>> -> memref<40x128xf32, #tpu.memory_space<hbm>>
    tpu.enqueue_dma source(%dma_start3A_19 : memref<40x128xf32, #tpu.memory_space<hbm>>) target(%arg15 : memref<40x128xf32, #tpu.memory_space<vmem>>) target_semaphore(%arg22 : memref<!tpu.dma_semaphore, #tpu.memory_space<semaphore_mem>>)
    %add3A_20 = arith.constant 40 : i32
    %add3A_21 = arith.addi %mul3A_2, %add3A_20 : i32
    %dma_start3A_22 = tpu.memref_slice %arg5[%add3A_21] : memref<320000xi32, #tpu.memory_space<hbm>> -> memref<40xi32, #tpu.memory_space<hbm>>
    %dma_start3A_23 = tpu.memref_slice %arg5[%add3A_21] : memref<320000xi32, #tpu.memory_space<hbm>> -> memref<40xi32, #tpu.memory_space<hbm>>
    tpu.enqueue_dma source(%dma_start3A_23 : memref<40xi32, #tpu.memory_space<hbm>>) target(%arg11 : memref<40xi32, #tpu.memory_space<vmem>>) target_semaphore(%arg21 : memref<!tpu.dma_semaphore, #tpu.memory_space<semaphore_mem>>)
    %dma_start3A_24 = tpu.memref_slice %arg6[%add3A_21] : memref<320000xi32, #tpu.memory_space<hbm>> -> memref<40xi32, #tpu.memory_space<hbm>>
    %dma_start3A_25 = tpu.memref_slice %arg6[%add3A_21] : memref<320000xi32, #tpu.memory_space<hbm>> -> memref<40xi32, #tpu.memory_space<hbm>>
    tpu.enqueue_dma source(%dma_start3A_25 : memref<40xi32, #tpu.memory_space<hbm>>) target(%arg12 : memref<40xi32, #tpu.memory_space<vmem>>) target_semaphore(%arg21 : memref<!tpu.dma_semaphore, #tpu.memory_space<semaphore_mem>>)
    %scan3A = arith.constant 0 : i32
    %scan3A_26 = arith.constant 0 : i32
    %scan3A_27 = arith.constant 125 : i32
    %scan3A_28 = arith.addi %scan3A_26, %scan3A_27 : i32
    %scan3A_29 = arith.constant 1 : i32
    scf.for %scan3A_41 = %scan3A_26 to %scan3A_28 step %scan3A_29  : i32 {
      %mul3A_42 = arith.constant 2 : i32
      %mul3A_43 = arith.muli %mul3A_42, %scan3A_41 : i32
      %dma_wait3A = arith.constant 0 : i32
      %dma_wait3A_44 = arith.constant 0 : i32
      %dma_wait3A_45 = tpu.memref_slice %arg2[%dma_wait3A, %dma_wait3A_44] : memref<10000x128xf32, #tpu.memory_space<hbm>> -> memref<40x128xf32, #tpu.memory_space<hbm>>
      %dma_wait3A_46 = arith.constant 0 : i32
      %dma_wait3A_47 = arith.constant 0 : i32
      %dma_wait3A_48 = tpu.memref_slice %arg2[%dma_wait3A_46, %dma_wait3A_47] : memref<10000x128xf32, #tpu.memory_space<hbm>> -> memref<40x128xf32, #tpu.memory_space<hbm>>
      tpu.wait_dma2 semaphore(%arg22 : memref<!tpu.dma_semaphore, #tpu.memory_space<semaphore_mem>>) src(%dma_wait3A_48 : memref<40x128xf32, #tpu.memory_space<hbm>>) dst(%arg13 : memref<40x128xf32, #tpu.memory_space<vmem>>)
      %dma_wait3A_49 = arith.constant 0 : i32
      %dma_wait3A_50 = arith.constant 0 : i32
      %dma_wait3A_51 = tpu.memref_slice %arg3[%dma_wait3A_49, %dma_wait3A_50] : memref<10000x128xf32, #tpu.memory_space<hbm>> -> memref<40x128xf32, #tpu.memory_space<hbm>>
      %dma_wait3A_52 = arith.constant 0 : i32
      %dma_wait3A_53 = arith.constant 0 : i32
      %dma_wait3A_54 = tpu.memref_slice %arg3[%dma_wait3A_52, %dma_wait3A_53] : memref<10000x128xf32, #tpu.memory_space<hbm>> -> memref<40x128xf32, #tpu.memory_space<hbm>>
      tpu.wait_dma2 semaphore(%arg22 : memref<!tpu.dma_semaphore, #tpu.memory_space<semaphore_mem>>) src(%dma_wait3A_54 : memref<40x128xf32, #tpu.memory_space<hbm>>) dst(%arg14 : memref<40x128xf32, #tpu.memory_space<vmem>>)
      %dma_wait3A_55 = arith.constant 0 : i32
      %dma_wait3A_56 = arith.constant 0 : i32
      %dma_wait3A_57 = tpu.memref_slice %arg4[%dma_wait3A_55, %dma_wait3A_56] : memref<320000x128xf32, #tpu.memory_space<hbm>> -> memref<40x128xf32, #tpu.memory_space<hbm>>
      %dma_wait3A_58 = arith.constant 0 : i32
      %dma_wait3A_59 = arith.constant 0 : i32
      %dma_wait3A_60 = tpu.memref_slice %arg4[%dma_wait3A_58, %dma_wait3A_59] : memref<320000x128xf32, #tpu.memory_space<hbm>> -> memref<40x128xf32, #tpu.memory_space<hbm>>
      tpu.wait_dma2 semaphore(%arg22 : memref<!tpu.dma_semaphore, #tpu.memory_space<semaphore_mem>>) src(%dma_wait3A_60 : memref<40x128xf32, #tpu.memory_space<hbm>>) dst(%arg15 : memref<40x128xf32, #tpu.memory_space<vmem>>)
      %dma_wait3A_61 = arith.constant 0 : i32
      %dma_wait3A_62 = tpu.memref_slice %arg5[%dma_wait3A_61] : memref<320000xi32, #tpu.memory_space<hbm>> -> memref<40xi32, #tpu.memory_space<hbm>>
      %dma_wait3A_63 = arith.constant 0 : i32
      %dma_wait3A_64 = tpu.memref_slice %arg5[%dma_wait3A_63] : memref<320000xi32, #tpu.memory_space<hbm>> -> memref<40xi32, #tpu.memory_space<hbm>>
      tpu.wait_dma2 semaphore(%arg21 : memref<!tpu.dma_semaphore, #tpu.memory_space<semaphore_mem>>) src(%dma_wait3A_64 : memref<40xi32, #tpu.memory_space<hbm>>) dst(%arg11 : memref<40xi32, #tpu.memory_space<vmem>>)
      %dma_wait3A_65 = arith.constant 0 : i32
      %dma_wait3A_66 = tpu.memref_slice %arg6[%dma_wait3A_65] : memref<320000xi32, #tpu.memory_space<hbm>> -> memref<40xi32, #tpu.memory_space<hbm>>
      %dma_wait3A_67 = arith.constant 0 : i32
      %dma_wait3A_68 = tpu.memref_slice %arg6[%dma_wait3A_67] : memref<320000xi32, #tpu.memory_space<hbm>> -> memref<40xi32, #tpu.memory_space<hbm>>
      tpu.wait_dma2 semaphore(%arg21 : memref<!tpu.dma_semaphore, #tpu.memory_space<semaphore_mem>>) src(%dma_wait3A_68 : memref<40xi32, #tpu.memory_space<hbm>>) dst(%arg12 : memref<40xi32, #tpu.memory_space<vmem>>)
      %add3A_69 = arith.constant 1 : i32
      %add3A_70 = arith.addi %mul3A_43, %add3A_69 : i32
      %mul3A_71 = arith.constant 40 : i32
      %mul3A_72 = arith.muli %add3A_70, %mul3A_71 : i32
      %add3A_73 = arith.addi %mul3A_2, %mul3A_72 : i32
      %dma_start3A_74 = arith.constant 0 : i32
      %dma_start3A_75 = arith.constant 0 : i32
      %dma_start3A_76 = tpu.memref_slice %arg2[%dma_start3A_74, %dma_start3A_75] : memref<10000x128xf32, #tpu.memory_space<hbm>> -> memref<10000x128xf32, #tpu.memory_space<hbm>>
      tpu.enqueue_indirect_dma source(%dma_start3A_76 : memref<10000x128xf32, #tpu.memory_space<hbm>>) target(%arg16 : memref<40x128xf32, #tpu.memory_space<vmem>>) offsets(%arg11 : memref<40xi32, #tpu.memory_space<vmem>>) semaphore(%arg23 : memref<!tpu.dma_semaphore, #tpu.memory_space<semaphore_mem>>)
      %dma_start3A_77 = arith.constant 0 : i32
      %dma_start3A_78 = arith.constant 0 : i32
      %dma_start3A_79 = tpu.memref_slice %arg3[%dma_start3A_77, %dma_start3A_78] : memref<10000x128xf32, #tpu.memory_space<hbm>> -> memref<10000x128xf32, #tpu.memory_space<hbm>>
      tpu.enqueue_indirect_dma source(%dma_start3A_79 : memref<10000x128xf32, #tpu.memory_space<hbm>>) target(%arg17 : memref<40x128xf32, #tpu.memory_space<vmem>>) offsets(%arg12 : memref<40xi32, #tpu.memory_space<vmem>>) semaphore(%arg23 : memref<!tpu.dma_semaphore, #tpu.memory_space<semaphore_mem>>)
      %dma_start3A_80 = arith.constant 0 : i32
      %dma_start3A_81 = tpu.memref_slice %arg4[%add3A_73, %dma_start3A_80] : memref<320000x128xf32, #tpu.memory_space<hbm>> -> memref<40x128xf32, #tpu.memory_space<hbm>>
      %dma_start3A_82 = arith.constant 0 : i32
      %dma_start3A_83 = tpu.memref_slice %arg4[%add3A_73, %dma_start3A_82] : memref<320000x128xf32, #tpu.memory_space<hbm>> -> memref<40x128xf32, #tpu.memory_space<hbm>>
      tpu.enqueue_dma source(%dma_start3A_83 : memref<40x128xf32, #tpu.memory_space<hbm>>) target(%arg18 : memref<40x128xf32, #tpu.memory_space<vmem>>) target_semaphore(%arg23 : memref<!tpu.dma_semaphore, #tpu.memory_space<semaphore_mem>>)
      %scan3A_84 = arith.constant 0 : i32
      %scan3A_85 = arith.constant 0 : i32
      %scan3A_86 = arith.constant 10 : i32
      %scan3A_87 = arith.addi %scan3A_85, %scan3A_86 : i32
      %scan3A_88 = arith.constant 1 : i32
      scf.for %scan3A_134 = %scan3A_85 to %scan3A_87 step %scan3A_88  : i32 {
        %mul3A_135 = arith.constant 4 : i32
        %mul3A_136 = arith.muli %scan3A_134, %mul3A_135 : i32
        %add3A_137 = arith.constant 0 : i32
        %add3A_138 = arith.addi %mul3A_136, %add3A_137 : i32
        %get3A = arith.index_cast %add3A_138 : i32 to index
        %get3A_139 = arith.constant 0 : index
        %get3A_140 = tpu.vector_load %arg13[%get3A, %get3A_139] {strides = array<i32>} : memref<40x128xf32, #tpu.memory_space<vmem>>, vector<1x16xf32>,
        %get3A_141 = vector.shape_cast %get3A_140 : vector<1x16xf32> to vector<16xf32>
        %get3A_142 = arith.index_cast %add3A_138 : i32 to index
        %get3A_143 = arith.constant 0 : index
        %get3A_144 = tpu.vector_load %arg14[%get3A_142, %get3A_143] {strides = array<i32>} : memref<40x128xf32, #tpu.memory_space<vmem>>, vector<1x16xf32>,
        %get3A_145 = vector.shape_cast %get3A_144 : vector<1x16xf32> to vector<16xf32>
        %add3A_146 = arith.addf %get3A_141, %get3A_145 : vector<16xf32>
        %get3A_147 = arith.index_cast %add3A_138 : i32 to index
        %get3A_148 = arith.constant 0 : index
        %get3A_149 = tpu.vector_load %arg15[%get3A_147, %get3A_148] {strides = array<i32>} : memref<40x128xf32, #tpu.memory_space<vmem>>, vector<1x16xf32>,
        %get3A_150 = vector.shape_cast %get3A_149 : vector<1x16xf32> to vector<16xf32>
        %add3A_151 = arith.addf %add3A_146, %get3A_150 : vector<16xf32>
        %mul3A_152 = arith.mulf %add3A_151, %add3A_151 : vector<16xf32>
        %mul3A_153 = arith.constant 0.0713548139 : f32
        %mul3A_154 = vector.broadcast %mul3A_153 : f32 to vector<16xf32>
        %mul3A_155 = arith.mulf %mul3A_154, %mul3A_152 : vector<16xf32>
        %sub3A = arith.constant -1.59576917 : f32
        %sub3A_156 = vector.broadcast %sub3A : f32 to vector<16xf32>
        %sub3A_157 = arith.subf %sub3A_156, %mul3A_155 : vector<16xf32>
        %mul3A_158 = arith.mulf %add3A_151, %sub3A_157 : vector<16xf32>
        %exp3A = math.exp %mul3A_158 : vector<16xf32>
        %add3A_159 = arith.constant 1.000000e+00 : f32
        %add3A_160 = vector.broadcast %add3A_159 : f32 to vector<16xf32>
        %add3A_161 = arith.addf %add3A_160, %exp3A : vector<16xf32>
        %div3A = arith.divf %add3A_151, %add3A_161 : vector<16xf32>
        %swap3A = arith.index_cast %add3A_138 : i32 to index
        %swap3A_162 = arith.constant 0 : index
        %swap3A_163 = tpu.vector_load %arg13[%swap3A, %swap3A_162] {strides = array<i32>} : memref<40x128xf32, #tpu.memory_space<vmem>>, vector<1x16xf32>,
        %swap3A_164 = vector.shape_cast %swap3A_163 : vector<1x16xf32> to vector<16xf32>
        %swap3A_165 = vector.shape_cast %div3A : vector<16xf32> to vector<1x16xf32>
        tpu.vector_store %arg13[%swap3A, %swap3A_162], %swap3A_165 {strides = array<i32>} : memref<40x128xf32, #tpu.memory_space<vmem>>, vector<1x16xf32>,
        %get3A_166 = arith.index_cast %add3A_138 : i32 to index
        %get3A_167 = arith.constant 16 : index
        %get3A_168 = tpu.vector_load %arg13[%get3A_166, %get3A_167] {strides = array<i32>} : memref<40x128xf32, #tpu.memory_space<vmem>>, vector<1x16xf32>,
        %get3A_169 = vector.shape_cast %get3A_168 : vector<1x16xf32> to vector<16xf32>
        %get3A_170 = arith.index_cast %add3A_138 : i32 to index
        %get3A_171 = arith.constant 16 : index
        %get3A_172 = tpu.vector_load %arg14[%get3A_170, %get3A_171] {strides = array<i32>} : memref<40x128xf32, #tpu.memory_space<vmem>>, vector<1x16xf32>,
        %get3A_173 = vector.shape_cast %get3A_172 : vector<1x16xf32> to vector<16xf32>
        %add3A_174 = arith.addf %get3A_169, %get3A_173 : vector<16xf32>
        %get3A_175 = arith.index_cast %add3A_138 : i32 to index
        %get3A_176 = arith.constant 16 : index
        %get3A_177 = tpu.vector_load %arg15[%get3A_175, %get3A_176] {strides = array<i32>} : memref<40x128xf32, #tpu.memory_space<vmem>>, vector<1x16xf32>,
        %get3A_178 = vector.shape_cast %get3A_177 : vector<1x16xf32> to vector<16xf32>
        %add3A_179 = arith.addf %add3A_174, %get3A_178 : vector<16xf32>
        %mul3A_180 = arith.mulf %add3A_179, %add3A_179 : vector<16xf32>
        %mul3A_181 = arith.constant 0.0713548139 : f32
        %mul3A_182 = vector.broadcast %mul3A_181 : f32 to vector<16xf32>
        %mul3A_183 = arith.mulf %mul3A_182, %mul3A_180 : vector<16xf32>
        %sub3A_184 = arith.constant -1.59576917 : f32
        %sub3A_185 = vector.broadcast %sub3A_184 : f32 to vector<16xf32>
        %sub3A_186 = arith.subf %sub3A_185, %mul3A_183 : vector<16xf32>
        %mul3A_187 = arith.mulf %add3A_179, %sub3A_186 : vector<16xf32>
        %exp3A_188 = math.exp %mul3A_187 : vector<16xf32>
        %add3A_189 = arith.constant 1.000000e+00 : f32
        %add3A_190 = vector.broadcast %add3A_189 : f32 to vector<16xf32>
        %add3A_191 = arith.addf %add3A_190, %exp3A_188 : vector<16xf32>
        %div3A_192 = arith.divf %add3A_179, %add3A_191 : vector<16xf32>
        %swap3A_193 = arith.index_cast %add3A_138 : i32 to index
        %swap3A_194 = arith.constant 16 : index
        %swap3A_195 = tpu.vector_load %arg13[%swap3A_193, %swap3A_194] {strides = array<i32>} : memref<40x128xf32, #tpu.memory_space<vmem>>, vector<1x16xf32>,
        %swap3A_196 = vector.shape_cast %swap3A_195 : vector<1x16xf32> to vector<16xf32>
        %swap3A_197 = vector.shape_cast %div3A_192 : vector<16xf32> to vector<1x16xf32>
        tpu.vector_store %arg13[%swap3A_193, %swap3A_194], %swap3A_197 {strides = array<i32>} : memref<40x128xf32, #tpu.memory_space<vmem>>, vector<1x16xf32>,
        %get3A_198 = arith.index_cast %add3A_138 : i32 to index
        %get3A_199 = arith.constant 32 : index
        %get3A_200 = tpu.vector_load %arg13[%get3A_198, %get3A_199] {strides = array<i32>} : memref<40x128xf32, #tpu.memory_space<vmem>>, vector<1x16xf32>,
        %get3A_201 = vector.shape_cast %get3A_200 : vector<1x16xf32> to vector<16xf32>
        %get3A_202 = arith.index_cast %add3A_138 : i32 to index
        %get3A_203 = arith.constant 32 : index
        %get3A_204 = tpu.vector_load %arg14[%get3A_202, %get3A_203] {strides = array<i32>} : memref<40x128xf32, #tpu.memory_space<vmem>>, vector<1x16xf32>,
        %get3A_205 = vector.shape_cast %get3A_204 : vector<1x16xf32> to vector<16xf32>
        %add3A_206 = arith.addf %get3A_201, %get3A_205 : vector<16xf32>
        %get3A_207 = arith.index_cast %add3A_138 : i32 to index
        %get3A_208 = arith.constant 32 : index
        %get3A_209 = tpu.vector_load %arg15[%get3A_207, %get3A_208] {strides = array<i32>} : memref<40x128xf32, #tpu.memory_space<vmem>>, vector<1x16xf32>,
        %get3A_210 = vector.shape_cast %get3A_209 : vector<1x16xf32> to vector<16xf32>
        %add3A_211 = arith.addf %add3A_206, %get3A_210 : vector<16xf32>
        %mul3A_212 = arith.mulf %add3A_211, %add3A_211 : vector<16xf32>
        %mul3A_213 = arith.constant 0.0713548139 : f32
        %mul3A_214 = vector.broadcast %mul3A_213 : f32 to vector<16xf32>
        %mul3A_215 = arith.mulf %mul3A_214, %mul3A_212 : vector<16xf32>
        %sub3A_216 = arith.constant -1.59576917 : f32
        %sub3A_217 = vector.broadcast %sub3A_216 : f32 to vector<16xf32>
        %sub3A_218 = arith.subf %sub3A_217, %mul3A_215 : vector<16xf32>
        %mul3A_219 = arith.mulf %add3A_211, %sub3A_218 : vector<16xf32>
        %exp3A_220 = math.exp %mul3A_219 : vector<16xf32>
        %add3A_221 = arith.constant 1.000000e+00 : f32
        %add3A_222 = vector.broadcast %add3A_221 : f32 to vector<16xf32>
        %add3A_223 = arith.addf %add3A_222, %exp3A_220 : vector<16xf32>
        %div3A_224 = arith.divf %add3A_211, %add3A_223 : vector<16xf32>
        %swap3A_225 = arith.index_cast %add3A_138 : i32 to index
        %swap3A_226 = arith.constant 32 : index
        %swap3A_227 = tpu.vector_load %arg13[%swap3A_225, %swap3A_226] {strides = array<i32>} : memref<40x128xf32, #tpu.memory_space<vmem>>, vector<1x16xf32>,
        %swap3A_228 = vector.shape_cast %swap3A_227 : vector<1x16xf32> to vector<16xf32>
        %swap3A_229 = vector.shape_cast %div3A_224 : vector<16xf32> to vector<1x16xf32>
        tpu.vector_store %arg13[%swap3A_225, %swap3A_226], %swap3A_229 {strides = array<i32>} : memref<40x128xf32, #tpu.memory_space<vmem>>, vector<1x16xf32>,
        %get3A_230 = arith.index_cast %add3A_138 : i32 to index
        %get3A_231 = arith.constant 48 : index
        %get3A_232 = tpu.vector_load %arg13[%get3A_230, %get3A_231] {strides = array<i32>} : memref<40x128xf32, #tpu.memory_space<vmem>>, vector<1x16xf32>,
        %get3A_233 = vector.shape_cast %get3A_232 : vector<1x16xf32> to vector<16xf32>
        %get3A_234 = arith.index_cast %add3A_138 : i32 to index
        %get3A_235 = arith.constant 48 : index
        %get3A_236 = tpu.vector_load %arg14[%get3A_234, %get3A_235] {strides = array<i32>} : memref<40x128xf32, #tpu.memory_space<vmem>>, vector<1x16xf32>,
        %get3A_237 = vector.shape_cast %get3A_236 : vector<1x16xf32> to vector<16xf32>
        %add3A_238 = arith.addf %get3A_233, %get3A_237 : vector<16xf32>
        %get3A_239 = arith.index_cast %add3A_138 : i32 to index
        %get3A_240 = arith.constant 48 : index
        %get3A_241 = tpu.vector_load %arg15[%get3A_239, %get3A_240] {strides = array<i32>} : memref<40x128xf32, #tpu.memory_space<vmem>>, vector<1x16xf32>,
        %get3A_242 = vector.shape_cast %get3A_241 : vector<1x16xf32> to vector<16xf32>
        %add3A_243 = arith.addf %add3A_238, %get3A_242 : vector<16xf32>
        %mul3A_244 = arith.mulf %add3A_243, %add3A_243 : vector<16xf32>
        %mul3A_245 = arith.constant 0.0713548139 : f32
        %mul3A_246 = vector.broadcast %mul3A_245 : f32 to vector<16xf32>
        %mul3A_247 = arith.mulf %mul3A_246, %mul3A_244 : vector<16xf32>
        %sub3A_248 = arith.constant -1.59576917 : f32
        %sub3A_249 = vector.broadcast %sub3A_248 : f32 to vector<16xf32>
        %sub3A_250 = arith.subf %sub3A_249, %mul3A_247 : vector<16xf32>
        %mul3A_251 = arith.mulf %add3A_243, %sub3A_250 : vector<16xf32>
        %exp3A_252 = math.exp %mul3A_251 : vector<16xf32>
        %add3A_253 = arith.constant 1.000000e+00 : f32
        %add3A_254 = vector.broadcast %add3A_253 : f32 to vector<16xf32>
        %add3A_255 = arith.addf %add3A_254, %exp3A_252 : vector<16xf32>
        %div3A_256 = arith.divf %add3A_243, %add3A_255 : vector<16xf32>
        %swap3A_257 = arith.index_cast %add3A_138 : i32 to index
        %swap3A_258 = arith.constant 48 : index
        %swap3A_259 = tpu.vector_load %arg13[%swap3A_257, %swap3A_258] {strides = array<i32>} : memref<40x128xf32, #tpu.memory_space<vmem>>, vector<1x16xf32>,
        %swap3A_260 = vector.shape_cast %swap3A_259 : vector<1x16xf32> to vector<16xf32>
        %swap3A_261 = vector.shape_cast %div3A_256 : vector<16xf32> to vector<1x16xf32>
        tpu.vector_store %arg13[%swap3A_257, %swap3A_258], %swap3A_261 {strides = array<i32>} : memref<40x128xf32, #tpu.memory_space<vmem>>, vector<1x16xf32>,
        %get3A_262 = arith.index_cast %add3A_138 : i32 to index
        %get3A_263 = arith.constant 64 : index
        %get3A_264 = tpu.vector_load %arg13[%get3A_262, %get3A_263] {strides = array<i32>} : memref<40x128xf32, #tpu.memory_space<vmem>>, vector<1x16xf32>,
        %get3A_265 = vector.shape_cast %get3A_264 : vector<1x16xf32> to vector<16xf32>
        %get3A_266 = arith.index_cast %add3A_138 : i32 to index
        %get3A_267 = arith.constant 64 : index
        %get3A_268 = tpu.vector_load %arg14[%get3A_266, %get3A_267] {strides = array<i32>} : memref<40x128xf32, #tpu.memory_space<vmem>>, vector<1x16xf32>,
        %get3A_269 = vector.shape_cast %get3A_268 : vector<1x16xf32> to vector<16xf32>
        %add3A_270 = arith.addf %get3A_265, %get3A_269 : vector<16xf32>
        %get3A_271 = arith.index_cast %add3A_138 : i32 to index
        %get3A_272 = arith.constant 64 : index
        %get3A_273 = tpu.vector_load %arg15[%get3A_271, %get3A_272] {strides = array<i32>} : memref<40x128xf32, #tpu.memory_space<vmem>>, vector<1x16xf32>,
        %get3A_274 = vector.shape_cast %get3A_273 : vector<1x16xf32> to vector<16xf32>
        %add3A_275 = arith.addf %add3A_270, %get3A_274 : vector<16xf32>
        %mul3A_276 = arith.mulf %add3A_275, %add3A_275 : vector<16xf32>
        %mul3A_277 = arith.constant 0.0713548139 : f32
        %mul3A_278 = vector.broadcast %mul3A_277 : f32 to vector<16xf32>
        %mul3A_279 = arith.mulf %mul3A_278, %mul3A_276 : vector<16xf32>
        %sub3A_280 = arith.constant -1.59576917 : f32
        %sub3A_281 = vector.broadcast %sub3A_280 : f32 to vector<16xf32>
        %sub3A_282 = arith.subf %sub3A_281, %mul3A_279 : vector<16xf32>
        %mul3A_283 = arith.mulf %add3A_275, %sub3A_282 : vector<16xf32>
        %exp3A_284 = math.exp %mul3A_283 : vector<16xf32>
        %add3A_285 = arith.constant 1.000000e+00 : f32
        %add3A_286 = vector.broadcast %add3A_285 : f32 to vector<16xf32>
        %add3A_287 = arith.addf %add3A_286, %exp3A_284 : vector<16xf32>
        %div3A_288 = arith.divf %add3A_275, %add3A_287 : vector<16xf32>
        %swap3A_289 = arith.index_cast %add3A_138 : i32 to index
        %swap3A_290 = arith.constant 64 : index
        %swap3A_291 = tpu.vector_load %arg13[%swap3A_289, %swap3A_290] {strides = array<i32>} : memref<40x128xf32, #tpu.memory_space<vmem>>, vector<1x16xf32>,
        %swap3A_292 = vector.shape_cast %swap3A_291 : vector<1x16xf32> to vector<16xf32>
        %swap3A_293 = vector.shape_cast %div3A_288 : vector<16xf32> to vector<1x16xf32>
        tpu.vector_store %arg13[%swap3A_289, %swap3A_290], %swap3A_293 {strides = array<i32>} : memref<40x128xf32, #tpu.memory_space<vmem>>, vector<1x16xf32>,
        %get3A_294 = arith.index_cast %add3A_138 : i32 to index
        %get3A_295 = arith.constant 80 : index
        %get3A_296 = tpu.vector_load %arg13[%get3A_294, %get3A_295] {strides = array<i32>} : memref<40x128xf32, #tpu.memory_space<vmem>>, vector<1x16xf32>,
        %get3A_297 = vector.shape_cast %get3A_296 : vector<1x16xf32> to vector<16xf32>
        %get3A_298 = arith.index_cast %add3A_138 : i32 to index
        %get3A_299 = arith.constant 80 : index
        %get3A_300 = tpu.vector_load %arg14[%get3A_298, %get3A_299] {strides = array<i32>} : memref<40x128xf32, #tpu.memory_space<vmem>>, vector<1x16xf32>,
        %get3A_301 = vector.shape_cast %get3A_300 : vector<1x16xf32> to vector<16xf32>
        %add3A_302 = arith.addf %get3A_297, %get3A_301 : vector<16xf32>
        %get3A_303 = arith.index_cast %add3A_138 : i32 to index
        %get3A_304 = arith.constant 80 : index
        %get3A_305 = tpu.vector_load %arg15[%get3A_303, %get3A_304] {strides = array<i32>} : memref<40x128xf32, #tpu.memory_space<vmem>>, vector<1x16xf32>,
        %get3A_306 = vector.shape_cast %get3A_305 : vector<1x16xf32> to vector<16xf32>
        %add3A_307 = arith.addf %add3A_302, %get3A_306 : vector<16xf32>
        %mul3A_308 = arith.mulf %add3A_307, %add3A_307 : vector<16xf32>
        %mul3A_309 = arith.constant 0.0713548139 : f32
        %mul3A_310 = vector.broadcast %mul3A_309 : f32 to vector<16xf32>
        %mul3A_311 = arith.mulf %mul3A_310, %mul3A_308 : vector<16xf32>
        %sub3A_312 = arith.constant -1.59576917 : f32
        %sub3A_313 = vector.broadcast %sub3A_312 : f32 to vector<16xf32>
        %sub3A_314 = arith.subf %sub3A_313, %mul3A_311 : vector<16xf32>
        %mul3A_315 = arith.mulf %add3A_307, %sub3A_314 : vector<16xf32>
        %exp3A_316 = math.exp %mul3A_315 : vector<16xf32>
        %add3A_317 = arith.constant 1.000000e+00 : f32
        %add3A_318 = vector.broadcast %add3A_317 : f32 to vector<16xf32>
        %add3A_319 = arith.addf %add3A_318, %exp3A_316 : vector<16xf32>
        %div3A_320 = arith.divf %add3A_307, %add3A_319 : vector<16xf32>
        %swap3A_321 = arith.index_cast %add3A_138 : i32 to index
        %swap3A_322 = arith.constant 80 : index
        %swap3A_323 = tpu.vector_load %arg13[%swap3A_321, %swap3A_322] {strides = array<i32>} : memref<40x128xf32, #tpu.memory_space<vmem>>, vector<1x16xf32>,
        %swap3A_324 = vector.shape_cast %swap3A_323 : vector<1x16xf32> to vector<16xf32>
        %swap3A_325 = vector.shape_cast %div3A_320 : vector<16xf32> to vector<1x16xf32>
        tpu.vector_store %arg13[%swap3A_321, %swap3A_322], %swap3A_325 {strides = array<i32>} : memref<40x128xf32, #tpu.memory_space<vmem>>, vector<1x16xf32>,
        %get3A_326 = arith.index_cast %add3A_138 : i32 to index
        %get3A_327 = arith.constant 96 : index
        %get3A_328 = tpu.vector_load %arg13[%get3A_326, %get3A_327] {strides = array<i32>} : memref<40x128xf32, #tpu.memory_space<vmem>>, vector<1x16xf32>,
        %get3A_329 = vector.shape_cast %get3A_328 : vector<1x16xf32> to vector<16xf32>
        %get3A_330 = arith.index_cast %add3A_138 : i32 to index
        %get3A_331 = arith.constant 96 : index
        %get3A_332 = tpu.vector_load %arg14[%get3A_330, %get3A_331] {strides = array<i32>} : memref<40x128xf32, #tpu.memory_space<vmem>>, vector<1x16xf32>,
        %get3A_333 = vector.shape_cast %get3A_332 : vector<1x16xf32> to vector<16xf32>
        %add3A_334 = arith.addf %get3A_329, %get3A_333 : vector<16xf32>
        %get3A_335 = arith.index_cast %add3A_138 : i32 to index
        %get3A_336 = arith.constant 96 : index
        %get3A_337 = tpu.vector_load %arg15[%get3A_335, %get3A_336] {strides = array<i32>} : memref<40x128xf32, #tpu.memory_space<vmem>>, vector<1x16xf32>,
        %get3A_338 = vector.shape_cast %get3A_337 : vector<1x16xf32> to vector<16xf32>
        %add3A_339 = arith.addf %add3A_334, %get3A_338 : vector<16xf32>
        %mul3A_340 = arith.mulf %add3A_339, %add3A_339 : vector<16xf32>
        %mul3A_341 = arith.constant 0.0713548139 : f32
        %mul3A_342 = vector.broadcast %mul3A_341 : f32 to vector<16xf32>
        %mul3A_343 = arith.mulf %mul3A_342, %mul3A_340 : vector<16xf32>
        %sub3A_344 = arith.constant -1.59576917 : f32
        %sub3A_345 = vector.broadcast %sub3A_344 : f32 to vector<16xf32>
        %sub3A_346 = arith.subf %sub3A_345, %mul3A_343 : vector<16xf32>
        %mul3A_347 = arith.mulf %add3A_339, %sub3A_346 : vector<16xf32>
        %exp3A_348 = math.exp %mul3A_347 : vector<16xf32>
        %add3A_349 = arith.constant 1.000000e+00 : f32
        %add3A_350 = vector.broadcast %add3A_349 : f32 to vector<16xf32>
        %add3A_351 = arith.addf %add3A_350, %exp3A_348 : vector<16xf32>
        %div3A_352 = arith.divf %add3A_339, %add3A_351 : vector<16xf32>
        %swap3A_353 = arith.index_cast %add3A_138 : i32 to index
        %swap3A_354 = arith.constant 96 : index
        %swap3A_355 = tpu.vector_load %arg13[%swap3A_353, %swap3A_354] {strides = array<i32>} : memref<40x128xf32, #tpu.memory_space<vmem>>, vector<1x16xf32>,
        %swap3A_356 = vector.shape_cast %swap3A_355 : vector<1x16xf32> to vector<16xf32>
        %swap3A_357 = vector.shape_cast %div3A_352 : vector<16xf32> to vector<1x16xf32>
        tpu.vector_store %arg13[%swap3A_353, %swap3A_354], %swap3A_357 {strides = array<i32>} : memref<40x128xf32, #tpu.memory_space<vmem>>, vector<1x16xf32>,
        %get3A_358 = arith.index_cast %add3A_138 : i32 to index
        %get3A_359 = arith.constant 112 : index
        %get3A_360 = tpu.vector_load %arg13[%get3A_358, %get3A_359] {strides = array<i32>} : memref<40x128xf32, #tpu.memory_space<vmem>>, vector<1x16xf32>,
        %get3A_361 = vector.shape_cast %get3A_360 : vector<1x16xf32> to vector<16xf32>
        %get3A_362 = arith.index_cast %add3A_138 : i32 to index
        %get3A_363 = arith.constant 112 : index
        %get3A_364 = tpu.vector_load %arg14[%get3A_362, %get3A_363] {strides = array<i32>} : memref<40x128xf32, #tpu.memory_space<vmem>>, vector<1x16xf32>,
        %get3A_365 = vector.shape_cast %get3A_364 : vector<1x16xf32> to vector<16xf32>
        %add3A_366 = arith.addf %get3A_361, %get3A_365 : vector<16xf32>
        %get3A_367 = arith.index_cast %add3A_138 : i32 to index
        %get3A_368 = arith.constant 112 : index
        %get3A_369 = tpu.vector_load %arg15[%get3A_367, %get3A_368] {strides = array<i32>} : memref<40x128xf32, #tpu.memory_space<vmem>>, vector<1x16xf32>,
        %get3A_370 = vector.shape_cast %get3A_369 : vector<1x16xf32> to vector<16xf32>
        %add3A_371 = arith.addf %add3A_366, %get3A_370 : vector<16xf32>
        %mul3A_372 = arith.mulf %add3A_371, %add3A_371 : vector<16xf32>
        %mul3A_373 = arith.constant 0.0713548139 : f32
        %mul3A_374 = vector.broadcast %mul3A_373 : f32 to vector<16xf32>
        %mul3A_375 = arith.mulf %mul3A_374, %mul3A_372 : vector<16xf32>
        %sub3A_376 = arith.constant -1.59576917 : f32
        %sub3A_377 = vector.broadcast %sub3A_376 : f32 to vector<16xf32>
        %sub3A_378 = arith.subf %sub3A_377, %mul3A_375 : vector<16xf32>
        %mul3A_379 = arith.mulf %add3A_371, %sub3A_378 : vector<16xf32>
        %exp3A_380 = math.exp %mul3A_379 : vector<16xf32>
        %add3A_381 = arith.constant 1.000000e+00 : f32
        %add3A_382 = vector.broadcast %add3A_381 : f32 to vector<16xf32>
        %add3A_383 = arith.addf %add3A_382, %exp3A_380 : vector<16xf32>
        %div3A_384 = arith.divf %add3A_371, %add3A_383 : vector<16xf32>
        %swap3A_385 = arith.index_cast %add3A_138 : i32 to index
        %swap3A_386 = arith.constant 112 : index
        %swap3A_387 = tpu.vector_load %arg13[%swap3A_385, %swap3A_386] {strides = array<i32>} : memref<40x128xf32, #tpu.memory_space<vmem>>, vector<1x16xf32>,
        %swap3A_388 = vector.shape_cast %swap3A_387 : vector<1x16xf32> to vector<16xf32>
        %swap3A_389 = vector.shape_cast %div3A_384 : vector<16xf32> to vector<1x16xf32>
        tpu.vector_store %arg13[%swap3A_385, %swap3A_386], %swap3A_389 {strides = array<i32>} : memref<40x128xf32, #tpu.memory_space<vmem>>, vector<1x16xf32>,
        %mul3A_390 = arith.constant 4 : i32
        %mul3A_391 = arith.muli %scan3A_134, %mul3A_390 : i32
        %add3A_392 = arith.constant 1 : i32
        %add3A_393 = arith.addi %mul3A_391, %add3A_392 : i32
        %get3A_394 = arith.index_cast %add3A_393 : i32 to index
        %get3A_395 = arith.constant 0 : index
        %get3A_396 = tpu.vector_load %arg13[%get3A_394, %get3A_395] {strides = array<i32>} : memref<40x128xf32, #tpu.memory_space<vmem>>, vector<1x16xf32>,
        %get3A_397 = vector.shape_cast %get3A_396 : vector<1x16xf32> to vector<16xf32>
        %get3A_398 = arith.index_cast %add3A_393 : i32 to index
        %get3A_399 = arith.constant 0 : index
        %get3A_400 = tpu.vector_load %arg14[%get3A_398, %get3A_399] {strides = array<i32>} : memref<40x128xf32, #tpu.memory_space<vmem>>, vector<1x16xf32>,
        %get3A_401 = vector.shape_cast %get3A_400 : vector<1x16xf32> to vector<16xf32>
        %add3A_402 = arith.addf %get3A_397, %get3A_401 : vector<16xf32>
        %get3A_403 = arith.index_cast %add3A_393 : i32 to index
        %get3A_404 = arith.constant 0 : index
        %get3A_405 = tpu.vector_load %arg15[%get3A_403, %get3A_404] {strides = array<i32>} : memref<40x128xf32, #tpu.memory_space<vmem>>, vector<1x16xf32>,
        %get3A_406 = vector.shape_cast %get3A_405 : vector<1x16xf32> to vector<16xf32>
        %add3A_407 = arith.addf %add3A_402, %get3A_406 : vector<16xf32>
        %mul3A_408 = arith.mulf %add3A_407, %add3A_407 : vector<16xf32>
        %mul3A_409 = arith.constant 0.0713548139 : f32
        %mul3A_410 = vector.broadcast %mul3A_409 : f32 to vector<16xf32>
        %mul3A_411 = arith.mulf %mul3A_410, %mul3A_408 : vector<16xf32>
        %sub3A_412 = arith.constant -1.59576917 : f32
        %sub3A_413 = vector.broadcast %sub3A_412 : f32 to vector<16xf32>
        %sub3A_414 = arith.subf %sub3A_413, %mul3A_411 : vector<16xf32>
        %mul3A_415 = arith.mulf %add3A_407, %sub3A_414 : vector<16xf32>
        %exp3A_416 = math.exp %mul3A_415 : vector<16xf32>
        %add3A_417 = arith.constant 1.000000e+00 : f32
        %add3A_418 = vector.broadcast %add3A_417 : f32 to vector<16xf32>
        %add3A_419 = arith.addf %add3A_418, %exp3A_416 : vector<16xf32>
        %div3A_420 = arith.divf %add3A_407, %add3A_419 : vector<16xf32>
        %swap3A_421 = arith.index_cast %add3A_393 : i32 to index
        %swap3A_422 = arith.constant 0 : index
        %swap3A_423 = tpu.vector_load %arg13[%swap3A_421, %swap3A_422] {strides = array<i32>} : memref<40x128xf32, #tpu.memory_space<vmem>>, vector<1x16xf32>,
        %swap3A_424 = vector.shape_cast %swap3A_423 : vector<1x16xf32> to vector<16xf32>
        %swap3A_425 = vector.shape_cast %div3A_420 : vector<16xf32> to vector<1x16xf32>
        tpu.vector_store %arg13[%swap3A_421, %swap3A_422], %swap3A_425 {strides = array<i32>} : memref<40x128xf32, #tpu.memory_space<vmem>>, vector<1x16xf32>,
        %get3A_426 = arith.index_cast %add3A_393 : i32 to index
        %get3A_427 = arith.constant 16 : index
        %get3A_428 = tpu.vector_load %arg13[%get3A_426, %get3A_427] {strides = array<i32>} : memref<40x128xf32, #tpu.memory_space<vmem>>, vector<1x16xf32>,
        %get3A_429 = vector.shape_cast %get3A_428 : vector<1x16xf32> to vector<16xf32>
        %get3A_430 = arith.index_cast %add3A_393 : i32 to index
        %get3A_431 = arith.constant 16 : index
        %get3A_432 = tpu.vector_load %arg14[%get3A_430, %get3A_431] {strides = array<i32>} : memref<40x128xf32, #tpu.memory_space<vmem>>, vector<1x16xf32>,
        %get3A_433 = vector.shape_cast %get3A_432 : vector<1x16xf32> to vector<16xf32>
        %add3A_434 = arith.addf %get3A_429, %get3A_433 : vector<16xf32>
        %get3A_435 = arith.index_cast %add3A_393 : i32 to index
        %get3A_436 = arith.constant 16 : index
        %get3A_437 = tpu.vector_load %arg15[%get3A_435, %get3A_436] {strides = array<i32>} : memref<40x128xf32, #tpu.memory_space<vmem>>, vector<1x16xf32>,
        %get3A_438 = vector.shape_cast %get3A_437 : vector<1x16xf32> to vector<16xf32>
        %add3A_439 = arith.addf %add3A_434, %get3A_438 : vector<16xf32>
        %mul3A_440 = arith.mulf %add3A_439, %add3A_439 : vector<16xf32>
        %mul3A_441 = arith.constant 0.0713548139 : f32
        %mul3A_442 = vector.broadcast %mul3A_441 : f32 to vector<16xf32>
        %mul3A_443 = arith.mulf %mul3A_442, %mul3A_440 : vector<16xf32>
        %sub3A_444 = arith.constant -1.59576917 : f32
        %sub3A_445 = vector.broadcast %sub3A_444 : f32 to vector<16xf32>
        %sub3A_446 = arith.subf %sub3A_445, %mul3A_443 : vector<16xf32>
        %mul3A_447 = arith.mulf %add3A_439, %sub3A_446 : vector<16xf32>
        %exp3A_448 = math.exp %mul3A_447 : vector<16xf32>
        %add3A_449 = arith.constant 1.000000e+00 : f32
        %add3A_450 = vector.broadcast %add3A_449 : f32 to vector<16xf32>
        %add3A_451 = arith.addf %add3A_450, %exp3A_448 : vector<16xf32>
        %div3A_452 = arith.divf %add3A_439, %add3A_451 : vector<16xf32>
        %swap3A_453 = arith.index_cast %add3A_393 : i32 to index
        %swap3A_454 = arith.constant 16 : index
        %swap3A_455 = tpu.vector_load %arg13[%swap3A_453, %swap3A_454] {strides = array<i32>} : memref<40x128xf32, #tpu.memory_space<vmem>>, vector<1x16xf32>,
        %swap3A_456 = vector.shape_cast %swap3A_455 : vector<1x16xf32> to vector<16xf32>
        %swap3A_457 = vector.shape_cast %div3A_452 : vector<16xf32> to vector<1x16xf32>
        tpu.vector_store %arg13[%swap3A_453, %swap3A_454], %swap3A_457 {strides = array<i32>} : memref<40x128xf32, #tpu.memory_space<vmem>>, vector<1x16xf32>,
        %get3A_458 = arith.index_cast %add3A_393 : i32 to index
        %get3A_459 = arith.constant 32 : index
        %get3A_460 = tpu.vector_load %arg13[%get3A_458, %get3A_459] {strides = array<i32>} : memref<40x128xf32, #tpu.memory_space<vmem>>, vector<1x16xf32>,
        %get3A_461 = vector.shape_cast %get3A_460 : vector<1x16xf32> to vector<16xf32>
        %get3A_462 = arith.index_cast %add3A_393 : i32 to index
        %get3A_463 = arith.constant 32 : index
        %get3A_464 = tpu.vector_load %arg14[%get3A_462, %get3A_463] {strides = array<i32>} : memref<40x128xf32, #tpu.memory_space<vmem>>, vector<1x16xf32>,
        %get3A_465 = vector.shape_cast %get3A_464 : vector<1x16xf32> to vector<16xf32>
        %add3A_466 = arith.addf %get3A_461, %get3A_465 : vector<16xf32>
        %get3A_467 = arith.index_cast %add3A_393 : i32 to index
        %get3A_468 = arith.constant 32 : index
        %get3A_469 = tpu.vector_load %arg15[%get3A_467, %get3A_468] {strides = array<i32>} : memref<40x128xf32, #tpu.memory_space<vmem>>, vector<1x16xf32>,
        %get3A_470 = vector.shape_cast %get3A_469 : vector<1x16xf32> to vector<16xf32>
        %add3A_471 = arith.addf %add3A_466, %get3A_470 : vector<16xf32>
        %mul3A_472 = arith.mulf %add3A_471, %add3A_471 : vector<16xf32>
        %mul3A_473 = arith.constant 0.0713548139 : f32
        %mul3A_474 = vector.broadcast %mul3A_473 : f32 to vector<16xf32>
        %mul3A_475 = arith.mulf %mul3A_474, %mul3A_472 : vector<16xf32>
        %sub3A_476 = arith.constant -1.59576917 : f32
        %sub3A_477 = vector.broadcast %sub3A_476 : f32 to vector<16xf32>
        %sub3A_478 = arith.subf %sub3A_477, %mul3A_475 : vector<16xf32>
        %mul3A_479 = arith.mulf %add3A_471, %sub3A_478 : vector<16xf32>
        %exp3A_480 = math.exp %mul3A_479 : vector<16xf32>
        %add3A_481 = arith.constant 1.000000e+00 : f32
        %add3A_482 = vector.broadcast %add3A_481 : f32 to vector<16xf32>
        %add3A_483 = arith.addf %add3A_482, %exp3A_480 : vector<16xf32>
        %div3A_484 = arith.divf %add3A_471, %add3A_483 : vector<16xf32>
        %swap3A_485 = arith.index_cast %add3A_393 : i32 to index
        %swap3A_486 = arith.constant 32 : index
        %swap3A_487 = tpu.vector_load %arg13[%swap3A_485, %swap3A_486] {strides = array<i32>} : memref<40x128xf32, #tpu.memory_space<vmem>>, vector<1x16xf32>,
        %swap3A_488 = vector.shape_cast %swap3A_487 : vector<1x16xf32> to vector<16xf32>
        %swap3A_489 = vector.shape_cast %div3A_484 : vector<16xf32> to vector<1x16xf32>
        tpu.vector_store %arg13[%swap3A_485, %swap3A_486], %swap3A_489 {strides = array<i32>} : memref<40x128xf32, #tpu.memory_space<vmem>>, vector<1x16xf32>,
        %get3A_490 = arith.index_cast %add3A_393 : i32 to index
        %get3A_491 = arith.constant 48 : index
        %get3A_492 = tpu.vector_load %arg13[%get3A_490, %get3A_491] {strides = array<i32>} : memref<40x128xf32, #tpu.memory_space<vmem>>, vector<1x16xf32>,
        %get3A_493 = vector.shape_cast %get3A_492 : vector<1x16xf32> to vector<16xf32>
        %get3A_494 = arith.index_cast %add3A_393 : i32 to index
        %get3A_495 = arith.constant 48 : index
        %get3A_496 = tpu.vector_load %arg14[%get3A_494, %get3A_495] {strides = array<i32>} : memref<40x128xf32, #tpu.memory_space<vmem>>, vector<1x16xf32>,
        %get3A_497 = vector.shape_cast %get3A_496 : vector<1x16xf32> to vector<16xf32>
        %add3A_498 = arith.addf %get3A_493, %get3A_497 : vector<16xf32>
        %get3A_499 = arith.index_cast %add3A_393 : i32 to index
        %get3A_500 = arith.constant 48 : index
        %get3A_501 = tpu.vector_load %arg15[%get3A_499, %get3A_500] {strides = array<i32>} : memref<40x128xf32, #tpu.memory_space<vmem>>, vector<1x16xf32>,
        %get3A_502 = vector.shape_cast %get3A_501 : vector<1x16xf32> to vector<16xf32>
        %add3A_503 = arith.addf %add3A_498, %get3A_502 : vector<16xf32>
        %mul3A_504 = arith.mulf %add3A_503, %add3A_503 : vector<16xf32>
        %mul3A_505 = arith.constant 0.0713548139 : f32
        %mul3A_506 = vector.broadcast %mul3A_505 : f32 to vector<16xf32>
        %mul3A_507 = arith.mulf %mul3A_506, %mul3A_504 : vector<16xf32>
        %sub3A_508 = arith.constant -1.59576917 : f32
        %sub3A_509 = vector.broadcast %sub3A_508 : f32 to vector<16xf32>
        %sub3A_510 = arith.subf %sub3A_509, %mul3A_507 : vector<16xf32>
        %mul3A_511 = arith.mulf %add3A_503, %sub3A_510 : vector<16xf32>
        %exp3A_512 = math.exp %mul3A_511 : vector<16xf32>
        %add3A_513 = arith.constant 1.000000e+00 : f32
        %add3A_514 = vector.broadcast %add3A_513 : f32 to vector<16xf32>
        %add3A_515 = arith.addf %add3A_514, %exp3A_512 : vector<16xf32>
        %div3A_516 = arith.divf %add3A_503, %add3A_515 : vector<16xf32>
        %swap3A_517 = arith.index_cast %add3A_393 : i32 to index
        %swap3A_518 = arith.constant 48 : index
        %swap3A_519 = tpu.vector_load %arg13[%swap3A_517, %swap3A_518] {strides = array<i32>} : memref<40x128xf32, #tpu.memory_space<vmem>>, vector<1x16xf32>,
        %swap3A_520 = vector.shape_cast %swap3A_519 : vector<1x16xf32> to vector<16xf32>
        %swap3A_521 = vector.shape_cast %div3A_516 : vector<16xf32> to vector<1x16xf32>
        tpu.vector_store %arg13[%swap3A_517, %swap3A_518], %swap3A_521 {strides = array<i32>} : memref<40x128xf32, #tpu.memory_space<vmem>>, vector<1x16xf32>,
        %get3A_522 = arith.index_cast %add3A_393 : i32 to index
        %get3A_523 = arith.constant 64 : index
        %get3A_524 = tpu.vector_load %arg13[%get3A_522, %get3A_523] {strides = array<i32>} : memref<40x128xf32, #tpu.memory_space<vmem>>, vector<1x16xf32>,
        %get3A_525 = vector.shape_cast %get3A_524 : vector<1x16xf32> to vector<16xf32>
        %get3A_526 = arith.index_cast %add3A_393 : i32 to index
        %get3A_527 = arith.constant 64 : index
        %get3A_528 = tpu.vector_load %arg14[%get3A_526, %get3A_527] {strides = array<i32>} : memref<40x128xf32, #tpu.memory_space<vmem>>, vector<1x16xf32>,
        %get3A_529 = vector.shape_cast %get3A_528 : vector<1x16xf32> to vector<16xf32>
        %add3A_530 = arith.addf %get3A_525, %get3A_529 : vector<16xf32>
        %get3A_531 = arith.index_cast %add3A_393 : i32 to index
        %get3A_532 = arith.constant 64 : index
        %get3A_533 = tpu.vector_load %arg15[%get3A_531, %get3A_532] {strides = array<i32>} : memref<40x128xf32, #tpu.memory_space<vmem>>, vector<1x16xf32>,
        %get3A_534 = vector.shape_cast %get3A_533 : vector<1x16xf32> to vector<16xf32>
        %add3A_535 = arith.addf %add3A_530, %get3A_534 : vector<16xf32>
        %mul3A_536 = arith.mulf %add3A_535, %add3A_535 : vector<16xf32>
        %mul3A_537 = arith.constant 0.0713548139 : f32
        %mul3A_538 = vector.broadcast %mul3A_537 : f32 to vector<16xf32>
        %mul3A_539 = arith.mulf %mul3A_538, %mul3A_536 : vector<16xf32>
        %sub3A_540 = arith.constant -1.59576917 : f32
        %sub3A_541 = vector.broadcast %sub3A_540 : f32 to vector<16xf32>
        %sub3A_542 = arith.subf %sub3A_541, %mul3A_539 : vector<16xf32>
        %mul3A_543 = arith.mulf %add3A_535, %sub3A_542 : vector<16xf32>
        %exp3A_544 = math.exp %mul3A_543 : vector<16xf32>
        %add3A_545 = arith.constant 1.000000e+00 : f32
        %add3A_546 = vector.broadcast %add3A_545 : f32 to vector<16xf32>
        %add3A_547 = arith.addf %add3A_546, %exp3A_544 : vector<16xf32>
        %div3A_548 = arith.divf %add3A_535, %add3A_547 : vector<16xf32>
        %swap3A_549 = arith.index_cast %add3A_393 : i32 to index
        %swap3A_550 = arith.constant 64 : index
        %swap3A_551 = tpu.vector_load %arg13[%swap3A_549, %swap3A_550] {strides = array<i32>} : memref<40x128xf32, #tpu.memory_space<vmem>>, vector<1x16xf32>,
        %swap3A_552 = vector.shape_cast %swap3A_551 : vector<1x16xf32> to vector<16xf32>
        %swap3A_553 = vector.shape_cast %div3A_548 : vector<16xf32> to vector<1x16xf32>
        tpu.vector_store %arg13[%swap3A_549, %swap3A_550], %swap3A_553 {strides = array<i32>} : memref<40x128xf32, #tpu.memory_space<vmem>>, vector<1x16xf32>,
        %get3A_554 = arith.index_cast %add3A_393 : i32 to index
        %get3A_555 = arith.constant 80 : index
        %get3A_556 = tpu.vector_load %arg13[%get3A_554, %get3A_555] {strides = array<i32>} : memref<40x128xf32, #tpu.memory_space<vmem>>, vector<1x16xf32>,
        %get3A_557 = vector.shape_cast %get3A_556 : vector<1x16xf32> to vector<16xf32>
        %get3A_558 = arith.index_cast %add3A_393 : i32 to index
        %get3A_559 = arith.constant 80 : index
        %get3A_560 = tpu.vector_load %arg14[%get3A_558, %get3A_559] {strides = array<i32>} : memref<40x128xf32, #tpu.memory_space<vmem>>, vector<1x16xf32>,
        %get3A_561 = vector.shape_cast %get3A_560 : vector<1x16xf32> to vector<16xf32>
        %add3A_562 = arith.addf %get3A_557, %get3A_561 : vector<16xf32>
        %get3A_563 = arith.index_cast %add3A_393 : i32 to index
        %get3A_564 = arith.constant 80 : index
        %get3A_565 = tpu.vector_load %arg15[%get3A_563, %get3A_564] {strides = array<i32>} : memref<40x128xf32, #tpu.memory_space<vmem>>, vector<1x16xf32>,
        %get3A_566 = vector.shape_cast %get3A_565 : vector<1x16xf32> to vector<16xf32>
        %add3A_567 = arith.addf %add3A_562, %get3A_566 : vector<16xf32>
        %mul3A_568 = arith.mulf %add3A_567, %add3A_567 : vector<16xf32>
        %mul3A_569 = arith.constant 0.0713548139 : f32
        %mul3A_570 = vector.broadcast %mul3A_569 : f32 to vector<16xf32>
        %mul3A_571 = arith.mulf %mul3A_570, %mul3A_568 : vector<16xf32>
        %sub3A_572 = arith.constant -1.59576917 : f32
        %sub3A_573 = vector.broadcast %sub3A_572 : f32 to vector<16xf32>
        %sub3A_574 = arith.subf %sub3A_573, %mul3A_571 : vector<16xf32>
        %mul3A_575 = arith.mulf %add3A_567, %sub3A_574 : vector<16xf32>
        %exp3A_576 = math.exp %mul3A_575 : vector<16xf32>
        %add3A_577 = arith.constant 1.000000e+00 : f32
        %add3A_578 = vector.broadcast %add3A_577 : f32 to vector<16xf32>
        %add3A_579 = arith.addf %add3A_578, %exp3A_576 : vector<16xf32>
        %div3A_580 = arith.divf %add3A_567, %add3A_579 : vector<16xf32>
        %swap3A_581 = arith.index_cast %add3A_393 : i32 to index
        %swap3A_582 = arith.constant 80 : index
        %swap3A_583 = tpu.vector_load %arg13[%swap3A_581, %swap3A_582] {strides = array<i32>} : memref<40x128xf32, #tpu.memory_space<vmem>>, vector<1x16xf32>,
        %swap3A_584 = vector.shape_cast %swap3A_583 : vector<1x16xf32> to vector<16xf32>
        %swap3A_585 = vector.shape_cast %div3A_580 : vector<16xf32> to vector<1x16xf32>
        tpu.vector_store %arg13[%swap3A_581, %swap3A_582], %swap3A_585 {strides = array<i32>} : memref<40x128xf32, #tpu.memory_space<vmem>>, vector<1x16xf32>,
        %get3A_586 = arith.index_cast %add3A_393 : i32 to index
        %get3A_587 = arith.constant 96 : index
        %get3A_588 = tpu.vector_load %arg13[%get3A_586, %get3A_587] {strides = array<i32>} : memref<40x128xf32, #tpu.memory_space<vmem>>, vector<1x16xf32>,
        %get3A_589 = vector.shape_cast %get3A_588 : vector<1x16xf32> to vector<16xf32>
        %get3A_590 = arith.index_cast %add3A_393 : i32 to index
        %get3A_591 = arith.constant 96 : index
        %get3A_592 = tpu.vector_load %arg14[%get3A_590, %get3A_591] {strides = array<i32>} : memref<40x128xf32, #tpu.memory_space<vmem>>, vector<1x16xf32>,
        %get3A_593 = vector.shape_cast %get3A_592 : vector<1x16xf32> to vector<16xf32>
        %add3A_594 = arith.addf %get3A_589, %get3A_593 : vector<16xf32>
        %get3A_595 = arith.index_cast %add3A_393 : i32 to index
        %get3A_596 = arith.constant 96 : index
        %get3A_597 = tpu.vector_load %arg15[%get3A_595, %get3A_596] {strides = array<i32>} : memref<40x128xf32, #tpu.memory_space<vmem>>, vector<1x16xf32>,
        %get3A_598 = vector.shape_cast %get3A_597 : vector<1x16xf32> to vector<16xf32>
        %add3A_599 = arith.addf %add3A_594, %get3A_598 : vector<16xf32>
        %mul3A_600 = arith.mulf %add3A_599, %add3A_599 : vector<16xf32>
        %mul3A_601 = arith.constant 0.0713548139 : f32
        %mul3A_602 = vector.broadcast %mul3A_601 : f32 to vector<16xf32>
        %mul3A_603 = arith.mulf %mul3A_602, %mul3A_600 : vector<16xf32>
        %sub3A_604 = arith.constant -1.59576917 : f32
        %sub3A_605 = vector.broadcast %sub3A_604 : f32 to vector<16xf32>
        %sub3A_606 = arith.subf %sub3A_605, %mul3A_603 : vector<16xf32>
        %mul3A_607 = arith.mulf %add3A_599, %sub3A_606 : vector<16xf32>
        %exp3A_608 = math.exp %mul3A_607 : vector<16xf32>
        %add3A_609 = arith.constant 1.000000e+00 : f32
        %add3A_610 = vector.broadcast %add3A_609 : f32 to vector<16xf32>
        %add3A_611 = arith.addf %add3A_610, %exp3A_608 : vector<16xf32>
        %div3A_612 = arith.divf %add3A_599, %add3A_611 : vector<16xf32>
        %swap3A_613 = arith.index_cast %add3A_393 : i32 to index
        %swap3A_614 = arith.constant 96 : index
        %swap3A_615 = tpu.vector_load %arg13[%swap3A_613, %swap3A_614] {strides = array<i32>} : memref<40x128xf32, #tpu.memory_space<vmem>>, vector<1x16xf32>,
        %swap3A_616 = vector.shape_cast %swap3A_615 : vector<1x16xf32> to vector<16xf32>
        %swap3A_617 = vector.shape_cast %div3A_612 : vector<16xf32> to vector<1x16xf32>
        tpu.vector_store %arg13[%swap3A_613, %swap3A_614], %swap3A_617 {strides = array<i32>} : memref<40x128xf32, #tpu.memory_space<vmem>>, vector<1x16xf32>,
        %get3A_618 = arith.index_cast %add3A_393 : i32 to index
        %get3A_619 = arith.constant 112 : index
        %get3A_620 = tpu.vector_load %arg13[%get3A_618, %get3A_619] {strides = array<i32>} : memref<40x128xf32, #tpu.memory_space<vmem>>, vector<1x16xf32>,
        %get3A_621 = vector.shape_cast %get3A_620 : vector<1x16xf32> to vector<16xf32>
        %get3A_622 = arith.index_cast %add3A_393 : i32 to index
        %get3A_623 = arith.constant 112 : index
        %get3A_624 = tpu.vector_load %arg14[%get3A_622, %get3A_623] {strides = array<i32>} : memref<40x128xf32, #tpu.memory_space<vmem>>, vector<1x16xf32>,
        %get3A_625 = vector.shape_cast %get3A_624 : vector<1x16xf32> to vector<16xf32>
        %add3A_626 = arith.addf %get3A_621, %get3A_625 : vector<16xf32>
        %get3A_627 = arith.index_cast %add3A_393 : i32 to index
        %get3A_628 = arith.constant 112 : index
        %get3A_629 = tpu.vector_load %arg15[%get3A_627, %get3A_628] {strides = array<i32>} : memref<40x128xf32, #tpu.memory_space<vmem>>, vector<1x16xf32>,
        %get3A_630 = vector.shape_cast %get3A_629 : vector<1x16xf32> to vector<16xf32>
        %add3A_631 = arith.addf %add3A_626, %get3A_630 : vector<16xf32>
        %mul3A_632 = arith.mulf %add3A_631, %add3A_631 : vector<16xf32>
        %mul3A_633 = arith.constant 0.0713548139 : f32
        %mul3A_634 = vector.broadcast %mul3A_633 : f32 to vector<16xf32>
        %mul3A_635 = arith.mulf %mul3A_634, %mul3A_632 : vector<16xf32>
        %sub3A_636 = arith.constant -1.59576917 : f32
        %sub3A_637 = vector.broadcast %sub3A_636 : f32 to vector<16xf32>
        %sub3A_638 = arith.subf %sub3A_637, %mul3A_635 : vector<16xf32>
        %mul3A_639 = arith.mulf %add3A_631, %sub3A_638 : vector<16xf32>
        %exp3A_640 = math.exp %mul3A_639 : vector<16xf32>
        %add3A_641 = arith.constant 1.000000e+00 : f32
        %add3A_642 = vector.broadcast %add3A_641 : f32 to vector<16xf32>
        %add3A_643 = arith.addf %add3A_642, %exp3A_640 : vector<16xf32>
        %div3A_644 = arith.divf %add3A_631, %add3A_643 : vector<16xf32>
        %swap3A_645 = arith.index_cast %add3A_393 : i32 to index
        %swap3A_646 = arith.constant 112 : index
        %swap3A_647 = tpu.vector_load %arg13[%swap3A_645, %swap3A_646] {strides = array<i32>} : memref<40x128xf32, #tpu.memory_space<vmem>>, vector<1x16xf32>,
        %swap3A_648 = vector.shape_cast %swap3A_647 : vector<1x16xf32> to vector<16xf32>
        %swap3A_649 = vector.shape_cast %div3A_644 : vector<16xf32> to vector<1x16xf32>
        tpu.vector_store %arg13[%swap3A_645, %swap3A_646], %swap3A_649 {strides = array<i32>} : memref<40x128xf32, #tpu.memory_space<vmem>>, vector<1x16xf32>,
        %mul3A_650 = arith.constant 4 : i32
        %mul3A_651 = arith.muli %scan3A_134, %mul3A_650 : i32
        %add3A_652 = arith.constant 2 : i32
        %add3A_653 = arith.addi %mul3A_651, %add3A_652 : i32
        %get3A_654 = arith.index_cast %add3A_653 : i32 to index
        %get3A_655 = arith.constant 0 : index
        %get3A_656 = tpu.vector_load %arg13[%get3A_654, %get3A_655] {strides = array<i32>} : memref<40x128xf32, #tpu.memory_space<vmem>>, vector<1x16xf32>,
        %get3A_657 = vector.shape_cast %get3A_656 : vector<1x16xf32> to vector<16xf32>
        %get3A_658 = arith.index_cast %add3A_653 : i32 to index
        %get3A_659 = arith.constant 0 : index
        %get3A_660 = tpu.vector_load %arg14[%get3A_658, %get3A_659] {strides = array<i32>} : memref<40x128xf32, #tpu.memory_space<vmem>>, vector<1x16xf32>,
        %get3A_661 = vector.shape_cast %get3A_660 : vector<1x16xf32> to vector<16xf32>
        %add3A_662 = arith.addf %get3A_657, %get3A_661 : vector<16xf32>
        %get3A_663 = arith.index_cast %add3A_653 : i32 to index
        %get3A_664 = arith.constant 0 : index
        %get3A_665 = tpu.vector_load %arg15[%get3A_663, %get3A_664] {strides = array<i32>} : memref<40x128xf32, #tpu.memory_space<vmem>>, vector<1x16xf32>,
        %get3A_666 = vector.shape_cast %get3A_665 : vector<1x16xf32> to vector<16xf32>
        %add3A_667 = arith.addf %add3A_662, %get3A_666 : vector<16xf32>
        %mul3A_668 = arith.mulf %add3A_667, %add3A_667 : vector<16xf32>
        %mul3A_669 = arith.constant 0.0713548139 : f32
        %mul3A_670 = vector.broadcast %mul3A_669 : f32 to vector<16xf32>
        %mul3A_671 = arith.mulf %mul3A_670, %mul3A_668 : vector<16xf32>
        %sub3A_672 = arith.constant -1.59576917 : f32
        %sub3A_673 = vector.broadcast %sub3A_672 : f32 to vector<16xf32>
        %sub3A_674 = arith.subf %sub3A_673, %mul3A_671 : vector<16xf32>
        %mul3A_675 = arith.mulf %add3A_667, %sub3A_674 : vector<16xf32>
        %exp3A_676 = math.exp %mul3A_675 : vector<16xf32>
        %add3A_677 = arith.constant 1.000000e+00 : f32
        %add3A_678 = vector.broadcast %add3A_677 : f32 to vector<16xf32>
        %add3A_679 = arith.addf %add3A_678, %exp3A_676 : vector<16xf32>
        %div3A_680 = arith.divf %add3A_667, %add3A_679 : vector<16xf32>
        %swap3A_681 = arith.index_cast %add3A_653 : i32 to index
        %swap3A_682 = arith.constant 0 : index
        %swap3A_683 = tpu.vector_load %arg13[%swap3A_681, %swap3A_682] {strides = array<i32>} : memref<40x128xf32, #tpu.memory_space<vmem>>, vector<1x16xf32>,
        %swap3A_684 = vector.shape_cast %swap3A_683 : vector<1x16xf32> to vector<16xf32>
        %swap3A_685 = vector.shape_cast %div3A_680 : vector<16xf32> to vector<1x16xf32>
        tpu.vector_store %arg13[%swap3A_681, %swap3A_682], %swap3A_685 {strides = array<i32>} : memref<40x128xf32, #tpu.memory_space<vmem>>, vector<1x16xf32>,
        %get3A_686 = arith.index_cast %add3A_653 : i32 to index
        %get3A_687 = arith.constant 16 : index
        %get3A_688 = tpu.vector_load %arg13[%get3A_686, %get3A_687] {strides = array<i32>} : memref<40x128xf32, #tpu.memory_space<vmem>>, vector<1x16xf32>,
        %get3A_689 = vector.shape_cast %get3A_688 : vector<1x16xf32> to vector<16xf32>
        %get3A_690 = arith.index_cast %add3A_653 : i32 to index
        %get3A_691 = arith.constant 16 : index
        %get3A_692 = tpu.vector_load %arg14[%get3A_690, %get3A_691] {strides = array<i32>} : memref<40x128xf32, #tpu.memory_space<vmem>>, vector<1x16xf32>,
        %get3A_693 = vector.shape_cast %get3A_692 : vector<1x16xf32> to vector<16xf32>
        %add3A_694 = arith.addf %get3A_689, %get3A_693 : vector<16xf32>
        %get3A_695 = arith.index_cast %add3A_653 : i32 to index
        %get3A_696 = arith.constant 16 : index
        %get3A_697 = tpu.vector_load %arg15[%get3A_695, %get3A_696] {strides = array<i32>} : memref<40x128xf32, #tpu.memory_space<vmem>>, vector<1x16xf32>,
        %get3A_698 = vector.shape_cast %get3A_697 : vector<1x16xf32> to vector<16xf32>
        %add3A_699 = arith.addf %add3A_694, %get3A_698 : vector<16xf32>
        %mul3A_700 = arith.mulf %add3A_699, %add3A_699 : vector<16xf32>
        %mul3A_701 = arith.constant 0.0713548139 : f32
        %mul3A_702 = vector.broadcast %mul3A_701 : f32 to vector<16xf32>
        %mul3A_703 = arith.mulf %mul3A_702, %mul3A_700 : vector<16xf32>
        %sub3A_704 = arith.constant -1.59576917 : f32
        %sub3A_705 = vector.broadcast %sub3A_704 : f32 to vector<16xf32>
        %sub3A_706 = arith.subf %sub3A_705, %mul3A_703 : vector<16xf32>
        %mul3A_707 = arith.mulf %add3A_699, %sub3A_706 : vector<16xf32>
        %exp3A_708 = math.exp %mul3A_707 : vector<16xf32>
        %add3A_709 = arith.constant 1.000000e+00 : f32
        %add3A_710 = vector.broadcast %add3A_709 : f32 to vector<16xf32>
        %add3A_711 = arith.addf %add3A_710, %exp3A_708 : vector<16xf32>
        %div3A_712 = arith.divf %add3A_699, %add3A_711 : vector<16xf32>
        %swap3A_713 = arith.index_cast %add3A_653 : i32 to index
        %swap3A_714 = arith.constant 16 : index
        %swap3A_715 = tpu.vector_load %arg13[%swap3A_713, %swap3A_714] {strides = array<i32>} : memref<40x128xf32, #tpu.memory_space<vmem>>, vector<1x16xf32>,
        %swap3A_716 = vector.shape_cast %swap3A_715 : vector<1x16xf32> to vector<16xf32>
        %swap3A_717 = vector.shape_cast %div3A_712 : vector<16xf32> to vector<1x16xf32>
        tpu.vector_store %arg13[%swap3A_713, %swap3A_714], %swap3A_717 {strides = array<i32>} : memref<40x128xf32, #tpu.memory_space<vmem>>, vector<1x16xf32>,
        %get3A_718 = arith.index_cast %add3A_653 : i32 to index
        %get3A_719 = arith.constant 32 : index
        %get3A_720 = tpu.vector_load %arg13[%get3A_718, %get3A_719] {strides = array<i32>} : memref<40x128xf32, #tpu.memory_space<vmem>>, vector<1x16xf32>,
        %get3A_721 = vector.shape_cast %get3A_720 : vector<1x16xf32> to vector<16xf32>
        %get3A_722 = arith.index_cast %add3A_653 : i32 to index
        %get3A_723 = arith.constant 32 : index
        %get3A_724 = tpu.vector_load %arg14[%get3A_722, %get3A_723] {strides = array<i32>} : memref<40x128xf32, #tpu.memory_space<vmem>>, vector<1x16xf32>,
        %get3A_725 = vector.shape_cast %get3A_724 : vector<1x16xf32> to vector<16xf32>
        %add3A_726 = arith.addf %get3A_721, %get3A_725 : vector<16xf32>
        %get3A_727 = arith.index_cast %add3A_653 : i32 to index
        %get3A_728 = arith.constant 32 : index
        %get3A_729 = tpu.vector_load %arg15[%get3A_727, %get3A_728] {strides = array<i32>} : memref<40x128xf32, #tpu.memory_space<vmem>>, vector<1x16xf32>,
        %get3A_730 = vector.shape_cast %get3A_729 : vector<1x16xf32> to vector<16xf32>
        %add3A_731 = arith.addf %add3A_726, %get3A_730 : vector<16xf32>
        %mul3A_732 = arith.mulf %add3A_731, %add3A_731 : vector<16xf32>
        %mul3A_733 = arith.constant 0.0713548139 : f32
        %mul3A_734 = vector.broadcast %mul3A_733 : f32 to vector<16xf32>
        %mul3A_735 = arith.mulf %mul3A_734, %mul3A_732 : vector<16xf32>
        %sub3A_736 = arith.constant -1.59576917 : f32
        %sub3A_737 = vector.broadcast %sub3A_736 : f32 to vector<16xf32>
        %sub3A_738 = arith.subf %sub3A_737, %mul3A_735 : vector<16xf32>
        %mul3A_739 = arith.mulf %add3A_731, %sub3A_738 : vector<16xf32>
        %exp3A_740 = math.exp %mul3A_739 : vector<16xf32>
        %add3A_741 = arith.constant 1.000000e+00 : f32
        %add3A_742 = vector.broadcast %add3A_741 : f32 to vector<16xf32>
        %add3A_743 = arith.addf %add3A_742, %exp3A_740 : vector<16xf32>
        %div3A_744 = arith.divf %add3A_731, %add3A_743 : vector<16xf32>
        %swap3A_745 = arith.index_cast %add3A_653 : i32 to index
        %swap3A_746 = arith.constant 32 : index
        %swap3A_747 = tpu.vector_load %arg13[%swap3A_745, %swap3A_746] {strides = array<i32>} : memref<40x128xf32, #tpu.memory_space<vmem>>, vector<1x16xf32>,
        %swap3A_748 = vector.shape_cast %swap3A_747 : vector<1x16xf32> to vector<16xf32>
        %swap3A_749 = vector.shape_cast %div3A_744 : vector<16xf32> to vector<1x16xf32>
        tpu.vector_store %arg13[%swap3A_745, %swap3A_746], %swap3A_749 {strides = array<i32>} : memref<40x128xf32, #tpu.memory_space<vmem>>, vector<1x16xf32>,
        %get3A_750 = arith.index_cast %add3A_653 : i32 to index
        %get3A_751 = arith.constant 48 : index
        %get3A_752 = tpu.vector_load %arg13[%get3A_750, %get3A_751] {strides = array<i32>} : memref<40x128xf32, #tpu.memory_space<vmem>>, vector<1x16xf32>,
        %get3A_753 = vector.shape_cast %get3A_752 : vector<1x16xf32> to vector<16xf32>
        %get3A_754 = arith.index_cast %add3A_653 : i32 to index
        %get3A_755 = arith.constant 48 : index
        %get3A_756 = tpu.vector_load %arg14[%get3A_754, %get3A_755] {strides = array<i32>} : memref<40x128xf32, #tpu.memory_space<vmem>>, vector<1x16xf32>,
        %get3A_757 = vector.shape_cast %get3A_756 : vector<1x16xf32> to vector<16xf32>
        %add3A_758 = arith.addf %get3A_753, %get3A_757 : vector<16xf32>
        %get3A_759 = arith.index_cast %add3A_653 : i32 to index
        %get3A_760 = arith.constant 48 : index
        %get3A_761 = tpu.vector_load %arg15[%get3A_759, %get3A_760] {strides = array<i32>} : memref<40x128xf32, #tpu.memory_space<vmem>>, vector<1x16xf32>,
        %get3A_762 = vector.shape_cast %get3A_761 : vector<1x16xf32> to vector<16xf32>
        %add3A_763 = arith.addf %add3A_758, %get3A_762 : vector<16xf32>
        %mul3A_764 = arith.mulf %add3A_763, %add3A_763 : vector<16xf32>
        %mul3A_765 = arith.constant 0.0713548139 : f32
        %mul3A_766 = vector.broadcast %mul3A_765 : f32 to vector<16xf32>
        %mul3A_767 = arith.mulf %mul3A_766, %mul3A_764 : vector<16xf32>
        %sub3A_768 = arith.constant -1.59576917 : f32
        %sub3A_769 = vector.broadcast %sub3A_768 : f32 to vector<16xf32>
        %sub3A_770 = arith.subf %sub3A_769, %mul3A_767 : vector<16xf32>
        %mul3A_771 = arith.mulf %add3A_763, %sub3A_770 : vector<16xf32>
        %exp3A_772 = math.exp %mul3A_771 : vector<16xf32>
        %add3A_773 = arith.constant 1.000000e+00 : f32
        %add3A_774 = vector.broadcast %add3A_773 : f32 to vector<16xf32>
        %add3A_775 = arith.addf %add3A_774, %exp3A_772 : vector<16xf32>
        %div3A_776 = arith.divf %add3A_763, %add3A_775 : vector<16xf32>
        %swap3A_777 = arith.index_cast %add3A_653 : i32 to index
        %swap3A_778 = arith.constant 48 : index
        %swap3A_779 = tpu.vector_load %arg13[%swap3A_777, %swap3A_778] {strides = array<i32>} : memref<40x128xf32, #tpu.memory_space<vmem>>, vector<1x16xf32>,
        %swap3A_780 = vector.shape_cast %swap3A_779 : vector<1x16xf32> to vector<16xf32>
        %swap3A_781 = vector.shape_cast %div3A_776 : vector<16xf32> to vector<1x16xf32>
        tpu.vector_store %arg13[%swap3A_777, %swap3A_778], %swap3A_781 {strides = array<i32>} : memref<40x128xf32, #tpu.memory_space<vmem>>, vector<1x16xf32>,
        %get3A_782 = arith.index_cast %add3A_653 : i32 to index
        %get3A_783 = arith.constant 64 : index
        %get3A_784 = tpu.vector_load %arg13[%get3A_782, %get3A_783] {strides = array<i32>} : memref<40x128xf32, #tpu.memory_space<vmem>>, vector<1x16xf32>,
        %get3A_785 = vector.shape_cast %get3A_784 : vector<1x16xf32> to vector<16xf32>
        %get3A_786 = arith.index_cast %add3A_653 : i32 to index
        %get3A_787 = arith.constant 64 : index
        %get3A_788 = tpu.vector_load %arg14[%get3A_786, %get3A_787] {strides = array<i32>} : memref<40x128xf32, #tpu.memory_space<vmem>>, vector<1x16xf32>,
        %get3A_789 = vector.shape_cast %get3A_788 : vector<1x16xf32> to vector<16xf32>
        %add3A_790 = arith.addf %get3A_785, %get3A_789 : vector<16xf32>
        %get3A_791 = arith.index_cast %add3A_653 : i32 to index
        %get3A_792 = arith.constant 64 : index
        %get3A_793 = tpu.vector_load %arg15[%get3A_791, %get3A_792] {strides = array<i32>} : memref<40x128xf32, #tpu.memory_space<vmem>>, vector<1x16xf32>,
        %get3A_794 = vector.shape_cast %get3A_793 : vector<1x16xf32> to vector<16xf32>
        %add3A_795 = arith.addf %add3A_790, %get3A_794 : vector<16xf32>
        %mul3A_796 = arith.mulf %add3A_795, %add3A_795 : vector<16xf32>
        %mul3A_797 = arith.constant 0.0713548139 : f32
        %mul3A_798 = vector.broadcast %mul3A_797 : f32 to vector<16xf32>
        %mul3A_799 = arith.mulf %mul3A_798, %mul3A_796 : vector<16xf32>
        %sub3A_800 = arith.constant -1.59576917 : f32
        %sub3A_801 = vector.broadcast %sub3A_800 : f32 to vector<16xf32>
        %sub3A_802 = arith.subf %sub3A_801, %mul3A_799 : vector<16xf32>
        %mul3A_803 = arith.mulf %add3A_795, %sub3A_802 : vector<16xf32>
        %exp3A_804 = math.exp %mul3A_803 : vector<16xf32>
        %add3A_805 = arith.constant 1.000000e+00 : f32
        %add3A_806 = vector.broadcast %add3A_805 : f32 to vector<16xf32>
        %add3A_807 = arith.addf %add3A_806, %exp3A_804 : vector<16xf32>
        %div3A_808 = arith.divf %add3A_795, %add3A_807 : vector<16xf32>
        %swap3A_809 = arith.index_cast %add3A_653 : i32 to index
        %swap3A_810 = arith.constant 64 : index
        %swap3A_811 = tpu.vector_load %arg13[%swap3A_809, %swap3A_810] {strides = array<i32>} : memref<40x128xf32, #tpu.memory_space<vmem>>, vector<1x16xf32>,
        %swap3A_812 = vector.shape_cast %swap3A_811 : vector<1x16xf32> to vector<16xf32>
        %swap3A_813 = vector.shape_cast %div3A_808 : vector<16xf32> to vector<1x16xf32>
        tpu.vector_store %arg13[%swap3A_809, %swap3A_810], %swap3A_813 {strides = array<i32>} : memref<40x128xf32, #tpu.memory_space<vmem>>, vector<1x16xf32>,
        %get3A_814 = arith.index_cast %add3A_653 : i32 to index
        %get3A_815 = arith.constant 80 : index
        %get3A_816 = tpu.vector_load %arg13[%get3A_814, %get3A_815] {strides = array<i32>} : memref<40x128xf32, #tpu.memory_space<vmem>>, vector<1x16xf32>,
        %get3A_817 = vector.shape_cast %get3A_816 : vector<1x16xf32> to vector<16xf32>
        %get3A_818 = arith.index_cast %add3A_653 : i32 to index
        %get3A_819 = arith.constant 80 : index
        %get3A_820 = tpu.vector_load %arg14[%get3A_818, %get3A_819] {strides = array<i32>} : memref<40x128xf32, #tpu.memory_space<vmem>>, vector<1x16xf32>,
        %get3A_821 = vector.shape_cast %get3A_820 : vector<1x16xf32> to vector<16xf32>
        %add3A_822 = arith.addf %get3A_817, %get3A_821 : vector<16xf32>
        %get3A_823 = arith.index_cast %add3A_653 : i32 to index
        %get3A_824 = arith.constant 80 : index
        %get3A_825 = tpu.vector_load %arg15[%get3A_823, %get3A_824] {strides = array<i32>} : memref<40x128xf32, #tpu.memory_space<vmem>>, vector<1x16xf32>,
        %get3A_826 = vector.shape_cast %get3A_825 : vector<1x16xf32> to vector<16xf32>
        %add3A_827 = arith.addf %add3A_822, %get3A_826 : vector<16xf32>
        %mul3A_828 = arith.mulf %add3A_827, %add3A_827 : vector<16xf32>
        %mul3A_829 = arith.constant 0.0713548139 : f32
        %mul3A_830 = vector.broadcast %mul3A_829 : f32 to vector<16xf32>
        %mul3A_831 = arith.mulf %mul3A_830, %mul3A_828 : vector<16xf32>
        %sub3A_832 = arith.constant -1.59576917 : f32
        %sub3A_833 = vector.broadcast %sub3A_832 : f32 to vector<16xf32>
        %sub3A_834 = arith.subf %sub3A_833, %mul3A_831 : vector<16xf32>
        %mul3A_835 = arith.mulf %add3A_827, %sub3A_834 : vector<16xf32>
        %exp3A_836 = math.exp %mul3A_835 : vector<16xf32>
        %add3A_837 = arith.constant 1.000000e+00 : f32
        %add3A_838 = vector.broadcast %add3A_837 : f32 to vector<16xf32>
        %add3A_839 = arith.addf %add3A_838, %exp3A_836 : vector<16xf32>
        %div3A_840 = arith.divf %add3A_827, %add3A_839 : vector<16xf32>
        %swap3A_841 = arith.index_cast %add3A_653 : i32 to index
        %swap3A_842 = arith.constant 80 : index
        %swap3A_843 = tpu.vector_load %arg13[%swap3A_841, %swap3A_842] {strides = array<i32>} : memref<40x128xf32, #tpu.memory_space<vmem>>, vector<1x16xf32>,
        %swap3A_844 = vector.shape_cast %swap3A_843 : vector<1x16xf32> to vector<16xf32>
        %swap3A_845 = vector.shape_cast %div3A_840 : vector<16xf32> to vector<1x16xf32>
        tpu.vector_store %arg13[%swap3A_841, %swap3A_842], %swap3A_845 {strides = array<i32>} : memref<40x128xf32, #tpu.memory_space<vmem>>, vector<1x16xf32>,
        %get3A_846 = arith.index_cast %add3A_653 : i32 to index
        %get3A_847 = arith.constant 96 : index
        %get3A_848 = tpu.vector_load %arg13[%get3A_846, %get3A_847] {strides = array<i32>} : memref<40x128xf32, #tpu.memory_space<vmem>>, vector<1x16xf32>,
        %get3A_849 = vector.shape_cast %get3A_848 : vector<1x16xf32> to vector<16xf32>
        %get3A_850 = arith.index_cast %add3A_653 : i32 to index
        %get3A_851 = arith.constant 96 : index
        %get3A_852 = tpu.vector_load %arg14[%get3A_850, %get3A_851] {strides = array<i32>} : memref<40x128xf32, #tpu.memory_space<vmem>>, vector<1x16xf32>,
        %get3A_853 = vector.shape_cast %get3A_852 : vector<1x16xf32> to vector<16xf32>
        %add3A_854 = arith.addf %get3A_849, %get3A_853 : vector<16xf32>
        %get3A_855 = arith.index_cast %add3A_653 : i32 to index
        %get3A_856 = arith.constant 96 : index
        %get3A_857 = tpu.vector_load %arg15[%get3A_855, %get3A_856] {strides = array<i32>} : memref<40x128xf32, #tpu.memory_space<vmem>>, vector<1x16xf32>,
        %get3A_858 = vector.shape_cast %get3A_857 : vector<1x16xf32> to vector<16xf32>
        %add3A_859 = arith.addf %add3A_854, %get3A_858 : vector<16xf32>
        %mul3A_860 = arith.mulf %add3A_859, %add3A_859 : vector<16xf32>
        %mul3A_861 = arith.constant 0.0713548139 : f32
        %mul3A_862 = vector.broadcast %mul3A_861 : f32 to vector<16xf32>
        %mul3A_863 = arith.mulf %mul3A_862, %mul3A_860 : vector<16xf32>
        %sub3A_864 = arith.constant -1.59576917 : f32
        %sub3A_865 = vector.broadcast %sub3A_864 : f32 to vector<16xf32>
        %sub3A_866 = arith.subf %sub3A_865, %mul3A_863 : vector<16xf32>
        %mul3A_867 = arith.mulf %add3A_859, %sub3A_866 : vector<16xf32>
        %exp3A_868 = math.exp %mul3A_867 : vector<16xf32>
        %add3A_869 = arith.constant 1.000000e+00 : f32
        %add3A_870 = vector.broadcast %add3A_869 : f32 to vector<16xf32>
        %add3A_871 = arith.addf %add3A_870, %exp3A_868 : vector<16xf32>
        %div3A_872 = arith.divf %add3A_859, %add3A_871 : vector<16xf32>
        %swap3A_873 = arith.index_cast %add3A_653 : i32 to index
        %swap3A_874 = arith.constant 96 : index
        %swap3A_875 = tpu.vector_load %arg13[%swap3A_873, %swap3A_874] {strides = array<i32>} : memref<40x128xf32, #tpu.memory_space<vmem>>, vector<1x16xf32>,
        %swap3A_876 = vector.shape_cast %swap3A_875 : vector<1x16xf32> to vector<16xf32>
        %swap3A_877 = vector.shape_cast %div3A_872 : vector<16xf32> to vector<1x16xf32>
        tpu.vector_store %arg13[%swap3A_873, %swap3A_874], %swap3A_877 {strides = array<i32>} : memref<40x128xf32, #tpu.memory_space<vmem>>, vector<1x16xf32>,
        %get3A_878 = arith.index_cast %add3A_653 : i32 to index
        %get3A_879 = arith.constant 112 : index
        %get3A_880 = tpu.vector_load %arg13[%get3A_878, %get3A_879] {strides = array<i32>} : memref<40x128xf32, #tpu.memory_space<vmem>>, vector<1x16xf32>,
        %get3A_881 = vector.shape_cast %get3A_880 : vector<1x16xf32> to vector<16xf32>
        %get3A_882 = arith.index_cast %add3A_653 : i32 to index
        %get3A_883 = arith.constant 112 : index
        %get3A_884 = tpu.vector_load %arg14[%get3A_882, %get3A_883] {strides = array<i32>} : memref<40x128xf32, #tpu.memory_space<vmem>>, vector<1x16xf32>,
        %get3A_885 = vector.shape_cast %get3A_884 : vector<1x16xf32> to vector<16xf32>
        %add3A_886 = arith.addf %get3A_881, %get3A_885 : vector<16xf32>
        %get3A_887 = arith.index_cast %add3A_653 : i32 to index
        %get3A_888 = arith.constant 112 : index
        %get3A_889 = tpu.vector_load %arg15[%get3A_887, %get3A_888] {strides = array<i32>} : memref<40x128xf32, #tpu.memory_space<vmem>>, vector<1x16xf32>,
        %get3A_890 = vector.shape_cast %get3A_889 : vector<1x16xf32> to vector<16xf32>
        %add3A_891 = arith.addf %add3A_886, %get3A_890 : vector<16xf32>
        %mul3A_892 = arith.mulf %add3A_891, %add3A_891 : vector<16xf32>
        %mul3A_893 = arith.constant 0.0713548139 : f32
        %mul3A_894 = vector.broadcast %mul3A_893 : f32 to vector<16xf32>
        %mul3A_895 = arith.mulf %mul3A_894, %mul3A_892 : vector<16xf32>
        %sub3A_896 = arith.constant -1.59576917 : f32
        %sub3A_897 = vector.broadcast %sub3A_896 : f32 to vector<16xf32>
        %sub3A_898 = arith.subf %sub3A_897, %mul3A_895 : vector<16xf32>
        %mul3A_899 = arith.mulf %add3A_891, %sub3A_898 : vector<16xf32>
        %exp3A_900 = math.exp %mul3A_899 : vector<16xf32>
        %add3A_901 = arith.constant 1.000000e+00 : f32
        %add3A_902 = vector.broadcast %add3A_901 : f32 to vector<16xf32>
        %add3A_903 = arith.addf %add3A_902, %exp3A_900 : vector<16xf32>
        %div3A_904 = arith.divf %add3A_891, %add3A_903 : vector<16xf32>
        %swap3A_905 = arith.index_cast %add3A_653 : i32 to index
        %swap3A_906 = arith.constant 112 : index
        %swap3A_907 = tpu.vector_load %arg13[%swap3A_905, %swap3A_906] {strides = array<i32>} : memref<40x128xf32, #tpu.memory_space<vmem>>, vector<1x16xf32>,
        %swap3A_908 = vector.shape_cast %swap3A_907 : vector<1x16xf32> to vector<16xf32>
        %swap3A_909 = vector.shape_cast %div3A_904 : vector<16xf32> to vector<1x16xf32>
        tpu.vector_store %arg13[%swap3A_905, %swap3A_906], %swap3A_909 {strides = array<i32>} : memref<40x128xf32, #tpu.memory_space<vmem>>, vector<1x16xf32>,
        %mul3A_910 = arith.constant 4 : i32
        %mul3A_911 = arith.muli %scan3A_134, %mul3A_910 : i32
        %add3A_912 = arith.constant 3 : i32
        %add3A_913 = arith.addi %mul3A_911, %add3A_912 : i32
        %get3A_914 = arith.index_cast %add3A_913 : i32 to index
        %get3A_915 = arith.constant 0 : index
        %get3A_916 = tpu.vector_load %arg13[%get3A_914, %get3A_915] {strides = array<i32>} : memref<40x128xf32, #tpu.memory_space<vmem>>, vector<1x16xf32>,
        %get3A_917 = vector.shape_cast %get3A_916 : vector<1x16xf32> to vector<16xf32>
        %get3A_918 = arith.index_cast %add3A_913 : i32 to index
        %get3A_919 = arith.constant 0 : index
        %get3A_920 = tpu.vector_load %arg14[%get3A_918, %get3A_919] {strides = array<i32>} : memref<40x128xf32, #tpu.memory_space<vmem>>, vector<1x16xf32>,
        %get3A_921 = vector.shape_cast %get3A_920 : vector<1x16xf32> to vector<16xf32>
        %add3A_922 = arith.addf %get3A_917, %get3A_921 : vector<16xf32>
        %get3A_923 = arith.index_cast %add3A_913 : i32 to index
        %get3A_924 = arith.constant 0 : index
        %get3A_925 = tpu.vector_load %arg15[%get3A_923, %get3A_924] {strides = array<i32>} : memref<40x128xf32, #tpu.memory_space<vmem>>, vector<1x16xf32>,
        %get3A_926 = vector.shape_cast %get3A_925 : vector<1x16xf32> to vector<16xf32>
        %add3A_927 = arith.addf %add3A_922, %get3A_926 : vector<16xf32>
        %mul3A_928 = arith.mulf %add3A_927, %add3A_927 : vector<16xf32>
        %mul3A_929 = arith.constant 0.0713548139 : f32
        %mul3A_930 = vector.broadcast %mul3A_929 : f32 to vector<16xf32>
        %mul3A_931 = arith.mulf %mul3A_930, %mul3A_928 : vector<16xf32>
        %sub3A_932 = arith.constant -1.59576917 : f32
        %sub3A_933 = vector.broadcast %sub3A_932 : f32 to vector<16xf32>
        %sub3A_934 = arith.subf %sub3A_933, %mul3A_931 : vector<16xf32>
        %mul3A_935 = arith.mulf %add3A_927, %sub3A_934 : vector<16xf32>
        %exp3A_936 = math.exp %mul3A_935 : vector<16xf32>
        %add3A_937 = arith.constant 1.000000e+00 : f32
        %add3A_938 = vector.broadcast %add3A_937 : f32 to vector<16xf32>
        %add3A_939 = arith.addf %add3A_938, %exp3A_936 : vector<16xf32>
        %div3A_940 = arith.divf %add3A_927, %add3A_939 : vector<16xf32>
        %swap3A_941 = arith.index_cast %add3A_913 : i32 to index
        %swap3A_942 = arith.constant 0 : index
        %swap3A_943 = tpu.vector_load %arg13[%swap3A_941, %swap3A_942] {strides = array<i32>} : memref<40x128xf32, #tpu.memory_space<vmem>>, vector<1x16xf32>,
        %swap3A_944 = vector.shape_cast %swap3A_943 : vector<1x16xf32> to vector<16xf32>
        %swap3A_945 = vector.shape_cast %div3A_940 : vector<16xf32> to vector<1x16xf32>
        tpu.vector_store %arg13[%swap3A_941, %swap3A_942], %swap3A_945 {strides = array<i32>} : memref<40x128xf32, #tpu.memory_space<vmem>>, vector<1x16xf32>,
        %get3A_946 = arith.index_cast %add3A_913 : i32 to index
        %get3A_947 = arith.constant 16 : index
        %get3A_948 = tpu.vector_load %arg13[%get3A_946, %get3A_947] {strides = array<i32>} : memref<40x128xf32, #tpu.memory_space<vmem>>, vector<1x16xf32>,
        %get3A_949 = vector.shape_cast %get3A_948 : vector<1x16xf32> to vector<16xf32>
        %get3A_950 = arith.index_cast %add3A_913 : i32 to index
        %get3A_951 = arith.constant 16 : index
        %get3A_952 = tpu.vector_load %arg14[%get3A_950, %get3A_951] {strides = array<i32>} : memref<40x128xf32, #tpu.memory_space<vmem>>, vector<1x16xf32>,
        %get3A_953 = vector.shape_cast %get3A_952 : vector<1x16xf32> to vector<16xf32>
        %add3A_954 = arith.addf %get3A_949, %get3A_953 : vector<16xf32>
        %get3A_955 = arith.index_cast %add3A_913 : i32 to index
        %get3A_956 = arith.constant 16 : index
        %get3A_957 = tpu.vector_load %arg15[%get3A_955, %get3A_956] {strides = array<i32>} : memref<40x128xf32, #tpu.memory_space<vmem>>, vector<1x16xf32>,
        %get3A_958 = vector.shape_cast %get3A_957 : vector<1x16xf32> to vector<16xf32>
        %add3A_959 = arith.addf %add3A_954, %get3A_958 : vector<16xf32>
        %mul3A_960 = arith.mulf %add3A_959, %add3A_959 : vector<16xf32>
        %mul3A_961 = arith.constant 0.0713548139 : f32
        %mul3A_962 = vector.broadcast %mul3A_961 : f32 to vector<16xf32>
        %mul3A_963 = arith.mulf %mul3A_962, %mul3A_960 : vector<16xf32>
        %sub3A_964 = arith.constant -1.59576917 : f32
        %sub3A_965 = vector.broadcast %sub3A_964 : f32 to vector<16xf32>
        %sub3A_966 = arith.subf %sub3A_965, %mul3A_963 : vector<16xf32>
        %mul3A_967 = arith.mulf %add3A_959, %sub3A_966 : vector<16xf32>
        %exp3A_968 = math.exp %mul3A_967 : vector<16xf32>
        %add3A_969 = arith.constant 1.000000e+00 : f32
        %add3A_970 = vector.broadcast %add3A_969 : f32 to vector<16xf32>
        %add3A_971 = arith.addf %add3A_970, %exp3A_968 : vector<16xf32>
        %div3A_972 = arith.divf %add3A_959, %add3A_971 : vector<16xf32>
        %swap3A_973 = arith.index_cast %add3A_913 : i32 to index
        %swap3A_974 = arith.constant 16 : index
        %swap3A_975 = tpu.vector_load %arg13[%swap3A_973, %swap3A_974] {strides = array<i32>} : memref<40x128xf32, #tpu.memory_space<vmem>>, vector<1x16xf32>,
        %swap3A_976 = vector.shape_cast %swap3A_975 : vector<1x16xf32> to vector<16xf32>
        %swap3A_977 = vector.shape_cast %div3A_972 : vector<16xf32> to vector<1x16xf32>
        tpu.vector_store %arg13[%swap3A_973, %swap3A_974], %swap3A_977 {strides = array<i32>} : memref<40x128xf32, #tpu.memory_space<vmem>>, vector<1x16xf32>,
        %get3A_978 = arith.index_cast %add3A_913 : i32 to index
        %get3A_979 = arith.constant 32 : index
        %get3A_980 = tpu.vector_load %arg13[%get3A_978, %get3A_979] {strides = array<i32>} : memref<40x128xf32, #tpu.memory_space<vmem>>, vector<1x16xf32>,
        %get3A_981 = vector.shape_cast %get3A_980 : vector<1x16xf32> to vector<16xf32>
        %get3A_982 = arith.index_cast %add3A_913 : i32 to index
        %get3A_983 = arith.constant 32 : index
        %get3A_984 = tpu.vector_load %arg14[%get3A_982, %get3A_983] {strides = array<i32>} : memref<40x128xf32, #tpu.memory_space<vmem>>, vector<1x16xf32>,
        %get3A_985 = vector.shape_cast %get3A_984 : vector<1x16xf32> to vector<16xf32>
        %add3A_986 = arith.addf %get3A_981, %get3A_985 : vector<16xf32>
        %get3A_987 = arith.index_cast %add3A_913 : i32 to index
        %get3A_988 = arith.constant 32 : index
        %get3A_989 = tpu.vector_load %arg15[%get3A_987, %get3A_988] {strides = array<i32>} : memref<40x128xf32, #tpu.memory_space<vmem>>, vector<1x16xf32>,
        %get3A_990 = vector.shape_cast %get3A_989 : vector<1x16xf32> to vector<16xf32>
        %add3A_991 = arith.addf %add3A_986, %get3A_990 : vector<16xf32>
        %mul3A_992 = arith.mulf %add3A_991, %add3A_991 : vector<16xf32>
        %mul3A_993 = arith.constant 0.0713548139 : f32
        %mul3A_994 = vector.broadcast %mul3A_993 : f32 to vector<16xf32>
        %mul3A_995 = arith.mulf %mul3A_994, %mul3A_992 : vector<16xf32>
        %sub3A_996 = arith.constant -1.59576917 : f32
        %sub3A_997 = vector.broadcast %sub3A_996 : f32 to vector<16xf32>
        %sub3A_998 = arith.subf %sub3A_997, %mul3A_995 : vector<16xf32>
        %mul3A_999 = arith.mulf %add3A_991, %sub3A_998 : vector<16xf32>
        %exp3A_1000 = math.exp %mul3A_999 : vector<16xf32>
        %add3A_1001 = arith.constant 1.000000e+00 : f32
        %add3A_1002 = vector.broadcast %add3A_1001 : f32 to vector<16xf32>
        %add3A_1003 = arith.addf %add3A_1002, %exp3A_1000 : vector<16xf32>
        %div3A_1004 = arith.divf %add3A_991, %add3A_1003 : vector<16xf32>
        %swap3A_1005 = arith.index_cast %add3A_913 : i32 to index
        %swap3A_1006 = arith.constant 32 : index
        %swap3A_1007 = tpu.vector_load %arg13[%swap3A_1005, %swap3A_1006] {strides = array<i32>} : memref<40x128xf32, #tpu.memory_space<vmem>>, vector<1x16xf32>,
        %swap3A_1008 = vector.shape_cast %swap3A_1007 : vector<1x16xf32> to vector<16xf32>
        %swap3A_1009 = vector.shape_cast %div3A_1004 : vector<16xf32> to vector<1x16xf32>
        tpu.vector_store %arg13[%swap3A_1005, %swap3A_1006], %swap3A_1009 {strides = array<i32>} : memref<40x128xf32, #tpu.memory_space<vmem>>, vector<1x16xf32>,
        %get3A_1010 = arith.index_cast %add3A_913 : i32 to index
        %get3A_1011 = arith.constant 48 : index
        %get3A_1012 = tpu.vector_load %arg13[%get3A_1010, %get3A_1011] {strides = array<i32>} : memref<40x128xf32, #tpu.memory_space<vmem>>, vector<1x16xf32>,
        %get3A_1013 = vector.shape_cast %get3A_1012 : vector<1x16xf32> to vector<16xf32>
        %get3A_1014 = arith.index_cast %add3A_913 : i32 to index
        %get3A_1015 = arith.constant 48 : index
        %get3A_1016 = tpu.vector_load %arg14[%get3A_1014, %get3A_1015] {strides = array<i32>} : memref<40x128xf32, #tpu.memory_space<vmem>>, vector<1x16xf32>,
        %get3A_1017 = vector.shape_cast %get3A_1016 : vector<1x16xf32> to vector<16xf32>
        %add3A_1018 = arith.addf %get3A_1013, %get3A_1017 : vector<16xf32>
        %get3A_1019 = arith.index_cast %add3A_913 : i32 to index
        %get3A_1020 = arith.constant 48 : index
        %get3A_1021 = tpu.vector_load %arg15[%get3A_1019, %get3A_1020] {strides = array<i32>} : memref<40x128xf32, #tpu.memory_space<vmem>>, vector<1x16xf32>,
        %get3A_1022 = vector.shape_cast %get3A_1021 : vector<1x16xf32> to vector<16xf32>
        %add3A_1023 = arith.addf %add3A_1018, %get3A_1022 : vector<16xf32>
        %mul3A_1024 = arith.mulf %add3A_1023, %add3A_1023 : vector<16xf32>
        %mul3A_1025 = arith.constant 0.0713548139 : f32
        %mul3A_1026 = vector.broadcast %mul3A_1025 : f32 to vector<16xf32>
        %mul3A_1027 = arith.mulf %mul3A_1026, %mul3A_1024 : vector<16xf32>
        %sub3A_1028 = arith.constant -1.59576917 : f32
        %sub3A_1029 = vector.broadcast %sub3A_1028 : f32 to vector<16xf32>
        %sub3A_1030 = arith.subf %sub3A_1029, %mul3A_1027 : vector<16xf32>
        %mul3A_1031 = arith.mulf %add3A_1023, %sub3A_1030 : vector<16xf32>
        %exp3A_1032 = math.exp %mul3A_1031 : vector<16xf32>
        %add3A_1033 = arith.constant 1.000000e+00 : f32
        %add3A_1034 = vector.broadcast %add3A_1033 : f32 to vector<16xf32>
        %add3A_1035 = arith.addf %add3A_1034, %exp3A_1032 : vector<16xf32>
        %div3A_1036 = arith.divf %add3A_1023, %add3A_1035 : vector<16xf32>
        %swap3A_1037 = arith.index_cast %add3A_913 : i32 to index
        %swap3A_1038 = arith.constant 48 : index
        %swap3A_1039 = tpu.vector_load %arg13[%swap3A_1037, %swap3A_1038] {strides = array<i32>} : memref<40x128xf32, #tpu.memory_space<vmem>>, vector<1x16xf32>,
        %swap3A_1040 = vector.shape_cast %swap3A_1039 : vector<1x16xf32> to vector<16xf32>
        %swap3A_1041 = vector.shape_cast %div3A_1036 : vector<16xf32> to vector<1x16xf32>
        tpu.vector_store %arg13[%swap3A_1037, %swap3A_1038], %swap3A_1041 {strides = array<i32>} : memref<40x128xf32, #tpu.memory_space<vmem>>, vector<1x16xf32>,
        %get3A_1042 = arith.index_cast %add3A_913 : i32 to index
        %get3A_1043 = arith.constant 64 : index
        %get3A_1044 = tpu.vector_load %arg13[%get3A_1042, %get3A_1043] {strides = array<i32>} : memref<40x128xf32, #tpu.memory_space<vmem>>, vector<1x16xf32>,
        %get3A_1045 = vector.shape_cast %get3A_1044 : vector<1x16xf32> to vector<16xf32>
        %get3A_1046 = arith.index_cast %add3A_913 : i32 to index
        %get3A_1047 = arith.constant 64 : index
        %get3A_1048 = tpu.vector_load %arg14[%get3A_1046, %get3A_1047] {strides = array<i32>} : memref<40x128xf32, #tpu.memory_space<vmem>>, vector<1x16xf32>,
        %get3A_1049 = vector.shape_cast %get3A_1048 : vector<1x16xf32> to vector<16xf32>
        %add3A_1050 = arith.addf %get3A_1045, %get3A_1049 : vector<16xf32>
        %get3A_1051 = arith.index_cast %add3A_913 : i32 to index
        %get3A_1052 = arith.constant 64 : index
        %get3A_1053 = tpu.vector_load %arg15[%get3A_1051, %get3A_1052] {strides = array<i32>} : memref<40x128xf32, #tpu.memory_space<vmem>>, vector<1x16xf32>,
        %get3A_1054 = vector.shape_cast %get3A_1053 : vector<1x16xf32> to vector<16xf32>
        %add3A_1055 = arith.addf %add3A_1050, %get3A_1054 : vector<16xf32>
        %mul3A_1056 = arith.mulf %add3A_1055, %add3A_1055 : vector<16xf32>
        %mul3A_1057 = arith.constant 0.0713548139 : f32
        %mul3A_1058 = vector.broadcast %mul3A_1057 : f32 to vector<16xf32>
        %mul3A_1059 = arith.mulf %mul3A_1058, %mul3A_1056 : vector<16xf32>
        %sub3A_1060 = arith.constant -1.59576917 : f32
        %sub3A_1061 = vector.broadcast %sub3A_1060 : f32 to vector<16xf32>
        %sub3A_1062 = arith.subf %sub3A_1061, %mul3A_1059 : vector<16xf32>
        %mul3A_1063 = arith.mulf %add3A_1055, %sub3A_1062 : vector<16xf32>
        %exp3A_1064 = math.exp %mul3A_1063 : vector<16xf32>
        %add3A_1065 = arith.constant 1.000000e+00 : f32
        %add3A_1066 = vector.broadcast %add3A_1065 : f32 to vector<16xf32>
        %add3A_1067 = arith.addf %add3A_1066, %exp3A_1064 : vector<16xf32>
        %div3A_1068 = arith.divf %add3A_1055, %add3A_1067 : vector<16xf32>
        %swap3A_1069 = arith.index_cast %add3A_913 : i32 to index
        %swap3A_1070 = arith.constant 64 : index
        %swap3A_1071 = tpu.vector_load %arg13[%swap3A_1069, %swap3A_1070] {strides = array<i32>} : memref<40x128xf32, #tpu.memory_space<vmem>>, vector<1x16xf32>,
        %swap3A_1072 = vector.shape_cast %swap3A_1071 : vector<1x16xf32> to vector<16xf32>
        %swap3A_1073 = vector.shape_cast %div3A_1068 : vector<16xf32> to vector<1x16xf32>
        tpu.vector_store %arg13[%swap3A_1069, %swap3A_1070], %swap3A_1073 {strides = array<i32>} : memref<40x128xf32, #tpu.memory_space<vmem>>, vector<1x16xf32>,
        %get3A_1074 = arith.index_cast %add3A_913 : i32 to index
        %get3A_1075 = arith.constant 80 : index
        %get3A_1076 = tpu.vector_load %arg13[%get3A_1074, %get3A_1075] {strides = array<i32>} : memref<40x128xf32, #tpu.memory_space<vmem>>, vector<1x16xf32>,
        %get3A_1077 = vector.shape_cast %get3A_1076 : vector<1x16xf32> to vector<16xf32>
        %get3A_1078 = arith.index_cast %add3A_913 : i32 to index
        %get3A_1079 = arith.constant 80 : index
        %get3A_1080 = tpu.vector_load %arg14[%get3A_1078, %get3A_1079] {strides = array<i32>} : memref<40x128xf32, #tpu.memory_space<vmem>>, vector<1x16xf32>,
        %get3A_1081 = vector.shape_cast %get3A_1080 : vector<1x16xf32> to vector<16xf32>
        %add3A_1082 = arith.addf %get3A_1077, %get3A_1081 : vector<16xf32>
        %get3A_1083 = arith.index_cast %add3A_913 : i32 to index
        %get3A_1084 = arith.constant 80 : index
        %get3A_1085 = tpu.vector_load %arg15[%get3A_1083, %get3A_1084] {strides = array<i32>} : memref<40x128xf32, #tpu.memory_space<vmem>>, vector<1x16xf32>,
        %get3A_1086 = vector.shape_cast %get3A_1085 : vector<1x16xf32> to vector<16xf32>
        %add3A_1087 = arith.addf %add3A_1082, %get3A_1086 : vector<16xf32>
        %mul3A_1088 = arith.mulf %add3A_1087, %add3A_1087 : vector<16xf32>
        %mul3A_1089 = arith.constant 0.0713548139 : f32
        %mul3A_1090 = vector.broadcast %mul3A_1089 : f32 to vector<16xf32>
        %mul3A_1091 = arith.mulf %mul3A_1090, %mul3A_1088 : vector<16xf32>
        %sub3A_1092 = arith.constant -1.59576917 : f32
        %sub3A_1093 = vector.broadcast %sub3A_1092 : f32 to vector<16xf32>
        %sub3A_1094 = arith.subf %sub3A_1093, %mul3A_1091 : vector<16xf32>
        %mul3A_1095 = arith.mulf %add3A_1087, %sub3A_1094 : vector<16xf32>
        %exp3A_1096 = math.exp %mul3A_1095 : vector<16xf32>
        %add3A_1097 = arith.constant 1.000000e+00 : f32
        %add3A_1098 = vector.broadcast %add3A_1097 : f32 to vector<16xf32>
        %add3A_1099 = arith.addf %add3A_1098, %exp3A_1096 : vector<16xf32>
        %div3A_1100 = arith.divf %add3A_1087, %add3A_1099 : vector<16xf32>
        %swap3A_1101 = arith.index_cast %add3A_913 : i32 to index
        %swap3A_1102 = arith.constant 80 : index
        %swap3A_1103 = tpu.vector_load %arg13[%swap3A_1101, %swap3A_1102] {strides = array<i32>} : memref<40x128xf32, #tpu.memory_space<vmem>>, vector<1x16xf32>,
        %swap3A_1104 = vector.shape_cast %swap3A_1103 : vector<1x16xf32> to vector<16xf32>
        %swap3A_1105 = vector.shape_cast %div3A_1100 : vector<16xf32> to vector<1x16xf32>
        tpu.vector_store %arg13[%swap3A_1101, %swap3A_1102], %swap3A_1105 {strides = array<i32>} : memref<40x128xf32, #tpu.memory_space<vmem>>, vector<1x16xf32>,
        %get3A_1106 = arith.index_cast %add3A_913 : i32 to index
        %get3A_1107 = arith.constant 96 : index
        %get3A_1108 = tpu.vector_load %arg13[%get3A_1106, %get3A_1107] {strides = array<i32>} : memref<40x128xf32, #tpu.memory_space<vmem>>, vector<1x16xf32>,
        %get3A_1109 = vector.shape_cast %get3A_1108 : vector<1x16xf32> to vector<16xf32>
        %get3A_1110 = arith.index_cast %add3A_913 : i32 to index
        %get3A_1111 = arith.constant 96 : index
        %get3A_1112 = tpu.vector_load %arg14[%get3A_1110, %get3A_1111] {strides = array<i32>} : memref<40x128xf32, #tpu.memory_space<vmem>>, vector<1x16xf32>,
        %get3A_1113 = vector.shape_cast %get3A_1112 : vector<1x16xf32> to vector<16xf32>
        %add3A_1114 = arith.addf %get3A_1109, %get3A_1113 : vector<16xf32>
        %get3A_1115 = arith.index_cast %add3A_913 : i32 to index
        %get3A_1116 = arith.constant 96 : index
        %get3A_1117 = tpu.vector_load %arg15[%get3A_1115, %get3A_1116] {strides = array<i32>} : memref<40x128xf32, #tpu.memory_space<vmem>>, vector<1x16xf32>,
        %get3A_1118 = vector.shape_cast %get3A_1117 : vector<1x16xf32> to vector<16xf32>
        %add3A_1119 = arith.addf %add3A_1114, %get3A_1118 : vector<16xf32>
        %mul3A_1120 = arith.mulf %add3A_1119, %add3A_1119 : vector<16xf32>
        %mul3A_1121 = arith.constant 0.0713548139 : f32
        %mul3A_1122 = vector.broadcast %mul3A_1121 : f32 to vector<16xf32>
        %mul3A_1123 = arith.mulf %mul3A_1122, %mul3A_1120 : vector<16xf32>
        %sub3A_1124 = arith.constant -1.59576917 : f32
        %sub3A_1125 = vector.broadcast %sub3A_1124 : f32 to vector<16xf32>
        %sub3A_1126 = arith.subf %sub3A_1125, %mul3A_1123 : vector<16xf32>
        %mul3A_1127 = arith.mulf %add3A_1119, %sub3A_1126 : vector<16xf32>
        %exp3A_1128 = math.exp %mul3A_1127 : vector<16xf32>
        %add3A_1129 = arith.constant 1.000000e+00 : f32
        %add3A_1130 = vector.broadcast %add3A_1129 : f32 to vector<16xf32>
        %add3A_1131 = arith.addf %add3A_1130, %exp3A_1128 : vector<16xf32>
        %div3A_1132 = arith.divf %add3A_1119, %add3A_1131 : vector<16xf32>
        %swap3A_1133 = arith.index_cast %add3A_913 : i32 to index
        %swap3A_1134 = arith.constant 96 : index
        %swap3A_1135 = tpu.vector_load %arg13[%swap3A_1133, %swap3A_1134] {strides = array<i32>} : memref<40x128xf32, #tpu.memory_space<vmem>>, vector<1x16xf32>,
        %swap3A_1136 = vector.shape_cast %swap3A_1135 : vector<1x16xf32> to vector<16xf32>
        %swap3A_1137 = vector.shape_cast %div3A_1132 : vector<16xf32> to vector<1x16xf32>
        tpu.vector_store %arg13[%swap3A_1133, %swap3A_1134], %swap3A_1137 {strides = array<i32>} : memref<40x128xf32, #tpu.memory_space<vmem>>, vector<1x16xf32>,
        %get3A_1138 = arith.index_cast %add3A_913 : i32 to index
        %get3A_1139 = arith.constant 112 : index
        %get3A_1140 = tpu.vector_load %arg13[%get3A_1138, %get3A_1139] {strides = array<i32>} : memref<40x128xf32, #tpu.memory_space<vmem>>, vector<1x16xf32>,
        %get3A_1141 = vector.shape_cast %get3A_1140 : vector<1x16xf32> to vector<16xf32>
        %get3A_1142 = arith.index_cast %add3A_913 : i32 to index
        %get3A_1143 = arith.constant 112 : index
        %get3A_1144 = tpu.vector_load %arg14[%get3A_1142, %get3A_1143] {strides = array<i32>} : memref<40x128xf32, #tpu.memory_space<vmem>>, vector<1x16xf32>,
        %get3A_1145 = vector.shape_cast %get3A_1144 : vector<1x16xf32> to vector<16xf32>
        %add3A_1146 = arith.addf %get3A_1141, %get3A_1145 : vector<16xf32>
        %get3A_1147 = arith.index_cast %add3A_913 : i32 to index
        %get3A_1148 = arith.constant 112 : index
        %get3A_1149 = tpu.vector_load %arg15[%get3A_1147, %get3A_1148] {strides = array<i32>} : memref<40x128xf32, #tpu.memory_space<vmem>>, vector<1x16xf32>,
        %get3A_1150 = vector.shape_cast %get3A_1149 : vector<1x16xf32> to vector<16xf32>
        %add3A_1151 = arith.addf %add3A_1146, %get3A_1150 : vector<16xf32>
        %mul3A_1152 = arith.mulf %add3A_1151, %add3A_1151 : vector<16xf32>
        %mul3A_1153 = arith.constant 0.0713548139 : f32
        %mul3A_1154 = vector.broadcast %mul3A_1153 : f32 to vector<16xf32>
        %mul3A_1155 = arith.mulf %mul3A_1154, %mul3A_1152 : vector<16xf32>
        %sub3A_1156 = arith.constant -1.59576917 : f32
        %sub3A_1157 = vector.broadcast %sub3A_1156 : f32 to vector<16xf32>
        %sub3A_1158 = arith.subf %sub3A_1157, %mul3A_1155 : vector<16xf32>
        %mul3A_1159 = arith.mulf %add3A_1151, %sub3A_1158 : vector<16xf32>
        %exp3A_1160 = math.exp %mul3A_1159 : vector<16xf32>
        %add3A_1161 = arith.constant 1.000000e+00 : f32
        %add3A_1162 = vector.broadcast %add3A_1161 : f32 to vector<16xf32>
        %add3A_1163 = arith.addf %add3A_1162, %exp3A_1160 : vector<16xf32>
        %div3A_1164 = arith.divf %add3A_1151, %add3A_1163 : vector<16xf32>
        %swap3A_1165 = arith.index_cast %add3A_913 : i32 to index
        %swap3A_1166 = arith.constant 112 : index
        %swap3A_1167 = tpu.vector_load %arg13[%swap3A_1165, %swap3A_1166] {strides = array<i32>} : memref<40x128xf32, #tpu.memory_space<vmem>>, vector<1x16xf32>,
        %swap3A_1168 = vector.shape_cast %swap3A_1167 : vector<1x16xf32> to vector<16xf32>
        %swap3A_1169 = vector.shape_cast %div3A_1164 : vector<16xf32> to vector<1x16xf32>
        tpu.vector_store %arg13[%swap3A_1165, %swap3A_1166], %swap3A_1169 {strides = array<i32>} : memref<40x128xf32, #tpu.memory_space<vmem>>, vector<1x16xf32>,
      }
      %scan3A_89 = arith.constant 10 : i32
      "tpu.region"() ({
        %run_scoped3A = tpu.sem_alloc : memref<!tpu.dma_semaphore, #tpu.memory_space<semaphore_mem>>
        %dma_start3A_134 = arith.constant 0 : i32
        %dma_start3A_135 = arith.constant 0 : i32
        %dma_start3A_136 = tpu.memref_slice %arg19[%dma_start3A_134, %dma_start3A_135] : memref<10000x128xf32, #tpu.memory_space<vmem_shared>> -> memref<10000x128xf32, #tpu.memory_space<vmem_shared>>
        tpu.enqueue_indirect_dma source(%arg13 : memref<40x128xf32, #tpu.memory_space<vmem>>) target(%dma_start3A_136 : memref<10000x128xf32, #tpu.memory_space<vmem_shared>>) offsets(%arg10 : memref<40xi32, #tpu.memory_space<vmem>>) semaphore(%run_scoped3A : memref<!tpu.dma_semaphore, #tpu.memory_space<semaphore_mem>>) {add = true}
        %dma_wait3A_137 = arith.constant 0 : i32
        %dma_wait3A_138 = arith.constant 0 : i32
        %dma_wait3A_139 = tpu.memref_slice %arg19[%dma_wait3A_137, %dma_wait3A_138] : memref<10000x128xf32, #tpu.memory_space<vmem_shared>> -> memref<10000x128xf32, #tpu.memory_space<vmem_shared>>
        tpu.wait_indirect_dma semaphore(%run_scoped3A : memref<!tpu.dma_semaphore, #tpu.memory_space<semaphore_mem>>) src(%arg13 : memref<40x128xf32, #tpu.memory_space<vmem>>) dst(%dma_wait3A_139 : memref<10000x128xf32, #tpu.memory_space<vmem_shared>>)
        tpu.yield
      }) : () -> ()
      %add3A_90 = arith.constant 2 : i32
      %add3A_91 = arith.addi %mul3A_43, %add3A_90 : i32
      %lt3A = arith.constant 250 : i32
      %lt3A_92 = arith.cmpi slt, %add3A_91, %lt3A : i32
      %convert_element_type3A_93 = arith.extui %lt3A_92 : i1 to i32
      %cond3A_94 = arith.constant 0 : i32
      %cond3A_95 = arith.cmpi ne, %convert_element_type3A_93, %cond3A_94 : i32
      scf.if %cond3A_95 {
        %add3A_134 = arith.constant 2 : i32
        %add3A_135 = arith.addi %mul3A_43, %add3A_134 : i32
        %mul3A_136 = arith.constant 40 : i32
        %mul3A_137 = arith.muli %add3A_135, %mul3A_136 : i32
        %add3A_138 = arith.addi %mul3A_2, %mul3A_137 : i32
        %dma_start3A_139 = tpu.memref_slice %arg5[%add3A_138] : memref<320000xi32, #tpu.memory_space<hbm>> -> memref<40xi32, #tpu.memory_space<hbm>>
        %dma_start3A_140 = tpu.memref_slice %arg5[%add3A_138] : memref<320000xi32, #tpu.memory_space<hbm>> -> memref<40xi32, #tpu.memory_space<hbm>>
        tpu.enqueue_dma source(%dma_start3A_140 : memref<40xi32, #tpu.memory_space<hbm>>) target(%arg9 : memref<40xi32, #tpu.memory_space<vmem>>) target_semaphore(%arg20 : memref<!tpu.dma_semaphore, #tpu.memory_space<semaphore_mem>>)
        %dma_start3A_141 = tpu.memref_slice %arg6[%add3A_138] : memref<320000xi32, #tpu.memory_space<hbm>> -> memref<40xi32, #tpu.memory_space<hbm>>
        %dma_start3A_142 = tpu.memref_slice %arg6[%add3A_138] : memref<320000xi32, #tpu.memory_space<hbm>> -> memref<40xi32, #tpu.memory_space<hbm>>
        tpu.enqueue_dma source(%dma_start3A_142 : memref<40xi32, #tpu.memory_space<hbm>>) target(%arg10 : memref<40xi32, #tpu.memory_space<vmem>>) target_semaphore(%arg20 : memref<!tpu.dma_semaphore, #tpu.memory_space<semaphore_mem>>)
      } else {
      }
      %dma_wait3A_96 = arith.constant 0 : i32
      %dma_wait3A_97 = arith.constant 0 : i32
      %dma_wait3A_98 = tpu.memref_slice %arg2[%dma_wait3A_96, %dma_wait3A_97] : memref<10000x128xf32, #tpu.memory_space<hbm>> -> memref<40x128xf32, #tpu.memory_space<hbm>>
      %dma_wait3A_99 = arith.constant 0 : i32
      %dma_wait3A_100 = arith.constant 0 : i32
      %dma_wait3A_101 = tpu.memref_slice %arg2[%dma_wait3A_99, %dma_wait3A_100] : memref<10000x128xf32, #tpu.memory_space<hbm>> -> memref<40x128xf32, #tpu.memory_space<hbm>>
      tpu.wait_dma2 semaphore(%arg23 : memref<!tpu.dma_semaphore, #tpu.memory_space<semaphore_mem>>) src(%dma_wait3A_101 : memref<40x128xf32, #tpu.memory_space<hbm>>) dst(%arg16 : memref<40x128xf32, #tpu.memory_space<vmem>>)
      %dma_wait3A_102 = arith.constant 0 : i32
      %dma_wait3A_103 = arith.constant 0 : i32
      %dma_wait3A_104 = tpu.memref_slice %arg3[%dma_wait3A_102, %dma_wait3A_103] : memref<10000x128xf32, #tpu.memory_space<hbm>> -> memref<40x128xf32, #tpu.memory_space<hbm>>
      %dma_wait3A_105 = arith.constant 0 : i32
      %dma_wait3A_106 = arith.constant 0 : i32
      %dma_wait3A_107 = tpu.memref_slice %arg3[%dma_wait3A_105, %dma_wait3A_106] : memref<10000x128xf32, #tpu.memory_space<hbm>> -> memref<40x128xf32, #tpu.memory_space<hbm>>
      tpu.wait_dma2 semaphore(%arg23 : memref<!tpu.dma_semaphore, #tpu.memory_space<semaphore_mem>>) src(%dma_wait3A_107 : memref<40x128xf32, #tpu.memory_space<hbm>>) dst(%arg17 : memref<40x128xf32, #tpu.memory_space<vmem>>)
      %dma_wait3A_108 = arith.constant 0 : i32
      %dma_wait3A_109 = arith.constant 0 : i32
      %dma_wait3A_110 = tpu.memref_slice %arg4[%dma_wait3A_108, %dma_wait3A_109] : memref<320000x128xf32, #tpu.memory_space<hbm>> -> memref<40x128xf32, #tpu.memory_space<hbm>>
      %dma_wait3A_111 = arith.constant 0 : i32
      %dma_wait3A_112 = arith.constant 0 : i32
      %dma_wait3A_113 = tpu.memref_slice %arg4[%dma_wait3A_111, %dma_wait3A_112] : memref<320000x128xf32, #tpu.memory_space<hbm>> -> memref<40x128xf32, #tpu.memory_space<hbm>>
      tpu.wait_dma2 semaphore(%arg23 : memref<!tpu.dma_semaphore, #tpu.memory_space<semaphore_mem>>) src(%dma_wait3A_113 : memref<40x128xf32, #tpu.memory_space<hbm>>) dst(%arg18 : memref<40x128xf32, #tpu.memory_space<vmem>>)
      %add3A_114 = arith.constant 2 : i32
      %add3A_115 = arith.addi %mul3A_43, %add3A_114 : i32
      %lt3A_116 = arith.constant 250 : i32
      %lt3A_117 = arith.cmpi slt, %add3A_115, %lt3A_116 : i32
      %convert_element_type3A_118 = arith.extui %lt3A_117 : i1 to i32
      %cond3A_119 = arith.constant 0 : i32
      %cond3A_120 = arith.cmpi ne, %convert_element_type3A_118, %cond3A_119 : i32
      scf.if %cond3A_120 {
        %dma_wait3A_134 = arith.constant 0 : i32
        %dma_wait3A_135 = tpu.memref_slice %arg5[%dma_wait3A_134] : memref<320000xi32, #tpu.memory_space<hbm>> -> memref<40xi32, #tpu.memory_space<hbm>>
        %dma_wait3A_136 = arith.constant 0 : i32
        %dma_wait3A_137 = tpu.memref_slice %arg5[%dma_wait3A_136] : memref<320000xi32, #tpu.memory_space<hbm>> -> memref<40xi32, #tpu.memory_space<hbm>>
        tpu.wait_dma2 semaphore(%arg20 : memref<!tpu.dma_semaphore, #tpu.memory_space<semaphore_mem>>) src(%dma_wait3A_137 : memref<40xi32, #tpu.memory_space<hbm>>) dst(%arg9 : memref<40xi32, #tpu.memory_space<vmem>>)
        %dma_wait3A_138 = arith.constant 0 : i32
        %dma_wait3A_139 = tpu.memref_slice %arg6[%dma_wait3A_138] : memref<320000xi32, #tpu.memory_space<hbm>> -> memref<40xi32, #tpu.memory_space<hbm>>
        %dma_wait3A_140 = arith.constant 0 : i32
        %dma_wait3A_141 = tpu.memref_slice %arg6[%dma_wait3A_140] : memref<320000xi32, #tpu.memory_space<hbm>> -> memref<40xi32, #tpu.memory_space<hbm>>
        tpu.wait_dma2 semaphore(%arg20 : memref<!tpu.dma_semaphore, #tpu.memory_space<semaphore_mem>>) src(%dma_wait3A_141 : memref<40xi32, #tpu.memory_space<hbm>>) dst(%arg10 : memref<40xi32, #tpu.memory_space<vmem>>)
        %add3A_142 = arith.constant 2 : i32
        %add3A_143 = arith.addi %mul3A_43, %add3A_142 : i32
        %mul3A_144 = arith.constant 40 : i32
        %mul3A_145 = arith.muli %add3A_143, %mul3A_144 : i32
        %add3A_146 = arith.addi %mul3A_2, %mul3A_145 : i32
        %dma_start3A_147 = arith.constant 0 : i32
        %dma_start3A_148 = arith.constant 0 : i32
        %dma_start3A_149 = tpu.memref_slice %arg2[%dma_start3A_147, %dma_start3A_148] : memref<10000x128xf32, #tpu.memory_space<hbm>> -> memref<10000x128xf32, #tpu.memory_space<hbm>>
        tpu.enqueue_indirect_dma source(%dma_start3A_149 : memref<10000x128xf32, #tpu.memory_space<hbm>>) target(%arg13 : memref<40x128xf32, #tpu.memory_space<vmem>>) offsets(%arg9 : memref<40xi32, #tpu.memory_space<vmem>>) semaphore(%arg22 : memref<!tpu.dma_semaphore, #tpu.memory_space<semaphore_mem>>)
        %dma_start3A_150 = arith.constant 0 : i32
        %dma_start3A_151 = arith.constant 0 : i32
        %dma_start3A_152 = tpu.memref_slice %arg3[%dma_start3A_150, %dma_start3A_151] : memref<10000x128xf32, #tpu.memory_space<hbm>> -> memref<10000x128xf32, #tpu.memory_space<hbm>>
        tpu.enqueue_indirect_dma source(%dma_start3A_152 : memref<10000x128xf32, #tpu.memory_space<hbm>>) target(%arg14 : memref<40x128xf32, #tpu.memory_space<vmem>>) offsets(%arg10 : memref<40xi32, #tpu.memory_space<vmem>>) semaphore(%arg22 : memref<!tpu.dma_semaphore, #tpu.memory_space<semaphore_mem>>)
        %dma_start3A_153 = arith.constant 0 : i32
        %dma_start3A_154 = tpu.memref_slice %arg4[%add3A_146, %dma_start3A_153] : memref<320000x128xf32, #tpu.memory_space<hbm>> -> memref<40x128xf32, #tpu.memory_space<hbm>>
        %dma_start3A_155 = arith.constant 0 : i32
        %dma_start3A_156 = tpu.memref_slice %arg4[%add3A_146, %dma_start3A_155] : memref<320000x128xf32, #tpu.memory_space<hbm>> -> memref<40x128xf32, #tpu.memory_space<hbm>>
        tpu.enqueue_dma source(%dma_start3A_156 : memref<40x128xf32, #tpu.memory_space<hbm>>) target(%arg15 : memref<40x128xf32, #tpu.memory_space<vmem>>) target_semaphore(%arg22 : memref<!tpu.dma_semaphore, #tpu.memory_space<semaphore_mem>>)
      } else {
      }
      %scan3A_121 = arith.constant 0 : i32
      %scan3A_122 = arith.constant 0 : i32
      %scan3A_123 = arith.constant 10 : i32
      %scan3A_124 = arith.addi %scan3A_122, %scan3A_123 : i32
      %scan3A_125 = arith.constant 1 : i32
      scf.for %scan3A_134 = %scan3A_122 to %scan3A_124 step %scan3A_125  : i32 {
        %mul3A_135 = arith.constant 4 : i32
        %mul3A_136 = arith.muli %scan3A_134, %mul3A_135 : i32
        %add3A_137 = arith.constant 0 : i32
        %add3A_138 = arith.addi %mul3A_136, %add3A_137 : i32
        %get3A = arith.index_cast %add3A_138 : i32 to index
        %get3A_139 = arith.constant 0 : index
        %get3A_140 = tpu.vector_load %arg16[%get3A, %get3A_139] {strides = array<i32>} : memref<40x128xf32, #tpu.memory_space<vmem>>, vector<1x16xf32>,
        %get3A_141 = vector.shape_cast %get3A_140 : vector<1x16xf32> to vector<16xf32>
        %get3A_142 = arith.index_cast %add3A_138 : i32 to index
        %get3A_143 = arith.constant 0 : index
        %get3A_144 = tpu.vector_load %arg17[%get3A_142, %get3A_143] {strides = array<i32>} : memref<40x128xf32, #tpu.memory_space<vmem>>, vector<1x16xf32>,
        %get3A_145 = vector.shape_cast %get3A_144 : vector<1x16xf32> to vector<16xf32>
        %add3A_146 = arith.addf %get3A_141, %get3A_145 : vector<16xf32>
        %get3A_147 = arith.index_cast %add3A_138 : i32 to index
        %get3A_148 = arith.constant 0 : index
        %get3A_149 = tpu.vector_load %arg18[%get3A_147, %get3A_148] {strides = array<i32>} : memref<40x128xf32, #tpu.memory_space<vmem>>, vector<1x16xf32>,
        %get3A_150 = vector.shape_cast %get3A_149 : vector<1x16xf32> to vector<16xf32>
        %add3A_151 = arith.addf %add3A_146, %get3A_150 : vector<16xf32>
        %mul3A_152 = arith.mulf %add3A_151, %add3A_151 : vector<16xf32>
        %mul3A_153 = arith.constant 0.0713548139 : f32
        %mul3A_154 = vector.broadcast %mul3A_153 : f32 to vector<16xf32>
        %mul3A_155 = arith.mulf %mul3A_154, %mul3A_152 : vector<16xf32>
        %sub3A = arith.constant -1.59576917 : f32
        %sub3A_156 = vector.broadcast %sub3A : f32 to vector<16xf32>
        %sub3A_157 = arith.subf %sub3A_156, %mul3A_155 : vector<16xf32>
        %mul3A_158 = arith.mulf %add3A_151, %sub3A_157 : vector<16xf32>
        %exp3A = math.exp %mul3A_158 : vector<16xf32>
        %add3A_159 = arith.constant 1.000000e+00 : f32
        %add3A_160 = vector.broadcast %add3A_159 : f32 to vector<16xf32>
        %add3A_161 = arith.addf %add3A_160, %exp3A : vector<16xf32>
        %div3A = arith.divf %add3A_151, %add3A_161 : vector<16xf32>
        %swap3A = arith.index_cast %add3A_138 : i32 to index
        %swap3A_162 = arith.constant 0 : index
        %swap3A_163 = tpu.vector_load %arg16[%swap3A, %swap3A_162] {strides = array<i32>} : memref<40x128xf32, #tpu.memory_space<vmem>>, vector<1x16xf32>,
        %swap3A_164 = vector.shape_cast %swap3A_163 : vector<1x16xf32> to vector<16xf32>
        %swap3A_165 = vector.shape_cast %div3A : vector<16xf32> to vector<1x16xf32>
        tpu.vector_store %arg16[%swap3A, %swap3A_162], %swap3A_165 {strides = array<i32>} : memref<40x128xf32, #tpu.memory_space<vmem>>, vector<1x16xf32>,
        %get3A_166 = arith.index_cast %add3A_138 : i32 to index
        %get3A_167 = arith.constant 16 : index
        %get3A_168 = tpu.vector_load %arg16[%get3A_166, %get3A_167] {strides = array<i32>} : memref<40x128xf32, #tpu.memory_space<vmem>>, vector<1x16xf32>,
        %get3A_169 = vector.shape_cast %get3A_168 : vector<1x16xf32> to vector<16xf32>
        %get3A_170 = arith.index_cast %add3A_138 : i32 to index
        %get3A_171 = arith.constant 16 : index
        %get3A_172 = tpu.vector_load %arg17[%get3A_170, %get3A_171] {strides = array<i32>} : memref<40x128xf32, #tpu.memory_space<vmem>>, vector<1x16xf32>,
        %get3A_173 = vector.shape_cast %get3A_172 : vector<1x16xf32> to vector<16xf32>
        %add3A_174 = arith.addf %get3A_169, %get3A_173 : vector<16xf32>
        %get3A_175 = arith.index_cast %add3A_138 : i32 to index
        %get3A_176 = arith.constant 16 : index
        %get3A_177 = tpu.vector_load %arg18[%get3A_175, %get3A_176] {strides = array<i32>} : memref<40x128xf32, #tpu.memory_space<vmem>>, vector<1x16xf32>,
        %get3A_178 = vector.shape_cast %get3A_177 : vector<1x16xf32> to vector<16xf32>
        %add3A_179 = arith.addf %add3A_174, %get3A_178 : vector<16xf32>
        %mul3A_180 = arith.mulf %add3A_179, %add3A_179 : vector<16xf32>
        %mul3A_181 = arith.constant 0.0713548139 : f32
        %mul3A_182 = vector.broadcast %mul3A_181 : f32 to vector<16xf32>
        %mul3A_183 = arith.mulf %mul3A_182, %mul3A_180 : vector<16xf32>
        %sub3A_184 = arith.constant -1.59576917 : f32
        %sub3A_185 = vector.broadcast %sub3A_184 : f32 to vector<16xf32>
        %sub3A_186 = arith.subf %sub3A_185, %mul3A_183 : vector<16xf32>
        %mul3A_187 = arith.mulf %add3A_179, %sub3A_186 : vector<16xf32>
        %exp3A_188 = math.exp %mul3A_187 : vector<16xf32>
        %add3A_189 = arith.constant 1.000000e+00 : f32
        %add3A_190 = vector.broadcast %add3A_189 : f32 to vector<16xf32>
        %add3A_191 = arith.addf %add3A_190, %exp3A_188 : vector<16xf32>
        %div3A_192 = arith.divf %add3A_179, %add3A_191 : vector<16xf32>
        %swap3A_193 = arith.index_cast %add3A_138 : i32 to index
        %swap3A_194 = arith.constant 16 : index
        %swap3A_195 = tpu.vector_load %arg16[%swap3A_193, %swap3A_194] {strides = array<i32>} : memref<40x128xf32, #tpu.memory_space<vmem>>, vector<1x16xf32>,
        %swap3A_196 = vector.shape_cast %swap3A_195 : vector<1x16xf32> to vector<16xf32>
        %swap3A_197 = vector.shape_cast %div3A_192 : vector<16xf32> to vector<1x16xf32>
        tpu.vector_store %arg16[%swap3A_193, %swap3A_194], %swap3A_197 {strides = array<i32>} : memref<40x128xf32, #tpu.memory_space<vmem>>, vector<1x16xf32>,
        %get3A_198 = arith.index_cast %add3A_138 : i32 to index
        %get3A_199 = arith.constant 32 : index
        %get3A_200 = tpu.vector_load %arg16[%get3A_198, %get3A_199] {strides = array<i32>} : memref<40x128xf32, #tpu.memory_space<vmem>>, vector<1x16xf32>,
        %get3A_201 = vector.shape_cast %get3A_200 : vector<1x16xf32> to vector<16xf32>
        %get3A_202 = arith.index_cast %add3A_138 : i32 to index
        %get3A_203 = arith.constant 32 : index
        %get3A_204 = tpu.vector_load %arg17[%get3A_202, %get3A_203] {strides = array<i32>} : memref<40x128xf32, #tpu.memory_space<vmem>>, vector<1x16xf32>,
        %get3A_205 = vector.shape_cast %get3A_204 : vector<1x16xf32> to vector<16xf32>
        %add3A_206 = arith.addf %get3A_201, %get3A_205 : vector<16xf32>
        %get3A_207 = arith.index_cast %add3A_138 : i32 to index
        %get3A_208 = arith.constant 32 : index
        %get3A_209 = tpu.vector_load %arg18[%get3A_207, %get3A_208] {strides = array<i32>} : memref<40x128xf32, #tpu.memory_space<vmem>>, vector<1x16xf32>,
        %get3A_210 = vector.shape_cast %get3A_209 : vector<1x16xf32> to vector<16xf32>
        %add3A_211 = arith.addf %add3A_206, %get3A_210 : vector<16xf32>
        %mul3A_212 = arith.mulf %add3A_211, %add3A_211 : vector<16xf32>
        %mul3A_213 = arith.constant 0.0713548139 : f32
        %mul3A_214 = vector.broadcast %mul3A_213 : f32 to vector<16xf32>
        %mul3A_215 = arith.mulf %mul3A_214, %mul3A_212 : vector<16xf32>
        %sub3A_216 = arith.constant -1.59576917 : f32
        %sub3A_217 = vector.broadcast %sub3A_216 : f32 to vector<16xf32>
        %sub3A_218 = arith.subf %sub3A_217, %mul3A_215 : vector<16xf32>
        %mul3A_219 = arith.mulf %add3A_211, %sub3A_218 : vector<16xf32>
        %exp3A_220 = math.exp %mul3A_219 : vector<16xf32>
        %add3A_221 = arith.constant 1.000000e+00 : f32
        %add3A_222 = vector.broadcast %add3A_221 : f32 to vector<16xf32>
        %add3A_223 = arith.addf %add3A_222, %exp3A_220 : vector<16xf32>
        %div3A_224 = arith.divf %add3A_211, %add3A_223 : vector<16xf32>
        %swap3A_225 = arith.index_cast %add3A_138 : i32 to index
        %swap3A_226 = arith.constant 32 : index
        %swap3A_227 = tpu.vector_load %arg16[%swap3A_225, %swap3A_226] {strides = array<i32>} : memref<40x128xf32, #tpu.memory_space<vmem>>, vector<1x16xf32>,
        %swap3A_228 = vector.shape_cast %swap3A_227 : vector<1x16xf32> to vector<16xf32>
        %swap3A_229 = vector.shape_cast %div3A_224 : vector<16xf32> to vector<1x16xf32>
        tpu.vector_store %arg16[%swap3A_225, %swap3A_226], %swap3A_229 {strides = array<i32>} : memref<40x128xf32, #tpu.memory_space<vmem>>, vector<1x16xf32>,
        %get3A_230 = arith.index_cast %add3A_138 : i32 to index
        %get3A_231 = arith.constant 48 : index
        %get3A_232 = tpu.vector_load %arg16[%get3A_230, %get3A_231] {strides = array<i32>} : memref<40x128xf32, #tpu.memory_space<vmem>>, vector<1x16xf32>,
        %get3A_233 = vector.shape_cast %get3A_232 : vector<1x16xf32> to vector<16xf32>
        %get3A_234 = arith.index_cast %add3A_138 : i32 to index
        %get3A_235 = arith.constant 48 : index
        %get3A_236 = tpu.vector_load %arg17[%get3A_234, %get3A_235] {strides = array<i32>} : memref<40x128xf32, #tpu.memory_space<vmem>>, vector<1x16xf32>,
        %get3A_237 = vector.shape_cast %get3A_236 : vector<1x16xf32> to vector<16xf32>
        %add3A_238 = arith.addf %get3A_233, %get3A_237 : vector<16xf32>
        %get3A_239 = arith.index_cast %add3A_138 : i32 to index
        %get3A_240 = arith.constant 48 : index
        %get3A_241 = tpu.vector_load %arg18[%get3A_239, %get3A_240] {strides = array<i32>} : memref<40x128xf32, #tpu.memory_space<vmem>>, vector<1x16xf32>,
        %get3A_242 = vector.shape_cast %get3A_241 : vector<1x16xf32> to vector<16xf32>
        %add3A_243 = arith.addf %add3A_238, %get3A_242 : vector<16xf32>
        %mul3A_244 = arith.mulf %add3A_243, %add3A_243 : vector<16xf32>
        %mul3A_245 = arith.constant 0.0713548139 : f32
        %mul3A_246 = vector.broadcast %mul3A_245 : f32 to vector<16xf32>
        %mul3A_247 = arith.mulf %mul3A_246, %mul3A_244 : vector<16xf32>
        %sub3A_248 = arith.constant -1.59576917 : f32
        %sub3A_249 = vector.broadcast %sub3A_248 : f32 to vector<16xf32>
        %sub3A_250 = arith.subf %sub3A_249, %mul3A_247 : vector<16xf32>
        %mul3A_251 = arith.mulf %add3A_243, %sub3A_250 : vector<16xf32>
        %exp3A_252 = math.exp %mul3A_251 : vector<16xf32>
        %add3A_253 = arith.constant 1.000000e+00 : f32
        %add3A_254 = vector.broadcast %add3A_253 : f32 to vector<16xf32>
        %add3A_255 = arith.addf %add3A_254, %exp3A_252 : vector<16xf32>
        %div3A_256 = arith.divf %add3A_243, %add3A_255 : vector<16xf32>
        %swap3A_257 = arith.index_cast %add3A_138 : i32 to index
        %swap3A_258 = arith.constant 48 : index
        %swap3A_259 = tpu.vector_load %arg16[%swap3A_257, %swap3A_258] {strides = array<i32>} : memref<40x128xf32, #tpu.memory_space<vmem>>, vector<1x16xf32>,
        %swap3A_260 = vector.shape_cast %swap3A_259 : vector<1x16xf32> to vector<16xf32>
        %swap3A_261 = vector.shape_cast %div3A_256 : vector<16xf32> to vector<1x16xf32>
        tpu.vector_store %arg16[%swap3A_257, %swap3A_258], %swap3A_261 {strides = array<i32>} : memref<40x128xf32, #tpu.memory_space<vmem>>, vector<1x16xf32>,
        %get3A_262 = arith.index_cast %add3A_138 : i32 to index
        %get3A_263 = arith.constant 64 : index
        %get3A_264 = tpu.vector_load %arg16[%get3A_262, %get3A_263] {strides = array<i32>} : memref<40x128xf32, #tpu.memory_space<vmem>>, vector<1x16xf32>,
        %get3A_265 = vector.shape_cast %get3A_264 : vector<1x16xf32> to vector<16xf32>
        %get3A_266 = arith.index_cast %add3A_138 : i32 to index
        %get3A_267 = arith.constant 64 : index
        %get3A_268 = tpu.vector_load %arg17[%get3A_266, %get3A_267] {strides = array<i32>} : memref<40x128xf32, #tpu.memory_space<vmem>>, vector<1x16xf32>,
        %get3A_269 = vector.shape_cast %get3A_268 : vector<1x16xf32> to vector<16xf32>
        %add3A_270 = arith.addf %get3A_265, %get3A_269 : vector<16xf32>
        %get3A_271 = arith.index_cast %add3A_138 : i32 to index
        %get3A_272 = arith.constant 64 : index
        %get3A_273 = tpu.vector_load %arg18[%get3A_271, %get3A_272] {strides = array<i32>} : memref<40x128xf32, #tpu.memory_space<vmem>>, vector<1x16xf32>,
        %get3A_274 = vector.shape_cast %get3A_273 : vector<1x16xf32> to vector<16xf32>
        %add3A_275 = arith.addf %add3A_270, %get3A_274 : vector<16xf32>
        %mul3A_276 = arith.mulf %add3A_275, %add3A_275 : vector<16xf32>
        %mul3A_277 = arith.constant 0.0713548139 : f32
        %mul3A_278 = vector.broadcast %mul3A_277 : f32 to vector<16xf32>
        %mul3A_279 = arith.mulf %mul3A_278, %mul3A_276 : vector<16xf32>
        %sub3A_280 = arith.constant -1.59576917 : f32
        %sub3A_281 = vector.broadcast %sub3A_280 : f32 to vector<16xf32>
        %sub3A_282 = arith.subf %sub3A_281, %mul3A_279 : vector<16xf32>
        %mul3A_283 = arith.mulf %add3A_275, %sub3A_282 : vector<16xf32>
        %exp3A_284 = math.exp %mul3A_283 : vector<16xf32>
        %add3A_285 = arith.constant 1.000000e+00 : f32
        %add3A_286 = vector.broadcast %add3A_285 : f32 to vector<16xf32>
        %add3A_287 = arith.addf %add3A_286, %exp3A_284 : vector<16xf32>
        %div3A_288 = arith.divf %add3A_275, %add3A_287 : vector<16xf32>
        %swap3A_289 = arith.index_cast %add3A_138 : i32 to index
        %swap3A_290 = arith.constant 64 : index
        %swap3A_291 = tpu.vector_load %arg16[%swap3A_289, %swap3A_290] {strides = array<i32>} : memref<40x128xf32, #tpu.memory_space<vmem>>, vector<1x16xf32>,
        %swap3A_292 = vector.shape_cast %swap3A_291 : vector<1x16xf32> to vector<16xf32>
        %swap3A_293 = vector.shape_cast %div3A_288 : vector<16xf32> to vector<1x16xf32>
        tpu.vector_store %arg16[%swap3A_289, %swap3A_290], %swap3A_293 {strides = array<i32>} : memref<40x128xf32, #tpu.memory_space<vmem>>, vector<1x16xf32>,
        %get3A_294 = arith.index_cast %add3A_138 : i32 to index
        %get3A_295 = arith.constant 80 : index
        %get3A_296 = tpu.vector_load %arg16[%get3A_294, %get3A_295] {strides = array<i32>} : memref<40x128xf32, #tpu.memory_space<vmem>>, vector<1x16xf32>,
        %get3A_297 = vector.shape_cast %get3A_296 : vector<1x16xf32> to vector<16xf32>
        %get3A_298 = arith.index_cast %add3A_138 : i32 to index
        %get3A_299 = arith.constant 80 : index
        %get3A_300 = tpu.vector_load %arg17[%get3A_298, %get3A_299] {strides = array<i32>} : memref<40x128xf32, #tpu.memory_space<vmem>>, vector<1x16xf32>,
        %get3A_301 = vector.shape_cast %get3A_300 : vector<1x16xf32> to vector<16xf32>
        %add3A_302 = arith.addf %get3A_297, %get3A_301 : vector<16xf32>
        %get3A_303 = arith.index_cast %add3A_138 : i32 to index
        %get3A_304 = arith.constant 80 : index
        %get3A_305 = tpu.vector_load %arg18[%get3A_303, %get3A_304] {strides = array<i32>} : memref<40x128xf32, #tpu.memory_space<vmem>>, vector<1x16xf32>,
        %get3A_306 = vector.shape_cast %get3A_305 : vector<1x16xf32> to vector<16xf32>
        %add3A_307 = arith.addf %add3A_302, %get3A_306 : vector<16xf32>
        %mul3A_308 = arith.mulf %add3A_307, %add3A_307 : vector<16xf32>
        %mul3A_309 = arith.constant 0.0713548139 : f32
        %mul3A_310 = vector.broadcast %mul3A_309 : f32 to vector<16xf32>
        %mul3A_311 = arith.mulf %mul3A_310, %mul3A_308 : vector<16xf32>
        %sub3A_312 = arith.constant -1.59576917 : f32
        %sub3A_313 = vector.broadcast %sub3A_312 : f32 to vector<16xf32>
        %sub3A_314 = arith.subf %sub3A_313, %mul3A_311 : vector<16xf32>
        %mul3A_315 = arith.mulf %add3A_307, %sub3A_314 : vector<16xf32>
        %exp3A_316 = math.exp %mul3A_315 : vector<16xf32>
        %add3A_317 = arith.constant 1.000000e+00 : f32
        %add3A_318 = vector.broadcast %add3A_317 : f32 to vector<16xf32>
        %add3A_319 = arith.addf %add3A_318, %exp3A_316 : vector<16xf32>
        %div3A_320 = arith.divf %add3A_307, %add3A_319 : vector<16xf32>
        %swap3A_321 = arith.index_cast %add3A_138 : i32 to index
        %swap3A_322 = arith.constant 80 : index
        %swap3A_323 = tpu.vector_load %arg16[%swap3A_321, %swap3A_322] {strides = array<i32>} : memref<40x128xf32, #tpu.memory_space<vmem>>, vector<1x16xf32>,
        %swap3A_324 = vector.shape_cast %swap3A_323 : vector<1x16xf32> to vector<16xf32>
        %swap3A_325 = vector.shape_cast %div3A_320 : vector<16xf32> to vector<1x16xf32>
        tpu.vector_store %arg16[%swap3A_321, %swap3A_322], %swap3A_325 {strides = array<i32>} : memref<40x128xf32, #tpu.memory_space<vmem>>, vector<1x16xf32>,
        %get3A_326 = arith.index_cast %add3A_138 : i32 to index
        %get3A_327 = arith.constant 96 : index
        %get3A_328 = tpu.vector_load %arg16[%get3A_326, %get3A_327] {strides = array<i32>} : memref<40x128xf32, #tpu.memory_space<vmem>>, vector<1x16xf32>,
        %get3A_329 = vector.shape_cast %get3A_328 : vector<1x16xf32> to vector<16xf32>
        %get3A_330 = arith.index_cast %add3A_138 : i32 to index
        %get3A_331 = arith.constant 96 : index
        %get3A_332 = tpu.vector_load %arg17[%get3A_330, %get3A_331] {strides = array<i32>} : memref<40x128xf32, #tpu.memory_space<vmem>>, vector<1x16xf32>,
        %get3A_333 = vector.shape_cast %get3A_332 : vector<1x16xf32> to vector<16xf32>
        %add3A_334 = arith.addf %get3A_329, %get3A_333 : vector<16xf32>
        %get3A_335 = arith.index_cast %add3A_138 : i32 to index
        %get3A_336 = arith.constant 96 : index
        %get3A_337 = tpu.vector_load %arg18[%get3A_335, %get3A_336] {strides = array<i32>} : memref<40x128xf32, #tpu.memory_space<vmem>>, vector<1x16xf32>,
        %get3A_338 = vector.shape_cast %get3A_337 : vector<1x16xf32> to vector<16xf32>
        %add3A_339 = arith.addf %add3A_334, %get3A_338 : vector<16xf32>
        %mul3A_340 = arith.mulf %add3A_339, %add3A_339 : vector<16xf32>
        %mul3A_341 = arith.constant 0.0713548139 : f32
        %mul3A_342 = vector.broadcast %mul3A_341 : f32 to vector<16xf32>
        %mul3A_343 = arith.mulf %mul3A_342, %mul3A_340 : vector<16xf32>
        %sub3A_344 = arith.constant -1.59576917 : f32
        %sub3A_345 = vector.broadcast %sub3A_344 : f32 to vector<16xf32>
        %sub3A_346 = arith.subf %sub3A_345, %mul3A_343 : vector<16xf32>
        %mul3A_347 = arith.mulf %add3A_339, %sub3A_346 : vector<16xf32>
        %exp3A_348 = math.exp %mul3A_347 : vector<16xf32>
        %add3A_349 = arith.constant 1.000000e+00 : f32
        %add3A_350 = vector.broadcast %add3A_349 : f32 to vector<16xf32>
        %add3A_351 = arith.addf %add3A_350, %exp3A_348 : vector<16xf32>
        %div3A_352 = arith.divf %add3A_339, %add3A_351 : vector<16xf32>
        %swap3A_353 = arith.index_cast %add3A_138 : i32 to index
        %swap3A_354 = arith.constant 96 : index
        %swap3A_355 = tpu.vector_load %arg16[%swap3A_353, %swap3A_354] {strides = array<i32>} : memref<40x128xf32, #tpu.memory_space<vmem>>, vector<1x16xf32>,
        %swap3A_356 = vector.shape_cast %swap3A_355 : vector<1x16xf32> to vector<16xf32>
        %swap3A_357 = vector.shape_cast %div3A_352 : vector<16xf32> to vector<1x16xf32>
        tpu.vector_store %arg16[%swap3A_353, %swap3A_354], %swap3A_357 {strides = array<i32>} : memref<40x128xf32, #tpu.memory_space<vmem>>, vector<1x16xf32>,
        %get3A_358 = arith.index_cast %add3A_138 : i32 to index
        %get3A_359 = arith.constant 112 : index
        %get3A_360 = tpu.vector_load %arg16[%get3A_358, %get3A_359] {strides = array<i32>} : memref<40x128xf32, #tpu.memory_space<vmem>>, vector<1x16xf32>,
        %get3A_361 = vector.shape_cast %get3A_360 : vector<1x16xf32> to vector<16xf32>
        %get3A_362 = arith.index_cast %add3A_138 : i32 to index
        %get3A_363 = arith.constant 112 : index
        %get3A_364 = tpu.vector_load %arg17[%get3A_362, %get3A_363] {strides = array<i32>} : memref<40x128xf32, #tpu.memory_space<vmem>>, vector<1x16xf32>,
        %get3A_365 = vector.shape_cast %get3A_364 : vector<1x16xf32> to vector<16xf32>
        %add3A_366 = arith.addf %get3A_361, %get3A_365 : vector<16xf32>
        %get3A_367 = arith.index_cast %add3A_138 : i32 to index
        %get3A_368 = arith.constant 112 : index
        %get3A_369 = tpu.vector_load %arg18[%get3A_367, %get3A_368] {strides = array<i32>} : memref<40x128xf32, #tpu.memory_space<vmem>>, vector<1x16xf32>,
        %get3A_370 = vector.shape_cast %get3A_369 : vector<1x16xf32> to vector<16xf32>
        %add3A_371 = arith.addf %add3A_366, %get3A_370 : vector<16xf32>
        %mul3A_372 = arith.mulf %add3A_371, %add3A_371 : vector<16xf32>
        %mul3A_373 = arith.constant 0.0713548139 : f32
        %mul3A_374 = vector.broadcast %mul3A_373 : f32 to vector<16xf32>
        %mul3A_375 = arith.mulf %mul3A_374, %mul3A_372 : vector<16xf32>
        %sub3A_376 = arith.constant -1.59576917 : f32
        %sub3A_377 = vector.broadcast %sub3A_376 : f32 to vector<16xf32>
        %sub3A_378 = arith.subf %sub3A_377, %mul3A_375 : vector<16xf32>
        %mul3A_379 = arith.mulf %add3A_371, %sub3A_378 : vector<16xf32>
        %exp3A_380 = math.exp %mul3A_379 : vector<16xf32>
        %add3A_381 = arith.constant 1.000000e+00 : f32
        %add3A_382 = vector.broadcast %add3A_381 : f32 to vector<16xf32>
        %add3A_383 = arith.addf %add3A_382, %exp3A_380 : vector<16xf32>
        %div3A_384 = arith.divf %add3A_371, %add3A_383 : vector<16xf32>
        %swap3A_385 = arith.index_cast %add3A_138 : i32 to index
        %swap3A_386 = arith.constant 112 : index
        %swap3A_387 = tpu.vector_load %arg16[%swap3A_385, %swap3A_386] {strides = array<i32>} : memref<40x128xf32, #tpu.memory_space<vmem>>, vector<1x16xf32>,
        %swap3A_388 = vector.shape_cast %swap3A_387 : vector<1x16xf32> to vector<16xf32>
        %swap3A_389 = vector.shape_cast %div3A_384 : vector<16xf32> to vector<1x16xf32>
        tpu.vector_store %arg16[%swap3A_385, %swap3A_386], %swap3A_389 {strides = array<i32>} : memref<40x128xf32, #tpu.memory_space<vmem>>, vector<1x16xf32>,
        %mul3A_390 = arith.constant 4 : i32
        %mul3A_391 = arith.muli %scan3A_134, %mul3A_390 : i32
        %add3A_392 = arith.constant 1 : i32
        %add3A_393 = arith.addi %mul3A_391, %add3A_392 : i32
        %get3A_394 = arith.index_cast %add3A_393 : i32 to index
        %get3A_395 = arith.constant 0 : index
        %get3A_396 = tpu.vector_load %arg16[%get3A_394, %get3A_395] {strides = array<i32>} : memref<40x128xf32, #tpu.memory_space<vmem>>, vector<1x16xf32>,
        %get3A_397 = vector.shape_cast %get3A_396 : vector<1x16xf32> to vector<16xf32>
        %get3A_398 = arith.index_cast %add3A_393 : i32 to index
        %get3A_399 = arith.constant 0 : index
        %get3A_400 = tpu.vector_load %arg17[%get3A_398, %get3A_399] {strides = array<i32>} : memref<40x128xf32, #tpu.memory_space<vmem>>, vector<1x16xf32>,
        %get3A_401 = vector.shape_cast %get3A_400 : vector<1x16xf32> to vector<16xf32>
        %add3A_402 = arith.addf %get3A_397, %get3A_401 : vector<16xf32>
        %get3A_403 = arith.index_cast %add3A_393 : i32 to index
        %get3A_404 = arith.constant 0 : index
        %get3A_405 = tpu.vector_load %arg18[%get3A_403, %get3A_404] {strides = array<i32>} : memref<40x128xf32, #tpu.memory_space<vmem>>, vector<1x16xf32>,
        %get3A_406 = vector.shape_cast %get3A_405 : vector<1x16xf32> to vector<16xf32>
        %add3A_407 = arith.addf %add3A_402, %get3A_406 : vector<16xf32>
        %mul3A_408 = arith.mulf %add3A_407, %add3A_407 : vector<16xf32>
        %mul3A_409 = arith.constant 0.0713548139 : f32
        %mul3A_410 = vector.broadcast %mul3A_409 : f32 to vector<16xf32>
        %mul3A_411 = arith.mulf %mul3A_410, %mul3A_408 : vector<16xf32>
        %sub3A_412 = arith.constant -1.59576917 : f32
        %sub3A_413 = vector.broadcast %sub3A_412 : f32 to vector<16xf32>
        %sub3A_414 = arith.subf %sub3A_413, %mul3A_411 : vector<16xf32>
        %mul3A_415 = arith.mulf %add3A_407, %sub3A_414 : vector<16xf32>
        %exp3A_416 = math.exp %mul3A_415 : vector<16xf32>
        %add3A_417 = arith.constant 1.000000e+00 : f32
        %add3A_418 = vector.broadcast %add3A_417 : f32 to vector<16xf32>
        %add3A_419 = arith.addf %add3A_418, %exp3A_416 : vector<16xf32>
        %div3A_420 = arith.divf %add3A_407, %add3A_419 : vector<16xf32>
        %swap3A_421 = arith.index_cast %add3A_393 : i32 to index
        %swap3A_422 = arith.constant 0 : index
        %swap3A_423 = tpu.vector_load %arg16[%swap3A_421, %swap3A_422] {strides = array<i32>} : memref<40x128xf32, #tpu.memory_space<vmem>>, vector<1x16xf32>,
        %swap3A_424 = vector.shape_cast %swap3A_423 : vector<1x16xf32> to vector<16xf32>
        %swap3A_425 = vector.shape_cast %div3A_420 : vector<16xf32> to vector<1x16xf32>
        tpu.vector_store %arg16[%swap3A_421, %swap3A_422], %swap3A_425 {strides = array<i32>} : memref<40x128xf32, #tpu.memory_space<vmem>>, vector<1x16xf32>,
        %get3A_426 = arith.index_cast %add3A_393 : i32 to index
        %get3A_427 = arith.constant 16 : index
        %get3A_428 = tpu.vector_load %arg16[%get3A_426, %get3A_427] {strides = array<i32>} : memref<40x128xf32, #tpu.memory_space<vmem>>, vector<1x16xf32>,
        %get3A_429 = vector.shape_cast %get3A_428 : vector<1x16xf32> to vector<16xf32>
        %get3A_430 = arith.index_cast %add3A_393 : i32 to index
        %get3A_431 = arith.constant 16 : index
        %get3A_432 = tpu.vector_load %arg17[%get3A_430, %get3A_431] {strides = array<i32>} : memref<40x128xf32, #tpu.memory_space<vmem>>, vector<1x16xf32>,
        %get3A_433 = vector.shape_cast %get3A_432 : vector<1x16xf32> to vector<16xf32>
        %add3A_434 = arith.addf %get3A_429, %get3A_433 : vector<16xf32>
        %get3A_435 = arith.index_cast %add3A_393 : i32 to index
        %get3A_436 = arith.constant 16 : index
        %get3A_437 = tpu.vector_load %arg18[%get3A_435, %get3A_436] {strides = array<i32>} : memref<40x128xf32, #tpu.memory_space<vmem>>, vector<1x16xf32>,
        %get3A_438 = vector.shape_cast %get3A_437 : vector<1x16xf32> to vector<16xf32>
        %add3A_439 = arith.addf %add3A_434, %get3A_438 : vector<16xf32>
        %mul3A_440 = arith.mulf %add3A_439, %add3A_439 : vector<16xf32>
        %mul3A_441 = arith.constant 0.0713548139 : f32
        %mul3A_442 = vector.broadcast %mul3A_441 : f32 to vector<16xf32>
        %mul3A_443 = arith.mulf %mul3A_442, %mul3A_440 : vector<16xf32>
        %sub3A_444 = arith.constant -1.59576917 : f32
        %sub3A_445 = vector.broadcast %sub3A_444 : f32 to vector<16xf32>
        %sub3A_446 = arith.subf %sub3A_445, %mul3A_443 : vector<16xf32>
        %mul3A_447 = arith.mulf %add3A_439, %sub3A_446 : vector<16xf32>
        %exp3A_448 = math.exp %mul3A_447 : vector<16xf32>
        %add3A_449 = arith.constant 1.000000e+00 : f32
        %add3A_450 = vector.broadcast %add3A_449 : f32 to vector<16xf32>
        %add3A_451 = arith.addf %add3A_450, %exp3A_448 : vector<16xf32>
        %div3A_452 = arith.divf %add3A_439, %add3A_451 : vector<16xf32>
        %swap3A_453 = arith.index_cast %add3A_393 : i32 to index
        %swap3A_454 = arith.constant 16 : index
        %swap3A_455 = tpu.vector_load %arg16[%swap3A_453, %swap3A_454] {strides = array<i32>} : memref<40x128xf32, #tpu.memory_space<vmem>>, vector<1x16xf32>,
        %swap3A_456 = vector.shape_cast %swap3A_455 : vector<1x16xf32> to vector<16xf32>
        %swap3A_457 = vector.shape_cast %div3A_452 : vector<16xf32> to vector<1x16xf32>
        tpu.vector_store %arg16[%swap3A_453, %swap3A_454], %swap3A_457 {strides = array<i32>} : memref<40x128xf32, #tpu.memory_space<vmem>>, vector<1x16xf32>,
        %get3A_458 = arith.index_cast %add3A_393 : i32 to index
        %get3A_459 = arith.constant 32 : index
        %get3A_460 = tpu.vector_load %arg16[%get3A_458, %get3A_459] {strides = array<i32>} : memref<40x128xf32, #tpu.memory_space<vmem>>, vector<1x16xf32>,
        %get3A_461 = vector.shape_cast %get3A_460 : vector<1x16xf32> to vector<16xf32>
        %get3A_462 = arith.index_cast %add3A_393 : i32 to index
        %get3A_463 = arith.constant 32 : index
        %get3A_464 = tpu.vector_load %arg17[%get3A_462, %get3A_463] {strides = array<i32>} : memref<40x128xf32, #tpu.memory_space<vmem>>, vector<1x16xf32>,
        %get3A_465 = vector.shape_cast %get3A_464 : vector<1x16xf32> to vector<16xf32>
        %add3A_466 = arith.addf %get3A_461, %get3A_465 : vector<16xf32>
        %get3A_467 = arith.index_cast %add3A_393 : i32 to index
        %get3A_468 = arith.constant 32 : index
        %get3A_469 = tpu.vector_load %arg18[%get3A_467, %get3A_468] {strides = array<i32>} : memref<40x128xf32, #tpu.memory_space<vmem>>, vector<1x16xf32>,
        %get3A_470 = vector.shape_cast %get3A_469 : vector<1x16xf32> to vector<16xf32>
        %add3A_471 = arith.addf %add3A_466, %get3A_470 : vector<16xf32>
        %mul3A_472 = arith.mulf %add3A_471, %add3A_471 : vector<16xf32>
        %mul3A_473 = arith.constant 0.0713548139 : f32
        %mul3A_474 = vector.broadcast %mul3A_473 : f32 to vector<16xf32>
        %mul3A_475 = arith.mulf %mul3A_474, %mul3A_472 : vector<16xf32>
        %sub3A_476 = arith.constant -1.59576917 : f32
        %sub3A_477 = vector.broadcast %sub3A_476 : f32 to vector<16xf32>
        %sub3A_478 = arith.subf %sub3A_477, %mul3A_475 : vector<16xf32>
        %mul3A_479 = arith.mulf %add3A_471, %sub3A_478 : vector<16xf32>
        %exp3A_480 = math.exp %mul3A_479 : vector<16xf32>
        %add3A_481 = arith.constant 1.000000e+00 : f32
        %add3A_482 = vector.broadcast %add3A_481 : f32 to vector<16xf32>
        %add3A_483 = arith.addf %add3A_482, %exp3A_480 : vector<16xf32>
        %div3A_484 = arith.divf %add3A_471, %add3A_483 : vector<16xf32>
        %swap3A_485 = arith.index_cast %add3A_393 : i32 to index
        %swap3A_486 = arith.constant 32 : index
        %swap3A_487 = tpu.vector_load %arg16[%swap3A_485, %swap3A_486] {strides = array<i32>} : memref<40x128xf32, #tpu.memory_space<vmem>>, vector<1x16xf32>,
        %swap3A_488 = vector.shape_cast %swap3A_487 : vector<1x16xf32> to vector<16xf32>
        %swap3A_489 = vector.shape_cast %div3A_484 : vector<16xf32> to vector<1x16xf32>
        tpu.vector_store %arg16[%swap3A_485, %swap3A_486], %swap3A_489 {strides = array<i32>} : memref<40x128xf32, #tpu.memory_space<vmem>>, vector<1x16xf32>,
        %get3A_490 = arith.index_cast %add3A_393 : i32 to index
        %get3A_491 = arith.constant 48 : index
        %get3A_492 = tpu.vector_load %arg16[%get3A_490, %get3A_491] {strides = array<i32>} : memref<40x128xf32, #tpu.memory_space<vmem>>, vector<1x16xf32>,
        %get3A_493 = vector.shape_cast %get3A_492 : vector<1x16xf32> to vector<16xf32>
        %get3A_494 = arith.index_cast %add3A_393 : i32 to index
        %get3A_495 = arith.constant 48 : index
        %get3A_496 = tpu.vector_load %arg17[%get3A_494, %get3A_495] {strides = array<i32>} : memref<40x128xf32, #tpu.memory_space<vmem>>, vector<1x16xf32>,
        %get3A_497 = vector.shape_cast %get3A_496 : vector<1x16xf32> to vector<16xf32>
        %add3A_498 = arith.addf %get3A_493, %get3A_497 : vector<16xf32>
        %get3A_499 = arith.index_cast %add3A_393 : i32 to index
        %get3A_500 = arith.constant 48 : index
        %get3A_501 = tpu.vector_load %arg18[%get3A_499, %get3A_500] {strides = array<i32>} : memref<40x128xf32, #tpu.memory_space<vmem>>, vector<1x16xf32>,
        %get3A_502 = vector.shape_cast %get3A_501 : vector<1x16xf32> to vector<16xf32>
        %add3A_503 = arith.addf %add3A_498, %get3A_502 : vector<16xf32>
        %mul3A_504 = arith.mulf %add3A_503, %add3A_503 : vector<16xf32>
        %mul3A_505 = arith.constant 0.0713548139 : f32
        %mul3A_506 = vector.broadcast %mul3A_505 : f32 to vector<16xf32>
        %mul3A_507 = arith.mulf %mul3A_506, %mul3A_504 : vector<16xf32>
        %sub3A_508 = arith.constant -1.59576917 : f32
        %sub3A_509 = vector.broadcast %sub3A_508 : f32 to vector<16xf32>
        %sub3A_510 = arith.subf %sub3A_509, %mul3A_507 : vector<16xf32>
        %mul3A_511 = arith.mulf %add3A_503, %sub3A_510 : vector<16xf32>
        %exp3A_512 = math.exp %mul3A_511 : vector<16xf32>
        %add3A_513 = arith.constant 1.000000e+00 : f32
        %add3A_514 = vector.broadcast %add3A_513 : f32 to vector<16xf32>
        %add3A_515 = arith.addf %add3A_514, %exp3A_512 : vector<16xf32>
        %div3A_516 = arith.divf %add3A_503, %add3A_515 : vector<16xf32>
        %swap3A_517 = arith.index_cast %add3A_393 : i32 to index
        %swap3A_518 = arith.constant 48 : index
        %swap3A_519 = tpu.vector_load %arg16[%swap3A_517, %swap3A_518] {strides = array<i32>} : memref<40x128xf32, #tpu.memory_space<vmem>>, vector<1x16xf32>,
        %swap3A_520 = vector.shape_cast %swap3A_519 : vector<1x16xf32> to vector<16xf32>
        %swap3A_521 = vector.shape_cast %div3A_516 : vector<16xf32> to vector<1x16xf32>
        tpu.vector_store %arg16[%swap3A_517, %swap3A_518], %swap3A_521 {strides = array<i32>} : memref<40x128xf32, #tpu.memory_space<vmem>>, vector<1x16xf32>,
        %get3A_522 = arith.index_cast %add3A_393 : i32 to index
        %get3A_523 = arith.constant 64 : index
        %get3A_524 = tpu.vector_load %arg16[%get3A_522, %get3A_523] {strides = array<i32>} : memref<40x128xf32, #tpu.memory_space<vmem>>, vector<1x16xf32>,
        %get3A_525 = vector.shape_cast %get3A_524 : vector<1x16xf32> to vector<16xf32>
        %get3A_526 = arith.index_cast %add3A_393 : i32 to index
        %get3A_527 = arith.constant 64 : index
        %get3A_528 = tpu.vector_load %arg17[%get3A_526, %get3A_527] {strides = array<i32>} : memref<40x128xf32, #tpu.memory_space<vmem>>, vector<1x16xf32>,
        %get3A_529 = vector.shape_cast %get3A_528 : vector<1x16xf32> to vector<16xf32>
        %add3A_530 = arith.addf %get3A_525, %get3A_529 : vector<16xf32>
        %get3A_531 = arith.index_cast %add3A_393 : i32 to index
        %get3A_532 = arith.constant 64 : index
        %get3A_533 = tpu.vector_load %arg18[%get3A_531, %get3A_532] {strides = array<i32>} : memref<40x128xf32, #tpu.memory_space<vmem>>, vector<1x16xf32>,
        %get3A_534 = vector.shape_cast %get3A_533 : vector<1x16xf32> to vector<16xf32>
        %add3A_535 = arith.addf %add3A_530, %get3A_534 : vector<16xf32>
        %mul3A_536 = arith.mulf %add3A_535, %add3A_535 : vector<16xf32>
        %mul3A_537 = arith.constant 0.0713548139 : f32
        %mul3A_538 = vector.broadcast %mul3A_537 : f32 to vector<16xf32>
        %mul3A_539 = arith.mulf %mul3A_538, %mul3A_536 : vector<16xf32>
        %sub3A_540 = arith.constant -1.59576917 : f32
        %sub3A_541 = vector.broadcast %sub3A_540 : f32 to vector<16xf32>
        %sub3A_542 = arith.subf %sub3A_541, %mul3A_539 : vector<16xf32>
        %mul3A_543 = arith.mulf %add3A_535, %sub3A_542 : vector<16xf32>
        %exp3A_544 = math.exp %mul3A_543 : vector<16xf32>
        %add3A_545 = arith.constant 1.000000e+00 : f32
        %add3A_546 = vector.broadcast %add3A_545 : f32 to vector<16xf32>
        %add3A_547 = arith.addf %add3A_546, %exp3A_544 : vector<16xf32>
        %div3A_548 = arith.divf %add3A_535, %add3A_547 : vector<16xf32>
        %swap3A_549 = arith.index_cast %add3A_393 : i32 to index
        %swap3A_550 = arith.constant 64 : index
        %swap3A_551 = tpu.vector_load %arg16[%swap3A_549, %swap3A_550] {strides = array<i32>} : memref<40x128xf32, #tpu.memory_space<vmem>>, vector<1x16xf32>,
        %swap3A_552 = vector.shape_cast %swap3A_551 : vector<1x16xf32> to vector<16xf32>
        %swap3A_553 = vector.shape_cast %div3A_548 : vector<16xf32> to vector<1x16xf32>
        tpu.vector_store %arg16[%swap3A_549, %swap3A_550], %swap3A_553 {strides = array<i32>} : memref<40x128xf32, #tpu.memory_space<vmem>>, vector<1x16xf32>,
        %get3A_554 = arith.index_cast %add3A_393 : i32 to index
        %get3A_555 = arith.constant 80 : index
        %get3A_556 = tpu.vector_load %arg16[%get3A_554, %get3A_555] {strides = array<i32>} : memref<40x128xf32, #tpu.memory_space<vmem>>, vector<1x16xf32>,
        %get3A_557 = vector.shape_cast %get3A_556 : vector<1x16xf32> to vector<16xf32>
        %get3A_558 = arith.index_cast %add3A_393 : i32 to index
        %get3A_559 = arith.constant 80 : index
        %get3A_560 = tpu.vector_load %arg17[%get3A_558, %get3A_559] {strides = array<i32>} : memref<40x128xf32, #tpu.memory_space<vmem>>, vector<1x16xf32>,
        %get3A_561 = vector.shape_cast %get3A_560 : vector<1x16xf32> to vector<16xf32>
        %add3A_562 = arith.addf %get3A_557, %get3A_561 : vector<16xf32>
        %get3A_563 = arith.index_cast %add3A_393 : i32 to index
        %get3A_564 = arith.constant 80 : index
        %get3A_565 = tpu.vector_load %arg18[%get3A_563, %get3A_564] {strides = array<i32>} : memref<40x128xf32, #tpu.memory_space<vmem>>, vector<1x16xf32>,
        %get3A_566 = vector.shape_cast %get3A_565 : vector<1x16xf32> to vector<16xf32>
        %add3A_567 = arith.addf %add3A_562, %get3A_566 : vector<16xf32>
        %mul3A_568 = arith.mulf %add3A_567, %add3A_567 : vector<16xf32>
        %mul3A_569 = arith.constant 0.0713548139 : f32
        %mul3A_570 = vector.broadcast %mul3A_569 : f32 to vector<16xf32>
        %mul3A_571 = arith.mulf %mul3A_570, %mul3A_568 : vector<16xf32>
        %sub3A_572 = arith.constant -1.59576917 : f32
        %sub3A_573 = vector.broadcast %sub3A_572 : f32 to vector<16xf32>
        %sub3A_574 = arith.subf %sub3A_573, %mul3A_571 : vector<16xf32>
        %mul3A_575 = arith.mulf %add3A_567, %sub3A_574 : vector<16xf32>
        %exp3A_576 = math.exp %mul3A_575 : vector<16xf32>
        %add3A_577 = arith.constant 1.000000e+00 : f32
        %add3A_578 = vector.broadcast %add3A_577 : f32 to vector<16xf32>
        %add3A_579 = arith.addf %add3A_578, %exp3A_576 : vector<16xf32>
        %div3A_580 = arith.divf %add3A_567, %add3A_579 : vector<16xf32>
        %swap3A_581 = arith.index_cast %add3A_393 : i32 to index
        %swap3A_582 = arith.constant 80 : index
        %swap3A_583 = tpu.vector_load %arg16[%swap3A_581, %swap3A_582] {strides = array<i32>} : memref<40x128xf32, #tpu.memory_space<vmem>>, vector<1x16xf32>,
        %swap3A_584 = vector.shape_cast %swap3A_583 : vector<1x16xf32> to vector<16xf32>
        %swap3A_585 = vector.shape_cast %div3A_580 : vector<16xf32> to vector<1x16xf32>
        tpu.vector_store %arg16[%swap3A_581, %swap3A_582], %swap3A_585 {strides = array<i32>} : memref<40x128xf32, #tpu.memory_space<vmem>>, vector<1x16xf32>,
        %get3A_586 = arith.index_cast %add3A_393 : i32 to index
        %get3A_587 = arith.constant 96 : index
        %get3A_588 = tpu.vector_load %arg16[%get3A_586, %get3A_587] {strides = array<i32>} : memref<40x128xf32, #tpu.memory_space<vmem>>, vector<1x16xf32>,
        %get3A_589 = vector.shape_cast %get3A_588 : vector<1x16xf32> to vector<16xf32>
        %get3A_590 = arith.index_cast %add3A_393 : i32 to index
        %get3A_591 = arith.constant 96 : index
        %get3A_592 = tpu.vector_load %arg17[%get3A_590, %get3A_591] {strides = array<i32>} : memref<40x128xf32, #tpu.memory_space<vmem>>, vector<1x16xf32>,
        %get3A_593 = vector.shape_cast %get3A_592 : vector<1x16xf32> to vector<16xf32>
        %add3A_594 = arith.addf %get3A_589, %get3A_593 : vector<16xf32>
        %get3A_595 = arith.index_cast %add3A_393 : i32 to index
        %get3A_596 = arith.constant 96 : index
        %get3A_597 = tpu.vector_load %arg18[%get3A_595, %get3A_596] {strides = array<i32>} : memref<40x128xf32, #tpu.memory_space<vmem>>, vector<1x16xf32>,
        %get3A_598 = vector.shape_cast %get3A_597 : vector<1x16xf32> to vector<16xf32>
        %add3A_599 = arith.addf %add3A_594, %get3A_598 : vector<16xf32>
        %mul3A_600 = arith.mulf %add3A_599, %add3A_599 : vector<16xf32>
        %mul3A_601 = arith.constant 0.0713548139 : f32
        %mul3A_602 = vector.broadcast %mul3A_601 : f32 to vector<16xf32>
        %mul3A_603 = arith.mulf %mul3A_602, %mul3A_600 : vector<16xf32>
        %sub3A_604 = arith.constant -1.59576917 : f32
        %sub3A_605 = vector.broadcast %sub3A_604 : f32 to vector<16xf32>
        %sub3A_606 = arith.subf %sub3A_605, %mul3A_603 : vector<16xf32>
        %mul3A_607 = arith.mulf %add3A_599, %sub3A_606 : vector<16xf32>
        %exp3A_608 = math.exp %mul3A_607 : vector<16xf32>
        %add3A_609 = arith.constant 1.000000e+00 : f32
        %add3A_610 = vector.broadcast %add3A_609 : f32 to vector<16xf32>
        %add3A_611 = arith.addf %add3A_610, %exp3A_608 : vector<16xf32>
        %div3A_612 = arith.divf %add3A_599, %add3A_611 : vector<16xf32>
        %swap3A_613 = arith.index_cast %add3A_393 : i32 to index
        %swap3A_614 = arith.constant 96 : index
        %swap3A_615 = tpu.vector_load %arg16[%swap3A_613, %swap3A_614] {strides = array<i32>} : memref<40x128xf32, #tpu.memory_space<vmem>>, vector<1x16xf32>,
        %swap3A_616 = vector.shape_cast %swap3A_615 : vector<1x16xf32> to vector<16xf32>
        %swap3A_617 = vector.shape_cast %div3A_612 : vector<16xf32> to vector<1x16xf32>
        tpu.vector_store %arg16[%swap3A_613, %swap3A_614], %swap3A_617 {strides = array<i32>} : memref<40x128xf32, #tpu.memory_space<vmem>>, vector<1x16xf32>,
        %get3A_618 = arith.index_cast %add3A_393 : i32 to index
        %get3A_619 = arith.constant 112 : index
        %get3A_620 = tpu.vector_load %arg16[%get3A_618, %get3A_619] {strides = array<i32>} : memref<40x128xf32, #tpu.memory_space<vmem>>, vector<1x16xf32>,
        %get3A_621 = vector.shape_cast %get3A_620 : vector<1x16xf32> to vector<16xf32>
        %get3A_622 = arith.index_cast %add3A_393 : i32 to index
        %get3A_623 = arith.constant 112 : index
        %get3A_624 = tpu.vector_load %arg17[%get3A_622, %get3A_623] {strides = array<i32>} : memref<40x128xf32, #tpu.memory_space<vmem>>, vector<1x16xf32>,
        %get3A_625 = vector.shape_cast %get3A_624 : vector<1x16xf32> to vector<16xf32>
        %add3A_626 = arith.addf %get3A_621, %get3A_625 : vector<16xf32>
        %get3A_627 = arith.index_cast %add3A_393 : i32 to index
        %get3A_628 = arith.constant 112 : index
        %get3A_629 = tpu.vector_load %arg18[%get3A_627, %get3A_628] {strides = array<i32>} : memref<40x128xf32, #tpu.memory_space<vmem>>, vector<1x16xf32>,
        %get3A_630 = vector.shape_cast %get3A_629 : vector<1x16xf32> to vector<16xf32>
        %add3A_631 = arith.addf %add3A_626, %get3A_630 : vector<16xf32>
        %mul3A_632 = arith.mulf %add3A_631, %add3A_631 : vector<16xf32>
        %mul3A_633 = arith.constant 0.0713548139 : f32
        %mul3A_634 = vector.broadcast %mul3A_633 : f32 to vector<16xf32>
        %mul3A_635 = arith.mulf %mul3A_634, %mul3A_632 : vector<16xf32>
        %sub3A_636 = arith.constant -1.59576917 : f32
        %sub3A_637 = vector.broadcast %sub3A_636 : f32 to vector<16xf32>
        %sub3A_638 = arith.subf %sub3A_637, %mul3A_635 : vector<16xf32>
        %mul3A_639 = arith.mulf %add3A_631, %sub3A_638 : vector<16xf32>
        %exp3A_640 = math.exp %mul3A_639 : vector<16xf32>
        %add3A_641 = arith.constant 1.000000e+00 : f32
        %add3A_642 = vector.broadcast %add3A_641 : f32 to vector<16xf32>
        %add3A_643 = arith.addf %add3A_642, %exp3A_640 : vector<16xf32>
        %div3A_644 = arith.divf %add3A_631, %add3A_643 : vector<16xf32>
        %swap3A_645 = arith.index_cast %add3A_393 : i32 to index
        %swap3A_646 = arith.constant 112 : index
        %swap3A_647 = tpu.vector_load %arg16[%swap3A_645, %swap3A_646] {strides = array<i32>} : memref<40x128xf32, #tpu.memory_space<vmem>>, vector<1x16xf32>,
        %swap3A_648 = vector.shape_cast %swap3A_647 : vector<1x16xf32> to vector<16xf32>
        %swap3A_649 = vector.shape_cast %div3A_644 : vector<16xf32> to vector<1x16xf32>
        tpu.vector_store %arg16[%swap3A_645, %swap3A_646], %swap3A_649 {strides = array<i32>} : memref<40x128xf32, #tpu.memory_space<vmem>>, vector<1x16xf32>,
        %mul3A_650 = arith.constant 4 : i32
        %mul3A_651 = arith.muli %scan3A_134, %mul3A_650 : i32
        %add3A_652 = arith.constant 2 : i32
        %add3A_653 = arith.addi %mul3A_651, %add3A_652 : i32
        %get3A_654 = arith.index_cast %add3A_653 : i32 to index
        %get3A_655 = arith.constant 0 : index
        %get3A_656 = tpu.vector_load %arg16[%get3A_654, %get3A_655] {strides = array<i32>} : memref<40x128xf32, #tpu.memory_space<vmem>>, vector<1x16xf32>,
        %get3A_657 = vector.shape_cast %get3A_656 : vector<1x16xf32> to vector<16xf32>
        %get3A_658 = arith.index_cast %add3A_653 : i32 to index
        %get3A_659 = arith.constant 0 : index
        %get3A_660 = tpu.vector_load %arg17[%get3A_658, %get3A_659] {strides = array<i32>} : memref<40x128xf32, #tpu.memory_space<vmem>>, vector<1x16xf32>,
        %get3A_661 = vector.shape_cast %get3A_660 : vector<1x16xf32> to vector<16xf32>
        %add3A_662 = arith.addf %get3A_657, %get3A_661 : vector<16xf32>
        %get3A_663 = arith.index_cast %add3A_653 : i32 to index
        %get3A_664 = arith.constant 0 : index
        %get3A_665 = tpu.vector_load %arg18[%get3A_663, %get3A_664] {strides = array<i32>} : memref<40x128xf32, #tpu.memory_space<vmem>>, vector<1x16xf32>,
        %get3A_666 = vector.shape_cast %get3A_665 : vector<1x16xf32> to vector<16xf32>
        %add3A_667 = arith.addf %add3A_662, %get3A_666 : vector<16xf32>
        %mul3A_668 = arith.mulf %add3A_667, %add3A_667 : vector<16xf32>
        %mul3A_669 = arith.constant 0.0713548139 : f32
        %mul3A_670 = vector.broadcast %mul3A_669 : f32 to vector<16xf32>
        %mul3A_671 = arith.mulf %mul3A_670, %mul3A_668 : vector<16xf32>
        %sub3A_672 = arith.constant -1.59576917 : f32
        %sub3A_673 = vector.broadcast %sub3A_672 : f32 to vector<16xf32>
        %sub3A_674 = arith.subf %sub3A_673, %mul3A_671 : vector<16xf32>
        %mul3A_675 = arith.mulf %add3A_667, %sub3A_674 : vector<16xf32>
        %exp3A_676 = math.exp %mul3A_675 : vector<16xf32>
        %add3A_677 = arith.constant 1.000000e+00 : f32
        %add3A_678 = vector.broadcast %add3A_677 : f32 to vector<16xf32>
        %add3A_679 = arith.addf %add3A_678, %exp3A_676 : vector<16xf32>
        %div3A_680 = arith.divf %add3A_667, %add3A_679 : vector<16xf32>
        %swap3A_681 = arith.index_cast %add3A_653 : i32 to index
        %swap3A_682 = arith.constant 0 : index
        %swap3A_683 = tpu.vector_load %arg16[%swap3A_681, %swap3A_682] {strides = array<i32>} : memref<40x128xf32, #tpu.memory_space<vmem>>, vector<1x16xf32>,
        %swap3A_684 = vector.shape_cast %swap3A_683 : vector<1x16xf32> to vector<16xf32>
        %swap3A_685 = vector.shape_cast %div3A_680 : vector<16xf32> to vector<1x16xf32>
        tpu.vector_store %arg16[%swap3A_681, %swap3A_682], %swap3A_685 {strides = array<i32>} : memref<40x128xf32, #tpu.memory_space<vmem>>, vector<1x16xf32>,
        %get3A_686 = arith.index_cast %add3A_653 : i32 to index
        %get3A_687 = arith.constant 16 : index
        %get3A_688 = tpu.vector_load %arg16[%get3A_686, %get3A_687] {strides = array<i32>} : memref<40x128xf32, #tpu.memory_space<vmem>>, vector<1x16xf32>,
        %get3A_689 = vector.shape_cast %get3A_688 : vector<1x16xf32> to vector<16xf32>
        %get3A_690 = arith.index_cast %add3A_653 : i32 to index
        %get3A_691 = arith.constant 16 : index
        %get3A_692 = tpu.vector_load %arg17[%get3A_690, %get3A_691] {strides = array<i32>} : memref<40x128xf32, #tpu.memory_space<vmem>>, vector<1x16xf32>,
        %get3A_693 = vector.shape_cast %get3A_692 : vector<1x16xf32> to vector<16xf32>
        %add3A_694 = arith.addf %get3A_689, %get3A_693 : vector<16xf32>
        %get3A_695 = arith.index_cast %add3A_653 : i32 to index
        %get3A_696 = arith.constant 16 : index
        %get3A_697 = tpu.vector_load %arg18[%get3A_695, %get3A_696] {strides = array<i32>} : memref<40x128xf32, #tpu.memory_space<vmem>>, vector<1x16xf32>,
        %get3A_698 = vector.shape_cast %get3A_697 : vector<1x16xf32> to vector<16xf32>
        %add3A_699 = arith.addf %add3A_694, %get3A_698 : vector<16xf32>
        %mul3A_700 = arith.mulf %add3A_699, %add3A_699 : vector<16xf32>
        %mul3A_701 = arith.constant 0.0713548139 : f32
        %mul3A_702 = vector.broadcast %mul3A_701 : f32 to vector<16xf32>
        %mul3A_703 = arith.mulf %mul3A_702, %mul3A_700 : vector<16xf32>
        %sub3A_704 = arith.constant -1.59576917 : f32
        %sub3A_705 = vector.broadcast %sub3A_704 : f32 to vector<16xf32>
        %sub3A_706 = arith.subf %sub3A_705, %mul3A_703 : vector<16xf32>
        %mul3A_707 = arith.mulf %add3A_699, %sub3A_706 : vector<16xf32>
        %exp3A_708 = math.exp %mul3A_707 : vector<16xf32>
        %add3A_709 = arith.constant 1.000000e+00 : f32
        %add3A_710 = vector.broadcast %add3A_709 : f32 to vector<16xf32>
        %add3A_711 = arith.addf %add3A_710, %exp3A_708 : vector<16xf32>
        %div3A_712 = arith.divf %add3A_699, %add3A_711 : vector<16xf32>
        %swap3A_713 = arith.index_cast %add3A_653 : i32 to index
        %swap3A_714 = arith.constant 16 : index
        %swap3A_715 = tpu.vector_load %arg16[%swap3A_713, %swap3A_714] {strides = array<i32>} : memref<40x128xf32, #tpu.memory_space<vmem>>, vector<1x16xf32>,
        %swap3A_716 = vector.shape_cast %swap3A_715 : vector<1x16xf32> to vector<16xf32>
        %swap3A_717 = vector.shape_cast %div3A_712 : vector<16xf32> to vector<1x16xf32>
        tpu.vector_store %arg16[%swap3A_713, %swap3A_714], %swap3A_717 {strides = array<i32>} : memref<40x128xf32, #tpu.memory_space<vmem>>, vector<1x16xf32>,
        %get3A_718 = arith.index_cast %add3A_653 : i32 to index
        %get3A_719 = arith.constant 32 : index
        %get3A_720 = tpu.vector_load %arg16[%get3A_718, %get3A_719] {strides = array<i32>} : memref<40x128xf32, #tpu.memory_space<vmem>>, vector<1x16xf32>,
        %get3A_721 = vector.shape_cast %get3A_720 : vector<1x16xf32> to vector<16xf32>
        %get3A_722 = arith.index_cast %add3A_653 : i32 to index
        %get3A_723 = arith.constant 32 : index
        %get3A_724 = tpu.vector_load %arg17[%get3A_722, %get3A_723] {strides = array<i32>} : memref<40x128xf32, #tpu.memory_space<vmem>>, vector<1x16xf32>,
        %get3A_725 = vector.shape_cast %get3A_724 : vector<1x16xf32> to vector<16xf32>
        %add3A_726 = arith.addf %get3A_721, %get3A_725 : vector<16xf32>
        %get3A_727 = arith.index_cast %add3A_653 : i32 to index
        %get3A_728 = arith.constant 32 : index
        %get3A_729 = tpu.vector_load %arg18[%get3A_727, %get3A_728] {strides = array<i32>} : memref<40x128xf32, #tpu.memory_space<vmem>>, vector<1x16xf32>,
        %get3A_730 = vector.shape_cast %get3A_729 : vector<1x16xf32> to vector<16xf32>
        %add3A_731 = arith.addf %add3A_726, %get3A_730 : vector<16xf32>
        %mul3A_732 = arith.mulf %add3A_731, %add3A_731 : vector<16xf32>
        %mul3A_733 = arith.constant 0.0713548139 : f32
        %mul3A_734 = vector.broadcast %mul3A_733 : f32 to vector<16xf32>
        %mul3A_735 = arith.mulf %mul3A_734, %mul3A_732 : vector<16xf32>
        %sub3A_736 = arith.constant -1.59576917 : f32
        %sub3A_737 = vector.broadcast %sub3A_736 : f32 to vector<16xf32>
        %sub3A_738 = arith.subf %sub3A_737, %mul3A_735 : vector<16xf32>
        %mul3A_739 = arith.mulf %add3A_731, %sub3A_738 : vector<16xf32>
        %exp3A_740 = math.exp %mul3A_739 : vector<16xf32>
        %add3A_741 = arith.constant 1.000000e+00 : f32
        %add3A_742 = vector.broadcast %add3A_741 : f32 to vector<16xf32>
        %add3A_743 = arith.addf %add3A_742, %exp3A_740 : vector<16xf32>
        %div3A_744 = arith.divf %add3A_731, %add3A_743 : vector<16xf32>
        %swap3A_745 = arith.index_cast %add3A_653 : i32 to index
        %swap3A_746 = arith.constant 32 : index
        %swap3A_747 = tpu.vector_load %arg16[%swap3A_745, %swap3A_746] {strides = array<i32>} : memref<40x128xf32, #tpu.memory_space<vmem>>, vector<1x16xf32>,
        %swap3A_748 = vector.shape_cast %swap3A_747 : vector<1x16xf32> to vector<16xf32>
        %swap3A_749 = vector.shape_cast %div3A_744 : vector<16xf32> to vector<1x16xf32>
        tpu.vector_store %arg16[%swap3A_745, %swap3A_746], %swap3A_749 {strides = array<i32>} : memref<40x128xf32, #tpu.memory_space<vmem>>, vector<1x16xf32>,
        %get3A_750 = arith.index_cast %add3A_653 : i32 to index
        %get3A_751 = arith.constant 48 : index
        %get3A_752 = tpu.vector_load %arg16[%get3A_750, %get3A_751] {strides = array<i32>} : memref<40x128xf32, #tpu.memory_space<vmem>>, vector<1x16xf32>,
        %get3A_753 = vector.shape_cast %get3A_752 : vector<1x16xf32> to vector<16xf32>
        %get3A_754 = arith.index_cast %add3A_653 : i32 to index
        %get3A_755 = arith.constant 48 : index
        %get3A_756 = tpu.vector_load %arg17[%get3A_754, %get3A_755] {strides = array<i32>} : memref<40x128xf32, #tpu.memory_space<vmem>>, vector<1x16xf32>,
        %get3A_757 = vector.shape_cast %get3A_756 : vector<1x16xf32> to vector<16xf32>
        %add3A_758 = arith.addf %get3A_753, %get3A_757 : vector<16xf32>
        %get3A_759 = arith.index_cast %add3A_653 : i32 to index
        %get3A_760 = arith.constant 48 : index
        %get3A_761 = tpu.vector_load %arg18[%get3A_759, %get3A_760] {strides = array<i32>} : memref<40x128xf32, #tpu.memory_space<vmem>>, vector<1x16xf32>,
        %get3A_762 = vector.shape_cast %get3A_761 : vector<1x16xf32> to vector<16xf32>
        %add3A_763 = arith.addf %add3A_758, %get3A_762 : vector<16xf32>
        %mul3A_764 = arith.mulf %add3A_763, %add3A_763 : vector<16xf32>
        %mul3A_765 = arith.constant 0.0713548139 : f32
        %mul3A_766 = vector.broadcast %mul3A_765 : f32 to vector<16xf32>
        %mul3A_767 = arith.mulf %mul3A_766, %mul3A_764 : vector<16xf32>
        %sub3A_768 = arith.constant -1.59576917 : f32
        %sub3A_769 = vector.broadcast %sub3A_768 : f32 to vector<16xf32>
        %sub3A_770 = arith.subf %sub3A_769, %mul3A_767 : vector<16xf32>
        %mul3A_771 = arith.mulf %add3A_763, %sub3A_770 : vector<16xf32>
        %exp3A_772 = math.exp %mul3A_771 : vector<16xf32>
        %add3A_773 = arith.constant 1.000000e+00 : f32
        %add3A_774 = vector.broadcast %add3A_773 : f32 to vector<16xf32>
        %add3A_775 = arith.addf %add3A_774, %exp3A_772 : vector<16xf32>
        %div3A_776 = arith.divf %add3A_763, %add3A_775 : vector<16xf32>
        %swap3A_777 = arith.index_cast %add3A_653 : i32 to index
        %swap3A_778 = arith.constant 48 : index
        %swap3A_779 = tpu.vector_load %arg16[%swap3A_777, %swap3A_778] {strides = array<i32>} : memref<40x128xf32, #tpu.memory_space<vmem>>, vector<1x16xf32>,
        %swap3A_780 = vector.shape_cast %swap3A_779 : vector<1x16xf32> to vector<16xf32>
        %swap3A_781 = vector.shape_cast %div3A_776 : vector<16xf32> to vector<1x16xf32>
        tpu.vector_store %arg16[%swap3A_777, %swap3A_778], %swap3A_781 {strides = array<i32>} : memref<40x128xf32, #tpu.memory_space<vmem>>, vector<1x16xf32>,
        %get3A_782 = arith.index_cast %add3A_653 : i32 to index
        %get3A_783 = arith.constant 64 : index
        %get3A_784 = tpu.vector_load %arg16[%get3A_782, %get3A_783] {strides = array<i32>} : memref<40x128xf32, #tpu.memory_space<vmem>>, vector<1x16xf32>,
        %get3A_785 = vector.shape_cast %get3A_784 : vector<1x16xf32> to vector<16xf32>
        %get3A_786 = arith.index_cast %add3A_653 : i32 to index
        %get3A_787 = arith.constant 64 : index
        %get3A_788 = tpu.vector_load %arg17[%get3A_786, %get3A_787] {strides = array<i32>} : memref<40x128xf32, #tpu.memory_space<vmem>>, vector<1x16xf32>,
        %get3A_789 = vector.shape_cast %get3A_788 : vector<1x16xf32> to vector<16xf32>
        %add3A_790 = arith.addf %get3A_785, %get3A_789 : vector<16xf32>
        %get3A_791 = arith.index_cast %add3A_653 : i32 to index
        %get3A_792 = arith.constant 64 : index
        %get3A_793 = tpu.vector_load %arg18[%get3A_791, %get3A_792] {strides = array<i32>} : memref<40x128xf32, #tpu.memory_space<vmem>>, vector<1x16xf32>,
        %get3A_794 = vector.shape_cast %get3A_793 : vector<1x16xf32> to vector<16xf32>
        %add3A_795 = arith.addf %add3A_790, %get3A_794 : vector<16xf32>
        %mul3A_796 = arith.mulf %add3A_795, %add3A_795 : vector<16xf32>
        %mul3A_797 = arith.constant 0.0713548139 : f32
        %mul3A_798 = vector.broadcast %mul3A_797 : f32 to vector<16xf32>
        %mul3A_799 = arith.mulf %mul3A_798, %mul3A_796 : vector<16xf32>
        %sub3A_800 = arith.constant -1.59576917 : f32
        %sub3A_801 = vector.broadcast %sub3A_800 : f32 to vector<16xf32>
        %sub3A_802 = arith.subf %sub3A_801, %mul3A_799 : vector<16xf32>
        %mul3A_803 = arith.mulf %add3A_795, %sub3A_802 : vector<16xf32>
        %exp3A_804 = math.exp %mul3A_803 : vector<16xf32>
        %add3A_805 = arith.constant 1.000000e+00 : f32
        %add3A_806 = vector.broadcast %add3A_805 : f32 to vector<16xf32>
        %add3A_807 = arith.addf %add3A_806, %exp3A_804 : vector<16xf32>
        %div3A_808 = arith.divf %add3A_795, %add3A_807 : vector<16xf32>
        %swap3A_809 = arith.index_cast %add3A_653 : i32 to index
        %swap3A_810 = arith.constant 64 : index
        %swap3A_811 = tpu.vector_load %arg16[%swap3A_809, %swap3A_810] {strides = array<i32>} : memref<40x128xf32, #tpu.memory_space<vmem>>, vector<1x16xf32>,
        %swap3A_812 = vector.shape_cast %swap3A_811 : vector<1x16xf32> to vector<16xf32>
        %swap3A_813 = vector.shape_cast %div3A_808 : vector<16xf32> to vector<1x16xf32>
        tpu.vector_store %arg16[%swap3A_809, %swap3A_810], %swap3A_813 {strides = array<i32>} : memref<40x128xf32, #tpu.memory_space<vmem>>, vector<1x16xf32>,
        %get3A_814 = arith.index_cast %add3A_653 : i32 to index
        %get3A_815 = arith.constant 80 : index
        %get3A_816 = tpu.vector_load %arg16[%get3A_814, %get3A_815] {strides = array<i32>} : memref<40x128xf32, #tpu.memory_space<vmem>>, vector<1x16xf32>,
        %get3A_817 = vector.shape_cast %get3A_816 : vector<1x16xf32> to vector<16xf32>
        %get3A_818 = arith.index_cast %add3A_653 : i32 to index
        %get3A_819 = arith.constant 80 : index
        %get3A_820 = tpu.vector_load %arg17[%get3A_818, %get3A_819] {strides = array<i32>} : memref<40x128xf32, #tpu.memory_space<vmem>>, vector<1x16xf32>,
        %get3A_821 = vector.shape_cast %get3A_820 : vector<1x16xf32> to vector<16xf32>
        %add3A_822 = arith.addf %get3A_817, %get3A_821 : vector<16xf32>
        %get3A_823 = arith.index_cast %add3A_653 : i32 to index
        %get3A_824 = arith.constant 80 : index
        %get3A_825 = tpu.vector_load %arg18[%get3A_823, %get3A_824] {strides = array<i32>} : memref<40x128xf32, #tpu.memory_space<vmem>>, vector<1x16xf32>,
        %get3A_826 = vector.shape_cast %get3A_825 : vector<1x16xf32> to vector<16xf32>
        %add3A_827 = arith.addf %add3A_822, %get3A_826 : vector<16xf32>
        %mul3A_828 = arith.mulf %add3A_827, %add3A_827 : vector<16xf32>
        %mul3A_829 = arith.constant 0.0713548139 : f32
        %mul3A_830 = vector.broadcast %mul3A_829 : f32 to vector<16xf32>
        %mul3A_831 = arith.mulf %mul3A_830, %mul3A_828 : vector<16xf32>
        %sub3A_832 = arith.constant -1.59576917 : f32
        %sub3A_833 = vector.broadcast %sub3A_832 : f32 to vector<16xf32>
        %sub3A_834 = arith.subf %sub3A_833, %mul3A_831 : vector<16xf32>
        %mul3A_835 = arith.mulf %add3A_827, %sub3A_834 : vector<16xf32>
        %exp3A_836 = math.exp %mul3A_835 : vector<16xf32>
        %add3A_837 = arith.constant 1.000000e+00 : f32
        %add3A_838 = vector.broadcast %add3A_837 : f32 to vector<16xf32>
        %add3A_839 = arith.addf %add3A_838, %exp3A_836 : vector<16xf32>
        %div3A_840 = arith.divf %add3A_827, %add3A_839 : vector<16xf32>
        %swap3A_841 = arith.index_cast %add3A_653 : i32 to index
        %swap3A_842 = arith.constant 80 : index
        %swap3A_843 = tpu.vector_load %arg16[%swap3A_841, %swap3A_842] {strides = array<i32>} : memref<40x128xf32, #tpu.memory_space<vmem>>, vector<1x16xf32>,
        %swap3A_844 = vector.shape_cast %swap3A_843 : vector<1x16xf32> to vector<16xf32>
        %swap3A_845 = vector.shape_cast %div3A_840 : vector<16xf32> to vector<1x16xf32>
        tpu.vector_store %arg16[%swap3A_841, %swap3A_842], %swap3A_845 {strides = array<i32>} : memref<40x128xf32, #tpu.memory_space<vmem>>, vector<1x16xf32>,
        %get3A_846 = arith.index_cast %add3A_653 : i32 to index
        %get3A_847 = arith.constant 96 : index
        %get3A_848 = tpu.vector_load %arg16[%get3A_846, %get3A_847] {strides = array<i32>} : memref<40x128xf32, #tpu.memory_space<vmem>>, vector<1x16xf32>,
        %get3A_849 = vector.shape_cast %get3A_848 : vector<1x16xf32> to vector<16xf32>
        %get3A_850 = arith.index_cast %add3A_653 : i32 to index
        %get3A_851 = arith.constant 96 : index
        %get3A_852 = tpu.vector_load %arg17[%get3A_850, %get3A_851] {strides = array<i32>} : memref<40x128xf32, #tpu.memory_space<vmem>>, vector<1x16xf32>,
        %get3A_853 = vector.shape_cast %get3A_852 : vector<1x16xf32> to vector<16xf32>
        %add3A_854 = arith.addf %get3A_849, %get3A_853 : vector<16xf32>
        %get3A_855 = arith.index_cast %add3A_653 : i32 to index
        %get3A_856 = arith.constant 96 : index
        %get3A_857 = tpu.vector_load %arg18[%get3A_855, %get3A_856] {strides = array<i32>} : memref<40x128xf32, #tpu.memory_space<vmem>>, vector<1x16xf32>,
        %get3A_858 = vector.shape_cast %get3A_857 : vector<1x16xf32> to vector<16xf32>
        %add3A_859 = arith.addf %add3A_854, %get3A_858 : vector<16xf32>
        %mul3A_860 = arith.mulf %add3A_859, %add3A_859 : vector<16xf32>
        %mul3A_861 = arith.constant 0.0713548139 : f32
        %mul3A_862 = vector.broadcast %mul3A_861 : f32 to vector<16xf32>
        %mul3A_863 = arith.mulf %mul3A_862, %mul3A_860 : vector<16xf32>
        %sub3A_864 = arith.constant -1.59576917 : f32
        %sub3A_865 = vector.broadcast %sub3A_864 : f32 to vector<16xf32>
        %sub3A_866 = arith.subf %sub3A_865, %mul3A_863 : vector<16xf32>
        %mul3A_867 = arith.mulf %add3A_859, %sub3A_866 : vector<16xf32>
        %exp3A_868 = math.exp %mul3A_867 : vector<16xf32>
        %add3A_869 = arith.constant 1.000000e+00 : f32
        %add3A_870 = vector.broadcast %add3A_869 : f32 to vector<16xf32>
        %add3A_871 = arith.addf %add3A_870, %exp3A_868 : vector<16xf32>
        %div3A_872 = arith.divf %add3A_859, %add3A_871 : vector<16xf32>
        %swap3A_873 = arith.index_cast %add3A_653 : i32 to index
        %swap3A_874 = arith.constant 96 : index
        %swap3A_875 = tpu.vector_load %arg16[%swap3A_873, %swap3A_874] {strides = array<i32>} : memref<40x128xf32, #tpu.memory_space<vmem>>, vector<1x16xf32>,
        %swap3A_876 = vector.shape_cast %swap3A_875 : vector<1x16xf32> to vector<16xf32>
        %swap3A_877 = vector.shape_cast %div3A_872 : vector<16xf32> to vector<1x16xf32>
        tpu.vector_store %arg16[%swap3A_873, %swap3A_874], %swap3A_877 {strides = array<i32>} : memref<40x128xf32, #tpu.memory_space<vmem>>, vector<1x16xf32>,
        %get3A_878 = arith.index_cast %add3A_653 : i32 to index
        %get3A_879 = arith.constant 112 : index
        %get3A_880 = tpu.vector_load %arg16[%get3A_878, %get3A_879] {strides = array<i32>} : memref<40x128xf32, #tpu.memory_space<vmem>>, vector<1x16xf32>,
        %get3A_881 = vector.shape_cast %get3A_880 : vector<1x16xf32> to vector<16xf32>
        %get3A_882 = arith.index_cast %add3A_653 : i32 to index
        %get3A_883 = arith.constant 112 : index
        %get3A_884 = tpu.vector_load %arg17[%get3A_882, %get3A_883] {strides = array<i32>} : memref<40x128xf32, #tpu.memory_space<vmem>>, vector<1x16xf32>,
        %get3A_885 = vector.shape_cast %get3A_884 : vector<1x16xf32> to vector<16xf32>
        %add3A_886 = arith.addf %get3A_881, %get3A_885 : vector<16xf32>
        %get3A_887 = arith.index_cast %add3A_653 : i32 to index
        %get3A_888 = arith.constant 112 : index
        %get3A_889 = tpu.vector_load %arg18[%get3A_887, %get3A_888] {strides = array<i32>} : memref<40x128xf32, #tpu.memory_space<vmem>>, vector<1x16xf32>,
        %get3A_890 = vector.shape_cast %get3A_889 : vector<1x16xf32> to vector<16xf32>
        %add3A_891 = arith.addf %add3A_886, %get3A_890 : vector<16xf32>
        %mul3A_892 = arith.mulf %add3A_891, %add3A_891 : vector<16xf32>
        %mul3A_893 = arith.constant 0.0713548139 : f32
        %mul3A_894 = vector.broadcast %mul3A_893 : f32 to vector<16xf32>
        %mul3A_895 = arith.mulf %mul3A_894, %mul3A_892 : vector<16xf32>
        %sub3A_896 = arith.constant -1.59576917 : f32
        %sub3A_897 = vector.broadcast %sub3A_896 : f32 to vector<16xf32>
        %sub3A_898 = arith.subf %sub3A_897, %mul3A_895 : vector<16xf32>
        %mul3A_899 = arith.mulf %add3A_891, %sub3A_898 : vector<16xf32>
        %exp3A_900 = math.exp %mul3A_899 : vector<16xf32>
        %add3A_901 = arith.constant 1.000000e+00 : f32
        %add3A_902 = vector.broadcast %add3A_901 : f32 to vector<16xf32>
        %add3A_903 = arith.addf %add3A_902, %exp3A_900 : vector<16xf32>
        %div3A_904 = arith.divf %add3A_891, %add3A_903 : vector<16xf32>
        %swap3A_905 = arith.index_cast %add3A_653 : i32 to index
        %swap3A_906 = arith.constant 112 : index
        %swap3A_907 = tpu.vector_load %arg16[%swap3A_905, %swap3A_906] {strides = array<i32>} : memref<40x128xf32, #tpu.memory_space<vmem>>, vector<1x16xf32>,
        %swap3A_908 = vector.shape_cast %swap3A_907 : vector<1x16xf32> to vector<16xf32>
        %swap3A_909 = vector.shape_cast %div3A_904 : vector<16xf32> to vector<1x16xf32>
        tpu.vector_store %arg16[%swap3A_905, %swap3A_906], %swap3A_909 {strides = array<i32>} : memref<40x128xf32, #tpu.memory_space<vmem>>, vector<1x16xf32>,
        %mul3A_910 = arith.constant 4 : i32
        %mul3A_911 = arith.muli %scan3A_134, %mul3A_910 : i32
        %add3A_912 = arith.constant 3 : i32
        %add3A_913 = arith.addi %mul3A_911, %add3A_912 : i32
        %get3A_914 = arith.index_cast %add3A_913 : i32 to index
        %get3A_915 = arith.constant 0 : index
        %get3A_916 = tpu.vector_load %arg16[%get3A_914, %get3A_915] {strides = array<i32>} : memref<40x128xf32, #tpu.memory_space<vmem>>, vector<1x16xf32>,
        %get3A_917 = vector.shape_cast %get3A_916 : vector<1x16xf32> to vector<16xf32>
        %get3A_918 = arith.index_cast %add3A_913 : i32 to index
        %get3A_919 = arith.constant 0 : index
        %get3A_920 = tpu.vector_load %arg17[%get3A_918, %get3A_919] {strides = array<i32>} : memref<40x128xf32, #tpu.memory_space<vmem>>, vector<1x16xf32>,
        %get3A_921 = vector.shape_cast %get3A_920 : vector<1x16xf32> to vector<16xf32>
        %add3A_922 = arith.addf %get3A_917, %get3A_921 : vector<16xf32>
        %get3A_923 = arith.index_cast %add3A_913 : i32 to index
        %get3A_924 = arith.constant 0 : index
        %get3A_925 = tpu.vector_load %arg18[%get3A_923, %get3A_924] {strides = array<i32>} : memref<40x128xf32, #tpu.memory_space<vmem>>, vector<1x16xf32>,
        %get3A_926 = vector.shape_cast %get3A_925 : vector<1x16xf32> to vector<16xf32>
        %add3A_927 = arith.addf %add3A_922, %get3A_926 : vector<16xf32>
        %mul3A_928 = arith.mulf %add3A_927, %add3A_927 : vector<16xf32>
        %mul3A_929 = arith.constant 0.0713548139 : f32
        %mul3A_930 = vector.broadcast %mul3A_929 : f32 to vector<16xf32>
        %mul3A_931 = arith.mulf %mul3A_930, %mul3A_928 : vector<16xf32>
        %sub3A_932 = arith.constant -1.59576917 : f32
        %sub3A_933 = vector.broadcast %sub3A_932 : f32 to vector<16xf32>
        %sub3A_934 = arith.subf %sub3A_933, %mul3A_931 : vector<16xf32>
        %mul3A_935 = arith.mulf %add3A_927, %sub3A_934 : vector<16xf32>
        %exp3A_936 = math.exp %mul3A_935 : vector<16xf32>
        %add3A_937 = arith.constant 1.000000e+00 : f32
        %add3A_938 = vector.broadcast %add3A_937 : f32 to vector<16xf32>
        %add3A_939 = arith.addf %add3A_938, %exp3A_936 : vector<16xf32>
        %div3A_940 = arith.divf %add3A_927, %add3A_939 : vector<16xf32>
        %swap3A_941 = arith.index_cast %add3A_913 : i32 to index
        %swap3A_942 = arith.constant 0 : index
        %swap3A_943 = tpu.vector_load %arg16[%swap3A_941, %swap3A_942] {strides = array<i32>} : memref<40x128xf32, #tpu.memory_space<vmem>>, vector<1x16xf32>,
        %swap3A_944 = vector.shape_cast %swap3A_943 : vector<1x16xf32> to vector<16xf32>
        %swap3A_945 = vector.shape_cast %div3A_940 : vector<16xf32> to vector<1x16xf32>
        tpu.vector_store %arg16[%swap3A_941, %swap3A_942], %swap3A_945 {strides = array<i32>} : memref<40x128xf32, #tpu.memory_space<vmem>>, vector<1x16xf32>,
        %get3A_946 = arith.index_cast %add3A_913 : i32 to index
        %get3A_947 = arith.constant 16 : index
        %get3A_948 = tpu.vector_load %arg16[%get3A_946, %get3A_947] {strides = array<i32>} : memref<40x128xf32, #tpu.memory_space<vmem>>, vector<1x16xf32>,
        %get3A_949 = vector.shape_cast %get3A_948 : vector<1x16xf32> to vector<16xf32>
        %get3A_950 = arith.index_cast %add3A_913 : i32 to index
        %get3A_951 = arith.constant 16 : index
        %get3A_952 = tpu.vector_load %arg17[%get3A_950, %get3A_951] {strides = array<i32>} : memref<40x128xf32, #tpu.memory_space<vmem>>, vector<1x16xf32>,
        %get3A_953 = vector.shape_cast %get3A_952 : vector<1x16xf32> to vector<16xf32>
        %add3A_954 = arith.addf %get3A_949, %get3A_953 : vector<16xf32>
        %get3A_955 = arith.index_cast %add3A_913 : i32 to index
        %get3A_956 = arith.constant 16 : index
        %get3A_957 = tpu.vector_load %arg18[%get3A_955, %get3A_956] {strides = array<i32>} : memref<40x128xf32, #tpu.memory_space<vmem>>, vector<1x16xf32>,
        %get3A_958 = vector.shape_cast %get3A_957 : vector<1x16xf32> to vector<16xf32>
        %add3A_959 = arith.addf %add3A_954, %get3A_958 : vector<16xf32>
        %mul3A_960 = arith.mulf %add3A_959, %add3A_959 : vector<16xf32>
        %mul3A_961 = arith.constant 0.0713548139 : f32
        %mul3A_962 = vector.broadcast %mul3A_961 : f32 to vector<16xf32>
        %mul3A_963 = arith.mulf %mul3A_962, %mul3A_960 : vector<16xf32>
        %sub3A_964 = arith.constant -1.59576917 : f32
        %sub3A_965 = vector.broadcast %sub3A_964 : f32 to vector<16xf32>
        %sub3A_966 = arith.subf %sub3A_965, %mul3A_963 : vector<16xf32>
        %mul3A_967 = arith.mulf %add3A_959, %sub3A_966 : vector<16xf32>
        %exp3A_968 = math.exp %mul3A_967 : vector<16xf32>
        %add3A_969 = arith.constant 1.000000e+00 : f32
        %add3A_970 = vector.broadcast %add3A_969 : f32 to vector<16xf32>
        %add3A_971 = arith.addf %add3A_970, %exp3A_968 : vector<16xf32>
        %div3A_972 = arith.divf %add3A_959, %add3A_971 : vector<16xf32>
        %swap3A_973 = arith.index_cast %add3A_913 : i32 to index
        %swap3A_974 = arith.constant 16 : index
        %swap3A_975 = tpu.vector_load %arg16[%swap3A_973, %swap3A_974] {strides = array<i32>} : memref<40x128xf32, #tpu.memory_space<vmem>>, vector<1x16xf32>,
        %swap3A_976 = vector.shape_cast %swap3A_975 : vector<1x16xf32> to vector<16xf32>
        %swap3A_977 = vector.shape_cast %div3A_972 : vector<16xf32> to vector<1x16xf32>
        tpu.vector_store %arg16[%swap3A_973, %swap3A_974], %swap3A_977 {strides = array<i32>} : memref<40x128xf32, #tpu.memory_space<vmem>>, vector<1x16xf32>,
        %get3A_978 = arith.index_cast %add3A_913 : i32 to index
        %get3A_979 = arith.constant 32 : index
        %get3A_980 = tpu.vector_load %arg16[%get3A_978, %get3A_979] {strides = array<i32>} : memref<40x128xf32, #tpu.memory_space<vmem>>, vector<1x16xf32>,
        %get3A_981 = vector.shape_cast %get3A_980 : vector<1x16xf32> to vector<16xf32>
        %get3A_982 = arith.index_cast %add3A_913 : i32 to index
        %get3A_983 = arith.constant 32 : index
        %get3A_984 = tpu.vector_load %arg17[%get3A_982, %get3A_983] {strides = array<i32>} : memref<40x128xf32, #tpu.memory_space<vmem>>, vector<1x16xf32>,
        %get3A_985 = vector.shape_cast %get3A_984 : vector<1x16xf32> to vector<16xf32>
        %add3A_986 = arith.addf %get3A_981, %get3A_985 : vector<16xf32>
        %get3A_987 = arith.index_cast %add3A_913 : i32 to index
        %get3A_988 = arith.constant 32 : index
        %get3A_989 = tpu.vector_load %arg18[%get3A_987, %get3A_988] {strides = array<i32>} : memref<40x128xf32, #tpu.memory_space<vmem>>, vector<1x16xf32>,
        %get3A_990 = vector.shape_cast %get3A_989 : vector<1x16xf32> to vector<16xf32>
        %add3A_991 = arith.addf %add3A_986, %get3A_990 : vector<16xf32>
        %mul3A_992 = arith.mulf %add3A_991, %add3A_991 : vector<16xf32>
        %mul3A_993 = arith.constant 0.0713548139 : f32
        %mul3A_994 = vector.broadcast %mul3A_993 : f32 to vector<16xf32>
        %mul3A_995 = arith.mulf %mul3A_994, %mul3A_992 : vector<16xf32>
        %sub3A_996 = arith.constant -1.59576917 : f32
        %sub3A_997 = vector.broadcast %sub3A_996 : f32 to vector<16xf32>
        %sub3A_998 = arith.subf %sub3A_997, %mul3A_995 : vector<16xf32>
        %mul3A_999 = arith.mulf %add3A_991, %sub3A_998 : vector<16xf32>
        %exp3A_1000 = math.exp %mul3A_999 : vector<16xf32>
        %add3A_1001 = arith.constant 1.000000e+00 : f32
        %add3A_1002 = vector.broadcast %add3A_1001 : f32 to vector<16xf32>
        %add3A_1003 = arith.addf %add3A_1002, %exp3A_1000 : vector<16xf32>
        %div3A_1004 = arith.divf %add3A_991, %add3A_1003 : vector<16xf32>
        %swap3A_1005 = arith.index_cast %add3A_913 : i32 to index
        %swap3A_1006 = arith.constant 32 : index
        %swap3A_1007 = tpu.vector_load %arg16[%swap3A_1005, %swap3A_1006] {strides = array<i32>} : memref<40x128xf32, #tpu.memory_space<vmem>>, vector<1x16xf32>,
        %swap3A_1008 = vector.shape_cast %swap3A_1007 : vector<1x16xf32> to vector<16xf32>
        %swap3A_1009 = vector.shape_cast %div3A_1004 : vector<16xf32> to vector<1x16xf32>
        tpu.vector_store %arg16[%swap3A_1005, %swap3A_1006], %swap3A_1009 {strides = array<i32>} : memref<40x128xf32, #tpu.memory_space<vmem>>, vector<1x16xf32>,
        %get3A_1010 = arith.index_cast %add3A_913 : i32 to index
        %get3A_1011 = arith.constant 48 : index
        %get3A_1012 = tpu.vector_load %arg16[%get3A_1010, %get3A_1011] {strides = array<i32>} : memref<40x128xf32, #tpu.memory_space<vmem>>, vector<1x16xf32>,
        %get3A_1013 = vector.shape_cast %get3A_1012 : vector<1x16xf32> to vector<16xf32>
        %get3A_1014 = arith.index_cast %add3A_913 : i32 to index
        %get3A_1015 = arith.constant 48 : index
        %get3A_1016 = tpu.vector_load %arg17[%get3A_1014, %get3A_1015] {strides = array<i32>} : memref<40x128xf32, #tpu.memory_space<vmem>>, vector<1x16xf32>,
        %get3A_1017 = vector.shape_cast %get3A_1016 : vector<1x16xf32> to vector<16xf32>
        %add3A_1018 = arith.addf %get3A_1013, %get3A_1017 : vector<16xf32>
        %get3A_1019 = arith.index_cast %add3A_913 : i32 to index
        %get3A_1020 = arith.constant 48 : index
        %get3A_1021 = tpu.vector_load %arg18[%get3A_1019, %get3A_1020] {strides = array<i32>} : memref<40x128xf32, #tpu.memory_space<vmem>>, vector<1x16xf32>,
        %get3A_1022 = vector.shape_cast %get3A_1021 : vector<1x16xf32> to vector<16xf32>
        %add3A_1023 = arith.addf %add3A_1018, %get3A_1022 : vector<16xf32>
        %mul3A_1024 = arith.mulf %add3A_1023, %add3A_1023 : vector<16xf32>
        %mul3A_1025 = arith.constant 0.0713548139 : f32
        %mul3A_1026 = vector.broadcast %mul3A_1025 : f32 to vector<16xf32>
        %mul3A_1027 = arith.mulf %mul3A_1026, %mul3A_1024 : vector<16xf32>
        %sub3A_1028 = arith.constant -1.59576917 : f32
        %sub3A_1029 = vector.broadcast %sub3A_1028 : f32 to vector<16xf32>
        %sub3A_1030 = arith.subf %sub3A_1029, %mul3A_1027 : vector<16xf32>
        %mul3A_1031 = arith.mulf %add3A_1023, %sub3A_1030 : vector<16xf32>
        %exp3A_1032 = math.exp %mul3A_1031 : vector<16xf32>
        %add3A_1033 = arith.constant 1.000000e+00 : f32
        %add3A_1034 = vector.broadcast %add3A_1033 : f32 to vector<16xf32>
        %add3A_1035 = arith.addf %add3A_1034, %exp3A_1032 : vector<16xf32>
        %div3A_1036 = arith.divf %add3A_1023, %add3A_1035 : vector<16xf32>
        %swap3A_1037 = arith.index_cast %add3A_913 : i32 to index
        %swap3A_1038 = arith.constant 48 : index
        %swap3A_1039 = tpu.vector_load %arg16[%swap3A_1037, %swap3A_1038] {strides = array<i32>} : memref<40x128xf32, #tpu.memory_space<vmem>>, vector<1x16xf32>,
        %swap3A_1040 = vector.shape_cast %swap3A_1039 : vector<1x16xf32> to vector<16xf32>
        %swap3A_1041 = vector.shape_cast %div3A_1036 : vector<16xf32> to vector<1x16xf32>
        tpu.vector_store %arg16[%swap3A_1037, %swap3A_1038], %swap3A_1041 {strides = array<i32>} : memref<40x128xf32, #tpu.memory_space<vmem>>, vector<1x16xf32>,
        %get3A_1042 = arith.index_cast %add3A_913 : i32 to index
        %get3A_1043 = arith.constant 64 : index
        %get3A_1044 = tpu.vector_load %arg16[%get3A_1042, %get3A_1043] {strides = array<i32>} : memref<40x128xf32, #tpu.memory_space<vmem>>, vector<1x16xf32>,
        %get3A_1045 = vector.shape_cast %get3A_1044 : vector<1x16xf32> to vector<16xf32>
        %get3A_1046 = arith.index_cast %add3A_913 : i32 to index
        %get3A_1047 = arith.constant 64 : index
        %get3A_1048 = tpu.vector_load %arg17[%get3A_1046, %get3A_1047] {strides = array<i32>} : memref<40x128xf32, #tpu.memory_space<vmem>>, vector<1x16xf32>,
        %get3A_1049 = vector.shape_cast %get3A_1048 : vector<1x16xf32> to vector<16xf32>
        %add3A_1050 = arith.addf %get3A_1045, %get3A_1049 : vector<16xf32>
        %get3A_1051 = arith.index_cast %add3A_913 : i32 to index
        %get3A_1052 = arith.constant 64 : index
        %get3A_1053 = tpu.vector_load %arg18[%get3A_1051, %get3A_1052] {strides = array<i32>} : memref<40x128xf32, #tpu.memory_space<vmem>>, vector<1x16xf32>,
        %get3A_1054 = vector.shape_cast %get3A_1053 : vector<1x16xf32> to vector<16xf32>
        %add3A_1055 = arith.addf %add3A_1050, %get3A_1054 : vector<16xf32>
        %mul3A_1056 = arith.mulf %add3A_1055, %add3A_1055 : vector<16xf32>
        %mul3A_1057 = arith.constant 0.0713548139 : f32
        %mul3A_1058 = vector.broadcast %mul3A_1057 : f32 to vector<16xf32>
        %mul3A_1059 = arith.mulf %mul3A_1058, %mul3A_1056 : vector<16xf32>
        %sub3A_1060 = arith.constant -1.59576917 : f32
        %sub3A_1061 = vector.broadcast %sub3A_1060 : f32 to vector<16xf32>
        %sub3A_1062 = arith.subf %sub3A_1061, %mul3A_1059 : vector<16xf32>
        %mul3A_1063 = arith.mulf %add3A_1055, %sub3A_1062 : vector<16xf32>
        %exp3A_1064 = math.exp %mul3A_1063 : vector<16xf32>
        %add3A_1065 = arith.constant 1.000000e+00 : f32
        %add3A_1066 = vector.broadcast %add3A_1065 : f32 to vector<16xf32>
        %add3A_1067 = arith.addf %add3A_1066, %exp3A_1064 : vector<16xf32>
        %div3A_1068 = arith.divf %add3A_1055, %add3A_1067 : vector<16xf32>
        %swap3A_1069 = arith.index_cast %add3A_913 : i32 to index
        %swap3A_1070 = arith.constant 64 : index
        %swap3A_1071 = tpu.vector_load %arg16[%swap3A_1069, %swap3A_1070] {strides = array<i32>} : memref<40x128xf32, #tpu.memory_space<vmem>>, vector<1x16xf32>,
        %swap3A_1072 = vector.shape_cast %swap3A_1071 : vector<1x16xf32> to vector<16xf32>
        %swap3A_1073 = vector.shape_cast %div3A_1068 : vector<16xf32> to vector<1x16xf32>
        tpu.vector_store %arg16[%swap3A_1069, %swap3A_1070], %swap3A_1073 {strides = array<i32>} : memref<40x128xf32, #tpu.memory_space<vmem>>, vector<1x16xf32>,
        %get3A_1074 = arith.index_cast %add3A_913 : i32 to index
        %get3A_1075 = arith.constant 80 : index
        %get3A_1076 = tpu.vector_load %arg16[%get3A_1074, %get3A_1075] {strides = array<i32>} : memref<40x128xf32, #tpu.memory_space<vmem>>, vector<1x16xf32>,
        %get3A_1077 = vector.shape_cast %get3A_1076 : vector<1x16xf32> to vector<16xf32>
        %get3A_1078 = arith.index_cast %add3A_913 : i32 to index
        %get3A_1079 = arith.constant 80 : index
        %get3A_1080 = tpu.vector_load %arg17[%get3A_1078, %get3A_1079] {strides = array<i32>} : memref<40x128xf32, #tpu.memory_space<vmem>>, vector<1x16xf32>,
        %get3A_1081 = vector.shape_cast %get3A_1080 : vector<1x16xf32> to vector<16xf32>
        %add3A_1082 = arith.addf %get3A_1077, %get3A_1081 : vector<16xf32>
        %get3A_1083 = arith.index_cast %add3A_913 : i32 to index
        %get3A_1084 = arith.constant 80 : index
        %get3A_1085 = tpu.vector_load %arg18[%get3A_1083, %get3A_1084] {strides = array<i32>} : memref<40x128xf32, #tpu.memory_space<vmem>>, vector<1x16xf32>,
        %get3A_1086 = vector.shape_cast %get3A_1085 : vector<1x16xf32> to vector<16xf32>
        %add3A_1087 = arith.addf %add3A_1082, %get3A_1086 : vector<16xf32>
        %mul3A_1088 = arith.mulf %add3A_1087, %add3A_1087 : vector<16xf32>
        %mul3A_1089 = arith.constant 0.0713548139 : f32
        %mul3A_1090 = vector.broadcast %mul3A_1089 : f32 to vector<16xf32>
        %mul3A_1091 = arith.mulf %mul3A_1090, %mul3A_1088 : vector<16xf32>
        %sub3A_1092 = arith.constant -1.59576917 : f32
        %sub3A_1093 = vector.broadcast %sub3A_1092 : f32 to vector<16xf32>
        %sub3A_1094 = arith.subf %sub3A_1093, %mul3A_1091 : vector<16xf32>
        %mul3A_1095 = arith.mulf %add3A_1087, %sub3A_1094 : vector<16xf32>
        %exp3A_1096 = math.exp %mul3A_1095 : vector<16xf32>
        %add3A_1097 = arith.constant 1.000000e+00 : f32
        %add3A_1098 = vector.broadcast %add3A_1097 : f32 to vector<16xf32>
        %add3A_1099 = arith.addf %add3A_1098, %exp3A_1096 : vector<16xf32>
        %div3A_1100 = arith.divf %add3A_1087, %add3A_1099 : vector<16xf32>
        %swap3A_1101 = arith.index_cast %add3A_913 : i32 to index
        %swap3A_1102 = arith.constant 80 : index
        %swap3A_1103 = tpu.vector_load %arg16[%swap3A_1101, %swap3A_1102] {strides = array<i32>} : memref<40x128xf32, #tpu.memory_space<vmem>>, vector<1x16xf32>,
        %swap3A_1104 = vector.shape_cast %swap3A_1103 : vector<1x16xf32> to vector<16xf32>
        %swap3A_1105 = vector.shape_cast %div3A_1100 : vector<16xf32> to vector<1x16xf32>
        tpu.vector_store %arg16[%swap3A_1101, %swap3A_1102], %swap3A_1105 {strides = array<i32>} : memref<40x128xf32, #tpu.memory_space<vmem>>, vector<1x16xf32>,
        %get3A_1106 = arith.index_cast %add3A_913 : i32 to index
        %get3A_1107 = arith.constant 96 : index
        %get3A_1108 = tpu.vector_load %arg16[%get3A_1106, %get3A_1107] {strides = array<i32>} : memref<40x128xf32, #tpu.memory_space<vmem>>, vector<1x16xf32>,
        %get3A_1109 = vector.shape_cast %get3A_1108 : vector<1x16xf32> to vector<16xf32>
        %get3A_1110 = arith.index_cast %add3A_913 : i32 to index
        %get3A_1111 = arith.constant 96 : index
        %get3A_1112 = tpu.vector_load %arg17[%get3A_1110, %get3A_1111] {strides = array<i32>} : memref<40x128xf32, #tpu.memory_space<vmem>>, vector<1x16xf32>,
        %get3A_1113 = vector.shape_cast %get3A_1112 : vector<1x16xf32> to vector<16xf32>
        %add3A_1114 = arith.addf %get3A_1109, %get3A_1113 : vector<16xf32>
        %get3A_1115 = arith.index_cast %add3A_913 : i32 to index
        %get3A_1116 = arith.constant 96 : index
        %get3A_1117 = tpu.vector_load %arg18[%get3A_1115, %get3A_1116] {strides = array<i32>} : memref<40x128xf32, #tpu.memory_space<vmem>>, vector<1x16xf32>,
        %get3A_1118 = vector.shape_cast %get3A_1117 : vector<1x16xf32> to vector<16xf32>
        %add3A_1119 = arith.addf %add3A_1114, %get3A_1118 : vector<16xf32>
        %mul3A_1120 = arith.mulf %add3A_1119, %add3A_1119 : vector<16xf32>
        %mul3A_1121 = arith.constant 0.0713548139 : f32
        %mul3A_1122 = vector.broadcast %mul3A_1121 : f32 to vector<16xf32>
        %mul3A_1123 = arith.mulf %mul3A_1122, %mul3A_1120 : vector<16xf32>
        %sub3A_1124 = arith.constant -1.59576917 : f32
        %sub3A_1125 = vector.broadcast %sub3A_1124 : f32 to vector<16xf32>
        %sub3A_1126 = arith.subf %sub3A_1125, %mul3A_1123 : vector<16xf32>
        %mul3A_1127 = arith.mulf %add3A_1119, %sub3A_1126 : vector<16xf32>
        %exp3A_1128 = math.exp %mul3A_1127 : vector<16xf32>
        %add3A_1129 = arith.constant 1.000000e+00 : f32
        %add3A_1130 = vector.broadcast %add3A_1129 : f32 to vector<16xf32>
        %add3A_1131 = arith.addf %add3A_1130, %exp3A_1128 : vector<16xf32>
        %div3A_1132 = arith.divf %add3A_1119, %add3A_1131 : vector<16xf32>
        %swap3A_1133 = arith.index_cast %add3A_913 : i32 to index
        %swap3A_1134 = arith.constant 96 : index
        %swap3A_1135 = tpu.vector_load %arg16[%swap3A_1133, %swap3A_1134] {strides = array<i32>} : memref<40x128xf32, #tpu.memory_space<vmem>>, vector<1x16xf32>,
        %swap3A_1136 = vector.shape_cast %swap3A_1135 : vector<1x16xf32> to vector<16xf32>
        %swap3A_1137 = vector.shape_cast %div3A_1132 : vector<16xf32> to vector<1x16xf32>
        tpu.vector_store %arg16[%swap3A_1133, %swap3A_1134], %swap3A_1137 {strides = array<i32>} : memref<40x128xf32, #tpu.memory_space<vmem>>, vector<1x16xf32>,
        %get3A_1138 = arith.index_cast %add3A_913 : i32 to index
        %get3A_1139 = arith.constant 112 : index
        %get3A_1140 = tpu.vector_load %arg16[%get3A_1138, %get3A_1139] {strides = array<i32>} : memref<40x128xf32, #tpu.memory_space<vmem>>, vector<1x16xf32>,
        %get3A_1141 = vector.shape_cast %get3A_1140 : vector<1x16xf32> to vector<16xf32>
        %get3A_1142 = arith.index_cast %add3A_913 : i32 to index
        %get3A_1143 = arith.constant 112 : index
        %get3A_1144 = tpu.vector_load %arg17[%get3A_1142, %get3A_1143] {strides = array<i32>} : memref<40x128xf32, #tpu.memory_space<vmem>>, vector<1x16xf32>,
        %get3A_1145 = vector.shape_cast %get3A_1144 : vector<1x16xf32> to vector<16xf32>
        %add3A_1146 = arith.addf %get3A_1141, %get3A_1145 : vector<16xf32>
        %get3A_1147 = arith.index_cast %add3A_913 : i32 to index
        %get3A_1148 = arith.constant 112 : index
        %get3A_1149 = tpu.vector_load %arg18[%get3A_1147, %get3A_1148] {strides = array<i32>} : memref<40x128xf32, #tpu.memory_space<vmem>>, vector<1x16xf32>,
        %get3A_1150 = vector.shape_cast %get3A_1149 : vector<1x16xf32> to vector<16xf32>
        %add3A_1151 = arith.addf %add3A_1146, %get3A_1150 : vector<16xf32>
        %mul3A_1152 = arith.mulf %add3A_1151, %add3A_1151 : vector<16xf32>
        %mul3A_1153 = arith.constant 0.0713548139 : f32
        %mul3A_1154 = vector.broadcast %mul3A_1153 : f32 to vector<16xf32>
        %mul3A_1155 = arith.mulf %mul3A_1154, %mul3A_1152 : vector<16xf32>
        %sub3A_1156 = arith.constant -1.59576917 : f32
        %sub3A_1157 = vector.broadcast %sub3A_1156 : f32 to vector<16xf32>
        %sub3A_1158 = arith.subf %sub3A_1157, %mul3A_1155 : vector<16xf32>
        %mul3A_1159 = arith.mulf %add3A_1151, %sub3A_1158 : vector<16xf32>
        %exp3A_1160 = math.exp %mul3A_1159 : vector<16xf32>
        %add3A_1161 = arith.constant 1.000000e+00 : f32
        %add3A_1162 = vector.broadcast %add3A_1161 : f32 to vector<16xf32>
        %add3A_1163 = arith.addf %add3A_1162, %exp3A_1160 : vector<16xf32>
        %div3A_1164 = arith.divf %add3A_1151, %add3A_1163 : vector<16xf32>
        %swap3A_1165 = arith.index_cast %add3A_913 : i32 to index
        %swap3A_1166 = arith.constant 112 : index
        %swap3A_1167 = tpu.vector_load %arg16[%swap3A_1165, %swap3A_1166] {strides = array<i32>} : memref<40x128xf32, #tpu.memory_space<vmem>>, vector<1x16xf32>,
        %swap3A_1168 = vector.shape_cast %swap3A_1167 : vector<1x16xf32> to vector<16xf32>
        %swap3A_1169 = vector.shape_cast %div3A_1164 : vector<16xf32> to vector<1x16xf32>
        tpu.vector_store %arg16[%swap3A_1165, %swap3A_1166], %swap3A_1169 {strides = array<i32>} : memref<40x128xf32, #tpu.memory_space<vmem>>, vector<1x16xf32>,
      }
      %scan3A_126 = arith.constant 10 : i32
      "tpu.region"() ({
        %run_scoped3A = tpu.sem_alloc : memref<!tpu.dma_semaphore, #tpu.memory_space<semaphore_mem>>
        %dma_start3A_134 = arith.constant 0 : i32
        %dma_start3A_135 = arith.constant 0 : i32
        %dma_start3A_136 = tpu.memref_slice %arg19[%dma_start3A_134, %dma_start3A_135] : memref<10000x128xf32, #tpu.memory_space<vmem_shared>> -> memref<10000x128xf32, #tpu.memory_space<vmem_shared>>
        tpu.enqueue_indirect_dma source(%arg16 : memref<40x128xf32, #tpu.memory_space<vmem>>) target(%dma_start3A_136 : memref<10000x128xf32, #tpu.memory_space<vmem_shared>>) offsets(%arg12 : memref<40xi32, #tpu.memory_space<vmem>>) semaphore(%run_scoped3A : memref<!tpu.dma_semaphore, #tpu.memory_space<semaphore_mem>>) {add = true}
        %dma_wait3A_137 = arith.constant 0 : i32
        %dma_wait3A_138 = arith.constant 0 : i32
        %dma_wait3A_139 = tpu.memref_slice %arg19[%dma_wait3A_137, %dma_wait3A_138] : memref<10000x128xf32, #tpu.memory_space<vmem_shared>> -> memref<10000x128xf32, #tpu.memory_space<vmem_shared>>
        tpu.wait_indirect_dma semaphore(%run_scoped3A : memref<!tpu.dma_semaphore, #tpu.memory_space<semaphore_mem>>) src(%arg16 : memref<40x128xf32, #tpu.memory_space<vmem>>) dst(%dma_wait3A_139 : memref<10000x128xf32, #tpu.memory_space<vmem_shared>>)
        tpu.yield
      }) : () -> ()
      %add3A_127 = arith.constant 3 : i32
      %add3A_128 = arith.addi %mul3A_43, %add3A_127 : i32
      %lt3A_129 = arith.constant 250 : i32
      %lt3A_130 = arith.cmpi slt, %add3A_128, %lt3A_129 : i32
      %convert_element_type3A_131 = arith.extui %lt3A_130 : i1 to i32
      %cond3A_132 = arith.constant 0 : i32
      %cond3A_133 = arith.cmpi ne, %convert_element_type3A_131, %cond3A_132 : i32
      scf.if %cond3A_133 {
        %add3A_134 = arith.constant 3 : i32
        %add3A_135 = arith.addi %mul3A_43, %add3A_134 : i32
        %mul3A_136 = arith.constant 40 : i32
        %mul3A_137 = arith.muli %add3A_135, %mul3A_136 : i32
        %add3A_138 = arith.addi %mul3A_2, %mul3A_137 : i32
        %dma_start3A_139 = tpu.memref_slice %arg5[%add3A_138] : memref<320000xi32, #tpu.memory_space<hbm>> -> memref<40xi32, #tpu.memory_space<hbm>>
        %dma_start3A_140 = tpu.memref_slice %arg5[%add3A_138] : memref<320000xi32, #tpu.memory_space<hbm>> -> memref<40xi32, #tpu.memory_space<hbm>>
        tpu.enqueue_dma source(%dma_start3A_140 : memref<40xi32, #tpu.memory_space<hbm>>) target(%arg11 : memref<40xi32, #tpu.memory_space<vmem>>) target_semaphore(%arg21 : memref<!tpu.dma_semaphore, #tpu.memory_space<semaphore_mem>>)
        %dma_start3A_141 = tpu.memref_slice %arg6[%add3A_138] : memref<320000xi32, #tpu.memory_space<hbm>> -> memref<40xi32, #tpu.memory_space<hbm>>
        %dma_start3A_142 = tpu.memref_slice %arg6[%add3A_138] : memref<320000xi32, #tpu.memory_space<hbm>> -> memref<40xi32, #tpu.memory_space<hbm>>
        tpu.enqueue_dma source(%dma_start3A_142 : memref<40xi32, #tpu.memory_space<hbm>>) target(%arg12 : memref<40xi32, #tpu.memory_space<vmem>>) target_semaphore(%arg21 : memref<!tpu.dma_semaphore, #tpu.memory_space<semaphore_mem>>)
      } else {
      }
    }
    %scan3A_30 = arith.constant 125 : i32
    %barrier3A_31 = arith.constant 0 : index
    tpu.barrier barrier_id(%barrier3A_31)
    %mul3A_32 = arith.constant 624 : i32
    %mul3A_33 = arith.muli %arg1, %mul3A_32 : i32
    %mul3A_34 = arith.constant 624 : i32
    %mul3A_35 = arith.muli %arg1, %mul3A_34 : i32
    "tpu.region"() ({
      %run_scoped3A = tpu.sem_alloc : memref<!tpu.dma_semaphore, #tpu.memory_space<semaphore_mem>>
      %dma_start3A_41 = arith.constant 0 : i32
      %dma_start3A_42 = tpu.memref_slice %arg8[%arg0, %mul3A_35, %dma_start3A_41] : memref<2x10000x128xf32, #tpu.memory_space<hbm>> -> memref<1x624x128xf32, #tpu.memory_space<hbm>>
      %dma_start3A_43 = tpu.memref_squeeze %dma_start3A_42 : memref<1x624x128xf32, #tpu.memory_space<hbm>> -> memref<624x128xf32, #tpu.memory_space<hbm>>
      %dma_start3A_44 = arith.constant 0 : i32
      %dma_start3A_45 = tpu.memref_slice %arg19[%mul3A_33, %dma_start3A_44] : memref<10000x128xf32, #tpu.memory_space<vmem_shared>> -> memref<624x128xf32, #tpu.memory_space<vmem_shared>>
      tpu.enqueue_dma source(%dma_start3A_45 : memref<624x128xf32, #tpu.memory_space<vmem_shared>>) target(%dma_start3A_43 : memref<624x128xf32, #tpu.memory_space<hbm>>) target_semaphore(%run_scoped3A : memref<!tpu.dma_semaphore, #tpu.memory_space<semaphore_mem>>)
      %dma_wait3A = arith.constant 0 : i32
      %dma_wait3A_46 = tpu.memref_slice %arg8[%arg0, %mul3A_35, %dma_wait3A] : memref<2x10000x128xf32, #tpu.memory_space<hbm>> -> memref<1x624x128xf32, #tpu.memory_space<hbm>>
      %dma_wait3A_47 = tpu.memref_squeeze %dma_wait3A_46 : memref<1x624x128xf32, #tpu.memory_space<hbm>> -> memref<624x128xf32, #tpu.memory_space<hbm>>
      %dma_wait3A_48 = arith.constant 0 : i32
      %dma_wait3A_49 = tpu.memref_slice %arg19[%mul3A_33, %dma_wait3A_48] : memref<10000x128xf32, #tpu.memory_space<vmem_shared>> -> memref<624x128xf32, #tpu.memory_space<vmem_shared>>
      tpu.wait_dma2 semaphore(%run_scoped3A : memref<!tpu.dma_semaphore, #tpu.memory_space<semaphore_mem>>) src(%dma_wait3A_49 : memref<624x128xf32, #tpu.memory_space<vmem_shared>>) dst(%dma_wait3A_47 : memref<624x128xf32, #tpu.memory_space<hbm>>)
      tpu.yield
    }) : () -> ()
    %eq3A_36 = arith.constant 15 : i32
    %eq3A_37 = arith.cmpi eq, %arg1, %eq3A_36 : i32
    %convert_element_type3A_38 = arith.extui %eq3A_37 : i1 to i32
    %cond3A_39 = arith.constant 0 : i32
    %cond3A_40 = arith.cmpi ne, %convert_element_type3A_38, %cond3A_39 : i32
    scf.if %cond3A_40 {
      "tpu.region"() ({
        %run_scoped3A = tpu.sem_alloc : memref<!tpu.dma_semaphore, #tpu.memory_space<semaphore_mem>>
        %dma_start3A_41 = arith.constant 9984 : i32
        %dma_start3A_42 = arith.constant 0 : i32
        %dma_start3A_43 = tpu.memref_slice %arg8[%arg0, %dma_start3A_41, %dma_start3A_42] : memref<2x10000x128xf32, #tpu.memory_space<hbm>> -> memref<1x16x128xf32, #tpu.memory_space<hbm>>
        %dma_start3A_44 = tpu.memref_squeeze %dma_start3A_43 : memref<1x16x128xf32, #tpu.memory_space<hbm>> -> memref<16x128xf32, #tpu.memory_space<hbm>>
        %dma_start3A_45 = arith.constant 9984 : i32
        %dma_start3A_46 = arith.constant 0 : i32
        %dma_start3A_47 = tpu.memref_slice %arg19[%dma_start3A_45, %dma_start3A_46] : memref<10000x128xf32, #tpu.memory_space<vmem_shared>> -> memref<16x128xf32, #tpu.memory_space<vmem_shared>>
        tpu.enqueue_dma source(%dma_start3A_47 : memref<16x128xf32, #tpu.memory_space<vmem_shared>>) target(%dma_start3A_44 : memref<16x128xf32, #tpu.memory_space<hbm>>) target_semaphore(%run_scoped3A : memref<!tpu.dma_semaphore, #tpu.memory_space<semaphore_mem>>)
        %dma_wait3A = arith.constant 9984 : i32
        %dma_wait3A_48 = arith.constant 0 : i32
        %dma_wait3A_49 = tpu.memref_slice %arg8[%arg0, %dma_wait3A, %dma_wait3A_48] : memref<2x10000x128xf32, #tpu.memory_space<hbm>> -> memref<1x16x128xf32, #tpu.memory_space<hbm>>
        %dma_wait3A_50 = tpu.memref_squeeze %dma_wait3A_49 : memref<1x16x128xf32, #tpu.memory_space<hbm>> -> memref<16x128xf32, #tpu.memory_space<hbm>>
        %dma_wait3A_51 = arith.constant 9984 : i32
        %dma_wait3A_52 = arith.constant 0 : i32
        %dma_wait3A_53 = tpu.memref_slice %arg19[%dma_wait3A_51, %dma_wait3A_52] : memref<10000x128xf32, #tpu.memory_space<vmem_shared>> -> memref<16x128xf32, #tpu.memory_space<vmem_shared>>
        tpu.wait_dma2 semaphore(%run_scoped3A : memref<!tpu.dma_semaphore, #tpu.memory_space<semaphore_mem>>) src(%dma_wait3A_53 : memref<16x128xf32, #tpu.memory_space<vmem_shared>>) dst(%dma_wait3A_50 : memref<16x128xf32, #tpu.memory_space<hbm>>)
        tpu.yield
      }) : () -> ()
    } else {
    }
    return
  }
}

module attributes {stable_mosaic.version = 14 : i64} {
  func.func @_k0_body(%arg0: i32, %arg1: memref<2000x128xf32, #tpu.memory_space<vmem>>, %arg2: memref<128x256xf32, #tpu.memory_space<vmem>>, %arg3: memref<2000x128xf32, #tpu.memory_space<vmem>>, %arg4: memref<2000x128xf32, #tpu.memory_space<vmem>>) attributes {dimension_semantics = [#tpu.dimension_semantics<arbitrary>], iteration_bounds = array<i64: 5>, scalar_prefetch = 0 : i64, scratch_operands = 0 : i64, tpu.core_type = #tpu.core_type<tc>, window_params = [{transform_indices = @transform_0, window_bounds = array<i64: 2000, 128>}, {pipeline_mode = #tpu.pipeline_mode<synchronous>, transform_indices = @transform_1, window_bounds = array<i64: 128, 256>}, {transform_indices = @transform_2, window_bounds = array<i64: 2000, 128>}, {transform_indices = @transform_3, window_bounds = array<i64: 2000, 128>}]} {
    %get3A = arith.constant 0 : index
    %get3A_0 = arith.constant 0 : index
    %get3A_1 = vector.load %arg1[%get3A, %get3A_0] : memref<2000x128xf32, #tpu.memory_space<vmem>>, vector<2000x128xf32>
    %get3A_2 = arith.constant 0 : index
    %get3A_3 = arith.constant 0 : index
    %get3A_4 = vector.load %arg2[%get3A_2, %get3A_3] : memref<128x256xf32, #tpu.memory_space<vmem>>, vector<128x128xf32>
    %dot_general3A = arith.constant dense<0.000000e+00> : vector<2000x128xf32>
    %dot_general3A_5 = tpu.matmul %get3A_1, %get3A_4, %dot_general3A {dimension_numbers = #tpu.dot_dimension_numbers<[1], [0], [0], [1], [0, 0, 1, 1], [], []>, transpose_lhs_hint = false} : vector<2000x128xf32>, vector<128x128xf32>, vector<2000x128xf32> -> vector<2000x128xf32>
    %swap3A = arith.constant 0 : index
    %swap3A_6 = arith.constant 0 : index
    %swap3A_7 = vector.load %arg3[%swap3A, %swap3A_6] : memref<2000x128xf32, #tpu.memory_space<vmem>>, vector<2000x128xf32>
    tpu.vector_store %arg3[%swap3A, %swap3A_6], %dot_general3A_5 {strides = array<i32>} : memref<2000x128xf32, #tpu.memory_space<vmem>>, vector<2000x128xf32>,
    %get3A_8 = arith.constant 0 : index
    %get3A_9 = arith.constant 128 : index
    %get3A_10 = vector.load %arg2[%get3A_8, %get3A_9] : memref<128x256xf32, #tpu.memory_space<vmem>>, vector<128x128xf32>
    %dot_general3A_11 = arith.constant dense<0.000000e+00> : vector<2000x128xf32>
    %dot_general3A_12 = tpu.matmul %get3A_1, %get3A_10, %dot_general3A_11 {dimension_numbers = #tpu.dot_dimension_numbers<[1], [0], [0], [1], [0, 0, 1, 1], [], []>, transpose_lhs_hint = false} : vector<2000x128xf32>, vector<128x128xf32>, vector<2000x128xf32> -> vector<2000x128xf32>
    %swap3A_13 = arith.constant 0 : index
    %swap3A_14 = arith.constant 0 : index
    %swap3A_15 = vector.load %arg4[%swap3A_13, %swap3A_14] : memref<2000x128xf32, #tpu.memory_space<vmem>>, vector<2000x128xf32>
    tpu.vector_store %arg4[%swap3A_13, %swap3A_14], %dot_general3A_12 {strides = array<i32>} : memref<2000x128xf32, #tpu.memory_space<vmem>>, vector<2000x128xf32>,
    return
  }
  func.func @transform_0(%arg0: i32) -> (i32, i32) {
    %c0_i32 = arith.constant 0 : i32
    %c0_i32_0 = arith.constant 0 : i32
    return %arg0, %c0_i32 : i32, i32
  }
  func.func @transform_1(%arg0: i32) -> (i32, i32) {
    %c0_i32 = arith.constant 0 : i32
    %c0_i32_0 = arith.constant 0 : i32
    %c0_i32_1 = arith.constant 0 : i32
    return %c0_i32, %c0_i32_0 : i32, i32
  }
  func.func @transform_2(%arg0: i32) -> (i32, i32) {
    %c0_i32 = arith.constant 0 : i32
    %c0_i32_0 = arith.constant 0 : i32
    return %arg0, %c0_i32 : i32, i32
  }
  func.func @transform_3(%arg0: i32) -> (i32, i32) {
    %c0_i32 = arith.constant 0 : i32
    %c0_i32_0 = arith.constant 0 : i32
    return %arg0, %c0_i32 : i32, i32
  }
}

module attributes {stable_mosaic.version = 14 : i64} {
  func.func @_k1_body(%arg0: i32, %arg1: memref<2560x16xf32, #tpu.memory_space<vmem>>, %arg2: memref<16x128xf32, #tpu.memory_space<vmem>>, %arg3: memref<16x16xf32, #tpu.memory_space<vmem>>, %arg4: memref<1x128xf32, #tpu.memory_space<vmem>>, %arg5: memref<1x16xf32, #tpu.memory_space<vmem>>, %arg6: memref<2560x128xf32, #tpu.memory_space<vmem>>, %arg7: memref<2560x16xf32, #tpu.memory_space<vmem>>) attributes {dimension_semantics = [#tpu.dimension_semantics<arbitrary>], iteration_bounds = array<i64: 125>, scalar_prefetch = 0 : i64, scratch_operands = 0 : i64, tpu.core_type = #tpu.core_type<tc>, window_params = [{transform_indices = @transform_0, window_bounds = array<i64: 2560, 16>}, {pipeline_mode = #tpu.pipeline_mode<synchronous>, transform_indices = @transform_1, window_bounds = array<i64: 16, 128>}, {pipeline_mode = #tpu.pipeline_mode<synchronous>, transform_indices = @transform_2, window_bounds = array<i64: 16, 16>}, {pipeline_mode = #tpu.pipeline_mode<synchronous>, transform_indices = @transform_3, window_bounds = array<i64: 1, 128>}, {pipeline_mode = #tpu.pipeline_mode<synchronous>, transform_indices = @transform_4, window_bounds = array<i64: 1, 16>}, {transform_indices = @transform_5, window_bounds = array<i64: 2560, 128>}, {transform_indices = @transform_6, window_bounds = array<i64: 2560, 16>}]} {
    %get3A = arith.constant 0 : index
    %get3A_0 = arith.constant 0 : index
    %get3A_1 = vector.load %arg1[%get3A, %get3A_0] : memref<2560x16xf32, #tpu.memory_space<vmem>>, vector<2560x16xf32>
    %get3A_2 = arith.constant 0 : index
    %get3A_3 = arith.constant 0 : index
    %get3A_4 = vector.load %arg2[%get3A_2, %get3A_3] : memref<16x128xf32, #tpu.memory_space<vmem>>, vector<16x128xf32>
    %dot_general3A = arith.constant dense<0.000000e+00> : vector<2560x128xf32>
    %dot_general3A_5 = tpu.matmul %get3A_1, %get3A_4, %dot_general3A {dimension_numbers = #tpu.dot_dimension_numbers<[1], [0], [0], [1], [0, 0, 1, 1], [], []>, transpose_lhs_hint = false} : vector<2560x16xf32>, vector<16x128xf32>, vector<2560x128xf32> -> vector<2560x128xf32>
    %get3A_6 = arith.constant 0 : index
    %get3A_7 = arith.constant 0 : index
    %get3A_8 = vector.load %arg4[%get3A_6, %get3A_7] : memref<1x128xf32, #tpu.memory_space<vmem>>, vector<1x128xf32>
    %add3A = vector.broadcast %get3A_8 : vector<1x128xf32> to vector<2560x128xf32>
    %add3A_9 = arith.addf %dot_general3A_5, %add3A : vector<2560x128xf32>
    %swap3A = arith.constant 0 : index
    %swap3A_10 = arith.constant 0 : index
    %swap3A_11 = vector.load %arg6[%swap3A, %swap3A_10] : memref<2560x128xf32, #tpu.memory_space<vmem>>, vector<2560x128xf32>
    tpu.vector_store %arg6[%swap3A, %swap3A_10], %add3A_9 {strides = array<i32>} : memref<2560x128xf32, #tpu.memory_space<vmem>>, vector<2560x128xf32>,
    %get3A_12 = arith.constant 0 : index
    %get3A_13 = arith.constant 0 : index
    %get3A_14 = vector.load %arg3[%get3A_12, %get3A_13] : memref<16x16xf32, #tpu.memory_space<vmem>>, vector<16x16xf32>
    %dot_general3A_15 = arith.constant dense<0.000000e+00> : vector<2560x16xf32>
    %dot_general3A_16 = tpu.matmul %get3A_1, %get3A_14, %dot_general3A_15 {dimension_numbers = #tpu.dot_dimension_numbers<[1], [0], [0], [1], [0, 0, 1, 1], [], []>, transpose_lhs_hint = false} : vector<2560x16xf32>, vector<16x16xf32>, vector<2560x16xf32> -> vector<2560x16xf32>
    %get3A_17 = arith.constant 0 : index
    %get3A_18 = arith.constant 0 : index
    %get3A_19 = vector.load %arg5[%get3A_17, %get3A_18] : memref<1x16xf32, #tpu.memory_space<vmem>>, vector<1x16xf32>
    %add3A_20 = vector.broadcast %get3A_19 : vector<1x16xf32> to vector<2560x16xf32>
    %add3A_21 = arith.addf %dot_general3A_16, %add3A_20 : vector<2560x16xf32>
    %swap3A_22 = arith.constant 0 : index
    %swap3A_23 = arith.constant 0 : index
    %swap3A_24 = vector.load %arg7[%swap3A_22, %swap3A_23] : memref<2560x16xf32, #tpu.memory_space<vmem>>, vector<2560x16xf32>
    tpu.vector_store %arg7[%swap3A_22, %swap3A_23], %add3A_21 {strides = array<i32>} : memref<2560x16xf32, #tpu.memory_space<vmem>>, vector<2560x16xf32>,
    return
  }
  func.func @transform_0(%arg0: i32) -> (i32, i32) {
    %c0_i32 = arith.constant 0 : i32
    %c0_i32_0 = arith.constant 0 : i32
    return %arg0, %c0_i32 : i32, i32
  }
  func.func @transform_1(%arg0: i32) -> (i32, i32) {
    %c0_i32 = arith.constant 0 : i32
    %c0_i32_0 = arith.constant 0 : i32
    %c0_i32_1 = arith.constant 0 : i32
    return %c0_i32, %c0_i32_0 : i32, i32
  }
  func.func @transform_2(%arg0: i32) -> (i32, i32) {
    %c0_i32 = arith.constant 0 : i32
    %c0_i32_0 = arith.constant 0 : i32
    %c0_i32_1 = arith.constant 0 : i32
    return %c0_i32, %c0_i32_0 : i32, i32
  }
  func.func @transform_3(%arg0: i32) -> (i32, i32) {
    %c0_i32 = arith.constant 0 : i32
    %c0_i32_0 = arith.constant 0 : i32
    %c0_i32_1 = arith.constant 0 : i32
    return %c0_i32, %c0_i32_0 : i32, i32
  }
  func.func @transform_4(%arg0: i32) -> (i32, i32) {
    %c0_i32 = arith.constant 0 : i32
    %c0_i32_0 = arith.constant 0 : i32
    %c0_i32_1 = arith.constant 0 : i32
    return %c0_i32, %c0_i32_0 : i32, i32
  }
  func.func @transform_5(%arg0: i32) -> (i32, i32) {
    %c0_i32 = arith.constant 0 : i32
    %c0_i32_0 = arith.constant 0 : i32
    return %arg0, %c0_i32 : i32, i32
  }
  func.func @transform_6(%arg0: i32) -> (i32, i32) {
    %c0_i32 = arith.constant 0 : i32
    %c0_i32_0 = arith.constant 0 : i32
    return %arg0, %c0_i32 : i32, i32
  }
}

module attributes {stable_mosaic.version = 14 : i64} {
  func.func @_k3_body(%arg0: i32, %arg1: memref<2x2000x128xf32, #tpu.memory_space<vmem>>, %arg2: memref<2000x128xf32, #tpu.memory_space<vmem>>, %arg3: memref<128x384xf32, #tpu.memory_space<vmem>>, %arg4: memref<128x384xf32, #tpu.memory_space<vmem>>, %arg5: memref<1x384xf32, #tpu.memory_space<vmem>>, %arg6: memref<1x384xf32, #tpu.memory_space<vmem>>, %arg7: memref<128x32xf32, #tpu.memory_space<vmem>>, %arg8: memref<2000x128xf32, #tpu.memory_space<vmem>>) attributes {dimension_semantics = [#tpu.dimension_semantics<arbitrary>], iteration_bounds = array<i64: 5>, scalar_prefetch = 0 : i64, scratch_operands = 0 : i64, tpu.core_type = #tpu.core_type<tc>, window_params = [{transform_indices = @transform_0, window_bounds = array<i64: 2, 2000, 128>}, {transform_indices = @transform_1, window_bounds = array<i64: 2000, 128>}, {pipeline_mode = #tpu.pipeline_mode<synchronous>, transform_indices = @transform_2, window_bounds = array<i64: 128, 384>}, {pipeline_mode = #tpu.pipeline_mode<synchronous>, transform_indices = @transform_3, window_bounds = array<i64: 128, 384>}, {pipeline_mode = #tpu.pipeline_mode<synchronous>, transform_indices = @transform_4, window_bounds = array<i64: 1, 384>}, {pipeline_mode = #tpu.pipeline_mode<synchronous>, transform_indices = @transform_5, window_bounds = array<i64: 1, 384>}, {pipeline_mode = #tpu.pipeline_mode<synchronous>, transform_indices = @transform_6, window_bounds = array<i64: 128, 32>}, {transform_indices = @transform_7, window_bounds = array<i64: 2000, 128>}]} {
    %get3A = arith.constant 0 : index
    %get3A_0 = arith.constant 0 : index
    %get3A_1 = arith.constant 0 : index
    %get3A_2 = vector.load %arg1[%get3A, %get3A_0, %get3A_1] : memref<2x2000x128xf32, #tpu.memory_space<vmem>>, vector<1x2000x128xf32>
    %get3A_3 = vector.shape_cast %get3A_2 : vector<1x2000x128xf32> to vector<2000x128xf32>
    %get3A_4 = arith.constant 1 : index
    %get3A_5 = arith.constant 0 : index
    %get3A_6 = arith.constant 0 : index
    %get3A_7 = vector.load %arg1[%get3A_4, %get3A_5, %get3A_6] : memref<2x2000x128xf32, #tpu.memory_space<vmem>>, vector<1x2000x128xf32>
    %get3A_8 = vector.shape_cast %get3A_7 : vector<1x2000x128xf32> to vector<2000x128xf32>
    %add3A = arith.addf %get3A_3, %get3A_8 : vector<2000x128xf32>
    %get3A_9 = arith.constant 0 : index
    %get3A_10 = arith.constant 0 : index
    %get3A_11 = vector.load %arg2[%get3A_9, %get3A_10] : memref<2000x128xf32, #tpu.memory_space<vmem>>, vector<2000x128xf32>
    %get3A_12 = arith.constant 0 : index
    %get3A_13 = arith.constant 0 : index
    %get3A_14 = vector.load %arg3[%get3A_12, %get3A_13] : memref<128x384xf32, #tpu.memory_space<vmem>>, vector<128x384xf32>
    %dot_general3A = arith.constant dense<0.000000e+00> : vector<2000x384xf32>
    %dot_general3A_15 = tpu.matmul %add3A, %get3A_14, %dot_general3A {dimension_numbers = #tpu.dot_dimension_numbers<[1], [0], [0], [1], [0, 0, 1, 1], [], []>, transpose_lhs_hint = false} : vector<2000x128xf32>, vector<128x384xf32>, vector<2000x384xf32> -> vector<2000x384xf32>
    %get3A_16 = arith.constant 0 : index
    %get3A_17 = arith.constant 0 : index
    %get3A_18 = vector.load %arg5[%get3A_16, %get3A_17] : memref<1x384xf32, #tpu.memory_space<vmem>>, vector<1x384xf32>
    %add3A_19 = vector.broadcast %get3A_18 : vector<1x384xf32> to vector<2000x384xf32>
    %add3A_20 = arith.addf %dot_general3A_15, %add3A_19 : vector<2000x384xf32>
    %get3A_21 = arith.constant 0 : index
    %get3A_22 = arith.constant 0 : index
    %get3A_23 = vector.load %arg4[%get3A_21, %get3A_22] : memref<128x384xf32, #tpu.memory_space<vmem>>, vector<128x384xf32>
    %dot_general3A_24 = arith.constant dense<0.000000e+00> : vector<2000x384xf32>
    %dot_general3A_25 = tpu.matmul %get3A_11, %get3A_23, %dot_general3A_24 {dimension_numbers = #tpu.dot_dimension_numbers<[1], [0], [0], [1], [0, 0, 1, 1], [], []>, transpose_lhs_hint = false} : vector<2000x128xf32>, vector<128x384xf32>, vector<2000x384xf32> -> vector<2000x384xf32>
    %get3A_26 = arith.constant 0 : index
    %get3A_27 = arith.constant 0 : index
    %get3A_28 = vector.load %arg6[%get3A_26, %get3A_27] : memref<1x384xf32, #tpu.memory_space<vmem>>, vector<1x384xf32>
    %add3A_29 = vector.broadcast %get3A_28 : vector<1x384xf32> to vector<2000x384xf32>
    %add3A_30 = arith.addf %dot_general3A_25, %add3A_29 : vector<2000x384xf32>
    %slice3A = vector.extract_strided_slice %add3A_20 {offsets = [0, 0], sizes = [2000, 128], strides = [1, 1]} : vector<2000x384xf32> to vector<2000x128xf32>
    %slice3A_31 = vector.extract_strided_slice %add3A_20 {offsets = [0, 128], sizes = [2000, 128], strides = [1, 1]} : vector<2000x384xf32> to vector<2000x128xf32>
    %slice3A_32 = vector.extract_strided_slice %add3A_20 {offsets = [0, 256], sizes = [2000, 128], strides = [1, 1]} : vector<2000x384xf32> to vector<2000x128xf32>
    %slice3A_33 = vector.extract_strided_slice %add3A_30 {offsets = [0, 0], sizes = [2000, 128], strides = [1, 1]} : vector<2000x384xf32> to vector<2000x128xf32>
    %slice3A_34 = vector.extract_strided_slice %add3A_30 {offsets = [0, 128], sizes = [2000, 128], strides = [1, 1]} : vector<2000x384xf32> to vector<2000x128xf32>
    %slice3A_35 = vector.extract_strided_slice %add3A_30 {offsets = [0, 256], sizes = [2000, 128], strides = [1, 1]} : vector<2000x384xf32> to vector<2000x128xf32>
    %add3A_36 = arith.addf %slice3A, %slice3A_33 : vector<2000x128xf32>
    %logistic3A = arith.negf %add3A_36 : vector<2000x128xf32>
    %logistic3A_37 = math.exp %logistic3A : vector<2000x128xf32>
    %logistic3A_38 = arith.constant 1.000000e+00 : f32
    %logistic3A_39 = vector.broadcast %logistic3A_38 : f32 to vector<2000x128xf32>
    %logistic3A_40 = arith.addf %logistic3A_39, %logistic3A_37 : vector<2000x128xf32>
    %logistic3A_41 = arith.divf %logistic3A_39, %logistic3A_40 : vector<2000x128xf32>
    %add3A_42 = arith.addf %slice3A_31, %slice3A_34 : vector<2000x128xf32>
    %logistic3A_43 = arith.negf %add3A_42 : vector<2000x128xf32>
    %logistic3A_44 = math.exp %logistic3A_43 : vector<2000x128xf32>
    %logistic3A_45 = arith.constant 1.000000e+00 : f32
    %logistic3A_46 = vector.broadcast %logistic3A_45 : f32 to vector<2000x128xf32>
    %logistic3A_47 = arith.addf %logistic3A_46, %logistic3A_44 : vector<2000x128xf32>
    %logistic3A_48 = arith.divf %logistic3A_46, %logistic3A_47 : vector<2000x128xf32>
    %mul3A = arith.mulf %logistic3A_41, %slice3A_35 : vector<2000x128xf32>
    %add3A_49 = arith.addf %slice3A_32, %mul3A : vector<2000x128xf32>
    %tanh3A = math.tanh %add3A_49 : vector<2000x128xf32>
    %sub3A = arith.constant 1.000000e+00 : f32
    %sub3A_50 = vector.broadcast %sub3A : f32 to vector<2000x128xf32>
    %sub3A_51 = arith.subf %sub3A_50, %logistic3A_48 : vector<2000x128xf32>
    %mul3A_52 = arith.mulf %sub3A_51, %tanh3A : vector<2000x128xf32>
    %mul3A_53 = arith.mulf %logistic3A_48, %get3A_11 : vector<2000x128xf32>
    %add3A_54 = arith.addf %mul3A_52, %mul3A_53 : vector<2000x128xf32>
    %get3A_55 = arith.constant 0 : index
    %get3A_56 = arith.constant 0 : index
    %get3A_57 = vector.load %arg7[%get3A_55, %get3A_56] : memref<128x32xf32, #tpu.memory_space<vmem>>, vector<128x32xf32>
    %dot_general3A_58 = arith.constant dense<0.000000e+00> : vector<2000x32xf32>
    %dot_general3A_59 = tpu.matmul %add3A_54, %get3A_57, %dot_general3A_58 {dimension_numbers = #tpu.dot_dimension_numbers<[1], [0], [0], [1], [0, 0, 1, 1], [], []>, transpose_lhs_hint = false} : vector<2000x128xf32>, vector<128x32xf32>, vector<2000x32xf32> -> vector<2000x32xf32>
    %broadcast_in_dim3A = arith.constant 0.000000e+00 : f32
    %broadcast_in_dim3A_60 = vector.broadcast %broadcast_in_dim3A : f32 to vector<2000x96xf32>
    %concatenate3A = tpu.concatenate %dot_general3A_59, %broadcast_in_dim3A_60 in 1 : vector<2000x32xf32>, vector<2000x96xf32> -> vector<2000x128xf32>
    %swap3A = arith.constant 0 : index
    %swap3A_61 = arith.constant 0 : index
    %swap3A_62 = vector.load %arg8[%swap3A, %swap3A_61] : memref<2000x128xf32, #tpu.memory_space<vmem>>, vector<2000x128xf32>
    tpu.vector_store %arg8[%swap3A, %swap3A_61], %concatenate3A {strides = array<i32>} : memref<2000x128xf32, #tpu.memory_space<vmem>>, vector<2000x128xf32>,
    return
  }
  func.func @transform_0(%arg0: i32) -> (i32, i32, i32) {
    %c0_i32 = arith.constant 0 : i32
    %c0_i32_0 = arith.constant 0 : i32
    %c0_i32_1 = arith.constant 0 : i32
    return %c0_i32, %arg0, %c0_i32_0 : i32, i32, i32
  }
  func.func @transform_1(%arg0: i32) -> (i32, i32) {
    %c0_i32 = arith.constant 0 : i32
    %c0_i32_0 = arith.constant 0 : i32
    return %arg0, %c0_i32 : i32, i32
  }
  func.func @transform_2(%arg0: i32) -> (i32, i32) {
    %c0_i32 = arith.constant 0 : i32
    %c0_i32_0 = arith.constant 0 : i32
    %c0_i32_1 = arith.constant 0 : i32
    return %c0_i32, %c0_i32_0 : i32, i32
  }
  func.func @transform_3(%arg0: i32) -> (i32, i32) {
    %c0_i32 = arith.constant 0 : i32
    %c0_i32_0 = arith.constant 0 : i32
    %c0_i32_1 = arith.constant 0 : i32
    return %c0_i32, %c0_i32_0 : i32, i32
  }
  func.func @transform_4(%arg0: i32) -> (i32, i32) {
    %c0_i32 = arith.constant 0 : i32
    %c0_i32_0 = arith.constant 0 : i32
    %c0_i32_1 = arith.constant 0 : i32
    return %c0_i32, %c0_i32_0 : i32, i32
  }
  func.func @transform_5(%arg0: i32) -> (i32, i32) {
    %c0_i32 = arith.constant 0 : i32
    %c0_i32_0 = arith.constant 0 : i32
    %c0_i32_1 = arith.constant 0 : i32
    return %c0_i32, %c0_i32_0 : i32, i32
  }
  func.func @transform_6(%arg0: i32) -> (i32, i32) {
    %c0_i32 = arith.constant 0 : i32
    %c0_i32_0 = arith.constant 0 : i32
    %c0_i32_1 = arith.constant 0 : i32
    return %c0_i32, %c0_i32_0 : i32, i32
  }
  func.func @transform_7(%arg0: i32) -> (i32, i32) {
    %c0_i32 = arith.constant 0 : i32
    %c0_i32_0 = arith.constant 0 : i32
    return %arg0, %c0_i32 : i32, i32
  }
}

module attributes {stable_mosaic.version = 14 : i64} {
  func.func @_k5_body(%arg0: i32, %arg1: memref<2560x16xf32, #tpu.memory_space<vmem>>, %arg2: memref<16x32xf32, #tpu.memory_space<vmem>>, %arg3: memref<1x32xf32, #tpu.memory_space<vmem>>, %arg4: memref<2560x32xf32, #tpu.memory_space<vmem>>) attributes {dimension_semantics = [#tpu.dimension_semantics<arbitrary>], iteration_bounds = array<i64: 125>, scalar_prefetch = 0 : i64, scratch_operands = 0 : i64, tpu.core_type = #tpu.core_type<tc>, window_params = [{transform_indices = @transform_0, window_bounds = array<i64: 2560, 16>}, {pipeline_mode = #tpu.pipeline_mode<synchronous>, transform_indices = @transform_1, window_bounds = array<i64: 16, 32>}, {pipeline_mode = #tpu.pipeline_mode<synchronous>, transform_indices = @transform_2, window_bounds = array<i64: 1, 32>}, {transform_indices = @transform_3, window_bounds = array<i64: 2560, 32>}]} {
    %get3A = arith.constant 0 : index
    %get3A_0 = arith.constant 0 : index
    %get3A_1 = vector.load %arg1[%get3A, %get3A_0] : memref<2560x16xf32, #tpu.memory_space<vmem>>, vector<2560x16xf32>
    %mul3A = arith.constant 5.000000e-01 : f32
    %mul3A_2 = vector.broadcast %mul3A : f32 to vector<2560x16xf32>
    %mul3A_3 = arith.mulf %mul3A_2, %get3A_1 : vector<2560x16xf32>
    %mul3A_4 = arith.constant 0.707106769 : f32
    %mul3A_5 = vector.broadcast %mul3A_4 : f32 to vector<2560x16xf32>
    %mul3A_6 = arith.mulf %get3A_1, %mul3A_5 : vector<2560x16xf32>
    %erf3A = math.erf %mul3A_6 : vector<2560x16xf32>
    %add3A = arith.constant 1.000000e+00 : f32
    %add3A_7 = vector.broadcast %add3A : f32 to vector<2560x16xf32>
    %add3A_8 = arith.addf %add3A_7, %erf3A : vector<2560x16xf32>
    %mul3A_9 = arith.mulf %mul3A_3, %add3A_8 : vector<2560x16xf32>
    %get3A_10 = arith.constant 0 : index
    %get3A_11 = arith.constant 0 : index
    %get3A_12 = vector.load %arg2[%get3A_10, %get3A_11] : memref<16x32xf32, #tpu.memory_space<vmem>>, vector<16x32xf32>
    %dot_general3A = arith.constant dense<0.000000e+00> : vector<2560x32xf32>
    %dot_general3A_13 = tpu.matmul %mul3A_9, %get3A_12, %dot_general3A {dimension_numbers = #tpu.dot_dimension_numbers<[1], [0], [0], [1], [0, 0, 1, 1], [], []>, transpose_lhs_hint = false} : vector<2560x16xf32>, vector<16x32xf32>, vector<2560x32xf32> -> vector<2560x32xf32>
    %get3A_14 = arith.constant 0 : index
    %get3A_15 = arith.constant 0 : index
    %get3A_16 = vector.load %arg3[%get3A_14, %get3A_15] : memref<1x32xf32, #tpu.memory_space<vmem>>, vector<1x32xf32>
    %add3A_17 = vector.broadcast %get3A_16 : vector<1x32xf32> to vector<2560x32xf32>
    %add3A_18 = arith.addf %dot_general3A_13, %add3A_17 : vector<2560x32xf32>
    %swap3A = arith.constant 0 : index
    %swap3A_19 = arith.constant 0 : index
    %swap3A_20 = vector.load %arg4[%swap3A, %swap3A_19] : memref<2560x32xf32, #tpu.memory_space<vmem>>, vector<2560x32xf32>
    tpu.vector_store %arg4[%swap3A, %swap3A_19], %add3A_18 {strides = array<i32>} : memref<2560x32xf32, #tpu.memory_space<vmem>>, vector<2560x32xf32>,
    return
  }
  func.func @transform_0(%arg0: i32) -> (i32, i32) {
    %c0_i32 = arith.constant 0 : i32
    %c0_i32_0 = arith.constant 0 : i32
    return %arg0, %c0_i32 : i32, i32
  }
  func.func @transform_1(%arg0: i32) -> (i32, i32) {
    %c0_i32 = arith.constant 0 : i32
    %c0_i32_0 = arith.constant 0 : i32
    %c0_i32_1 = arith.constant 0 : i32
    return %c0_i32, %c0_i32_0 : i32, i32
  }
  func.func @transform_2(%arg0: i32) -> (i32, i32) {
    %c0_i32 = arith.constant 0 : i32
    %c0_i32_0 = arith.constant 0 : i32
    %c0_i32_1 = arith.constant 0 : i32
    return %c0_i32, %c0_i32_0 : i32, i32
  }
  func.func @transform_3(%arg0: i32) -> (i32, i32) {
    %c0_i32 = arith.constant 0 : i32
    %c0_i32_0 = arith.constant 0 : i32
    return %arg0, %c0_i32 : i32, i32
  }
}

</mosaic_0001>

<sc_bundles>
// kernel: kernel.11.cloned.1.call-start
scs
__scs_entry_jumppad:
0x0: {  	(pc) =	sbr.rel $0x88, $3  }
0x1: {  	(tag) =	ssettag $0x0;
	lr =	simm.s32 $0x1  }
0x2: {  	[smem:$0x3F94] =	sst lr;
	_ =	strace $0xD0000000  }
0x3: {  	_ = 	snop  }
0x4: {  	_ = 	snop  }
0x5: {  	_ = 	snop  }
0x6: {  	_ = 	snop  }
0x7: {  	_ = 	snop  }
__scs_overlays_trampoline_lowered:
0x8: {  	[smem:$0x3FA3] =	sst s0  }
0x9: {  	[smem:$0x3FA4] =	sst s1  }
0xa: {  	[smem:$0x3FA5] =	sst s2  }
0xb: {  	[smem:$0x3FA6] =	sst s3  }
0xc: {  	[smem:$0x3FA7] =	sst s4  }
0xd: {  	[smem:$0x3FA8] =	sst s5  }
0xe: {  	[smem:$0x3FA9] =	sst s6  }
0xf: {  	[smem:$0x3FAA] =	sst s7  }
0x10: {  	[smem:$0x3FAB] =	sst s8  }
0x11: {  	[smem:$0x3FAC] =	sst s9;
	s0 =	simm.s32 @!p0 $0x0  }
0x12: {  	s1 =	sld [smem:$0x3F92];
	s0 =	simm.s32 @p0 $0x1  }
0x13: {  	[smem:$0x3FAD] =	sst s0;
	s0 =	simm.s32 @!p1 $0x0  }
0x14: {  	s2 =	sld [smem:$0x3F91];
	s0 =	simm.s32 @p1 $0x1  }
0x15: {  	[smem:$0x3FAE] =	sst s0;
	s0 =	simm.s32 @!p2 $0x0  }
0x16: {  	s3 =	sld [smem:$0x3FDB];
	s0 =	simm.s32 @p2 $0x1  }
0x17: {  	s4 =	simm.s32 $0x1BF5;
	[smem:$0x3FB0] =	sst s0  }
0x18: {  	s0 =	sld [smem:$0x3F93];
	_ =	swait.ge [sflag:s4], $0x0  }
0x19: {  	s7 =	sld [smem:$0x3F94]  }
0x1a: {  	s8 =	sadd.s32 $0xFFFFE003, lr  }
0x1b: {  	s9 =	sadd.s32 $0xFFFFFEF7, lr;
	s5 =	simm.s32 $0xFFFFFFFF;
	p2 =	slt.u32 s8, $0xFFFFF086  }
0x1c: {  	p1 =	slt.u32 s9, $0xF7A;
	s5 =	simm.s32 @!p2 $0x0  }
0x1d: {  	s5 =	simm.s32 @p1 $0x1;
	p0 =	seq.s32 s7, s2  }
0x1e: {  	s7 =	smul.u32 @!p0 $0xF7A, s2;
	p2 =	seq.s32 @!p0 s5, $0x0  }
0x1f: {  	s9 =	smul.u32 $0xF7A, s1;
	s8 =	simm.s32 @!p0 $0x1BF5;
	p2 =	por !p2, p0  }
0x20: {  	[sflag:s8] =	ssyncset.s32 @!p0 $0xFFFFF086;
	s6 =	sadd.s32 @!p0 s3, s7;
	s7 =	simm.s32 @!p0 $0x108  }
0x21: {  	s3 =	sadd.s32 s3, s9;
	s6 =	sadd.s32 @!p0 $0x88, s6;
	s7 =	simm.s32 @p2 $0x1082  }
0x22: {  	[simem:s7], [sflag:s8] =	dma.local @!p0 [hbm:s6], $0xF7A  }
0x23: {  	s9 =	sor.u32 $0xD0000000, s2;
	s6 =	simm.s32 $0x108;
	_ =	swait.ge @!p0 [sflag:s8], $0x0  }
0x24: {  	s3 =	sadd.s32 $0x88, s3;
	s6 =	simm.s32 @!p1 $0x1082;
	[sflag:s4] =	ssyncset.s32 $0xFFFFF086  }
0x25: {  	[simem:s6], [sflag:s4] =	dma.local [hbm:s3], $0xF7A  }
0x26: {  	[smem:$0x3F94] =	sst s1;
	(tag) =	ssettag s2;
	_ =	strace s9  }
0x27: {  	s1 =	sld [smem:$0x3FA4]  }
0x28: {  	s2 =	sld [smem:$0x3FA5]  }
0x29: {  	s4 =	sld [smem:$0x3FA7]  }
0x2a: {  	p0 =	seq.s32 s5, $0x0;
	s5 =	sld [smem:$0x3FA8]  }
0x2b: {  	s6 =	sld [smem:$0x3FA9]  }
0x2c: {  	s7 =	sld [smem:$0x3FAA]  }
0x2d: {  	s3 =	simm.s32 $0x108;
	s8 =	sld [smem:$0x3FAB]  }
0x2e: {  	s3 =	simm.s32 @!p0 $0x1082;
	s9 =	sld [smem:$0x3FAC]  }
0x2f: {  	lr =	sadd.s32 s0, s3;
	s0 =	sld [smem:$0x3FA3]  }
0x30: {  	s3 =	sld [smem:$0x3FA6]  }
0x31: {  	[smem:$0x3FAF] =	sst s10  }
0x32: {  	s10 =	sld [smem:$0x3FAD];
	_ =	sdelay $0x3  }
0x33: {  	p0 =	seq.s32 s10, $0x1;
	s10 =	sld [smem:$0x3FAF];
	_ =	sdelay $0x3  }
0x34: {  	[smem:$0x3FAF] =	sst s10  }
0x35: {  	s10 =	sld [smem:$0x3FAE];
	_ =	sdelay $0x3  }
0x36: {  	p1 =	seq.s32 s10, $0x1;
	s10 =	sld [smem:$0x3FAF];
	_ =	sdelay $0x3  }
0x37: {  	[smem:$0x3FAF] =	sst s10  }
0x38: {  	s10 =	sld [smem:$0x3FB0]  }
0x39: {  	_ = 	snop;
	(pc) =	sbr.ind lr, $3  }
0x3a: {  	_ = 	snop  }
0x3b: {  	_ = 	snop  }
0x3c: {  	p2 =	seq.s32 s10, $0x1;
	s10 =	sld [smem:$0x3FAF]  }
0x3d: {  	_ =	shalt  }
0x3e: {  	_ =	shalt  }
0x3f: {  	_ =	shalt  }
0x40: {  	_ =	shalt  }
0x41: {  	_ =	shalt  }
0x42: {  	_ =	shalt  }
0x43: {  	_ =	shalt  }
0x44: {  	_ =	shalt  }
0x45: {  	_ =	shalt  }
0x46: {  	_ =	shalt  }
0x47: {  	_ =	shalt  }
0x48: {  	_ =	shalt  }
0x49: {  	_ =	shalt  }
0x4a: {  	_ =	shalt  }
0x4b: {  	_ =	shalt  }
0x4c: {  	_ =	shalt  }
0x4d: {  	_ =	shalt  }
0x4e: {  	_ =	shalt  }
0x4f: {  	_ =	shalt  }
0x50: {  	_ =	shalt  }
0x51: {  	_ =	shalt  }
0x52: {  	_ =	shalt  }
0x53: {  	_ =	shalt  }
0x54: {  	_ =	shalt  }
0x55: {  	_ =	shalt  }
0x56: {  	_ =	shalt  }
0x57: {  	_ =	shalt  }
0x58: {  	_ =	shalt  }
0x59: {  	_ =	shalt  }
0x5a: {  	_ =	shalt  }
0x5b: {  	_ =	shalt  }
0x5c: {  	_ =	shalt  }
0x5d: {  	_ =	shalt  }
0x5e: {  	_ =	shalt  }
0x5f: {  	_ =	shalt  }
0x60: {  	_ =	shalt  }
0x61: {  	_ =	shalt  }
0x62: {  	_ =	shalt  }
0x63: {  	_ =	shalt  }
0x64: {  	_ =	shalt  }
0x65: {  	_ =	shalt  }
0x66: {  	_ =	shalt  }
0x67: {  	_ =	shalt  }
0x68: {  	_ =	shalt  }
0x69: {  	_ =	shalt  }
0x6a: {  	_ =	shalt  }
0x6b: {  	_ =	shalt  }
0x6c: {  	_ =	shalt  }
0x6d: {  	_ =	shalt  }
0x6e: {  	_ =	shalt  }
0x6f: {  	_ =	shalt  }
0x70: {  	_ =	shalt  }
0x71: {  	_ =	shalt  }
0x72: {  	_ =	shalt  }
0x73: {  	_ =	shalt  }
0x74: {  	_ =	shalt  }
0x75: {  	_ =	shalt  }
0x76: {  	_ =	shalt  }
0x77: {  	_ =	shalt  }
0x78: {  	_ =	shalt  }
0x79: {  	_ =	shalt  }
0x7a: {  	_ =	shalt  }
0x7b: {  	_ =	shalt  }
0x7c: {  	_ =	shalt  }
0x7d: {  	_ =	shalt  }
0x7e: {  	_ =	shalt  }
0x7f: {  	_ =	shalt  }
0x80: {  	_ =	shalt  }
0x81: {  	_ =	shalt  }
0x82: {  	_ =	shalt  }
0x83: {  	_ =	shalt  }
0x84: {  	_ =	shalt  }
0x85: {  	_ =	shalt  }
0x86: {  	_ =	shalt  }
0x87: {  	_ =	shalt  }
.Lfunc_end0:
.L_simem_size_0:
called_computation.1_lowered:
.L_overlay_start_0:
0x88: {  	s2 =	sld [smem:$0x3FD9]  }
0x89: {  	s3 =	sld [smem:$0x3FFE];
	_ =	sdelay $0x1  }
0x8a: {  	s1 =	srdreg.scid  }
0x8b: {  	s0 =	sand.u32 $0x1, s1  }
0x8c: {  	s17 =	sshll.u32 s0, $0xA;
	s2 =	sadd.s32 s3, s2  }
0x8d: {  	s2 =	sadd.s32 s2, s17  }
0x8e: {  	[smem:$0x3FBB] =	sst s2  }
0x8f: {  	_ = 	snop  }
0x90: {  	s2 =	sld [smem:$0x3FD0];
	(tm) =	ssettm $0x1  }
0x91: {  	s18 =	sld [smem:$0x3FFB];
	_ =	sdelay $0x3  }
0x92: {  	_ =	strace s18  }
0x93: {  	s3 =	sld [smem:$0x3FFC];
	_ =	sdelay $0x3  }
0x94: {  	_ =	strace s3  }
0x95: {  	s3 =	sld [smem:$0x3FFD];
	_ =	sdelay $0x3  }
0x96: {  	_ =	strace s3  }
0x97: {  	_ =	strace $0x8FFFFFFF  }
0x98: {  	s19 =	sld [smem:$0x3FDB];
	_ =	sdelay $0x1  }
0x99: {  	s4 =	simm.s32 $_scs_section_size  }
0x9a: {  	s5 =	simm.s32 $_size__tile_overlayer_lowered;
	s6 =	simm.s32 $_tile_overlayer_lowered  }
0x9b: {  	s22 =	simm.s32 $0x1BFF;
	s21 =	sshll.u32 s6, $0x1;
	s3 =	sadd.s32 s4, s19  }
0x9c: {  	s7 =	simm.s32 $0x0;
	s20 =	sshll.u32 s5, $0x1;
	s5 =	sadd.s32 s21, s3  }
0x9d: {  	[timem:s7], [sflag:s22] =	dma.local [hbm:s5], s20  }
0x9e: {  	_ =	swait.ge [sflag:s22], s20  }
0x9f: {  	s4 =	ssub.s32 $0x0, s20;
	[sflag:s22] =	ssyncset.done $0x0  }
0xa0: {  	[sflag:s22] =	ssyncadd.s32 s4;
	_ =	sdelay $0x1  }
0xa1: {  	s23 =	simm.s32 $0x1B8B  }
0xa2: {  	_ =	swait.ge [sflag:s23], $0x1  }
0xa3: {  	[sflag:s23] =	ssyncset.done $0x0  }
0xa4: {  	s25 =	simm.s32 $0x1B8E;
	s24 =	sld [smem:$0x3FFE];
	[sflag:s23] =	ssyncadd.s32 $0xFFFFFFFF  }
0xa5: {  	s26 =	simm.s32 $execute0_lowered;
	[smem:$0x3FD2] =	sst s25  }
0xa6: {  	s5 =	sshll.u32 s26, $0x1;
	_ =	strace $0x80000049;
	[dreg:$0x1] =	wrdreg $0xFFFFFFFF  }
0xa7: {  	s28 =	simm.s32 $_size_execute0_lowered;
	s3 =	sadd.s32 s3, s5;
	[dreg:$0x0] =	wrdreg $0x0  }
0xa8: {  	s5 =	sshll.u32 s28, $0x1;
	[dreg:$0x2] =	wrdreg s3  }
0xa9: {  	[dreg:$0x3] =	wrdreg s5  }
0xaa: {  	[dreg:$0x4] =	wrdreg $0xC0  }
0xab: {  	_ =	task [dreg:s7], $0x5FFFF  }
0xac: {  	[dreg:$0x1] =	wrdreg $0xFFFFFFFF  }
0xad: {  	[dreg:$0x0] =	wrdreg $0x60  }
0xae: {  	[dreg:$0x2] =	wrdreg s2  }
0xaf: {  	[dreg:$0x3] =	wrdreg s24  }
0xb0: {  	[dreg:$0x4] =	wrdreg $0x9  }
0xb1: {  	_ =	task.clear_ibuf [dreg:s7], $0x5FFFF;
	_ =	strace $0x90000049  }
0xb2: {  	s29 =	simm.s32 $0x9;
	_ =	strace $0x8000004B  }
0xb3: {  	_ =	swait.ge [sflag:s29], $0x1  }
0xb4: {  	[sflag:s29] =	ssyncadd.s32 $0xFFFFFFFF  }
0xb5: {  	_ =	strace $0x9000004B  }
0xb6: {  	_ =	sfence  }
0xb7: {  	s30 =	sld [smem:$0x0];
	_ =	sdelay $0x2  }
0xb8: {  	s31 =	sshll.u32 s1, $0xD;
	s1 =	sshrl.u32 s1, $0x2  }
0xb9: {  	s3 =	sand.u32 $0x4000, s31;
	s1 =	sadd.s32 s1, s30  }
0xba: {  	s0 =	sor.u32 s3, s0;
	s1 =	sshll.u32 s1, $0x11  }
0xbb: {  	s0 =	sor.u32 s1, s0  }
0xbc: {  	s0 =	sadd.s32 $0x8F2B, s0  }
0xbd: {  	[sflag:s0] =	ssyncadd.remote.s32 $0x1  }
0xbe: {  	_ =	sfence.sel $0xFFFF  }
0xbf: {  	[dreg:$0x0] =	wrdreg $0xFFFFFFFF;
	(pc) =	sbr.abs _section_cstart, $3  }
0xc0: {  	[dreg:$0x1] =	wrdreg $0xFFFFFFFF  }
0xc1: {  	_ =	task.clear_ibuf [dreg:s7], $0x2FFFF;
	_ =	strace $0x9FFFFFFF  }
0xc2: {  	(tm) =	ssettm $0x7FFFFFFF  }
0xc3: {  	_ =	shalt  }
tec
execute0_lowered:
.L_overlay_start_1:
0x0: {  	(tag) =	ssettag $0x1  }
0x1: {  	s2 =	rddreg [dreg:$0x0]  }
0x2: {  	s6 =	rddreg [dreg:$0x1]  }
0x3: {  	s3 =	simm.s32 $0x0;
	s0 =	stileid.u32;
	s4 =	srdreg.scid  }
0x4: {  	s19 =	simm.s32 $0x2900;
	s21 =	simm.s32 $0x3E00;
	s20 =	simm.s32 $0x3D00  }
0x5: {  	s22 =	simm.s32 $0x5200;
	s23 =	simm.s32 $0x1;
	s24 =	simm.s32 $0x2  }
0x6: {  	s25 =	simm.s32 $0x0;
	[smem:$0x7FF] =	sst s3;
	s7 =	sand.u32 $0x1, s4  }
0x7: {  	s28 =	sshll.u32 s0, $0x1;
	s10 =	smul.u32 $0x4E200, s0;
	s11 =	sadd.s32 $0xA29200, s6  }
0x8: {  	s4 =	sadd.s32 $0x4EF000, s6;
	s5 =	sadd.s32 $0x4E5200, s6;
	s15 =	smul.u32 $0x4E20, s0  }
0x9: {  	_ =	strace $0x8000004A;
	s8 =	sor.u32 s7, s28;
	s13 =	smul.u32 $0x27100, s7  }
0xa: {  	s29 =	ssub.s32 $0x2, s7;
	s16 =	smul.u32 $0x2710, s7;
	[dreg:$0x3] =	wrdreg s21  }
0xb: {  	s21 =	simm.s32 $0x3D80;
	[dreg:$0x4] =	wrdreg s22;
	s9 =	smul.u32 $0x2710, s8  }
0xc: {  	s22 =	simm.s32 $0x6600;
	s8 =	smul.u32 $0x27100, s8;
	s14 =	sshrl.u32 s29, $0x1  }
0xd: {  	s12 =	sadd.s32 s10, s6;
	s10 =	sadd.s32 s10, s11;
	s14 =	ssub.s32 s29, s14  }
0xe: {  	s30 =	sadd.s32 s16, s15;
	s12 =	sadd.s32 s13, s12;
	s10 =	sadd.s32 s13, s10  }
0xf: {  	s15 =	simm.s32 $0x80;
	s16 =	simm.s32 $0x28;
	s9 =	sshrl.u32 s9, $0x3  }
0x10: {  	s8 =	sadd.s32 s11, s8;
	s12 =	sadd.s32 $0x3200, s12;
	s31 =	sadd.s32 $0x28, s30  }
0x11: {  	s11 =	sadd.s32 $0x50, s30;
	s6 =	sadd.s32 s4, s9;
	s7 =	sadd.s32 s5, s9  }
0x12: {  	s9 =	smax.u32 s14, $0x1;
	[dreg:$0x5] =	wrdreg s12;
	s13 =	sshrl.u32 s31, $0x3  }
0x13: {  	s14 =	simm.s32 $0x3;
	s12 =	sadd.s32 s13, s5;
	s13 =	sadd.s32 s13, s4  }
.LBB2_1:
0x14: {  	[tilespmem:s3], [sflag:$0x3] =	stream.linear.gather [hbm4b:s6+s3], $0x28, $0x38;
	[tilespmem:$0x7A00] =	vst v63  }
0x15: {  	_ =	swait.ge [sflag:s14], $0x28  }
0x16: {  	[sflag:s14] =	ssyncset.done $0x0  }
0x17: {  	[sflag:s14] =	ssyncadd.s32 $0xFFFFFFD8  }
0x18: {  	[tilespmem:s15], [sflag:$0x3] =	stream.linear.gather [hbm4b:s7+s3], $0x28, $0x38;
	[tilespmem:$0x7A00] =	vst v63  }
0x19: {  	_ =	swait.ge [sflag:s14], $0x28  }
0x1a: {  	[sflag:s14] =	ssyncset.done $0x0  }
0x1b: {  	s0 =	simm.s32 $0x100;
	[sflag:s14] =	ssyncadd.s32 $0xFFFFFFD8  }
0x1c: {  	[tilespmem:s0], [sflag:$0x1] =	stream.indirect.gather [hbm4b:s2+s16], $0x80, s3, s16, $0xb8;
	[tilespmem:$0x7A00] =	vst v63  }
0x1d: {  	s31 =	simm.s32 $0x1500;
	s26 =	smov.u32 s13  }
0x1e: {  	[tilespmem:s31], [sflag:$0x1] =	stream.indirect.gather [hbm4b:s2+s16], $0x80, s15, s16, $0xb8;
	[tilespmem:$0x7A00] =	vst v63  }
0x1f: {  	s28 =	smov.u32 s12;
	s29 =	smov.u32 s11;
	s30 =	simm.s32 $0x0  }
0x20: {  	[tilespmem:s19], [sflag:$0x1] =	stream.linear.gather [hbm4b:s8+s3], $0x1400, $0x38;
	[tilespmem:$0x7A00] =	vst v63  }
.LBB2_2:
0x21: {  	[tilespmem:s20], [sflag:$0x3] =	stream.linear.gather [hbm4b:s26+s3], $0x28, $0x38;
	[tilespmem:$0x7A00] =	vst v63  }
0x22: {  	_ =	swait.ge [sflag:s14], $0x28  }
0x23: {  	[sflag:s14] =	ssyncset.done $0x0  }
0x24: {  	[sflag:s14] =	ssyncadd.s32 $0xFFFFFFD8  }
0x25: {  	[tilespmem:s21], [sflag:$0x3] =	stream.linear.gather [hbm4b:s28+s3], $0x28, $0x38;
	[tilespmem:$0x7A00] =	vst v63  }
0x26: {  	_ =	swait.ge [sflag:s14], $0x28  }
0x27: {  	[sflag:s14] =	ssyncset.done $0x0  }
0x28: {  	s31 =	rddreg [dreg:$0x3];
	[sflag:s14] =	ssyncadd.s32 $0xFFFFFFD8  }
0x29: {  	[tilespmem:s31], [sflag:$0x2] =	stream.indirect.gather [hbm4b:s2+s16], $0x80, s20, s16, $0xb8;
	[tilespmem:$0x7A00] =	vst v63  }
0x2a: {  	s17 =	sadd.s32 s30, s10;
	s0 =	rddreg [dreg:$0x4]  }
0x2b: {  	[tilespmem:s0], [sflag:$0x2] =	stream.indirect.gather [hbm4b:s2+s16], $0x80, s21, s16, $0xb8;
	[tilespmem:$0x7A00] =	vst v63  }
0x2c: {  	s0 =	sadd.s32 $0x280, s17  }
0x2d: {  	[tilespmem:s22], [sflag:$0x2] =	stream.linear.gather [hbm4b:s0+s3], $0x1400, $0x38;
	[tilespmem:$0x7A00] =	vst v63  }
0x2e: {  	_ =	swait.ge [sflag:s23], $0x1400  }
0x2f: {  	[sflag:s23] =	ssyncset.done $0x0  }
0x30: {  	[sflag:s23] =	ssyncadd.s32 $0xFFFFEC00  }
0x31: {  	_ =	swait.ge [sflag:s23], $0x1400  }
0x32: {  	[sflag:s23] =	ssyncset.done $0x0  }
0x33: {  	[sflag:s23] =	ssyncadd.s32 $0xFFFFEC00  }
0x34: {  	_ =	swait.ge [sflag:s23], $0x1400  }
0x35: {  	[sflag:s23] =	ssyncset.done $0x0  }
0x36: {  	[sflag:s23] =	ssyncadd.s32 $0xFFFFEC00  }
0x37: {  	v0 =	vld [tilespmem:$0x100]  }
0x38: {  	v1 =	vld [tilespmem:$0x1510]  }
0x39: {  	v2 =	vld [tilespmem:$0x2900]  }
0x3a: {  	v3 =	vld [tilespmem:$0x180]  }
0x3b: {  	v4 =	vld [tilespmem:$0x1590]  }
0x3c: {  	v5 =	vld [tilespmem:$0x2980]  }
0x3d: {  	v6 =	vld [tilespmem:$0x200]  }
0x3e: {  	v7 =	vld [tilespmem:$0x1610]  }
0x3f: {  	v8 =	vld [tilespmem:$0x2A00]  }
0x40: {  	v9 =	vld [tilespmem:$0x280]  }
0x41: {  	v10 =	vld [tilespmem:$0x1690]  }
0x42: {  	v11 =	vld [tilespmem:$0x2A80]  }
0x43: {  	v12 =	vld [tilespmem:$0x300]  }
0x44: {  	v13 =	vld [tilespmem:$0x1710]  }
0x45: {  	v14 =	vld [tilespmem:$0x2B00]  }
0x46: {  	v15 =	vld [tilespmem:$0x380]  }
0x47: {  	v16 =	vld [tilespmem:$0x1790]  }
0x48: {  	v17 =	vld [tilespmem:$0x2B80]  }
0x49: {  	v18 =	vld [tilespmem:$0x400]  }
0x4a: {  	v19 =	vld [tilespmem:$0x1810]  }
0x4b: {  	v20 =	vld [tilespmem:$0x2C00]  }
0x4c: {  	v21 =	vld [tilespmem:$0x480]  }
0x4d: {  	v22 =	vld [tilespmem:$0x1890]  }
0x4e: {  	v23 =	vld [tilespmem:$0x2C80]  }
0x4f: {  	v24 =	vld [tilespmem:$0x500]  }
0x50: {  	v25 =	vld [tilespmem:$0x1910]  }
0x51: {  	v26 =	vld [tilespmem:$0x2D00]  }
0x52: {  	v27 =	vld [tilespmem:$0x580]  }
0x53: {  	v28 =	vld [tilespmem:$0x1990]  }
0x54: {  	v29 =	vld [tilespmem:$0x2D80]  }
0x55: {  	v30 =	vld [tilespmem:$0x600]  }
0x56: {  	v31 =	vld [tilespmem:$0x1A10]  }
0x57: {  	v32 =	vld [tilespmem:$0x2E00]  }
0x58: {  	v33 =	vld [tilespmem:$0x680]  }
0x59: {  	v34 =	vld [tilespmem:$0x1A90]  }
0x5a: {  	v35 =	vld [tilespmem:$0x2E80]  }
0x5b: {  	v36 =	vld [tilespmem:$0x700]  }
0x5c: {  	v37 =	vld [tilespmem:$0x1B10]  }
0x5d: {  	v38 =	vld [tilespmem:$0x2F00]  }
0x5e: {  	v39 =	vld [tilespmem:$0x780]  }
0x5f: {  	v40 =	vld [tilespmem:$0x1B90]  }
0x60: {  	v59 =	vld [tilespmem:$0x3400]  }
0x61: {  	v41 =	vld [tilespmem:$0x2F80]  }
0x62: {  	v42 =	vld [tilespmem:$0x800]  }
0x63: {  	v43 =	vld [tilespmem:$0x1C10]  }
0x64: {  	v44 =	vld [tilespmem:$0x3000]  }
0x65: {  	[tilespmem:$0x1FDF0] =	vst v59;
	v59 =	vld [tilespmem:$0xC80]  }
0x66: {  	v45 =	vld [tilespmem:$0x880]  }
0x67: {  	v46 =	vld [tilespmem:$0x1C90]  }
0x68: {  	v47 =	vld [tilespmem:$0x3080]  }
0x69: {  	v48 =	vld [tilespmem:$0x900]  }
0x6a: {  	[tilespmem:$0x1FDD0] =	vst v59;
	v59 =	vld [tilespmem:$0x2090]  }
0x6b: {  	v49 =	vld [tilespmem:$0x1D10]  }
0x6c: {  	v53 =	vld [tilespmem:$0x3100]  }
0x6d: {  	v51 =	vld [tilespmem:$0x980]  }
0x6e: {  	v52 =	vld [tilespmem:$0x1D90]  }
0x6f: {  	[tilespmem:$0x1FDE0] =	vst v59;
	v59 =	vld [tilespmem:$0x3480]  }
0x70: {  	v62 =	vld [tilespmem:$0x3180]  }
0x71: {  	v54 =	vld [tilespmem:$0xA00]  }
0x72: {  	v55 =	vld [tilespmem:$0x1E10]  }
0x73: {  	v50 =	vld [tilespmem:$0x3200]  }
0x74: {  	[tilespmem:$0x1FE20] =	vst v59;
	v59 =	vld [tilespmem:$0xD00]  }
0x75: {  	v57 =	vld [tilespmem:$0xA80]  }
0x76: {  	v58 =	vld [tilespmem:$0x1E90]  }
0x77: {  	v63 =	vld [tilespmem:$0x3280]  }
0x78: {  	v60 =	vld [tilespmem:$0xB00]  }
0x79: {  	[tilespmem:$0x1FE00] =	vst v59;
	v59 =	vld [tilespmem:$0x2110]  }
0x7a: {  	v56 =	vld [tilespmem:$0x3300]  }
0x7b: {  	v61 =	vld [tilespmem:$0x1F10]  }
0x7c: {  	[tilespmem:$0x1FD90] =	vst v63;
	v63 =	vld [tilespmem:$0xB80]  }
0x7d: {  	[tilespmem:$0x1FD80] =	vst v50;
	v50 =	vld [tilespmem:$0x1F90]  }
0x7e: {  	[tilespmem:$0x1FE10] =	vst v59;
	v59 =	vld [tilespmem:$0x3500]  }
0x7f: {  	[tilespmem:$0x1FDA0] =	vst v56;
	v56 =	vld [tilespmem:$0x3380]  }
0x80: {  	v0 =	vadd.f32 v1, v0;
	v1 =	vld [tilespmem:$0x3680];
	v3 =	vadd.f32 v4, v3  }
0x81: {  	v4 =	vld [tilespmem:$0xF00]  }
0x82: {  	v3 =	vadd.f32 v5, v3;
	v5 =	vadd.f32 v10, v9;
	v9 =	vld [tilespmem:$0x2390]  }
0x83: {  	v12 =	vadd.f32 v13, v12;
	[tilespmem:$0x1FE50] =	vst v59;
	v59 =	vld [tilespmem:$0xD80]  }
0x84: {  	v10 =	vld [tilespmem:$0x3780]  }
0x85: {  	v15 =	vadd.f32 v16, v15;
	v16 =	vadd.f32 v14, v12;
	v12 =	vld [tilespmem:$0x2410]  }
0x86: {  	v14 =	vld [tilespmem:$0x1080]  }
0x87: {  	v18 =	vadd.f32 v19, v18;
	v19 =	vadd.f32 v17, v15;
	v15 =	vld [tilespmem:$0x2490]  }
0x88: {  	[tilespmem:$0x1FE30] =	vst v59;
	v59 =	vld [tilespmem:$0x2190]  }
0x89: {  	v21 =	vadd.f32 v22, v21;
	v17 =	vld [tilespmem:$0x1100]  }
0x8a: {  	v24 =	vadd.f32 v25, v24;
	v22 =	vadd.f32 v20, v18;
	v18 =	vld [tilespmem:$0x2510]  }
0x8b: {  	v25 =	vadd.f32 v23, v21;
	v21 =	vadd.f32 v37, v36;
	v36 =	vld [tilespmem:$0x1FD80]  }
0x8c: {  	v27 =	vadd.f32 v28, v27;
	v23 =	vadd.f32 v40, v39;
	v40 =	vld [tilespmem:$0x1FDA0]  }
0x8d: {  	v30 =	vadd.f32 v31, v30;
	[tilespmem:$0x1FE40] =	vst v59;
	v59 =	vld [tilespmem:$0x3580]  }
0x8e: {  	v31 =	vadd.f32 v29, v27;
	v27 =	vadd.f32 v46, v45;
	v45 =	vld [tilespmem:$0x1FDF0]  }
0x8f: {  	v37 =	vadd.f32 v61, v60;
	v61 =	vld [tilespmem:$0x1380]  }
0x90: {  	v13 =	vadd.f32 v11, v5;
	v11 =	vld [tilespmem:$0x1000]  }
0x91: {  	[tilespmem:$0x2B00] =	vst v16;
	v16 =	vld [tilespmem:$0x3880]  }
0x92: {  	v20 =	vadd.f32 v32, v30;
	[tilespmem:$0x1FE80] =	vst v59;
	v59 =	vld [tilespmem:$0xE00]  }
0x93: {  	[tilespmem:$0x2B80] =	vst v19;
	v19 =	vld [tilespmem:$0x3900]  }
0x94: {  	[tilespmem:$0x2E00] =	vst v20;
	v20 =	vld [tilespmem:$0x1180]  }
0x95: {  	v28 =	vadd.f32 v26, v24;
	v24 =	vadd.f32 v38, v21;
	v21 =	vld [tilespmem:$0x2590]  }
0x96: {  	v26 =	vadd.f32 v41, v23;
	v23 =	vld [tilespmem:$0x1200]  }
0x97: {  	[tilespmem:$0x1FE60] =	vst v59;
	v59 =	vld [tilespmem:$0x2210]  }
0x98: {  	v29 =	vadd.f32 v49, v48;
	v38 =	vld [tilespmem:$0x1FD90]  }
0x99: {  	v30 =	vadd.f32 v47, v27;
	v27 =	vld [tilespmem:$0x2690]  }
0x9a: {  	v32 =	vadd.f32 v53, v29;
	v29 =	vld [tilespmem:$0x1300]  }
0x9b: {  	[tilespmem:$0x1FDC0] =	vst v56;
	v56 =	vld [tilespmem:$0xC00]  }
0x9c: {  	[tilespmem:$0x1FE70] =	vst v59;
	v59 =	vld [tilespmem:$0x3600]  }
0x9d: {  	[tilespmem:$0x2C80] =	vst v25;
	v39 =	vadd.f32 v50, v63;
	v63 =	vld [tilespmem:$0x2790]  }
0x9e: {  	v25 =	vadd.f32 v43, v42;
	[tilespmem:$0x2A80] =	vst v13;
	v13 =	vld [tilespmem:$0x3800]  }
0x9f: {  	[tilespmem:$0x2F00] =	vst v24;
	v24 =	vld [tilespmem:$0x2610]  }
0xa0: {  	[tilespmem:$0x2D00] =	vst v28;
	v28 =	vadd.f32 v44, v25;
	v25 =	vld [tilespmem:$0x3A00]  }
0xa1: {  	[tilespmem:$0x1FEB0] =	vst v59;
	v59 =	vld [tilespmem:$0xE80]  }
0xa2: {  	[tilespmem:$0x2F80] =	vst v26;
	v26 =	vld [tilespmem:$0x1280]  }
0xa3: {  	v42 =	vld [tilespmem:$0x1FDC0]  }
0xa4: {  	v43 =	vld [tilespmem:$0x1FDD0]  }
0xa5: {  	v44 =	vld [tilespmem:$0x1FDE0]  }
0xa6: {  	[tilespmem:$0x1FEA0] =	vst v59;
	v59 =	vld [tilespmem:$0x2290]  }
0xa7: {  	[tilespmem:$0x3000] =	vst v28;
	v28 =	vld [tilespmem:$0x3A80]  }
0xa8: {  	v0 =	vadd.f32 v2, v0;
	[tilespmem:$0x1FDB0] =	vst v56;
	v56 =	vld [tilespmem:$0x2010]  }
0xa9: {  	v41 =	vld [tilespmem:$0x1FDB0]  }
0xaa: {  	[tilespmem:$0x2900] =	vst v0;
	v48 =	vld [tilespmem:$0x1FE20]  }
0xab: {  	v5 =	vadd.f32 v44, v43;
	v43 =	vld [tilespmem:$0x1480];
	[tilespmem:$0x1FE90] =	vst v59;
	v59 =	vadd.f32 v7, v6  }
0xac: {  	[tilespmem:$0x2980] =	vst v3;
	v6 =	vld [tilespmem:$0x2310]  }
0xad: {  	[tilespmem:$0x2C00] =	vst v22;
	v46 =	vld [tilespmem:$0x1FE00];
	v59 =	vadd.f32 v8, v59  }
0xae: {  	[tilespmem:$0x2D80] =	vst v31;
	v31 =	vadd.f32 v52, v51;
	v7 =	vld [tilespmem:$0x3700]  }
0xaf: {  	v47 =	vld [tilespmem:$0x1FE10];
	[tilespmem:$0x2A00] =	vst v59;
	v59 =	vadd.f32 v34, v33  }
0xb0: {  	[tilespmem:$0x3080] =	vst v30;
	v51 =	vld [tilespmem:$0x1FE50];
	v33 =	vadd.f32 v55, v54;
	v34 =	vadd.f32 v62, v31  }
0xb1: {  	[tilespmem:$0x3100] =	vst v32;
	v8 =	vld [tilespmem:$0xF80];
	v60 =	vadd.f32 v6, v4;
	v22 =	vadd.f32 v35, v59  }
0xb2: {  	v49 =	vld [tilespmem:$0x1FE30];
	v35 =	vadd.f32 v58, v57;
	v0 =	vadd.f32 v36, v33;
	[tilespmem:$0x3180] =	vst v34  }
0xb3: {  	v2 =	vadd.f32 v56, v41;
	v50 =	vld [tilespmem:$0x1FE40];
	v32 =	vadd.f32 v7, v60;
	[tilespmem:$0x2E80] =	vst v22  }
0xb4: {  	v52 =	vld [tilespmem:$0x1FE60];
	v33 =	vadd.f32 v12, v11;
	v3 =	vadd.f32 v38, v35;
	[tilespmem:$0x3200] =	vst v0  }
0xb5: {  	v53 =	vld [tilespmem:$0x1FE70];
	v36 =	vadd.f32 v15, v14;
	v0 =	vadd.f32 v40, v37;
	[tilespmem:$0x3700] =	vst v32  }
0xb6: {  	v56 =	vld [tilespmem:$0x1FE90];
	v62 =	vadd.f32 v9, v8;
	v38 =	vadd.f32 v13, v33;
	[tilespmem:$0x3280] =	vst v3  }
0xb7: {  	v54 =	vld [tilespmem:$0x2710];
	v41 =	vadd.f32 v16, v36;
	[tilespmem:$0x3300] =	vst v0  }
0xb8: {  	v55 =	vld [tilespmem:$0x1FE80];
	v35 =	vadd.f32 v10, v62;
	[tilespmem:$0x3800] =	vst v38  }
0xb9: {  	v57 =	vld [tilespmem:$0x1FEA0];
	v3 =	vadd.f32 v42, v39;
	[tilespmem:$0x3880] =	vst v41  }
0xba: {  	v22 =	vld [tilespmem:$0x3980];
	v0 =	vadd.f32 v45, v2;
	v2 =	vadd.f32 v47, v46;
	[tilespmem:$0x3780] =	vst v35  }
0xbb: {  	v58 =	vld [tilespmem:$0x3B00];
	v39 =	vadd.f32 v18, v17;
	[tilespmem:$0x3380] =	vst v3;
	v3 =	vadd.f32 v48, v5  }
0xbc: {  	v59 =	vld [tilespmem:$0x1FEB0];
	v45 =	vadd.f32 v24, v23;
	[tilespmem:$0x3400] =	vst v0;
	v0 =	vadd.f32 v51, v2  }
0xbd: {  	v34 =	vld [tilespmem:$0x3B80];
	v42 =	vadd.f32 v21, v20;
	v44 =	vadd.f32 v19, v39;
	[tilespmem:$0x3480] =	vst v3  }
0xbe: {  	v37 =	vld [tilespmem:$0x1400];
	v5 =	vadd.f32 v50, v49;
	v50 =	vadd.f32 v25, v45;
	[tilespmem:$0x3500] =	vst v0  }
0xbf: {  	v40 =	vld [tilespmem:$0x2810];
	v2 =	vadd.f32 v53, v52;
	v47 =	vadd.f32 v22, v42;
	[tilespmem:$0x3900] =	vst v44  }
0xc0: {  	v46 =	vld [tilespmem:$0x2890];
	v48 =	vadd.f32 v27, v26;
	v3 =	vadd.f32 v55, v5;
	[tilespmem:$0x3A00] =	vst v50  }
0xc1: {  	v49 =	vld [tilespmem:$0x3C00];
	v51 =	vadd.f32 v54, v29;
	v0 =	vadd.f32 v59, v2;
	[tilespmem:$0x3980] =	vst v47  }
0xc2: {  	v52 =	vld [tilespmem:$0x3C80];
	v54 =	vadd.f32 v63, v61;
	v53 =	vadd.f32 v28, v48;
	[tilespmem:$0x3580] =	vst v3  }
0xc3: {  	v5 =	vadd.f32 v56, v57;
	v55 =	vadd.f32 v58, v51;
	[tilespmem:$0x3600] =	vst v0  }
0xc4: {  	v56 =	vadd.f32 v40, v37;
	v57 =	vadd.f32 v34, v54;
	[tilespmem:$0x3A80] =	vst v53  }
0xc5: {  	v58 =	vadd.f32 v46, v43;
	v1 =	vadd.f32 v1, v5;
	[tilespmem:$0x3B00] =	vst v55  }
0xc6: {  	[tilespmem:$0x3B80] =	vst v57;
	v59 =	vadd.f32 v49, v56  }
0xc7: {  	v60 =	vadd.f32 v52, v58;
	[tilespmem:$0x3680] =	vst v1  }
0xc8: {  	s18 =	rddreg [dreg:$0x5];
	[tilespmem:$0x3C00] =	vst v59  }
0xc9: {  	s31 =	sadd.s32 s30, s18;
	[tilespmem:$0x3C80] =	vst v60  }
0xca: {  	[hbm4b:s31+s3] =	stream.linear.scatter [tilespmem:s19], [sflag:$0x3], $0x1400, $0x38;
	[tilespmem:$0x7A00] =	vst v63  }
0xcb: {  	p0 =	seq.s32 s30, $0x26C00;
	_ =	swait.ge [sflag:s14], $0x1400  }
0xcc: {  	s0 =	sshrl.u32 @!p0 s29, $0x3;
	[sflag:s14] =	ssyncset.done $0x0  }
0xcd: {  	s17 =	simm.s32 @!p0 $0x0;
	s1 =	sadd.s32 @!p0 s4, s0;
	[sflag:s14] =	ssyncadd.s32 $0xFFFFEC00  }
0xce: {  	[tilespmem:s17], [sflag:$0x3] =	stream.linear.gather @!p0 [hbm4b:s1+s17], $0x28, $0x38;
	[tilespmem:$0x7A00] =	vst v63  }
0xcf: {  	s1 =	simm.s32 @!p0 $0x3  }
0xd0: {  	_ =	swait.ge @!p0 [sflag:s1], $0x28  }
0xd1: {  	[sflag:s1] =	ssyncset.done @!p0 $0x0  }
0xd2: {  	s0 =	sadd.s32 @!p0 s5, s0;
	s18 =	simm.s32 @!p0 $0x80;
	[sflag:s1] =	ssyncadd.s32 @!p0 $0xFFFFFFD8  }
0xd3: {  	[tilespmem:s18], [sflag:$0x3] =	stream.linear.gather @!p0 [hbm4b:s0+s17], $0x28, $0x38;
	[tilespmem:$0x7A00] =	vst v63  }
0xd4: {  	_ =	swait.ge @!p0 [sflag:s1], $0x28  }
0xd5: {  	[sflag:s1] =	ssyncset.done @!p0 $0x0  }
0xd6: {  	s0 =	simm.s32 @!p0 $0x28;
	[sflag:s1] =	ssyncadd.s32 @!p0 $0xFFFFFFD8;
	s1 =	simm.s32 @!p0 $0x100  }
0xd7: {  	[tilespmem:s1], [sflag:$0x1] =	stream.indirect.gather @!p0 [hbm4b:s2+s0], $0x80, s17, s0, $0xb8;
	[tilespmem:$0x7A00] =	vst v63  }
0xd8: {  	s1 =	simm.s32 @!p0 $0x1500  }
0xd9: {  	[tilespmem:s1], [sflag:$0x1] =	stream.indirect.gather @!p0 [hbm4b:s2+s0], $0x80, s18, s0, $0xb8;
	[tilespmem:$0x7A00] =	vst v63  }
0xda: {  	s0 =	sadd.s32 @!p0 s30, s10  }
0xdb: {  	s1 =	simm.s32 @!p0 $0x2900;
	s0 =	sadd.s32 @!p0 $0x500, s0  }
0xdc: {  	[tilespmem:s1], [sflag:$0x1] =	stream.linear.gather @!p0 [hbm4b:s0+s17], $0x1400, $0x38;
	[tilespmem:$0x7A00] =	vst v63  }
0xdd: {  	_ =	swait.ge [sflag:s24], $0x1400  }
0xde: {  	[sflag:s24] =	ssyncset.done $0x0  }
0xdf: {  	[sflag:s24] =	ssyncadd.s32 $0xFFFFEC00  }
0xe0: {  	_ =	swait.ge [sflag:s24], $0x1400  }
0xe1: {  	[sflag:s24] =	ssyncset.done $0x0  }
0xe2: {  	[sflag:s24] =	ssyncadd.s32 $0xFFFFEC00  }
0xe3: {  	_ =	swait.ge [sflag:s24], $0x1400  }
0xe4: {  	[sflag:s24] =	ssyncset.done $0x0  }
0xe5: {  	[sflag:s24] =	ssyncadd.s32 $0xFFFFEC00  }
0xe6: {  	v0 =	vld [tilespmem:$0x3E00]  }
0xe7: {  	v1 =	vld [tilespmem:$0x5210]  }
0xe8: {  	v2 =	vld [tilespmem:$0x6600]  }
0xe9: {  	v3 =	vld [tilespmem:$0x3E80]  }
0xea: {  	v4 =	vld [tilespmem:$0x5290]  }
0xeb: {  	v5 =	vld [tilespmem:$0x6680]  }
0xec: {  	v6 =	vld [tilespmem:$0x3F00]  }
0xed: {  	v7 =	vld [tilespmem:$0x5310]  }
0xee: {  	v8 =	vld [tilespmem:$0x6700]  }
0xef: {  	v9 =	vld [tilespmem:$0x3F80]  }
0xf0: {  	v10 =	vld [tilespmem:$0x5390]  }
0xf1: {  	v11 =	vld [tilespmem:$0x6780]  }
0xf2: {  	v12 =	vld [tilespmem:$0x4000]  }
0xf3: {  	v13 =	vld [tilespmem:$0x5410]  }
0xf4: {  	v14 =	vld [tilespmem:$0x6800]  }
0xf5: {  	v15 =	vld [tilespmem:$0x4080]  }
0xf6: {  	v16 =	vld [tilespmem:$0x5490]  }
0xf7: {  	v17 =	vld [tilespmem:$0x6880]  }
0xf8: {  	v18 =	vld [tilespmem:$0x4100]  }
0xf9: {  	v19 =	vld [tilespmem:$0x5510]  }
0xfa: {  	v20 =	vld [tilespmem:$0x6900]  }
0xfb: {  	v21 =	vld [tilespmem:$0x4180]  }
0xfc: {  	v22 =	vld [tilespmem:$0x5590]  }
0xfd: {  	v23 =	vld [tilespmem:$0x6980]  }
0xfe: {  	v24 =	vld [tilespmem:$0x4200]  }
0xff: {  	v25 =	vld [tilespmem:$0x5610]  }
0x100: {  	v26 =	vld [tilespmem:$0x6A00]  }
0x101: {  	v27 =	vld [tilespmem:$0x4280]  }
0x102: {  	v28 =	vld [tilespmem:$0x5690]  }
0x103: {  	v29 =	vld [tilespmem:$0x6A80]  }
0x104: {  	v59 =	vld [tilespmem:$0x7100]  }
0x105: {  	v30 =	vld [tilespmem:$0x4300]  }
0x106: {  	v31 =	vld [tilespmem:$0x5710]  }
0x107: {  	v32 =	vld [tilespmem:$0x6B00]  }
0x108: {  	v33 =	vld [tilespmem:$0x4380]  }
0x109: {  	[tilespmem:$0x1FF30] =	vst v59;
	v59 =	vld [tilespmem:$0x4980]  }
0x10a: {  	v34 =	vld [tilespmem:$0x5790]  }
0x10b: {  	v35 =	vld [tilespmem:$0x6B80]  }
0x10c: {  	v36 =	vld [tilespmem:$0x4400]  }
0x10d: {  	v37 =	vld [tilespmem:$0x5810]  }
0x10e: {  	[tilespmem:$0x1FF10] =	vst v59;
	v59 =	vld [tilespmem:$0x5D90]  }
0x10f: {  	v38 =	vld [tilespmem:$0x6C00]  }
0x110: {  	v39 =	vld [tilespmem:$0x4480]  }
0x111: {  	v40 =	vld [tilespmem:$0x5890]  }
0x112: {  	v41 =	vld [tilespmem:$0x6C80]  }
0x113: {  	[tilespmem:$0x1FF20] =	vst v59;
	v59 =	vld [tilespmem:$0x7180]  }
0x114: {  	v42 =	vld [tilespmem:$0x4500]  }
0x115: {  	v43 =	vld [tilespmem:$0x5910]  }
0x116: {  	v44 =	vld [tilespmem:$0x6D00]  }
0x117: {  	v45 =	vld [tilespmem:$0x4580]  }
0x118: {  	[tilespmem:$0x1FF60] =	vst v59;
	v59 =	vld [tilespmem:$0x4A00]  }
0x119: {  	v46 =	vld [tilespmem:$0x5990]  }
0x11a: {  	v47 =	vld [tilespmem:$0x6D80]  }
0x11b: {  	v48 =	vld [tilespmem:$0x4600]  }
0x11c: {  	v49 =	vld [tilespmem:$0x5A10]  }
0x11d: {  	[tilespmem:$0x1FF40] =	vst v59;
	v59 =	vld [tilespmem:$0x5E10]  }
0x11e: {  	v53 =	vld [tilespmem:$0x6E00]  }
0x11f: {  	v51 =	vld [tilespmem:$0x4680]  }
0x120: {  	v52 =	vld [tilespmem:$0x5A90]  }
0x121: {  	v62 =	vld [tilespmem:$0x6E80]  }
0x122: {  	[tilespmem:$0x1FF50] =	vst v59;
	v59 =	vld [tilespmem:$0x7200]  }
0x123: {  	v54 =	vld [tilespmem:$0x4700]  }
0x124: {  	v55 =	vld [tilespmem:$0x5B10]  }
0x125: {  	v61 =	vld [tilespmem:$0x6F00]  }
0x126: {  	v57 =	vld [tilespmem:$0x4780]  }
0x127: {  	[tilespmem:$0x1FF90] =	vst v59;
	v59 =	vld [tilespmem:$0x4A80]  }
0x128: {  	v58 =	vld [tilespmem:$0x5B90]  }
0x129: {  	v63 =	vld [tilespmem:$0x6F80]  }
0x12a: {  	v60 =	vld [tilespmem:$0x4800]  }
0x12b: {  	v56 =	vld [tilespmem:$0x7000]  }
0x12c: {  	[tilespmem:$0x1FF70] =	vst v59;
	v59 =	vld [tilespmem:$0x5E90]  }
0x12d: {  	v50 =	vld [tilespmem:$0x5C90]  }
0x12e: {  	[tilespmem:$0x1FEC0] =	vst v61;
	v61 =	vld [tilespmem:$0x5C10]  }
0x12f: {  	[tilespmem:$0x1FED0] =	vst v63;
	v63 =	vld [tilespmem:$0x4880]  }
0x130: {  	[tilespmem:$0x1FEE0] =	vst v56;
	v56 =	vld [tilespmem:$0x7080]  }
0x131: {  	[tilespmem:$0x1FF80] =	vst v59;
	v59 =	vld [tilespmem:$0x7280]  }
0x132: {  	v0 =	vadd.f32 v1, v0;
	v1 =	vld [tilespmem:$0x7380];
	v3 =	vadd.f32 v4, v3  }
0x133: {  	v4 =	vld [tilespmem:$0x4C00]  }
0x134: {  	v3 =	vadd.f32 v5, v3;
	v5 =	vadd.f32 v10, v9;
	v9 =	vld [tilespmem:$0x6090]  }
0x135: {  	v12 =	vadd.f32 v13, v12;
	v10 =	vld [tilespmem:$0x7480]  }
0x136: {  	[tilespmem:$0x1FFC0] =	vst v59;
	v59 =	vld [tilespmem:$0x4B00]  }
0x137: {  	v15 =	vadd.f32 v16, v15;
	v16 =	vadd.f32 v14, v12;
	v12 =	vld [tilespmem:$0x6110]  }
0x138: {  	v22 =	vadd.f32 v22, v21;
	v14 =	vld [tilespmem:$0x4D80]  }
0x139: {  	v18 =	vadd.f32 v19, v18;
	v19 =	vadd.f32 v17, v15;
	v15 =	vld [tilespmem:$0x6190]  }
0x13a: {  	v17 =	vadd.f32 v23, v22;
	v13 =	vadd.f32 v11, v5;
	v11 =	vld [tilespmem:$0x4D00]  }
0x13b: {  	v22 =	vadd.f32 v34, v33;
	[tilespmem:$0x1FFA0] =	vst v59;
	v59 =	vld [tilespmem:$0x5F10]  }
0x13c: {  	v34 =	vadd.f32 v52, v51;
	[tilespmem:$0x6980] =	vst v17;
	v17 =	vld [tilespmem:$0x4E00]  }
0x13d: {  	[tilespmem:$0x6800] =	vst v16;
	v16 =	vadd.f32 v25, v24;
	v25 =	vadd.f32 v35, v22;
	v22 =	vld [tilespmem:$0x7680]  }
0x13e: {  	v24 =	vadd.f32 v37, v36;
	v37 =	vadd.f32 v62, v34;
	v34 =	vld [tilespmem:$0x6490]  }
0x13f: {  	[tilespmem:$0x1FF00] =	vst v56;
	v56 =	vld [tilespmem:$0x4900]  }
0x140: {  	[tilespmem:$0x1FFB0] =	vst v59;
	v59 =	vld [tilespmem:$0x7300]  }
0x141: {  	[tilespmem:$0x6780] =	vst v13;
	v13 =	vld [tilespmem:$0x7500]  }
0x142: {  	[tilespmem:$0x6880] =	vst v19;
	v19 =	vadd.f32 v26, v16;
	v16 =	vld [tilespmem:$0x7580]  }
0x143: {  	v26 =	vadd.f32 v40, v39;
	v39 =	vld [tilespmem:$0x1FEC0]  }
0x144: {  	[tilespmem:$0x6B80] =	vst v25;
	v25 =	vld [tilespmem:$0x7700]  }
0x145: {  	[tilespmem:$0x1FFF0] =	vst v59;
	v59 =	vld [tilespmem:$0x4B80]  }
0x146: {  	v40 =	vadd.f32 v61, v60;
	v61 =	vld [tilespmem:$0x7800]  }
0x147: {  	[tilespmem:$0x6E80] =	vst v37;
	v37 =	vld [tilespmem:$0x7880]  }
0x148: {  	[tilespmem:$0x6A00] =	vst v19;
	v19 =	vld [tilespmem:$0x7600]  }
0x149: {  	[tilespmem:$0x1FEF0] =	vst v56;
	v56 =	vld [tilespmem:$0x5D10]  }
0x14a: {  	[tilespmem:$0x1FFE0] =	vst v59;
	v59 =	vld [tilespmem:$0x5F90]  }
0x14b: {  	v51 =	vld [tilespmem:$0x1FF60]  }
0x14c: {  	v36 =	vadd.f32 v55, v54;
	v54 =	vld [tilespmem:$0x1FF90]  }
0x14d: {  	v52 =	vld [tilespmem:$0x1FF70]  }
0x14e: {  	v55 =	vld [tilespmem:$0x1FFA0]  }
0x14f: {  	v62 =	vld [tilespmem:$0x1FFF0];
	[tilespmem:$0x1FFD0] =	vst v59;
	v59 =	vadd.f32 v7, v6  }
0x150: {  	v60 =	vld [tilespmem:$0x1FFE0]  }
0x151: {  	v6 =	vld [tilespmem:$0x6010];
	v59 =	vadd.f32 v8, v59  }
0x152: {  	v7 =	vld [tilespmem:$0x7400]  }
0x153: {  	v8 =	vld [tilespmem:$0x4C80];
	[tilespmem:$0x6700] =	vst v59;
	v59 =	vadd.f32 v20, v18  }
0x154: {  	v18 =	vadd.f32 v28, v27;
	v27 =	vadd.f32 v38, v24;
	v24 =	vld [tilespmem:$0x6310]  }
0x155: {  	v28 =	vadd.f32 v43, v42;
	v43 =	vld [tilespmem:$0x1FEE0]  }
0x156: {  	v20 =	vadd.f32 v31, v30;
	v30 =	vadd.f32 v46, v45;
	v45 =	vld [tilespmem:$0x1FF00]  }
0x157: {  	v0 =	vadd.f32 v2, v0;
	v46 =	vld [tilespmem:$0x1FF10]  }
0x158: {  	v42 =	vadd.f32 v50, v63;
	v50 =	vld [tilespmem:$0x1FF50]  }
0x159: {  	[tilespmem:$0x6600] =	vst v0;
	v0 =	vadd.f32 v39, v36;
	v38 =	vadd.f32 v58, v57;
	v57 =	vld [tilespmem:$0x6410]  }
0x15a: {  	[tilespmem:$0x6680] =	vst v3;
	v58 =	vld [tilespmem:$0x1FFC0]  }
0x15b: {  	[tilespmem:$0x6F00] =	vst v0;
	v21 =	vadd.f32 v29, v18;
	v18 =	vld [tilespmem:$0x6210]  }
0x15c: {  	[tilespmem:$0x6900] =	vst v59;
	v23 =	vadd.f32 v32, v20;
	v20 =	vld [tilespmem:$0x4E80]  }
0x15d: {  	v29 =	vadd.f32 v41, v26;
	[tilespmem:$0x6C00] =	vst v27;
	v41 =	vld [tilespmem:$0x1FED0]  }
0x15e: {  	v31 =	vadd.f32 v44, v28;
	v44 =	vld [tilespmem:$0x1FEF0];
	[tilespmem:$0x6A80] =	vst v21  }
0x15f: {  	v32 =	vadd.f32 v49, v48;
	v26 =	vld [tilespmem:$0x4F80];
	[tilespmem:$0x6B00] =	vst v23  }
0x160: {  	v33 =	vadd.f32 v47, v30;
	v47 =	vld [tilespmem:$0x1FF20];
	[tilespmem:$0x6C80] =	vst v29  }
0x161: {  	v63 =	vadd.f32 v6, v4;
	v27 =	vld [tilespmem:$0x6390];
	[tilespmem:$0x6D00] =	vst v31;
	v35 =	vadd.f32 v53, v32  }
0x162: {  	v48 =	vld [tilespmem:$0x1FF30];
	[tilespmem:$0x6D80] =	vst v33;
	v0 =	vadd.f32 v43, v40  }
0x163: {  	v49 =	vld [tilespmem:$0x1FF40];
	v33 =	vadd.f32 v9, v8;
	[tilespmem:$0x6E00] =	vst v35;
	v35 =	vadd.f32 v7, v63  }
0x164: {  	v36 =	vadd.f32 v12, v11;
	v28 =	vld [tilespmem:$0x7780];
	v3 =	vadd.f32 v41, v38;
	[tilespmem:$0x7000] =	vst v0  }
0x165: {  	v39 =	vadd.f32 v15, v14;
	v21 =	vld [tilespmem:$0x6290];
	v38 =	vadd.f32 v10, v33;
	[tilespmem:$0x7400] =	vst v35  }
0x166: {  	v23 =	vld [tilespmem:$0x4F00];
	v2 =	vadd.f32 v56, v44;
	v41 =	vadd.f32 v13, v36;
	[tilespmem:$0x6F80] =	vst v3  }
0x167: {  	v53 =	vld [tilespmem:$0x1FF80];
	v5 =	vadd.f32 v47, v46;
	v44 =	vadd.f32 v16, v39;
	[tilespmem:$0x7480] =	vst v38  }
0x168: {  	v59 =	vld [tilespmem:$0x1FFD0];
	v3 =	vadd.f32 v45, v42;
	v0 =	vadd.f32 v48, v2;
	[tilespmem:$0x7500] =	vst v41  }
0x169: {  	v29 =	vld [tilespmem:$0x5000];
	v2 =	vadd.f32 v50, v49;
	v42 =	vadd.f32 v18, v17;
	[tilespmem:$0x7580] =	vst v44  }
0x16a: {  	v32 =	vld [tilespmem:$0x5080];
	v45 =	vadd.f32 v21, v20;
	[tilespmem:$0x7080] =	vst v3;
	v3 =	vadd.f32 v51, v5  }
0x16b: {  	v56 =	vld [tilespmem:$0x1FFB0];
	v48 =	vadd.f32 v24, v23;
	[tilespmem:$0x7100] =	vst v0;
	v0 =	vadd.f32 v54, v2  }
0x16c: {  	v40 =	vld [tilespmem:$0x5100];
	v5 =	vadd.f32 v53, v52;
	v47 =	vadd.f32 v19, v42;
	[tilespmem:$0x7180] =	vst v3  }
0x16d: {  	v43 =	vld [tilespmem:$0x6510];
	v50 =	vadd.f32 v22, v45;
	v51 =	vadd.f32 v27, v26;
	[tilespmem:$0x7200] =	vst v0  }
0x16e: {  	v46 =	vld [tilespmem:$0x5180];
	v53 =	vadd.f32 v25, v48;
	v54 =	vadd.f32 v57, v29;
	[tilespmem:$0x7600] =	vst v47  }
0x16f: {  	v49 =	vld [tilespmem:$0x6590];
	v57 =	vadd.f32 v34, v32;
	v3 =	vadd.f32 v58, v5;
	[tilespmem:$0x7680] =	vst v50  }
0x170: {  	v52 =	vld [tilespmem:$0x7900];
	v2 =	vadd.f32 v56, v55;
	v56 =	vadd.f32 v28, v51;
	[tilespmem:$0x7700] =	vst v53  }
0x171: {  	v55 =	vld [tilespmem:$0x7980];
	v58 =	vadd.f32 v61, v54;
	[tilespmem:$0x7280] =	vst v3  }
0x172: {  	v5 =	vadd.f32 v59, v60;
	v60 =	vadd.f32 v37, v57;
	[tilespmem:$0x7780] =	vst v56  }
0x173: {  	v59 =	vadd.f32 v43, v40;
	v0 =	vadd.f32 v62, v2;
	[tilespmem:$0x7800] =	vst v58  }
0x174: {  	v61 =	vadd.f32 v49, v46;
	v1 =	vadd.f32 v1, v5;
	[tilespmem:$0x7880] =	vst v60  }
0x175: {  	[tilespmem:$0x7300] =	vst v0;
	v62 =	vadd.f32 v52, v59  }
0x176: {  	s30 =	sadd.s32 $0x500, s30;
	[tilespmem:$0x7380] =	vst v1;
	v63 =	vadd.f32 v55, v61  }
0x177: {  	p0 =	sne.s32 s30, $0x27100;
	[tilespmem:$0x7900] =	vst v62  }
.Ltmp0:
0x178: {  	s31 =	sadd.s32 $0x280, s31;
	[tilespmem:$0x7980] =	vst v63;
	(pc) =	sbr.rel @p0 .LBB2_2-.Ltmp0, $4  }
0x179: {  	[hbm4b:s31+s3] =	stream.linear.scatter [tilespmem:s22], [sflag:$0x3], $0x1400, $0x38;
	[tilespmem:$0x7A00] =	vst v63  }
0x17a: {  	_ =	swait.ge [sflag:s14], $0x1400  }
0x17b: {  	s26 =	sadd.s32 $0xA, s26;
	[sflag:s14] =	ssyncset.done $0x0  }
0x17c: {  	s28 =	sadd.s32 $0xA, s28;
	s29 =	sadd.s32 $0x50, s29;
	[sflag:s14] =	ssyncadd.s32 $0xFFFFEC00  }
0x17d: {  	s25 =	sadd.s32 $0x1, s25  }
0x17e: {  	p0 =	sne.s32 s25, s9  }
.Ltmp1:
0x17f: {  	_ = 	snop;
	(pc) =	sbr.rel @p0 .LBB2_1-.Ltmp1, $1  }
0x180: {  	_ =	sdelay $0x3  }
0x181: {  	_ =	sfence.sel $0x180000  }
0x182: {  	[bflag:$0x0] =	sbarrier.arrive $0xFFFF  }
0x183: {  	_ =	strace $0x9000004A  }
0x184: {  	s0 =	stileid.u32;
	[bflag:$0x2] =	sbarrier.arrive $0xFFFF  }
0x185: {  	p0 =	sne.s32 s0, $0x0;
	s0 =	rddreg [dreg:$0x2]  }
0x186: {  	s0 =	sadd.s32 @!p0 $0x100000, s0  }
0x187: {  	[sflag:s0] =	ssyncadd.tile.s32 @!p0 $0x1;
	_ =	shalt  }
.Lfunc_end2:
_tile_overlayer_lowered:
.L_overlay_start_2:
0x188: {  	(tag) =	ssettag $0x2  }
0x189: {  	s0 =	rddreg [dreg:$0x0];
	s2 =	stileid.u32  }
0x18a: {  	s1 =	rddreg [dreg:$0x1];
	p0 =	sne.s32 s2, $0x0  }
0x18b: {  	s3 =	rddreg [dreg:$0x2];
	[bflag:$0x3] =	sbarrier.arrive $0xFFFF;
	s2 =	simm.s32 @!p0 $0x1C03  }
0x18c: {  	[timem:s3], [sflag:s2] =	dma.local @!p0 [hbm:s0], s1  }
0x18d: {  	s0 =	simm.s32 @!p0 $0x3  }
0x18e: {  	_ =	swait.ge @!p0 [sflag:s0], s1  }
0x18f: {  	s1 =	ssub.s32 @!p0 $0x0, s1;
	[sflag:s0] =	ssyncset.done @!p0 $0x0  }
0x190: {  	[sflag:s0] =	ssyncadd.s32 @!p0 s1  }
0x191: {  	[bflag:$0x3] =	sbarrier.arrive $0xFFFF  }
0x192: {  	_ =	shalt  }

// kernel: kernel.8.cloned.1.call-start
scs
__scs_entry_jumppad:
0x0: {  	(pc) =	sbr.rel $0x88, $3  }
0x1: {  	(tag) =	ssettag $0x0;
	lr =	simm.s32 $0x1  }
0x2: {  	[smem:$0x3F94] =	sst lr;
	_ =	strace $0xD0000000  }
0x3: {  	_ = 	snop  }
0x4: {  	_ = 	snop  }
0x5: {  	_ = 	snop  }
0x6: {  	_ = 	snop  }
0x7: {  	_ = 	snop  }
__scs_overlays_trampoline_lowered:
0x8: {  	[smem:$0x3FA3] =	sst s0  }
0x9: {  	[smem:$0x3FA4] =	sst s1  }
0xa: {  	[smem:$0x3FA5] =	sst s2  }
0xb: {  	[smem:$0x3FA6] =	sst s3  }
0xc: {  	[smem:$0x3FA7] =	sst s4  }
0xd: {  	[smem:$0x3FA8] =	sst s5  }
0xe: {  	[smem:$0x3FA9] =	sst s6  }
0xf: {  	[smem:$0x3FAA] =	sst s7  }
0x10: {  	[smem:$0x3FAB] =	sst s8  }
0x11: {  	[smem:$0x3FAC] =	sst s9;
	s0 =	simm.s32 @!p0 $0x0  }
0x12: {  	s1 =	sld [smem:$0x3F92];
	s0 =	simm.s32 @p0 $0x1  }
0x13: {  	[smem:$0x3FAD] =	sst s0;
	s0 =	simm.s32 @!p1 $0x0  }
0x14: {  	s2 =	sld [smem:$0x3F91];
	s0 =	simm.s32 @p1 $0x1  }
0x15: {  	[smem:$0x3FAE] =	sst s0;
	s0 =	simm.s32 @!p2 $0x0  }
0x16: {  	s3 =	sld [smem:$0x3FDB];
	s0 =	simm.s32 @p2 $0x1  }
0x17: {  	s4 =	simm.s32 $0x1BF5;
	[smem:$0x3FB0] =	sst s0  }
0x18: {  	s0 =	sld [smem:$0x3F93];
	_ =	swait.ge [sflag:s4], $0x0  }
0x19: {  	s7 =	sld [smem:$0x3F94]  }
0x1a: {  	s8 =	sadd.s32 $0xFFFFE003, lr  }
0x1b: {  	s9 =	sadd.s32 $0xFFFFFEF7, lr;
	s5 =	simm.s32 $0xFFFFFFFF;
	p2 =	slt.u32 s8, $0xFFFFF086  }
0x1c: {  	p1 =	slt.u32 s9, $0xF7A;
	s5 =	simm.s32 @!p2 $0x0  }
0x1d: {  	s5 =	simm.s32 @p1 $0x1;
	p0 =	seq.s32 s7, s2  }
0x1e: {  	s7 =	smul.u32 @!p0 $0xF7A, s2;
	p2 =	seq.s32 @!p0 s5, $0x0  }
0x1f: {  	s9 =	smul.u32 $0xF7A, s1;
	s8 =	simm.s32 @!p0 $0x1BF5;
	p2 =	por !p2, p0  }
0x20: {  	[sflag:s8] =	ssyncset.s32 @!p0 $0xFFFFF086;
	s6 =	sadd.s32 @!p0 s3, s7;
	s7 =	simm.s32 @!p0 $0x108  }
0x21: {  	s3 =	sadd.s32 s3, s9;
	s6 =	sadd.s32 @!p0 $0x88, s6;
	s7 =	simm.s32 @p2 $0x1082  }
0x22: {  	[simem:s7], [sflag:s8] =	dma.local @!p0 [hbm:s6], $0xF7A  }
0x23: {  	s9 =	sor.u32 $0xD0000000, s2;
	s6 =	simm.s32 $0x108;
	_ =	swait.ge @!p0 [sflag:s8], $0x0  }
0x24: {  	s3 =	sadd.s32 $0x88, s3;
	s6 =	simm.s32 @!p1 $0x1082;
	[sflag:s4] =	ssyncset.s32 $0xFFFFF086  }
0x25: {  	[simem:s6], [sflag:s4] =	dma.local [hbm:s3], $0xF7A  }
0x26: {  	[smem:$0x3F94] =	sst s1;
	(tag) =	ssettag s2;
	_ =	strace s9  }
0x27: {  	s1 =	sld [smem:$0x3FA4]  }
0x28: {  	s2 =	sld [smem:$0x3FA5]  }
0x29: {  	s4 =	sld [smem:$0x3FA7]  }
0x2a: {  	p0 =	seq.s32 s5, $0x0;
	s5 =	sld [smem:$0x3FA8]  }
0x2b: {  	s6 =	sld [smem:$0x3FA9]  }
0x2c: {  	s7 =	sld [smem:$0x3FAA]  }
0x2d: {  	s3 =	simm.s32 $0x108;
	s8 =	sld [smem:$0x3FAB]  }
0x2e: {  	s3 =	simm.s32 @!p0 $0x1082;
	s9 =	sld [smem:$0x3FAC]  }
0x2f: {  	lr =	sadd.s32 s0, s3;
	s0 =	sld [smem:$0x3FA3]  }
0x30: {  	s3 =	sld [smem:$0x3FA6]  }
0x31: {  	[smem:$0x3FAF] =	sst s10  }
0x32: {  	s10 =	sld [smem:$0x3FAD];
	_ =	sdelay $0x3  }
0x33: {  	p0 =	seq.s32 s10, $0x1;
	s10 =	sld [smem:$0x3FAF];
	_ =	sdelay $0x3  }
0x34: {  	[smem:$0x3FAF] =	sst s10  }
0x35: {  	s10 =	sld [smem:$0x3FAE];
	_ =	sdelay $0x3  }
0x36: {  	p1 =	seq.s32 s10, $0x1;
	s10 =	sld [smem:$0x3FAF];
	_ =	sdelay $0x3  }
0x37: {  	[smem:$0x3FAF] =	sst s10  }
0x38: {  	s10 =	sld [smem:$0x3FB0]  }
0x39: {  	_ = 	snop;
	(pc) =	sbr.ind lr, $3  }
0x3a: {  	_ = 	snop  }
0x3b: {  	_ = 	snop  }
0x3c: {  	p2 =	seq.s32 s10, $0x1;
	s10 =	sld [smem:$0x3FAF]  }
0x3d: {  	_ =	shalt  }
0x3e: {  	_ =	shalt  }
0x3f: {  	_ =	shalt  }
0x40: {  	_ =	shalt  }
0x41: {  	_ =	shalt  }
0x42: {  	_ =	shalt  }
0x43: {  	_ =	shalt  }
0x44: {  	_ =	shalt  }
0x45: {  	_ =	shalt  }
0x46: {  	_ =	shalt  }
0x47: {  	_ =	shalt  }
0x48: {  	_ =	shalt  }
0x49: {  	_ =	shalt  }
0x4a: {  	_ =	shalt  }
0x4b: {  	_ =	shalt  }
0x4c: {  	_ =	shalt  }
0x4d: {  	_ =	shalt  }
0x4e: {  	_ =	shalt  }
0x4f: {  	_ =	shalt  }
0x50: {  	_ =	shalt  }
0x51: {  	_ =	shalt  }
0x52: {  	_ =	shalt  }
0x53: {  	_ =	shalt  }
0x54: {  	_ =	shalt  }
0x55: {  	_ =	shalt  }
0x56: {  	_ =	shalt  }
0x57: {  	_ =	shalt  }
0x58: {  	_ =	shalt  }
0x59: {  	_ =	shalt  }
0x5a: {  	_ =	shalt  }
0x5b: {  	_ =	shalt  }
0x5c: {  	_ =	shalt  }
0x5d: {  	_ =	shalt  }
0x5e: {  	_ =	shalt  }
0x5f: {  	_ =	shalt  }
0x60: {  	_ =	shalt  }
0x61: {  	_ =	shalt  }
0x62: {  	_ =	shalt  }
0x63: {  	_ =	shalt  }
0x64: {  	_ =	shalt  }
0x65: {  	_ =	shalt  }
0x66: {  	_ =	shalt  }
0x67: {  	_ =	shalt  }
0x68: {  	_ =	shalt  }
0x69: {  	_ =	shalt  }
0x6a: {  	_ =	shalt  }
0x6b: {  	_ =	shalt  }
0x6c: {  	_ =	shalt  }
0x6d: {  	_ =	shalt  }
0x6e: {  	_ =	shalt  }
0x6f: {  	_ =	shalt  }
0x70: {  	_ =	shalt  }
0x71: {  	_ =	shalt  }
0x72: {  	_ =	shalt  }
0x73: {  	_ =	shalt  }
0x74: {  	_ =	shalt  }
0x75: {  	_ =	shalt  }
0x76: {  	_ =	shalt  }
0x77: {  	_ =	shalt  }
0x78: {  	_ =	shalt  }
0x79: {  	_ =	shalt  }
0x7a: {  	_ =	shalt  }
0x7b: {  	_ =	shalt  }
0x7c: {  	_ =	shalt  }
0x7d: {  	_ =	shalt  }
0x7e: {  	_ =	shalt  }
0x7f: {  	_ =	shalt  }
0x80: {  	_ =	shalt  }
0x81: {  	_ =	shalt  }
0x82: {  	_ =	shalt  }
0x83: {  	_ =	shalt  }
0x84: {  	_ =	shalt  }
0x85: {  	_ =	shalt  }
0x86: {  	_ =	shalt  }
0x87: {  	_ =	shalt  }
.Lfunc_end0:
.L_simem_size_0:
called_computation_lowered:
.L_overlay_start_0:
0x88: {  	s2 =	sld [smem:$0x3FD9]  }
0x89: {  	s3 =	sld [smem:$0x3FFE];
	_ =	sdelay $0x1  }
0x8a: {  	s1 =	srdreg.scid  }
0x8b: {  	s0 =	sand.u32 $0x1, s1  }
0x8c: {  	s17 =	sshll.u32 s0, $0xA;
	s2 =	sadd.s32 s3, s2  }
0x8d: {  	s2 =	sadd.s32 s2, s17  }
0x8e: {  	[smem:$0x3FBB] =	sst s2  }
0x8f: {  	_ = 	snop  }
0x90: {  	s2 =	sld [smem:$0x3FD0];
	(tm) =	ssettm $0x1  }
0x91: {  	s18 =	sld [smem:$0x3FFB];
	_ =	sdelay $0x3  }
0x92: {  	_ =	strace s18  }
0x93: {  	s3 =	sld [smem:$0x3FFC];
	_ =	sdelay $0x3  }
0x94: {  	_ =	strace s3  }
0x95: {  	s3 =	sld [smem:$0x3FFD];
	_ =	sdelay $0x3  }
0x96: {  	_ =	strace s3  }
0x97: {  	_ =	strace $0x8FFFFFFF  }
0x98: {  	s19 =	sld [smem:$0x3FDB];
	_ =	sdelay $0x1  }
0x99: {  	s4 =	simm.s32 $_scs_section_size  }
0x9a: {  	s5 =	simm.s32 $_size__tile_overlayer_lowered;
	s6 =	simm.s32 $_tile_overlayer_lowered  }
0x9b: {  	s22 =	simm.s32 $0x1BFF;
	s21 =	sshll.u32 s6, $0x1;
	s3 =	sadd.s32 s4, s19  }
0x9c: {  	s7 =	simm.s32 $0x0;
	s20 =	sshll.u32 s5, $0x1;
	s5 =	sadd.s32 s21, s3  }
0x9d: {  	[timem:s7], [sflag:s22] =	dma.local [hbm:s5], s20  }
0x9e: {  	_ =	swait.ge [sflag:s22], s20  }
0x9f: {  	s4 =	ssub.s32 $0x0, s20;
	[sflag:s22] =	ssyncset.done $0x0  }
0xa0: {  	[sflag:s22] =	ssyncadd.s32 s4;
	_ =	sdelay $0x1  }
0xa1: {  	s23 =	simm.s32 $0x1B8B  }
0xa2: {  	_ =	swait.ge [sflag:s23], $0x1  }
0xa3: {  	[sflag:s23] =	ssyncset.done $0x0  }
0xa4: {  	s25 =	simm.s32 $0x1B8E;
	s24 =	sld [smem:$0x3FFE];
	[sflag:s23] =	ssyncadd.s32 $0xFFFFFFFF  }
0xa5: {  	s26 =	simm.s32 $execute0_lowered;
	[smem:$0x3FD2] =	sst s25  }
0xa6: {  	s5 =	sshll.u32 s26, $0x1;
	_ =	strace $0x80000046;
	[dreg:$0x1] =	wrdreg $0xFFFFFFFF  }
0xa7: {  	s28 =	simm.s32 $_size_execute0_lowered;
	s3 =	sadd.s32 s3, s5;
	[dreg:$0x0] =	wrdreg $0x0  }
0xa8: {  	s5 =	sshll.u32 s28, $0x1;
	[dreg:$0x2] =	wrdreg s3  }
0xa9: {  	[dreg:$0x3] =	wrdreg s5  }
0xaa: {  	[dreg:$0x4] =	wrdreg $0xC0  }
0xab: {  	_ =	task [dreg:s7], $0x5FFFF  }
0xac: {  	[dreg:$0x1] =	wrdreg $0xFFFFFFFF  }
0xad: {  	[dreg:$0x0] =	wrdreg $0x60  }
0xae: {  	[dreg:$0x2] =	wrdreg s24  }
0xaf: {  	[dreg:$0x3] =	wrdreg s2  }
0xb0: {  	[dreg:$0x4] =	wrdreg $0x7A000  }
0xb1: {  	[dreg:$0x5] =	wrdreg $0x9  }
0xb2: {  	_ =	task.clear_ibuf [dreg:s7], $0x6FFFF;
	_ =	strace $0x90000046  }
0xb3: {  	s29 =	simm.s32 $0x9;
	_ =	strace $0x80000048  }
0xb4: {  	_ =	swait.ge [sflag:s29], $0x1  }
0xb5: {  	[sflag:s29] =	ssyncadd.s32 $0xFFFFFFFF  }
0xb6: {  	_ =	strace $0x90000048  }
0xb7: {  	_ =	sfence  }
0xb8: {  	s30 =	sld [smem:$0x0];
	_ =	sdelay $0x2  }
0xb9: {  	s31 =	sshll.u32 s1, $0xD;
	s1 =	sshrl.u32 s1, $0x2  }
0xba: {  	s3 =	sand.u32 $0x4000, s31;
	s1 =	sadd.s32 s1, s30  }
0xbb: {  	s0 =	sor.u32 s3, s0;
	s1 =	sshll.u32 s1, $0x11  }
0xbc: {  	s0 =	sor.u32 s1, s0  }
0xbd: {  	s0 =	sadd.s32 $0x8F2B, s0  }
0xbe: {  	[sflag:s0] =	ssyncadd.remote.s32 $0x1  }
0xbf: {  	_ =	sfence.sel $0xFFFF  }
0xc0: {  	[dreg:$0x0] =	wrdreg $0xFFFFFFFF;
	(pc) =	sbr.abs _section_cstart, $3  }
0xc1: {  	[dreg:$0x1] =	wrdreg $0xFFFFFFFF  }
0xc2: {  	_ =	task.clear_ibuf [dreg:s7], $0x2FFFF;
	_ =	strace $0x9FFFFFFF  }
0xc3: {  	(tm) =	ssettm $0x7FFFFFFF  }
tec
execute0_lowered:
.L_overlay_start_1:
0x0: {  	(tag) =	ssettag $0x1  }
0x1: {  	s0 =	rddreg [dreg:$0x0]  }
0x2: {  	s2 =	rddreg [dreg:$0x1]  }
0x3: {  	s1 =	rddreg [dreg:$0x2];
	s3 =	simm.s32 $0x0  }
0x4: {  	s17 =	stileid.u32;
	s8 =	srdreg.scid;
	s28 =	simm.s32 $0x28  }
0x5: {  	s29 =	simm.s32 $0x200;
	s30 =	simm.s32 $0x3;
	s31 =	simm.s32 $0x2  }
0x6: {  	[smem:$0x7FF] =	sst s3;
	s4 =	sadd.s32 $0x4F8E00, s0;
	s5 =	sadd.s32 $0x520000, s0  }
0x7: {  	s9 =	smul.u32 $0x13800, s17;
	s6 =	sadd.s32 $0x547200, s0;
	s7 =	sadd.s32 $0x4EF000, s0  }
0x8: {  	s10 =	sand.u32 $0x1, s8;
	s8 =	sadd.s32 $0x4E5200, s0;
	s14 =	sshll.u32 s17, $0x1  }
0x9: {  	s15 =	smul.u32 $0x4E000, s17;
	s16 =	sshll.u32 s17, $0x6;
	s18 =	sadd.s32 $0x138000, s1  }
0xa: {  	p0 =	sne.s32 s17, $0xF;
	_ =	strace $0x80000047;
	s12 =	ssub.s32 $0x2, s10  }
0xb: {  	s26 =	sor.u32 s10, s14;
	[dreg:$0x6] =	wrdreg s18;
	s10 =	smul.u32 $0x138800, s10  }
0xc: {  	s11 =	sshrl.u32 s9, $0x3;
	s13 =	sshrl.u32 s12, $0x1;
	s14 =	smul.u32 $0x2710, s26  }
0xd: {  	s15 =	sshrl.u32 s15, $0x2;
	s11 =	sadd.s32 s11, s0;
	s12 =	ssub.s32 s12, s13  }
0xe: {  	s15 =	sadd.s32 s15, s1;
	s0 =	sadd.s32 $0x2A200, s0;
	s13 =	smul.u32 $0x27100, s26  }
0xf: {  	s23 =	sadd.s32 s9, s10;
	s24 =	sshrl.u32 s10, $0x3;
	[dreg:$0x4] =	wrdreg s15  }
0x10: {  	s10 =	simm.s32 $0x5200;
	s11 =	sadd.s32 $0x3200, s11;
	[dreg:$0x7] =	wrdreg s0  }
0x11: {  	s19 =	sshrl.u32 s14, $0x3;
	s15 =	sadd.s32 $0x28, s14;
	s9 =	sadd.s32 s2, s24  }
0x12: {  	s26 =	smax.u32 s12, $0x1;
	s12 =	simm.s32 $0x6600;
	[dreg:$0x5] =	wrdreg s11  }
0x13: {  	s11 =	sor.u32 $0x1C05, s16;
	s20 =	sadd.s32 s7, s19;
	[dreg:$0xf] =	wrdreg s26  }
0x14: {  	s0 =	sadd.s32 s8, s19;
	s21 =	sshrl.u32 s15, $0x3;
	[dreg:$0x8] =	wrdreg s20  }
0x15: {  	s13 =	sadd.s32 s6, s13;
	s25 =	sadd.s32 $0x27000, s9;
	[dreg:$0x9] =	wrdreg s0  }
0x16: {  	s26 =	simm.s32 $0x80;
	s9 =	simm.s32 $0x3E00;
	[dreg:$0xa] =	wrdreg s13  }
.Ltmp0:
0x17: {  	s22 =	sadd.s32 s7, s21;
	s0 =	sadd.s32 s8, s21;
	(pc) =	sbr.rel .LBB2_1-.Ltmp0, $4  }
0x18: {  	s20 =	sadd.s32 $0x50, s14;
	s21 =	sadd.s32 $0x78, s14;
	[dreg:$0xe] =	wrdreg s25  }
0x19: {  	s25 =	simm.s32 $0x5;
	[dreg:$0xc] =	wrdreg s0;
	s0 =	sshrl.u32 s23, $0x3  }
0x1a: {  	s13 =	simm.s32 $0x0;
	[dreg:$0xb] =	wrdreg s22;
	s0 =	sadd.s32 s2, s0  }
0x1b: {  	s2 =	simm.s32 $0x180;
	[dreg:$0xd] =	wrdreg s0;
	s0 =	simm.s32 $0x100  }
.LBB2_8:
0x1c: {  	[bflag:$0x0] =	sbarrier.arrive $0xFFFF  }
0x1d: {  	s14 =	rddreg [dreg:$0xd]  }
0x1e: {  	s17 =	rddreg [dreg:$0x10]  }
0x1f: {  	[hbm:s14], [sflag:s11] =	dma.local [spmem:s17], $0x2700  }
0x20: {  	_ =	swait.ge [sflag:s25], $0x2700  }
0x21: {  	[sflag:s25] =	ssyncset.done $0x0  }
0x22: {  	s14 =	rddreg [dreg:$0xe];
	[sflag:s25] =	ssyncadd.s32 $0xFFFFD900  }
0x23: {  	[hbm:s14], [sflag:s11] =	dma.local @!p0 [spmem:s16], $0x100  }
0x24: {  	s14 =	simm.s32 @!p0 $0x5  }
0x25: {  	_ =	swait.ge @!p0 [sflag:s14], $0x100  }
0x26: {  	s13 =	sadd.s32 $0x1, s13;
	s24 =	rddreg [dreg:$0xf]  }
0x27: {  	p1 =	sne.s32 s13, s24  }
.Ltmp1:
0x28: {  	_ = 	snop;
	(pc) =	sbr.rel @!p1 .LBB2_9-.Ltmp1, $3  }
0x29: {  	_ =	sdelay $0x1  }
0x2a: {  	[sflag:s14] =	ssyncset.done @!p0 $0x0  }
0x2b: {  	[sflag:s14] =	ssyncadd.s32 @!p0 $0xFFFFFF00  }
.LBB2_1:
0x2c: {  	s14 =	rddreg [dreg:$0x4]  }
0x2d: {  	s23 =	rddreg [dreg:$0x5];
	s16 =	sshrl.u32 s14, $0x3  }
0x2e: {  	[dreg:$0x10] =	wrdreg s16  }
0x2f: {  	[spmem:s16], [sflag:s11] =	dma.local [hbm:s23], $0x2700  }
0x30: {  	_ =	swait.ge [sflag:s25], $0x2700  }
0x31: {  	s17 =	simm.s32 @!p0 $0x5;
	[sflag:s25] =	ssyncset.done $0x0;
	s14 =	rddreg [dreg:$0x6]  }
0x32: {  	[sflag:s25] =	ssyncadd.s32 $0xFFFFD900;
	s16 =	sshrl.u32 @!p0 s14, $0x3;
	s14 =	rddreg [dreg:$0x7]  }
0x33: {  	[spmem:s16], [sflag:s11] =	dma.local @!p0 [hbm:s14], $0x100  }
0x34: {  	_ =	swait.ge @!p0 [sflag:s17], $0x100  }
0x35: {  	[sflag:s17] =	ssyncset.done @!p0 $0x0  }
0x36: {  	[sflag:s17] =	ssyncadd.s32 @!p0 $0xFFFFFF00  }
0x37: {  	[bflag:$0x0] =	sbarrier.arrive $0xFFFF  }
0x38: {  	s24 =	rddreg [dreg:$0x8]  }
0x39: {  	[tilespmem:s3], [sflag:$0x5] =	stream.linear.gather [hbm4b:s24+s3], $0x28, $0x38;
	[tilespmem:$0x1B280] =	vst v63  }
0x3a: {  	_ =	swait.ge [sflag:s25], $0x28  }
0x3b: {  	[sflag:s25] =	ssyncset.done $0x0  }
0x3c: {  	s17 =	rddreg [dreg:$0x9];
	[sflag:s25] =	ssyncadd.s32 $0xFFFFFFD8  }
0x3d: {  	[tilespmem:s26], [sflag:$0x5] =	stream.linear.gather [hbm4b:s17+s3], $0x28, $0x38;
	[tilespmem:$0x1B280] =	vst v63  }
0x3e: {  	_ =	swait.ge [sflag:s25], $0x28  }
0x3f: {  	[sflag:s25] =	ssyncset.done $0x0  }
0x40: {  	[sflag:s25] =	ssyncadd.s32 $0xFFFFFFD8  }
0x41: {  	[tilespmem:s29], [sflag:$0x3] =	stream.indirect.gather [hbm4b:s4+s28], $0x80, s3, s28, $0xb8;
	[tilespmem:$0x1B280] =	vst v63  }
0x42: {  	s18 =	simm.s32 $0x1600  }
0x43: {  	[tilespmem:s18], [sflag:$0x3] =	stream.indirect.gather [hbm4b:s5+s28], $0x80, s26, s28, $0xb8;
	[tilespmem:$0x1B280] =	vst v63  }
0x44: {  	s22 =	simm.s32 $0x2A00;
	s19 =	rddreg [dreg:$0xa]  }
0x45: {  	[tilespmem:s22], [sflag:$0x3] =	stream.linear.gather [hbm4b:s19+s3], $0x1400, $0x38;
	[tilespmem:$0x1B280] =	vst v63  }
0x46: {  	s23 =	rddreg [dreg:$0xb]  }
0x47: {  	[tilespmem:s0], [sflag:$0x2] =	stream.linear.gather [hbm4b:s23+s3], $0x28, $0x38;
	[tilespmem:$0x1B280] =	vst v63  }
0x48: {  	s17 =	simm.s32 $0x0;
	s24 =	rddreg [dreg:$0xc]  }
0x49: {  	[tilespmem:s2], [sflag:$0x2] =	stream.linear.gather [hbm4b:s24+s3], $0x28, $0x38;
	[tilespmem:$0x1B280] =	vst v63  }
.LBB2_2:
0x4a: {  	_ =	swait.ge [sflag:s30], $0x1400  }
0x4b: {  	[sflag:s30] =	ssyncset.done $0x0  }
0x4c: {  	[sflag:s30] =	ssyncadd.s32 $0xFFFFEC00  }
0x4d: {  	_ =	swait.ge [sflag:s30], $0x1400  }
0x4e: {  	[sflag:s30] =	ssyncset.done $0x0  }
0x4f: {  	[sflag:s30] =	ssyncadd.s32 $0xFFFFEC00  }
0x50: {  	_ =	swait.ge [sflag:s30], $0x1400  }
0x51: {  	[sflag:s30] =	ssyncset.done $0x0  }
0x52: {  	[sflag:s30] =	ssyncadd.s32 $0xFFFFEC00  }
0x53: {  	_ =	swait.ge [sflag:s31], $0x28  }
0x54: {  	[sflag:s31] =	ssyncset.done $0x0  }
0x55: {  	[sflag:s31] =	ssyncadd.s32 $0xFFFFFFD8  }
0x56: {  	s18 =	smul.u32 $0x50, s17;
	_ =	swait.ge [sflag:s31], $0x28  }
0x57: {  	[sflag:s31] =	ssyncset.done $0x0  }
0x58: {  	s19 =	sadd.s32 s18, s15;
	[sflag:s31] =	ssyncadd.s32 $0xFFFFFFD8  }
0x59: {  	[tilespmem:s9], [sflag:$0x4] =	stream.indirect.gather [hbm4b:s4+s28], $0x80, s0, s28, $0xb8;
	[tilespmem:$0x1B280] =	vst v63  }
0x5a: {  	s19 =	sshll.u32 s19, $0x4  }
0x5b: {  	[tilespmem:s10], [sflag:$0x4] =	stream.indirect.gather [hbm4b:s5+s28], $0x80, s2, s28, $0xb8;
	[tilespmem:$0x1B280] =	vst v63  }
0x5c: {  	s22 =	simm.s32 $0x0;
	s19 =	sadd.s32 s6, s19  }
0x5d: {  	[tilespmem:s12], [sflag:$0x4] =	stream.linear.gather [hbm4b:s19+s22], $0x1400, $0x38;
	[tilespmem:$0x1B280] =	vst v63  }
0x5e: {  	s19 =	simm.s32 $0x0  }
0x5f: {  	v0 =	vld [tilespmem:s19+$0x2A00]  }
0x60: {  	v1 =	vld [tilespmem:s19+$0x2A10]  }
0x61: {  	v2 =	vld [tilespmem:s19+$0x1600]  }
0x62: {  	v3 =	vld [tilespmem:s19+$0x1610]  }
0x63: {  	v4 =	vld [tilespmem:s19+$0x200]  }
0x64: {  	v5 =	vld [tilespmem:s19+$0x210]  }
0x65: {  	v6 =	vld [tilespmem:s19+$0x1620]  }
0x66: {  	v7 =	vld [tilespmem:s19+$0x1630]  }
0x67: {  	v8 =	vld [tilespmem:s19+$0x220]  }
0x68: {  	v2 =	vadd.f32 v2, v4;
	v4 =	vld [tilespmem:s19+$0x230]  }
0x69: {  	v3 =	vadd.f32 v3, v5;
	v5 =	vld [tilespmem:s19+$0x2A20]  }
0x6a: {  	v0 =	vadd.f32 v0, v2;
	v2 =	vld [tilespmem:s19+$0x2A30]  }
0x6b: {  	v1 =	vadd.f32 v1, v3  }
0x6c: {  	v6 =	vadd.f32 v6, v8;
	v3 =	vmul.f32 v0, v0  }
0x6d: {  	v8 =	vmul.f32 v1, v1;
	v4 =	vadd.f32 v7, v4  }
0x6e: {  	v5 =	vadd.f32 v5, v6;
	v3 =	vmul.f32 $7.135481390e-02, v3  }
0x6f: {  	v6 =	vmul.f32 $7.135481390e-02, v8;
	v4 =	vadd.f32 v2, v4  }
0x70: {  	v2 =	vsub.f32 $-1.595769170e+00, v3;
	v3 =	vmul.f32 v5, v5  }
0x71: {  	v10 =	vld [tilespmem:s19+$0x1640];
	v6 =	vsub.f32 $-1.595769170e+00, v6;
	v7 =	vmul.f32 v4, v4  }
0x72: {  	v11 =	vld [tilespmem:s19+$0x1650];
	v2 =	vmul.f32 v2, v0;
	v3 =	vmul.f32 $7.135481390e-02, v3  }
0x73: {  	v12 =	vld [tilespmem:s19+$0x240];
	v6 =	vmul.f32 v6, v1;
	v7 =	vmul.f32 $7.135481390e-02, v7  }
0x74: {  	v13 =	vld [tilespmem:s19+$0x250];
	v2 =	vmul.f32 $1.442695020e+00, v2;
	v3 =	vsub.f32 $-1.595769170e+00, v3  }
0x75: {  	v14 =	vld [tilespmem:s19+$0x260];
	v6 =	vmul.f32 $1.442695020e+00, v6;
	v7 =	vsub.f32 $-1.595769170e+00, v7  }
0x76: {  	v8 =	vld [tilespmem:s19+$0x2A40];
	v3 =	vmul.f32 v3, v5;
	(erf) = vpow2.f32 v2  }
0x77: {  	v2 =	vmul.f32 v7, v4;
	v7 =	vld [tilespmem:s19+$0x1660];
	(erf) = vpow2.f32 v6  }
0x78: {  	v9 =	vld [tilespmem:s19+$0x2A50]  }
0x79: {  	v10 =	vadd.f32 v10, v12;
	v12 =	vld [tilespmem:s19+$0x270];
	v3 =	vmul.f32 $1.442695020e+00, v3  }
0x7a: {  	v6 =	vld [tilespmem:s19+$0x1670]  }
0x7b: {  	v2 =	vmul.f32 $1.442695020e+00, v2;
	(erf) = vpow2.f32 v3;
	v3 =	vadd.f32 v11, v13;
	v11 =	vld [tilespmem:s19+$0x2A60]  }
0x7c: {  	v17 =	vadd.f32 v8, v10;
	v7 =	vadd.f32 v7, v14  }
0x7d: {  	(erf) = vpow2.f32 v2;
	v2 =	vld [tilespmem:s19+$0x2A70]  }
0x7e: {  	v16 =	vadd.f32 v9, v3;
	v3 =	vmul.f32 v17, v17  }
0x7f: {  	v6 =	vadd.f32 v6, v12;
	v9 =	vpop (erf)  }
0x80: {  	v8 =	vmul.f32 v16, v16;
	v3 =	vmul.f32 $7.135481390e-02, v3;
	v18 =	vadd.f32 v11, v7;
	v7 =	vpop (erf)  }
0x81: {  	v9 =	vadd.f32 $1.000000000e+00, v9;
	v7 =	vadd.f32 $1.000000000e+00, v7  }
0x82: {  	v8 =	vmul.f32 $7.135481390e-02, v8;
	v19 =	vadd.f32 v2, v6;
	v2 =	vsub.f32 $-1.595769170e+00, v3  }
0x83: {  	v3 =	vmul.f32 v18, v18;
	(erf) = vrcp.f32 v9  }
0x84: {  	v6 =	vsub.f32 $-1.595769170e+00, v8;
	v8 =	vmul.f32 v19, v19;
	v2 =	vmul.f32 v2, v17  }
0x85: {  	(erf) = vrcp.f32 v7;
	v3 =	vmul.f32 $7.135481390e-02, v3;
	v7 =	vpop (erf)  }
0x86: {  	v6 =	vmul.f32 v6, v16;
	v8 =	vmul.f32 $7.135481390e-02, v8;
	v7 =	vadd.f32 $1.000000000e+00, v7;
	v9 =	vpop (erf)  }
0x87: {  	v2 =	vmul.f32 $1.442695020e+00, v2;
	v3 =	vsub.f32 $-1.595769170e+00, v3;
	v9 =	vadd.f32 $1.000000000e+00, v9  }
0x88: {  	v15 =	vld [tilespmem:s19+$0x2AD0];
	v6 =	vmul.f32 $1.442695020e+00, v6;
	(erf) = vrcp.f32 v7;
	v7 =	vsub.f32 $-1.595769170e+00, v8  }
0x89: {  	v20 =	vld [tilespmem:s19+$0x16A0];
	v3 =	vmul.f32 v3, v18;
	(erf) = vrcp.f32 v9  }
0x8a: {  	v12 =	vld [tilespmem:s19+$0x280];
	(erf) = vpow2.f32 v2;
	v2 =	vmul.f32 v7, v19  }
0x8b: {  	v3 =	vmul.f32 $1.442695020e+00, v3;
	v7 =	vld [tilespmem:s19+$0x1680];
	(erf) = vpow2.f32 v6  }
0x8c: {  	v13 =	vld [tilespmem:s19+$0x290];
	v2 =	vmul.f32 $1.442695020e+00, v2  }
0x8d: {  	v6 =	vld [tilespmem:s19+$0x1690]  }
0x8e: {  	v22 =	vld [tilespmem:s19+$0x16B0]  }
0x8f: {  	v10 =	vld [tilespmem:s19+$0x2A80];
	(erf) = vpow2.f32 v3;
	v3 =	vpop (erf)  }
0x90: {  	v11 =	vld [tilespmem:s19+$0x2A90];
	(erf) = vpow2.f32 v2;
	v12 =	vadd.f32 v7, v12;
	v2 =	vpop (erf)  }
0x91: {  	v25 =	vld [tilespmem:s19+$0x2AF0];
	v21 =	vpop (erf)  }
0x92: {  	v7 =	vmul.f32 v3, v0;
	v3 =	vmul.f32 v2, v1;
	v1 =	vadd.f32 v6, v13;
	v6 =	vld [tilespmem:s19+$0x2A0];
	v23 =	vpop (erf)  }
0x93: {  	v8 =	vld [tilespmem:s19+$0x2AA0];
	v0 =	vpop (erf)  }
0x94: {  	v2 =	vmul.f32 v21, v5;
	v5 =	vadd.f32 $1.000000000e+00, v0;
	v0 =	vadd.f32 v10, v12;
	v10 =	vld [tilespmem:s19+$0x2B0];
	v12 =	vpop (erf)  }
0x95: {  	v9 =	vld [tilespmem:s19+$0x2AB0];
	v1 =	vadd.f32 v11, v1;
	v12 =	vadd.f32 $1.000000000e+00, v12  }
0x96: {  	v21 =	vld [tilespmem:s19+$0x16D0];
	v4 =	vmul.f32 v23, v4;
	v13 =	vmul.f32 v0, v0  }
0x97: {  	v11 =	vld [tilespmem:s19+$0x16C0];
	(erf) = vrcp.f32 v5;
	v5 =	vmul.f32 v1, v1;
	v6 =	vadd.f32 v20, v6  }
0x98: {  	v23 =	vld [tilespmem:s19+$0x2C0];
	(erf) = vrcp.f32 v12;
	v13 =	vmul.f32 $7.135481390e-02, v13  }
0x99: {  	v20 =	vld [tilespmem:s19+$0x2D0];
	v5 =	vmul.f32 $7.135481390e-02, v5;
	v6 =	vadd.f32 v8, v6;
	v12 =	vpop (erf);
	v10 =	vadd.f32 v22, v10  }
0x9a: {  	v14 =	vld [tilespmem:s19+$0x2AC0];
	v12 =	vadd.f32 $1.000000000e+00, v12;
	v24 =	vpop (erf);
	v13 =	vsub.f32 $-1.595769170e+00, v13  }
0x9b: {  	v26 =	vld [tilespmem:s19+$0x2F0];
	v8 =	vsub.f32 $-1.595769170e+00, v5;
	v24 =	vadd.f32 $1.000000000e+00, v24  }
0x9c: {  	v27 =	vld [tilespmem:s19+$0x1700];
	v5 =	vadd.f32 v9, v10;
	v10 =	vmul.f32 v6, v6;
	(erf) = vrcp.f32 v12  }
0x9d: {  	v28 =	vld [tilespmem:s19+$0x300];
	v11 =	vadd.f32 v11, v23;
	v9 =	vmul.f32 v13, v0;
	v8 =	vmul.f32 v8, v1  }
0x9e: {  	v29 =	vld [tilespmem:s19+$0x1720];
	v20 =	vadd.f32 v21, v20;
	(erf) = vrcp.f32 v24;
	v13 =	vmul.f32 v5, v5  }
0x9f: {  	v21 =	vld [tilespmem:s19+$0x16E0];
	v10 =	vmul.f32 $7.135481390e-02, v10;
	v24 =	vmul.f32 $1.442695020e+00, v9;
	v9 =	vadd.f32 v14, v11  }
0xa0: {  	v14 =	vmul.f32 $1.442695020e+00, v8;
	v8 =	vadd.f32 v15, v20;
	v15 =	vld [tilespmem:s19+$0x2E0];
	v13 =	vmul.f32 $7.135481390e-02, v13  }
0xa1: {  	v11 =	vld [tilespmem:s19+$0x16F0];
	v10 =	vsub.f32 $-1.595769170e+00, v10;
	v20 =	vmul.f32 v9, v9;
	(erf) = vpow2.f32 v24  }
0xa2: {  	v22 =	vld [tilespmem:s19+$0x2AE0];
	v24 =	vmul.f32 v8, v8;
	v13 =	vsub.f32 $-1.595769170e+00, v13;
	(erf) = vpow2.f32 v14  }
0xa3: {  	v23 =	vld [tilespmem:s19+$0x2B10];
	v10 =	vmul.f32 v10, v6;
	v14 =	vmul.f32 $7.135481390e-02, v20  }
0xa4: {  	v20 =	vld [tilespmem:s19+$0x1710];
	v24 =	vmul.f32 $7.135481390e-02, v24;
	v13 =	vmul.f32 v13, v5  }
0xa5: {  	v10 =	vmul.f32 $1.442695020e+00, v10;
	v15 =	vadd.f32 v21, v15;
	v21 =	vld [tilespmem:s19+$0x310];
	v14 =	vsub.f32 $-1.595769170e+00, v14  }
0xa6: {  	v12 =	vld [tilespmem:s19+$0x2B00];
	v26 =	vadd.f32 v11, v26;
	v24 =	vsub.f32 $-1.595769170e+00, v24;
	v13 =	vmul.f32 $1.442695020e+00, v13  }
0xa7: {  	v11 =	vadd.f32 v22, v15;
	v15 =	vld [tilespmem:s19+$0x1730];
	(erf) = vpow2.f32 v10;
	v14 =	vmul.f32 v14, v9  }
0xa8: {  	v10 =	vadd.f32 v25, v26;
	v22 =	vmul.f32 v24, v8;
	v24 =	vld [tilespmem:s19+$0x320];
	(erf) = vpow2.f32 v13  }
0xa9: {  	v25 =	vadd.f32 v27, v28;
	v26 =	vld [tilespmem:s19+$0x330];
	v13 =	vmul.f32 v11, v11;
	v14 =	vmul.f32 $1.442695020e+00, v14  }
0xaa: {  	v27 =	vmul.f32 v10, v10;
	v22 =	vmul.f32 $1.442695020e+00, v22;
	v20 =	vadd.f32 v20, v21;
	v21 =	vld [tilespmem:s19+$0x2B20]  }
0xab: {  	v28 =	vmul.f32 $7.135481390e-02, v13;
	v13 =	vadd.f32 v12, v25;
	v25 =	vld [tilespmem:s19+$0x2B30];
	(erf) = vpow2.f32 v14  }
0xac: {  	v14 =	vmul.f32 $7.135481390e-02, v27;
	v12 =	vadd.f32 v23, v20;
	(erf) = vpow2.f32 v22  }
0xad: {  	v20 =	vsub.f32 $-1.595769170e+00, v28;
	v22 =	vmul.f32 v13, v13;
	v23 =	vadd.f32 v29, v24  }
0xae: {  	v26 =	vadd.f32 v15, v26;
	v14 =	vsub.f32 $-1.595769170e+00, v14;
	v24 =	vmul.f32 v12, v12  }
0xaf: {  	v20 =	vmul.f32 v20, v11;
	v22 =	vmul.f32 $7.135481390e-02, v22;
	v15 =	vadd.f32 v21, v23  }
0xb0: {  	v21 =	vmul.f32 v14, v10;
	v23 =	vmul.f32 $7.135481390e-02, v24;
	v14 =	vadd.f32 v25, v26  }
0xb1: {  	v25 =	vpop (erf);
	v20 =	vmul.f32 $1.442695020e+00, v20;
	v22 =	vsub.f32 $-1.595769170e+00, v22;
	v24 =	vmul.f32 v15, v15  }
0xb2: {  	v27 =	vpop (erf);
	v21 =	vmul.f32 $1.442695020e+00, v21;
	v26 =	vmul.f32 v14, v14  }
0xb3: {  	v23 =	vsub.f32 $-1.595769170e+00, v23;
	v28 =	vpop (erf);
	v22 =	vmul.f32 v22, v13;
	v24 =	vmul.f32 $7.135481390e-02, v24  }
0xb4: {  	v30 =	vpop (erf);
	(erf) = vpow2.f32 v20;
	v26 =	vmul.f32 $7.135481390e-02, v26  }
0xb5: {  	v23 =	vmul.f32 v23, v12;
	(erf) = vpow2.f32 v21;
	v24 =	vsub.f32 $-1.595769170e+00, v24;
	v20 =	vpop (erf)  }
0xb6: {  	v22 =	vmul.f32 $1.442695020e+00, v22;
	v26 =	vsub.f32 $-1.595769170e+00, v26;
	v21 =	vpop (erf);
	v20 =	vadd.f32 $1.000000000e+00, v20  }
0xb7: {  	v23 =	vmul.f32 $1.442695020e+00, v23;
	v24 =	vmul.f32 v24, v15;
	v21 =	vadd.f32 $1.000000000e+00, v21  }
0xb8: {  	(erf) = vpow2.f32 v22;
	v22 =	vmul.f32 v26, v14  }
0xb9: {  	v31 =	vld [tilespmem:s19+$0x2B50];
	(erf) = vpow2.f32 v23;
	v23 =	vmul.f32 $1.442695020e+00, v24  }
0xba: {  	v34 =	vld [tilespmem:s19+$0x1750];
	(erf) = vrcp.f32 v20;
	v20 =	vpop (erf);
	v24 =	vmul.f32 $1.442695020e+00, v22  }
0xbb: {  	v35 =	vld [tilespmem:s19+$0x340];
	(erf) = vrcp.f32 v21;
	v22 =	vmul.f32 v25, v17;
	v21 =	vpop (erf);
	v17 =	vadd.f32 $1.000000000e+00, v20  }
0xbc: {  	v20 =	vld [tilespmem:s19+$0x350];
	(erf) = vpow2.f32 v23;
	v23 =	vmul.f32 v27, v16;
	v36 =	vpop (erf);
	v16 =	vadd.f32 $1.000000000e+00, v21  }
0xbd: {  	v26 =	vld [tilespmem:s19+$0x1740];
	v25 =	vmul.f32 v28, v18;
	(erf) = vpow2.f32 v24;
	v27 =	vpop (erf);
	v18 =	vadd.f32 $1.000000000e+00, v36  }
0xbe: {  	v32 =	vld [tilespmem:s19+$0x2B60];
	(erf) = vrcp.f32 v17;
	v17 =	vadd.f32 $1.000000000e+00, v27  }
0xbf: {  	v29 =	vld [tilespmem:s19+$0x2B40]  }
0xc0: {  	v33 =	vld [tilespmem:s19+$0x2B70];
	(erf) = vrcp.f32 v16;
	v16 =	vpop (erf)  }
0xc1: {  	v54 =	vld [tilespmem:s19+$0x370];
	v24 =	vmul.f32 v30, v19;
	(erf) = vrcp.f32 v18;
	v20 =	vadd.f32 v34, v20;
	v18 =	vpop (erf)  }
0xc2: {  	v19 =	vld [tilespmem:s19+$0x1760];
	v27 =	vadd.f32 $1.000000000e+00, v16;
	v16 =	vadd.f32 v26, v35;
	(erf) = vrcp.f32 v17;
	v17 =	vpop (erf)  }
0xc3: {  	v30 =	vld [tilespmem:s19+$0x360];
	v18 =	vadd.f32 $1.000000000e+00, v18;
	v53 =	vadd.f32 $1.000000000e+00, v17;
	v17 =	vpop (erf)  }
0xc4: {  	v26 =	vld [tilespmem:s19+$0x1770];
	v16 =	vadd.f32 v29, v16;
	(erf) = vrcp.f32 v27;
	v27 =	vadd.f32 $1.000000000e+00, v17  }
0xc5: {  	v38 =	vld [tilespmem:s19+$0x2B90];
	v17 =	vadd.f32 v31, v20  }
0xc6: {  	v39 =	vld [tilespmem:s19+$0x2BA0];
	v29 =	vpop (erf);
	(erf) = vrcp.f32 v18;
	v18 =	vmul.f32 v16, v16  }
0xc7: {  	v56 =	vld [tilespmem:s19+$0x380];
	v28 =	vpop (erf);
	(erf) = vrcp.f32 v53;
	v20 =	vmul.f32 v17, v17  }
0xc8: {  	v58 =	vld [tilespmem:s19+$0x390];
	v19 =	vadd.f32 v19, v30;
	(erf) = vrcp.f32 v27;
	v18 =	vmul.f32 $7.135481390e-02, v18;
	v27 =	vpop (erf)  }
0xc9: {  	v44 =	vld [tilespmem:s19+$0x17B0];
	v26 =	vadd.f32 v26, v54;
	v27 =	vadd.f32 $1.000000000e+00, v27  }
0xca: {  	v31 =	vld [tilespmem:s19+$0x1780];
	v20 =	vmul.f32 $7.135481390e-02, v20;
	v55 =	vpop (erf);
	v57 =	vsub.f32 $-1.595769170e+00, v18;
	v18 =	vadd.f32 v32, v19  }
0xcb: {  	v30 =	vld [tilespmem:s19+$0x1790];
	v19 =	vadd.f32 v33, v26;
	v34 =	vadd.f32 $1.000000000e+00, v55  }
0xcc: {  	v21 =	vld [tilespmem:s19+$0x2B80];
	v20 =	vsub.f32 $-1.595769170e+00, v20;
	(erf) = vrcp.f32 v27;
	v27 =	vmul.f32 v57, v16  }
0xcd: {  	v43 =	vld [tilespmem:s19+$0x3A0];
	v59 =	vmul.f32 v18, v18;
	v60 =	vmul.f32 v19, v19  }
0xce: {  	v45 =	vld [tilespmem:s19+$0x3B0];
	(erf) = vrcp.f32 v34;
	v20 =	vmul.f32 v20, v17  }
0xcf: {  	v26 =	vld [tilespmem:s19+$0x17A0];
	v31 =	vadd.f32 v31, v56;
	v27 =	vmul.f32 $1.442695020e+00, v27;
	v33 =	vmul.f32 $7.135481390e-02, v59  }
0xd0: {  	v46 =	vld [tilespmem:s19+$0x2BB0];
	v30 =	vadd.f32 v30, v58;
	v36 =	vpop (erf);
	v34 =	vmul.f32 $7.135481390e-02, v60;
	v47 =	vmul.f32 $1.442695020e+00, v20  }
0xd1: {  	v40 =	vld [tilespmem:s19+$0x2BC0];
	v37 =	vpop (erf);
	v20 =	vadd.f32 v21, v31;
	v61 =	vsub.f32 $-1.595769170e+00, v33;
	(erf) = vpow2.f32 v27  }
0xd2: {  	v41 =	vld [tilespmem:s19+$0x2BD0];
	v35 =	vpop (erf);
	v21 =	vadd.f32 v38, v30;
	(erf) = vpow2.f32 v47  }
0xd3: {  	v42 =	vld [tilespmem:s19+$0x17C0];
	v27 =	vsub.f32 $-1.595769170e+00, v34;
	v62 =	vmul.f32 v20, v20;
	v33 =	vpop (erf);
	v30 =	vmul.f32 v61, v18  }
0xd4: {  	v48 =	vadd.f32 v44, v45;
	v44 =	vld [tilespmem:s19+$0x17E0];
	v26 =	vadd.f32 v26, v43;
	v63 =	vmul.f32 v21, v21;
	v31 =	vpop (erf)  }
0xd5: {  	v45 =	vld [tilespmem:s19+$0x17F0];
	v27 =	vmul.f32 v27, v19;
	v38 =	vmul.f32 $7.135481390e-02, v62;
	v34 =	vpop (erf)  }
0xd6: {  	v43 =	vld [tilespmem:s19+$0x17D0];
	v26 =	vadd.f32 v39, v26;
	v51 =	vmul.f32 $1.442695020e+00, v30;
	v32 =	vpop (erf)  }
0xd7: {  	v47 =	vld [tilespmem:s19+$0x3C0];
	v52 =	vmul.f32 $7.135481390e-02, v63;
	v53 =	vmul.f32 $1.442695020e+00, v27;
	v27 =	vadd.f32 v46, v48;
	v30 =	vpop (erf)  }
0xd8: {  	v50 =	vmul.f32 v26, v26;
	v46 =	vld [tilespmem:s19+$0x3D0];
	v49 =	vsub.f32 $-1.595769170e+00, v38;
	(erf) = vpow2.f32 v51;
	v39 =	vpop (erf)  }
0xd9: {  	s22 =	simm.s32 $0x800;
	v48 =	vld [tilespmem:s19+$0x3E0];
	v51 =	vsub.f32 $-1.595769170e+00, v52;
	v52 =	vmul.f32 v27, v27;
	(erf) = vpow2.f32 v53;
	v38 =	vpop (erf)  }
.LBB2_3:
0xda: {  	p1 =	sne.s32 s22, $0x4800;
	v49 =	vmul.f32 v49, v20;
	v50 =	vmul.f32 $7.135481390e-02, v50;
	v53 =	vld [tilespmem:s19+$0x3F0]  }
0xdb: {  	v51 =	vmul.f32 v51, v21;
	v52 =	vmul.f32 $7.135481390e-02, v52;
	v54 =	vld [tilespmem:s19+$0x2BE0];
	v55 =	vpop (erf)  }
0xdc: {  	v49 =	vmul.f32 $1.442695020e+00, v49;
	v50 =	vsub.f32 $-1.595769170e+00, v50;
	v42 =	vadd.f32 v42, v47;
	v47 =	vld [tilespmem:s19+$0x2BF0];
	v56 =	vpop (erf)  }
0xdd: {  	v51 =	vmul.f32 $1.442695020e+00, v51;
	v52 =	vsub.f32 $-1.595769170e+00, v52;
	v46 =	vadd.f32 v43, v46  }
0xde: {  	v43 =	vadd.f32 v40, v42;
	v40 =	vadd.f32 v44, v48;
	(erf) = vpow2.f32 v49  }
0xdf: {  	v41 =	vadd.f32 v41, v46;
	v53 =	vadd.f32 v45, v53;
	(erf) = vpow2.f32 v51  }
0xe0: {  	v45 =	vmul.f32 v50, v26;
	v46 =	vmul.f32 v43, v43;
	v42 =	vadd.f32 v54, v40  }
0xe1: {  	v48 =	vmul.f32 v52, v27;
	v49 =	vmul.f32 v41, v41;
	v40 =	vadd.f32 v47, v53;
	v44 =	vpop (erf)  }
0xe2: {  	v46 =	vmul.f32 $7.135481390e-02, v46;
	v47 =	vmul.f32 v42, v42;
	v50 =	vpop (erf)  }
0xe3: {  	v49 =	vmul.f32 $7.135481390e-02, v49;
	v51 =	vmul.f32 v40, v40  }
0xe4: {  	v45 =	vmul.f32 $1.442695020e+00, v45;
	v46 =	vsub.f32 $-1.595769170e+00, v46;
	v52 =	vmul.f32 $7.135481390e-02, v47  }
0xe5: {  	v48 =	vmul.f32 $1.442695020e+00, v48;
	v49 =	vsub.f32 $-1.595769170e+00, v49;
	v51 =	vmul.f32 $7.135481390e-02, v51  }
0xe6: {  	[tilespmem:s19+$0x200] =	vst v7;
	v7 =	vmul.f32 v46, v43;
	v52 =	vsub.f32 $-1.595769170e+00, v52;
	(erf) = vpow2.f32 v45  }
0xe7: {  	[tilespmem:s19+$0x210] =	vst v3;
	v3 =	vmul.f32 v49, v41;
	v45 =	vsub.f32 $-1.595769170e+00, v51;
	v47 =	vpop (erf);
	(erf) = vpow2.f32 v48  }
0xe8: {  	[tilespmem:s19+$0x220] =	vst v2;
	v2 =	vmul.f32 $1.442695020e+00, v7;
	v7 =	vmul.f32 v52, v42;
	v46 =	vpop (erf)  }
0xe9: {  	[tilespmem:s19+$0x230] =	vst v4;
	v3 =	vmul.f32 $1.442695020e+00, v3;
	v4 =	vmul.f32 v45, v40  }
0xea: {  	[tilespmem:s19+$0x240] =	vst v22;
	v7 =	vmul.f32 $1.442695020e+00, v7;
	(erf) = vpow2.f32 v2  }
0xeb: {  	[tilespmem:s19+$0x250] =	vst v23;
	v2 =	vmul.f32 $1.442695020e+00, v4;
	(erf) = vpow2.f32 v3  }
0xec: {  	v0 =	vmul.f32 v29, v0;
	v3 =	vadd.f32 $1.000000000e+00, v55;
	[tilespmem:s19+$0x260] =	vst v25;
	(erf) = vpow2.f32 v7  }
0xed: {  	v1 =	vmul.f32 v28, v1;
	v7 =	vadd.f32 $1.000000000e+00, v56;
	[tilespmem:s19+$0x270] =	vst v24;
	(erf) = vpow2.f32 v2  }
0xee: {  	[tilespmem:s19+$0x280] =	vst v0;
	v0 =	vmul.f32 v36, v6;
	v6 =	vadd.f32 $1.000000000e+00, v44;
	(erf) = vrcp.f32 v3  }
0xef: {  	v3 =	vadd.f32 $1.000000000e+00, v50;
	[tilespmem:s19+$0x290] =	vst v1;
	v1 =	vmul.f32 v37, v5;
	(erf) = vrcp.f32 v7;
	v4 =	vpop (erf)  }
0xf0: {  	s23 =	sshra.s32 s22, $0x2;
	v5 =	vadd.f32 $1.000000000e+00, v47;
	[tilespmem:s19+$0x2A0] =	vst v0;
	v0 =	vmul.f32 v35, v9;
	(erf) = vrcp.f32 v6;
	v2 =	vpop (erf)  }
0xf1: {  	v6 =	vld [tilespmem:s23+$0x2A00];
	[tilespmem:s19+$0x2B0] =	vst v1;
	v1 =	vmul.f32 v33, v8;
	v8 =	vadd.f32 $1.000000000e+00, v46;
	(erf) = vrcp.f32 v3  }
0xf2: {  	v9 =	vadd.f32 $1.000000000e+00, v4;
	v3 =	vld [tilespmem:s23+$0x2A10];
	[tilespmem:s19+$0x2C0] =	vst v0;
	v0 =	vmul.f32 v31, v11;
	(erf) = vrcp.f32 v5  }
0xf3: {  	v5 =	vld [tilespmem:s23+$0x1600];
	[tilespmem:s19+$0x2D0] =	vst v1;
	v1 =	vmul.f32 v34, v10;
	v10 =	vadd.f32 $1.000000000e+00, v2;
	(erf) = vrcp.f32 v8;
	v7 =	vpop (erf)  }
0xf4: {  	v8 =	vld [tilespmem:s23+$0x1610];
	[tilespmem:s19+$0x2E0] =	vst v0;
	v0 =	vmul.f32 v32, v13;
	v11 =	vadd.f32 $1.000000000e+00, v7;
	(erf) = vrcp.f32 v9;
	v4 =	vpop (erf)  }
0xf5: {  	v9 =	vld [tilespmem:s23+$0x200];
	[tilespmem:s19+$0x2F0] =	vst v1;
	v1 =	vmul.f32 v30, v12;
	v4 =	vadd.f32 $1.000000000e+00, v4;
	(erf) = vrcp.f32 v10;
	v2 =	vpop (erf)  }
0xf6: {  	v10 =	vld [tilespmem:s23+$0x210];
	[tilespmem:s19+$0x300] =	vst v0;
	v0 =	vmul.f32 v39, v15;
	v2 =	vadd.f32 $1.000000000e+00, v2;
	(erf) = vrcp.f32 v11;
	v7 =	vpop (erf)  }
0xf7: {  	v11 =	vld [tilespmem:s23+$0x1620];
	[tilespmem:s19+$0x310] =	vst v1;
	v1 =	vmul.f32 v38, v14;
	v7 =	vadd.f32 $1.000000000e+00, v7;
	v12 =	vpop (erf);
	(erf) = vrcp.f32 v4  }
0xf8: {  	v4 =	vld [tilespmem:s23+$0x1630];
	[tilespmem:s19+$0x320] =	vst v0;
	v13 =	vmul.f32 v12, v16;
	v12 =	vpop (erf);
	(erf) = vrcp.f32 v2  }
0xf9: {  	v2 =	vld [tilespmem:s23+$0x220];
	[tilespmem:s19+$0x330] =	vst v1;
	v14 =	vmul.f32 v12, v17;
	v12 =	vpop (erf);
	(erf) = vrcp.f32 v7  }
0xfa: {  	v5 =	vadd.f32 v5, v9;
	v7 =	vld [tilespmem:s23+$0x230];
	[tilespmem:s19+$0x340] =	vst v13;
	v13 =	vmul.f32 v12, v18;
	v0 =	vpop (erf)  }
0xfb: {  	v15 =	vadd.f32 v8, v10;
	v10 =	vld [tilespmem:s23+$0x2A20];
	[tilespmem:s19+$0x350] =	vst v14;
	v12 =	vmul.f32 v0, v19;
	v1 =	vpop (erf)  }
0xfc: {  	v0 =	vadd.f32 v6, v5;
	v5 =	vld [tilespmem:s23+$0x2A30];
	[tilespmem:s19+$0x360] =	vst v13;
	v6 =	vmul.f32 v1, v20;
	v9 =	vpop (erf)  }
0xfd: {  	v1 =	vadd.f32 v3, v15;
	[tilespmem:s19+$0x370] =	vst v12;
	v3 =	vmul.f32 v9, v21;
	v8 =	vpop (erf)  }
0xfe: {  	v9 =	vmul.f32 v0, v0;
	v2 =	vadd.f32 v11, v2;
	[tilespmem:s19+$0x380] =	vst v6;
	v6 =	vmul.f32 v8, v26;
	v8 =	vpop (erf)  }
0xff: {  	v11 =	vmul.f32 v1, v1;
	v4 =	vadd.f32 v4, v7;
	[tilespmem:s19+$0x390] =	vst v3;
	v3 =	vmul.f32 v8, v27;
	v7 =	vpop (erf)  }
0x100: {  	v8 =	vmul.f32 $7.135481390e-02, v9;
	v2 =	vadd.f32 v10, v2;
	[tilespmem:s19+$0x3A0] =	vst v6;
	v10 =	vmul.f32 v7, v43;
	v7 =	vpop (erf)  }
0x101: {  	v9 =	vmul.f32 $7.135481390e-02, v11;
	v4 =	vadd.f32 v5, v4;
	[tilespmem:s19+$0x3B0] =	vst v3;
	v3 =	vmul.f32 v7, v41;
	v5 =	vpop (erf)  }
0x102: {  	v7 =	vsub.f32 $-1.595769170e+00, v8;
	v8 =	vmul.f32 v2, v2;
	[tilespmem:s19+$0x3C0] =	vst v10;
	v5 =	vmul.f32 v5, v42;
	v6 =	vpop (erf)  }
0x103: {  	v9 =	vsub.f32 $-1.595769170e+00, v9;
	v10 =	vmul.f32 v4, v4;
	v11 =	vld [tilespmem:s23+$0x2A40];
	[tilespmem:s19+$0x3D0] =	vst v3;
	v3 =	vmul.f32 v6, v40  }
0x104: {  	v6 =	vmul.f32 v7, v0;
	v7 =	vmul.f32 $7.135481390e-02, v8;
	v8 =	vld [tilespmem:s23+$0x2A50];
	[tilespmem:s19+$0x3E0] =	vst v5  }
0x105: {  	v5 =	vmul.f32 v9, v1;
	v9 =	vmul.f32 $7.135481390e-02, v10;
	v10 =	vld [tilespmem:s23+$0x1640];
	[tilespmem:s19+$0x3F0] =	vst v3;
	s19 =	smov.u32 s23  }
0x106: {  	v3 =	vmul.f32 $1.442695020e+00, v6;
	v6 =	vsub.f32 $-1.595769170e+00, v7;
	v7 =	vld [tilespmem:s19+$0x1650]  }
0x107: {  	v5 =	vmul.f32 $1.442695020e+00, v5;
	v9 =	vsub.f32 $-1.595769170e+00, v9;
	v12 =	vld [tilespmem:s19+$0x240]  }
0x108: {  	v6 =	vmul.f32 v6, v2;
	v13 =	vld [tilespmem:s19+$0x250];
	(erf) = vpow2.f32 v3  }
0x109: {  	v3 =	vmul.f32 v9, v4;
	v9 =	vld [tilespmem:s19+$0x1660];
	(erf) = vpow2.f32 v5  }
0x10a: {  	v5 =	vmul.f32 $1.442695020e+00, v6;
	v6 =	vld [tilespmem:s19+$0x1670]  }
0x10b: {  	v3 =	vmul.f32 $1.442695020e+00, v3;
	v14 =	vld [tilespmem:s19+$0x260]  }
0x10c: {  	v10 =	vadd.f32 v10, v12;
	v12 =	vld [tilespmem:s19+$0x270];
	(erf) = vpow2.f32 v5  }
0x10d: {  	v5 =	vadd.f32 v7, v13;
	v7 =	vld [tilespmem:s19+$0x2A60];
	(erf) = vpow2.f32 v3  }
0x10e: {  	v17 =	vadd.f32 v11, v10;
	v3 =	vld [tilespmem:s19+$0x2A70]  }
0x10f: {  	v16 =	vadd.f32 v8, v5  }
0x110: {  	v5 =	vmul.f32 v17, v17;
	v8 =	vadd.f32 v9, v14  }
0x111: {  	v9 =	vmul.f32 v16, v16;
	v6 =	vadd.f32 v6, v12;
	v10 =	vpop (erf)  }
0x112: {  	v10 =	vadd.f32 $1.000000000e+00, v10;
	v5 =	vmul.f32 $7.135481390e-02, v5;
	v18 =	vadd.f32 v7, v8;
	v7 =	vpop (erf)  }
0x113: {  	v11 =	vadd.f32 $1.000000000e+00, v7;
	v8 =	vmul.f32 $7.135481390e-02, v9;
	v19 =	vadd.f32 v3, v6  }
0x114: {  	v3 =	vsub.f32 $-1.595769170e+00, v5;
	v5 =	vmul.f32 v18, v18;
	(erf) = vrcp.f32 v10  }
0x115: {  	v6 =	vsub.f32 $-1.595769170e+00, v8;
	v8 =	vmul.f32 v19, v19;
	(erf) = vrcp.f32 v11;
	v7 =	vpop (erf)  }
0x116: {  	v7 =	vadd.f32 $1.000000000e+00, v7;
	v3 =	vmul.f32 v3, v17;
	v5 =	vmul.f32 $7.135481390e-02, v5;
	v9 =	vpop (erf)  }
0x117: {  	v9 =	vadd.f32 $1.000000000e+00, v9;
	v6 =	vmul.f32 v6, v16;
	v8 =	vmul.f32 $7.135481390e-02, v8;
	v10 =	vld [tilespmem:s19+$0x2A80]  }
0x118: {  	v3 =	vmul.f32 $1.442695020e+00, v3;
	v5 =	vsub.f32 $-1.595769170e+00, v5;
	v11 =	vld [tilespmem:s19+$0x2A90];
	(erf) = vrcp.f32 v7  }
0x119: {  	v6 =	vmul.f32 $1.442695020e+00, v6;
	v7 =	vsub.f32 $-1.595769170e+00, v8;
	v8 =	vld [tilespmem:s19+$0x2AA0];
	(erf) = vrcp.f32 v9  }
0x11a: {  	v5 =	vmul.f32 v5, v18;
	v9 =	vld [tilespmem:s19+$0x2AB0];
	(erf) = vpow2.f32 v3  }
0x11b: {  	v3 =	vmul.f32 v7, v19;
	v7 =	vld [tilespmem:s19+$0x1680];
	(erf) = vpow2.f32 v6  }
0x11c: {  	v5 =	vmul.f32 $1.442695020e+00, v5;
	v6 =	vld [tilespmem:s19+$0x1690]  }
0x11d: {  	v3 =	vmul.f32 $1.442695020e+00, v3;
	v12 =	vld [tilespmem:s19+$0x280];
	v13 =	vpop (erf)  }
0x11e: {  	v14 =	vld [tilespmem:s19+$0x290];
	v15 =	vpop (erf);
	(erf) = vpow2.f32 v5  }
0x11f: {  	v20 =	vld [tilespmem:s19+$0x2AC0];
	(erf) = vpow2.f32 v3  }
0x120: {  	v21 =	vld [tilespmem:s19+$0x2AD0]  }
0x121: {  	v5 =	vld [tilespmem:s19+$0x16A0];
	v22 =	vpop (erf)  }
0x122: {  	v25 =	vadd.f32 v7, v12;
	v23 =	vld [tilespmem:s19+$0x16B0];
	v24 =	vpop (erf)  }
0x123: {  	v3 =	vmul.f32 v15, v1;
	v7 =	vmul.f32 v13, v0;
	v1 =	vadd.f32 v6, v14;
	v6 =	vld [tilespmem:s19+$0x2A0];
	v0 =	vpop (erf)  }
0x124: {  	v2 =	vmul.f32 v22, v2;
	v13 =	vadd.f32 $1.000000000e+00, v0;
	v0 =	vadd.f32 v10, v25;
	v10 =	vld [tilespmem:s19+$0x2B0];
	v12 =	vpop (erf)  }
0x125: {  	v4 =	vmul.f32 v24, v4;
	v24 =	vadd.f32 $1.000000000e+00, v12;
	v1 =	vadd.f32 v11, v1;
	v11 =	vld [tilespmem:s19+$0x16C0]  }
0x126: {  	v14 =	vmul.f32 v0, v0;
	v15 =	vld [tilespmem:s19+$0x16D0];
	(erf) = vrcp.f32 v13  }
0x127: {  	v13 =	vmul.f32 v1, v1;
	v22 =	vld [tilespmem:s19+$0x2C0];
	(erf) = vrcp.f32 v24;
	v12 =	vpop (erf)  }
0x128: {  	v12 =	vadd.f32 $1.000000000e+00, v12;
	v14 =	vmul.f32 $7.135481390e-02, v14;
	v5 =	vadd.f32 v5, v6;
	v24 =	vld [tilespmem:s19+$0x2D0];
	v6 =	vpop (erf)  }
0x129: {  	v25 =	vadd.f32 $1.000000000e+00, v6;
	v13 =	vmul.f32 $7.135481390e-02, v13;
	v10 =	vadd.f32 v23, v10;
	v23 =	vld [tilespmem:s19+$0x2AE0]  }
0x12a: {  	v14 =	vsub.f32 $-1.595769170e+00, v14;
	v6 =	vadd.f32 v8, v5;
	v26 =	vld [tilespmem:s19+$0x2AF0];
	(erf) = vrcp.f32 v12  }
0x12b: {  	v8 =	vsub.f32 $-1.595769170e+00, v13;
	v5 =	vadd.f32 v9, v10;
	v12 =	vld [tilespmem:s19+$0x2B00];
	(erf) = vrcp.f32 v25  }
0x12c: {  	v9 =	vmul.f32 v14, v0;
	v10 =	vmul.f32 v6, v6;
	v11 =	vadd.f32 v11, v22;
	v14 =	vld [tilespmem:s19+$0x2B10]  }
0x12d: {  	v8 =	vmul.f32 v8, v1;
	v13 =	vmul.f32 v5, v5;
	v15 =	vadd.f32 v15, v24;
	v22 =	vld [tilespmem:s19+$0x16E0]  }
0x12e: {  	v24 =	vmul.f32 $1.442695020e+00, v9;
	v10 =	vmul.f32 $7.135481390e-02, v10;
	v9 =	vadd.f32 v20, v11;
	v11 =	vld [tilespmem:s19+$0x16F0]  }
0x12f: {  	v20 =	vmul.f32 $1.442695020e+00, v8;
	v13 =	vmul.f32 $7.135481390e-02, v13;
	v8 =	vadd.f32 v21, v15;
	v15 =	vld [tilespmem:s19+$0x2E0];
	v21 =	vpop (erf)  }
0x130: {  	v10 =	vsub.f32 $-1.595769170e+00, v10;
	v25 =	vmul.f32 v9, v9;
	v27 =	vld [tilespmem:s19+$0x2F0];
	v28 =	vpop (erf);
	(erf) = vpow2.f32 v24  }
0x131: {  	v13 =	vsub.f32 $-1.595769170e+00, v13;
	v24 =	vmul.f32 v8, v8;
	v29 =	vld [tilespmem:s19+$0x1700];
	(erf) = vpow2.f32 v20  }
0x132: {  	v10 =	vmul.f32 v10, v6;
	v20 =	vmul.f32 $7.135481390e-02, v25;
	v25 =	vld [tilespmem:s19+$0x1710]  }
0x133: {  	v13 =	vmul.f32 v13, v5;
	v24 =	vmul.f32 $7.135481390e-02, v24;
	v30 =	vld [tilespmem:s19+$0x300];
	v31 =	vpop (erf)  }
0x134: {  	v10 =	vmul.f32 $1.442695020e+00, v10;
	v20 =	vsub.f32 $-1.595769170e+00, v20;
	v15 =	vadd.f32 v22, v15;
	v22 =	vld [tilespmem:s19+$0x310];
	v32 =	vpop (erf)  }
0x135: {  	v13 =	vmul.f32 $1.442695020e+00, v13;
	v24 =	vsub.f32 $-1.595769170e+00, v24;
	v27 =	vadd.f32 v11, v27;
	v33 =	vld [tilespmem:s19+$0x1720]  }
0x136: {  	v20 =	vmul.f32 v20, v9;
	v11 =	vadd.f32 v23, v15;
	v15 =	vld [tilespmem:s19+$0x1730];
	(erf) = vpow2.f32 v10  }
0x137: {  	v23 =	vmul.f32 v24, v8;
	v10 =	vadd.f32 v26, v27;
	v24 =	vld [tilespmem:s19+$0x320];
	(erf) = vpow2.f32 v13  }
0x138: {  	v20 =	vmul.f32 $1.442695020e+00, v20;
	v13 =	vmul.f32 v11, v11;
	v26 =	vadd.f32 v29, v30;
	v27 =	vld [tilespmem:s19+$0x330]  }
0x139: {  	v23 =	vmul.f32 $1.442695020e+00, v23;
	v29 =	vmul.f32 v10, v10;
	v22 =	vadd.f32 v25, v22;
	v25 =	vld [tilespmem:s19+$0x2B20];
	v30 =	vpop (erf)  }
0x13a: {  	v34 =	vmul.f32 $7.135481390e-02, v13;
	v13 =	vadd.f32 v12, v26;
	v26 =	vld [tilespmem:s19+$0x2B30];
	v35 =	vpop (erf);
	(erf) = vpow2.f32 v20  }
0x13b: {  	v20 =	vmul.f32 $7.135481390e-02, v29;
	v12 =	vadd.f32 v14, v22;
	(erf) = vpow2.f32 v23  }
0x13c: {  	v14 =	vsub.f32 $-1.595769170e+00, v34;
	v22 =	vmul.f32 v13, v13;
	v23 =	vadd.f32 v33, v24  }
0x13d: {  	v20 =	vsub.f32 $-1.595769170e+00, v20;
	v33 =	vmul.f32 v12, v12;
	v34 =	vadd.f32 v15, v27  }
0x13e: {  	v29 =	vmul.f32 v14, v11;
	v22 =	vmul.f32 $7.135481390e-02, v22;
	v15 =	vadd.f32 v25, v23  }
0x13f: {  	v20 =	vmul.f32 v20, v10;
	v23 =	vmul.f32 $7.135481390e-02, v33;
	v14 =	vadd.f32 v26, v34;
	v24 =	vpop (erf)  }
0x140: {  	v25 =	vmul.f32 $1.442695020e+00, v29;
	v22 =	vsub.f32 $-1.595769170e+00, v22;
	v26 =	vmul.f32 v15, v15;
	v27 =	vpop (erf)  }
0x141: {  	v20 =	vmul.f32 $1.442695020e+00, v20;
	v23 =	vsub.f32 $-1.595769170e+00, v23;
	v29 =	vmul.f32 v14, v14  }
0x142: {  	v22 =	vmul.f32 v22, v13;
	v26 =	vmul.f32 $7.135481390e-02, v26  }
0x143: {  	v23 =	vmul.f32 v23, v12;
	v29 =	vmul.f32 $7.135481390e-02, v29;
	v33 =	vld [tilespmem:s19+$0x2B40];
	v34 =	vpop (erf)  }
0x144: {  	v22 =	vmul.f32 $1.442695020e+00, v22;
	v26 =	vsub.f32 $-1.595769170e+00, v26;
	v36 =	vld [tilespmem:s19+$0x2B50];
	v37 =	vpop (erf);
	(erf) = vpow2.f32 v25  }
0x145: {  	v23 =	vmul.f32 $1.442695020e+00, v23;
	v25 =	vsub.f32 $-1.595769170e+00, v29;
	v38 =	vld [tilespmem:s19+$0x2B60];
	(erf) = vpow2.f32 v20  }
0x146: {  	v20 =	vadd.f32 $1.000000000e+00, v30;
	v26 =	vmul.f32 v26, v15;
	v30 =	vld [tilespmem:s19+$0x2B70];
	(erf) = vpow2.f32 v22  }
0x147: {  	v22 =	vadd.f32 $1.000000000e+00, v35;
	v25 =	vmul.f32 v25, v14;
	v29 =	vld [tilespmem:s19+$0x1740];
	(erf) = vpow2.f32 v23  }
0x148: {  	v23 =	vmul.f32 $1.442695020e+00, v26;
	v26 =	vld [tilespmem:s19+$0x1750];
	(erf) = vrcp.f32 v20  }
0x149: {  	v20 =	vmul.f32 $1.442695020e+00, v25;
	v35 =	vld [tilespmem:s19+$0x340];
	(erf) = vrcp.f32 v22  }
0x14a: {  	v22 =	vmul.f32 v21, v17;
	v17 =	vadd.f32 $1.000000000e+00, v24;
	v21 =	vld [tilespmem:s19+$0x350];
	(erf) = vpow2.f32 v23  }
0x14b: {  	v23 =	vmul.f32 v28, v16;
	v28 =	vadd.f32 $1.000000000e+00, v27;
	v27 =	vld [tilespmem:s19+$0x2B80];
	(erf) = vpow2.f32 v20  }
0x14c: {  	v34 =	vadd.f32 $1.000000000e+00, v34;
	v25 =	vmul.f32 v31, v18;
	v39 =	vld [tilespmem:s19+$0x2B90];
	(erf) = vrcp.f32 v17  }
0x14d: {  	v24 =	vmul.f32 v32, v19;
	v32 =	vadd.f32 $1.000000000e+00, v37;
	v19 =	vld [tilespmem:s19+$0x1760];
	(erf) = vrcp.f32 v28;
	v16 =	vpop (erf)  }
0x14e: {  	v20 =	vadd.f32 $1.000000000e+00, v16;
	v16 =	vadd.f32 v29, v35;
	v31 =	vld [tilespmem:s19+$0x1770];
	(erf) = vrcp.f32 v34;
	v18 =	vpop (erf)  }
0x14f: {  	v18 =	vadd.f32 $1.000000000e+00, v18;
	v21 =	vadd.f32 v26, v21;
	v26 =	vld [tilespmem:s19+$0x360];
	(erf) = vrcp.f32 v32;
	v17 =	vpop (erf)  }
0x150: {  	v32 =	vadd.f32 $1.000000000e+00, v17;
	v16 =	vadd.f32 v33, v16;
	v33 =	vld [tilespmem:s19+$0x370];
	(erf) = vrcp.f32 v20;
	v17 =	vpop (erf)  }
0x151: {  	v35 =	vadd.f32 $1.000000000e+00, v17;
	v17 =	vadd.f32 v36, v21;
	v45 =	vld [tilespmem:s19+$0x2BA0];
	v29 =	vpop (erf);
	(erf) = vrcp.f32 v18  }
0x152: {  	v18 =	vmul.f32 v16, v16;
	v46 =	vld [tilespmem:s19+$0x2BB0];
	v28 =	vpop (erf);
	(erf) = vrcp.f32 v32  }
0x153: {  	v21 =	vmul.f32 v17, v17;
	v32 =	vld [tilespmem:s19+$0x1780];
	(erf) = vrcp.f32 v35;
	v20 =	vpop (erf)  }
0x154: {  	v20 =	vadd.f32 $1.000000000e+00, v20;
	v18 =	vmul.f32 $7.135481390e-02, v18;
	v19 =	vadd.f32 v19, v26;
	v26 =	vld [tilespmem:s19+$0x1790];
	v34 =	vpop (erf)  }
0x155: {  	v34 =	vadd.f32 $1.000000000e+00, v34;
	v21 =	vmul.f32 $7.135481390e-02, v21;
	v31 =	vadd.f32 v31, v33;
	v40 =	vld [tilespmem:s19+$0x380];
	v36 =	vpop (erf)  }
0x156: {  	v41 =	vsub.f32 $-1.595769170e+00, v18;
	v18 =	vadd.f32 v38, v19;
	v38 =	vld [tilespmem:s19+$0x390];
	v37 =	vpop (erf);
	(erf) = vrcp.f32 v20  }
0x157: {  	v20 =	vsub.f32 $-1.595769170e+00, v21;
	v19 =	vadd.f32 v30, v31;
	v43 =	vld [tilespmem:s19+$0x17A0];
	v35 =	vpop (erf);
	(erf) = vrcp.f32 v34  }
0x158: {  	v21 =	vmul.f32 v41, v16;
	v30 =	vmul.f32 v18, v18;
	v44 =	vld [tilespmem:s19+$0x17B0];
	v33 =	vpop (erf)  }
0x159: {  	v20 =	vmul.f32 v20, v17;
	v41 =	vmul.f32 v19, v19;
	v47 =	vld [tilespmem:s19+$0x3A0];
	v31 =	vpop (erf)  }
0x15a: {  	v21 =	vmul.f32 $1.442695020e+00, v21;
	v51 =	vmul.f32 $7.135481390e-02, v30;
	v42 =	vadd.f32 v32, v40;
	v48 =	vld [tilespmem:s19+$0x3B0];
	v34 =	vpop (erf)  }
0x15b: {  	v49 =	vmul.f32 $1.442695020e+00, v20;
	v50 =	vmul.f32 $7.135481390e-02, v41;
	v26 =	vadd.f32 v26, v38;
	v40 =	vld [tilespmem:s19+$0x2BC0];
	v32 =	vpop (erf)  }
0x15c: {  	v38 =	vsub.f32 $-1.595769170e+00, v51;
	v20 =	vadd.f32 v27, v42;
	v41 =	vld [tilespmem:s19+$0x2BD0];
	v30 =	vpop (erf);
	(erf) = vpow2.f32 v21  }
0x15d: {  	v27 =	vsub.f32 $-1.595769170e+00, v50;
	v21 =	vadd.f32 v39, v26;
	v42 =	vld [tilespmem:s19+$0x17C0];
	(erf) = vpow2.f32 v49  }
0x15e: {  	v26 =	vmul.f32 v38, v18;
	v52 =	vmul.f32 v20, v20;
	v47 =	vadd.f32 v43, v47;
	v43 =	vld [tilespmem:s19+$0x17D0]  }
.Ltmp2:
0x15f: {  	v27 =	vmul.f32 v27, v19;
	v49 =	vmul.f32 v21, v21;
	v48 =	vadd.f32 v44, v48;
	v44 =	vld [tilespmem:s19+$0x17E0];
	v39 =	vpop (erf);
	(pc) =	sbr.rel @p1 .LBB2_3-.Ltmp2, $4  }
0x160: {  	v51 =	vmul.f32 $1.442695020e+00, v26;
	v50 =	vmul.f32 $7.135481390e-02, v52;
	v26 =	vadd.f32 v45, v47;
	v45 =	vld [tilespmem:s19+$0x17F0];
	v38 =	vpop (erf)  }
0x161: {  	v53 =	vmul.f32 $1.442695020e+00, v27;
	v52 =	vmul.f32 $7.135481390e-02, v49;
	v27 =	vadd.f32 v46, v48;
	v47 =	vld [tilespmem:s19+$0x3C0]  }
0x162: {  	v49 =	vsub.f32 $-1.595769170e+00, v50;
	v50 =	vmul.f32 v26, v26;
	v46 =	vld [tilespmem:s19+$0x3D0];
	(erf) = vpow2.f32 v51  }
0x163: {  	s22 =	sadd.s32 $0x800, s22;
	v51 =	vsub.f32 $-1.595769170e+00, v52;
	v52 =	vmul.f32 v27, v27;
	v48 =	vld [tilespmem:s19+$0x3E0];
	(erf) = vpow2.f32 v53  }
0x164: {  	_ = 	snop  }
0x165: {  	v53 =	vld [tilespmem:s19+$0x3F0]  }
0x166: {  	v49 =	vmul.f32 v49, v20;
	v50 =	vmul.f32 $7.135481390e-02, v50;
	v54 =	vld [tilespmem:s19+$0x2BE0];
	v42 =	vadd.f32 v42, v47  }
0x167: {  	v56 =	vld [tilespmem:s19+$0x2BF0];
	v51 =	vmul.f32 v51, v21;
	v52 =	vmul.f32 $7.135481390e-02, v52;
	v43 =	vadd.f32 v43, v46  }
0x168: {  	v49 =	vmul.f32 $1.442695020e+00, v49;
	v50 =	vsub.f32 $-1.595769170e+00, v50;
	v40 =	vadd.f32 v40, v42  }
0x169: {  	v51 =	vmul.f32 $1.442695020e+00, v51;
	v57 =	vadd.f32 v44, v48;
	v41 =	vadd.f32 v41, v43  }
0x16a: {  	v52 =	vsub.f32 $-1.595769170e+00, v52;
	v58 =	vadd.f32 v45, v53;
	v60 =	vmul.f32 v40, v40  }
0x16b: {  	(erf) = vpow2.f32 v49;
	v42 =	vadd.f32 v54, v57;
	v62 =	vmul.f32 v41, v41  }
0x16c: {  	v59 =	vmul.f32 v50, v26;
	v43 =	vadd.f32 v56, v58;
	v45 =	vmul.f32 $7.135481390e-02, v60  }
0x16d: {  	v63 =	vmul.f32 v42, v42;
	v48 =	vmul.f32 $7.135481390e-02, v62  }
0x16e: {  	v61 =	vmul.f32 v52, v27;
	v52 =	vmul.f32 v43, v43;
	v45 =	vsub.f32 $-1.595769170e+00, v45  }
0x16f: {  	(erf) = vpow2.f32 v51;
	v47 =	vmul.f32 $7.135481390e-02, v63;
	v48 =	vsub.f32 $-1.595769170e+00, v48  }
0x170: {  	[tilespmem:s19+$0x200] =	vst v7;
	v49 =	vmul.f32 $7.135481390e-02, v52;
	v7 =	vmul.f32 v45, v40  }
0x171: {  	[tilespmem:s19+$0x210] =	vst v3;
	v44 =	vmul.f32 $1.442695020e+00, v59;
	v53 =	vsub.f32 $-1.595769170e+00, v47;
	v3 =	vmul.f32 v48, v41  }
0x172: {  	[tilespmem:s19+$0x220] =	vst v2;
	v46 =	vmul.f32 $1.442695020e+00, v61;
	v54 =	vsub.f32 $-1.595769170e+00, v49;
	v2 =	vmul.f32 $1.442695020e+00, v7  }
0x173: {  	v7 =	vmul.f32 v53, v42;
	v3 =	vmul.f32 $1.442695020e+00, v3  }
0x174: {  	[tilespmem:s19+$0x230] =	vst v4;
	(erf) = vpow2.f32 v44;
	v4 =	vmul.f32 v54, v43  }
0x175: {  	(erf) = vpow2.f32 v46;
	v7 =	vmul.f32 $1.442695020e+00, v7  }
0x176: {  	(erf) = vpow2.f32 v2;
	v4 =	vmul.f32 $1.442695020e+00, v4;
	v2 =	vpop (erf)  }
0x177: {  	(erf) = vpow2.f32 v3;
	v3 =	vpop (erf);
	v2 =	vadd.f32 $1.000000000e+00, v2  }
0x178: {  	v3 =	vadd.f32 $1.000000000e+00, v3  }
0x179: {  	(erf) = vpow2.f32 v7;
	v7 =	vpop (erf)  }
0x17a: {  	[tilespmem:s19+$0x240] =	vst v22;
	v0 =	vmul.f32 v29, v0;
	(erf) = vpow2.f32 v4;
	v4 =	vpop (erf)  }
0x17b: {  	[tilespmem:s19+$0x250] =	vst v23;
	v1 =	vmul.f32 v28, v1;
	(erf) = vrcp.f32 v2;
	v4 =	vadd.f32 $1.000000000e+00, v4;
	v2 =	vpop (erf)  }
0x17c: {  	[tilespmem:s19+$0x280] =	vst v0;
	v0 =	vmul.f32 v36, v6;
	v6 =	vadd.f32 $1.000000000e+00, v7;
	(erf) = vrcp.f32 v3;
	v3 =	vpop (erf)  }
0x17d: {  	[tilespmem:s19+$0x260] =	vst v25;
	v3 =	vadd.f32 $1.000000000e+00, v3  }
0x17e: {  	[tilespmem:s19+$0x290] =	vst v1;
	v1 =	vmul.f32 v37, v5;
	(erf) = vrcp.f32 v6;
	v2 =	vadd.f32 $1.000000000e+00, v2;
	v5 =	vpop (erf)  }
0x17f: {  	[tilespmem:s19+$0x270] =	vst v24;
	(erf) = vrcp.f32 v4;
	v4 =	vpop (erf)  }
0x180: {  	[tilespmem:s19+$0x2A0] =	vst v0;
	v0 =	vmul.f32 v35, v9;
	(erf) = vrcp.f32 v2;
	v2 =	vadd.f32 $1.000000000e+00, v4  }
0x181: {  	[tilespmem:s19+$0x2B0] =	vst v1;
	v1 =	vmul.f32 v33, v8;
	v5 =	vadd.f32 $1.000000000e+00, v5;
	(erf) = vrcp.f32 v3;
	v3 =	vpop (erf)  }
0x182: {  	[tilespmem:s19+$0x2C0] =	vst v0;
	v0 =	vmul.f32 v31, v11;
	v3 =	vadd.f32 $1.000000000e+00, v3  }
0x183: {  	[tilespmem:s19+$0x2D0] =	vst v1;
	v1 =	vmul.f32 v34, v10;
	(erf) = vrcp.f32 v5;
	v4 =	vpop (erf)  }
0x184: {  	[tilespmem:s19+$0x2E0] =	vst v0;
	v0 =	vmul.f32 v32, v13;
	(erf) = vrcp.f32 v2;
	v4 =	vadd.f32 $1.000000000e+00, v4;
	v2 =	vpop (erf)  }
0x185: {  	[tilespmem:s19+$0x2F0] =	vst v1;
	v1 =	vmul.f32 v30, v12;
	v2 =	vadd.f32 $1.000000000e+00, v2  }
0x186: {  	[tilespmem:s19+$0x300] =	vst v0;
	v0 =	vmul.f32 v39, v15;
	(erf) = vrcp.f32 v3;
	v3 =	vpop (erf)  }
0x187: {  	[tilespmem:s19+$0x310] =	vst v1;
	v1 =	vmul.f32 v38, v14;
	v3 =	vadd.f32 $1.000000000e+00, v3;
	v5 =	vpop (erf);
	(erf) = vrcp.f32 v4  }
0x188: {  	[tilespmem:s19+$0x320] =	vst v0;
	v0 =	vmul.f32 v5, v16;
	v4 =	vpop (erf);
	(erf) = vrcp.f32 v2  }
0x189: {  	[tilespmem:s19+$0x330] =	vst v1;
	v1 =	vmul.f32 v4, v17;
	v2 =	vpop (erf);
	(erf) = vrcp.f32 v3  }
0x18a: {  	[tilespmem:s19+$0x340] =	vst v0;
	v0 =	vmul.f32 v2, v18;
	v2 =	vpop (erf)  }
0x18b: {  	[tilespmem:s19+$0x350] =	vst v1;
	v1 =	vmul.f32 v2, v19;
	v2 =	vpop (erf)  }
0x18c: {  	[tilespmem:s19+$0x360] =	vst v0;
	v0 =	vmul.f32 v2, v20;
	v2 =	vpop (erf)  }
0x18d: {  	[tilespmem:s19+$0x370] =	vst v1;
	v1 =	vmul.f32 v2, v21;
	v2 =	vpop (erf)  }
0x18e: {  	[tilespmem:s19+$0x380] =	vst v0;
	v0 =	vmul.f32 v2, v26;
	v2 =	vpop (erf)  }
0x18f: {  	[tilespmem:s19+$0x390] =	vst v1;
	v1 =	vmul.f32 v2, v27;
	v2 =	vpop (erf)  }
0x190: {  	[tilespmem:s19+$0x3A0] =	vst v0;
	v0 =	vmul.f32 v2, v40;
	v2 =	vpop (erf)  }
0x191: {  	[tilespmem:s19+$0x3B0] =	vst v1;
	v1 =	vmul.f32 v2, v41;
	v2 =	vpop (erf)  }
0x192: {  	[tilespmem:s19+$0x3C0] =	vst v0;
	v0 =	vmul.f32 v2, v42;
	v2 =	vpop (erf)  }
0x193: {  	[tilespmem:s19+$0x3D0] =	vst v1;
	v1 =	vmul.f32 v2, v43  }
0x194: {  	[tilespmem:s19+$0x3E0] =	vst v0  }
0x195: {  	[tilespmem:s19+$0x3F0] =	vst v1  }
0x196: {  	[spmem:s1] =	stream.indirect.scatter.add.f32 [tilespmem:s29], [sflag:$0x5], $0x80, s26, s28, $0xb8;
	[tilespmem:$0x1B280] =	vst v63  }
0x197: {  	_ =	swait.ge [sflag:s25], $0x1400  }
0x198: {  	p1 =	seq.s32 s17, $0x7C;
	[sflag:s25] =	ssyncset.done $0x0  }
0x199: {  	s19 =	simm.s32 @p1 $0x4;
	[sflag:s25] =	ssyncadd.s32 $0xFFFFEC00  }
0x19a: {  	_ =	swait.ge @p1 [sflag:s19], $0x1400  }
0x19b: {  	[sflag:s19] =	ssyncset.done @p1 $0x0  }
0x19c: {  	[sflag:s19] =	ssyncadd.s32 @p1 $0xFFFFEC00  }
0x19d: {  	_ =	swait.ge @p1 [sflag:s19], $0x1400  }
0x19e: {  	[sflag:s19] =	ssyncset.done @p1 $0x0  }
0x19f: {  	[sflag:s19] =	ssyncadd.s32 @p1 $0xFFFFEC00  }
0x1a0: {  	s22 =	sadd.s32 @!p1 s18, s20;
	_ =	swait.ge @p1 [sflag:s19], $0x1400  }
0x1a1: {  	s23 =	sshrl.u32 @!p1 s22, $0x3;
	[sflag:s19] =	ssyncset.done @p1 $0x0  }
0x1a2: {  	s24 =	simm.s32 @!p1 $0x0;
	[sflag:s19] =	ssyncadd.s32 @p1 $0xFFFFEC00;
	s19 =	sadd.s32 @!p1 s7, s23  }
0x1a3: {  	[tilespmem:s24], [sflag:$0x1] =	stream.linear.gather @!p1 [hbm4b:s19+s24], $0x28, $0x38;
	[tilespmem:$0x1B280] =	vst v63  }
0x1a4: {  	s19 =	sadd.s32 @!p1 s8, s23;
	s23 =	simm.s32 @!p1 $0x80  }
0x1a5: {  	[tilespmem:s23], [sflag:$0x1] =	stream.linear.gather @!p1 [hbm4b:s19+s24], $0x28, $0x38;
	[tilespmem:$0x1B280] =	vst v63  }
0x1a6: {  	s19 =	simm.s32 @!p1 $0x4  }
0x1a7: {  	_ =	swait.ge @!p1 [sflag:s19], $0x1400  }
0x1a8: {  	[sflag:s19] =	ssyncset.done @!p1 $0x0  }
0x1a9: {  	[sflag:s19] =	ssyncadd.s32 @!p1 $0xFFFFEC00  }
0x1aa: {  	_ =	swait.ge @!p1 [sflag:s19], $0x1400  }
0x1ab: {  	[sflag:s19] =	ssyncset.done @!p1 $0x0  }
0x1ac: {  	[sflag:s19] =	ssyncadd.s32 @!p1 $0xFFFFEC00  }
0x1ad: {  	_ =	swait.ge @!p1 [sflag:s19], $0x1400  }
0x1ae: {  	[sflag:s19] =	ssyncset.done @!p1 $0x0  }
0x1af: {  	[sflag:s19] =	ssyncadd.s32 @!p1 $0xFFFFEC00;
	s19 =	simm.s32 @!p1 $0x1  }
0x1b0: {  	_ =	swait.ge @!p1 [sflag:s19], $0x28  }
0x1b1: {  	[sflag:s19] =	ssyncset.done @!p1 $0x0  }
0x1b2: {  	[sflag:s19] =	ssyncadd.s32 @!p1 $0xFFFFFFD8  }
0x1b3: {  	_ =	swait.ge @!p1 [sflag:s19], $0x28  }
0x1b4: {  	[sflag:s19] =	ssyncset.done @!p1 $0x0  }
0x1b5: {  	s14 =	simm.s32 @!p1 $0x200;
	[sflag:s19] =	ssyncadd.s32 @!p1 $0xFFFFFFD8;
	s19 =	simm.s32 @!p1 $0x28  }
0x1b6: {  	[tilespmem:s14], [sflag:$0x3] =	stream.indirect.gather @!p1 [hbm4b:s4+s19], $0x80, s24, s19, $0xb8;
	[tilespmem:$0x1B280] =	vst v63  }
0x1b7: {  	s14 =	simm.s32 @!p1 $0x1600  }
0x1b8: {  	[tilespmem:s14], [sflag:$0x3] =	stream.indirect.gather @!p1 [hbm4b:s5+s19], $0x80, s23, s19, $0xb8;
	[tilespmem:$0x1B280] =	vst v63  }
0x1b9: {  	s14 =	sshll.u32 @!p1 s22, $0x4  }
0x1ba: {  	s19 =	simm.s32 @!p1 $0x2A00;
	s14 =	sadd.s32 @!p1 s6, s14  }
0x1bb: {  	[tilespmem:s19], [sflag:$0x3] =	stream.linear.gather @!p1 [hbm4b:s14+s24], $0x1400, $0x38;
	[tilespmem:$0x1B280] =	vst v63  }
0x1bc: {  	s19 =	simm.s32 $0x0  }
0x1bd: {  	v0 =	vld [tilespmem:s19+$0x6600]  }
0x1be: {  	v1 =	vld [tilespmem:s19+$0x6610]  }
0x1bf: {  	v2 =	vld [tilespmem:s19+$0x5200]  }
0x1c0: {  	v3 =	vld [tilespmem:s19+$0x5210]  }
0x1c1: {  	v4 =	vld [tilespmem:s19+$0x3E00]  }
0x1c2: {  	v5 =	vld [tilespmem:s19+$0x3E10]  }
0x1c3: {  	v6 =	vld [tilespmem:s19+$0x5220]  }
0x1c4: {  	v7 =	vld [tilespmem:s19+$0x5230]  }
0x1c5: {  	v8 =	vld [tilespmem:s19+$0x3E20]  }
0x1c6: {  	v2 =	vadd.f32 v2, v4;
	v4 =	vld [tilespmem:s19+$0x3E30]  }
0x1c7: {  	v3 =	vadd.f32 v3, v5;
	v5 =	vld [tilespmem:s19+$0x6620]  }
0x1c8: {  	v0 =	vadd.f32 v0, v2;
	v2 =	vld [tilespmem:s19+$0x6630]  }
0x1c9: {  	v1 =	vadd.f32 v1, v3  }
0x1ca: {  	v6 =	vadd.f32 v6, v8;
	v3 =	vmul.f32 v0, v0  }
0x1cb: {  	v8 =	vmul.f32 v1, v1;
	v4 =	vadd.f32 v7, v4  }
0x1cc: {  	v5 =	vadd.f32 v5, v6;
	v3 =	vmul.f32 $7.135481390e-02, v3  }
0x1cd: {  	v6 =	vmul.f32 $7.135481390e-02, v8;
	v4 =	vadd.f32 v2, v4  }
0x1ce: {  	v2 =	vsub.f32 $-1.595769170e+00, v3;
	v3 =	vmul.f32 v5, v5  }
0x1cf: {  	v10 =	vld [tilespmem:s19+$0x5240];
	v6 =	vsub.f32 $-1.595769170e+00, v6;
	v7 =	vmul.f32 v4, v4  }
0x1d0: {  	v11 =	vld [tilespmem:s19+$0x5250];
	v2 =	vmul.f32 v2, v0;
	v3 =	vmul.f32 $7.135481390e-02, v3  }
0x1d1: {  	v12 =	vld [tilespmem:s19+$0x3E40];
	v6 =	vmul.f32 v6, v1;
	v7 =	vmul.f32 $7.135481390e-02, v7  }
0x1d2: {  	v13 =	vld [tilespmem:s19+$0x3E50];
	v2 =	vmul.f32 $1.442695020e+00, v2;
	v3 =	vsub.f32 $-1.595769170e+00, v3  }
0x1d3: {  	v14 =	vld [tilespmem:s19+$0x3E60];
	v6 =	vmul.f32 $1.442695020e+00, v6;
	v7 =	vsub.f32 $-1.595769170e+00, v7  }
0x1d4: {  	v8 =	vld [tilespmem:s19+$0x6640];
	v3 =	vmul.f32 v3, v5;
	(erf) = vpow2.f32 v2  }
0x1d5: {  	v2 =	vmul.f32 v7, v4;
	v7 =	vld [tilespmem:s19+$0x5260];
	(erf) = vpow2.f32 v6  }
0x1d6: {  	v9 =	vld [tilespmem:s19+$0x6650]  }
0x1d7: {  	v10 =	vadd.f32 v10, v12;
	v12 =	vld [tilespmem:s19+$0x3E70];
	v3 =	vmul.f32 $1.442695020e+00, v3  }
0x1d8: {  	v6 =	vld [tilespmem:s19+$0x5270]  }
0x1d9: {  	v2 =	vmul.f32 $1.442695020e+00, v2;
	(erf) = vpow2.f32 v3;
	v3 =	vadd.f32 v11, v13;
	v11 =	vld [tilespmem:s19+$0x6660]  }
0x1da: {  	v17 =	vadd.f32 v8, v10;
	v7 =	vadd.f32 v7, v14  }
0x1db: {  	(erf) = vpow2.f32 v2;
	v2 =	vld [tilespmem:s19+$0x6670]  }
0x1dc: {  	v16 =	vadd.f32 v9, v3;
	v3 =	vmul.f32 v17, v17  }
0x1dd: {  	v6 =	vadd.f32 v6, v12;
	v9 =	vpop (erf)  }
0x1de: {  	v8 =	vmul.f32 v16, v16;
	v3 =	vmul.f32 $7.135481390e-02, v3;
	v18 =	vadd.f32 v11, v7;
	v7 =	vpop (erf)  }
0x1df: {  	v9 =	vadd.f32 $1.000000000e+00, v9;
	v7 =	vadd.f32 $1.000000000e+00, v7  }
0x1e0: {  	v8 =	vmul.f32 $7.135481390e-02, v8;
	v19 =	vadd.f32 v2, v6;
	v2 =	vsub.f32 $-1.595769170e+00, v3  }
0x1e1: {  	v3 =	vmul.f32 v18, v18;
	(erf) = vrcp.f32 v9  }
0x1e2: {  	v6 =	vsub.f32 $-1.595769170e+00, v8;
	v8 =	vmul.f32 v19, v19;
	v2 =	vmul.f32 v2, v17  }
0x1e3: {  	(erf) = vrcp.f32 v7;
	v3 =	vmul.f32 $7.135481390e-02, v3;
	v7 =	vpop (erf)  }
0x1e4: {  	v6 =	vmul.f32 v6, v16;
	v8 =	vmul.f32 $7.135481390e-02, v8;
	v7 =	vadd.f32 $1.000000000e+00, v7;
	v9 =	vpop (erf)  }
0x1e5: {  	v2 =	vmul.f32 $1.442695020e+00, v2;
	v3 =	vsub.f32 $-1.595769170e+00, v3;
	v9 =	vadd.f32 $1.000000000e+00, v9  }
0x1e6: {  	v15 =	vld [tilespmem:s19+$0x66D0];
	v6 =	vmul.f32 $1.442695020e+00, v6;
	(erf) = vrcp.f32 v7;
	v7 =	vsub.f32 $-1.595769170e+00, v8  }
0x1e7: {  	v20 =	vld [tilespmem:s19+$0x52A0];
	v3 =	vmul.f32 v3, v18;
	(erf) = vrcp.f32 v9  }
0x1e8: {  	v12 =	vld [tilespmem:s19+$0x3E80];
	(erf) = vpow2.f32 v2;
	v2 =	vmul.f32 v7, v19  }
0x1e9: {  	v3 =	vmul.f32 $1.442695020e+00, v3;
	v7 =	vld [tilespmem:s19+$0x5280];
	(erf) = vpow2.f32 v6  }
0x1ea: {  	v13 =	vld [tilespmem:s19+$0x3E90];
	v2 =	vmul.f32 $1.442695020e+00, v2  }
0x1eb: {  	v6 =	vld [tilespmem:s19+$0x5290]  }
0x1ec: {  	v22 =	vld [tilespmem:s19+$0x52B0]  }
0x1ed: {  	v10 =	vld [tilespmem:s19+$0x6680];
	(erf) = vpow2.f32 v3;
	v3 =	vpop (erf)  }
0x1ee: {  	v11 =	vld [tilespmem:s19+$0x6690];
	(erf) = vpow2.f32 v2;
	v12 =	vadd.f32 v7, v12;
	v2 =	vpop (erf)  }
0x1ef: {  	v25 =	vld [tilespmem:s19+$0x66F0];
	v21 =	vpop (erf)  }
0x1f0: {  	v7 =	vmul.f32 v3, v0;
	v3 =	vmul.f32 v2, v1;
	v1 =	vadd.f32 v6, v13;
	v6 =	vld [tilespmem:s19+$0x3EA0];
	v23 =	vpop (erf)  }
0x1f1: {  	v8 =	vld [tilespmem:s19+$0x66A0];
	v0 =	vpop (erf)  }
0x1f2: {  	v2 =	vmul.f32 v21, v5;
	v5 =	vadd.f32 $1.000000000e+00, v0;
	v0 =	vadd.f32 v10, v12;
	v10 =	vld [tilespmem:s19+$0x3EB0];
	v12 =	vpop (erf)  }
0x1f3: {  	v9 =	vld [tilespmem:s19+$0x66B0];
	v1 =	vadd.f32 v11, v1;
	v12 =	vadd.f32 $1.000000000e+00, v12  }
0x1f4: {  	v21 =	vld [tilespmem:s19+$0x52D0];
	v4 =	vmul.f32 v23, v4;
	v13 =	vmul.f32 v0, v0  }
0x1f5: {  	v11 =	vld [tilespmem:s19+$0x52C0];
	(erf) = vrcp.f32 v5;
	v5 =	vmul.f32 v1, v1;
	v6 =	vadd.f32 v20, v6  }
0x1f6: {  	v23 =	vld [tilespmem:s19+$0x3EC0];
	(erf) = vrcp.f32 v12;
	v13 =	vmul.f32 $7.135481390e-02, v13  }
0x1f7: {  	v20 =	vld [tilespmem:s19+$0x3ED0];
	v5 =	vmul.f32 $7.135481390e-02, v5;
	v6 =	vadd.f32 v8, v6;
	v12 =	vpop (erf);
	v10 =	vadd.f32 v22, v10  }
0x1f8: {  	v14 =	vld [tilespmem:s19+$0x66C0];
	v12 =	vadd.f32 $1.000000000e+00, v12;
	v24 =	vpop (erf);
	v13 =	vsub.f32 $-1.595769170e+00, v13  }
0x1f9: {  	v26 =	vld [tilespmem:s19+$0x3EF0];
	v8 =	vsub.f32 $-1.595769170e+00, v5;
	v24 =	vadd.f32 $1.000000000e+00, v24  }
0x1fa: {  	v27 =	vld [tilespmem:s19+$0x5300];
	v5 =	vadd.f32 v9, v10;
	v10 =	vmul.f32 v6, v6;
	(erf) = vrcp.f32 v12  }
0x1fb: {  	v28 =	vld [tilespmem:s19+$0x3F00];
	v11 =	vadd.f32 v11, v23;
	v9 =	vmul.f32 v13, v0;
	v8 =	vmul.f32 v8, v1  }
0x1fc: {  	v29 =	vld [tilespmem:s19+$0x5320];
	v20 =	vadd.f32 v21, v20;
	(erf) = vrcp.f32 v24;
	v13 =	vmul.f32 v5, v5  }
0x1fd: {  	v21 =	vld [tilespmem:s19+$0x52E0];
	v10 =	vmul.f32 $7.135481390e-02, v10;
	v24 =	vmul.f32 $1.442695020e+00, v9;
	v9 =	vadd.f32 v14, v11  }
0x1fe: {  	v14 =	vmul.f32 $1.442695020e+00, v8;
	v8 =	vadd.f32 v15, v20;
	v15 =	vld [tilespmem:s19+$0x3EE0];
	v13 =	vmul.f32 $7.135481390e-02, v13  }
0x1ff: {  	v11 =	vld [tilespmem:s19+$0x52F0];
	v10 =	vsub.f32 $-1.595769170e+00, v10;
	v20 =	vmul.f32 v9, v9;
	(erf) = vpow2.f32 v24  }
0x200: {  	v22 =	vld [tilespmem:s19+$0x66E0];
	v24 =	vmul.f32 v8, v8;
	v13 =	vsub.f32 $-1.595769170e+00, v13;
	(erf) = vpow2.f32 v14  }
0x201: {  	v23 =	vld [tilespmem:s19+$0x6710];
	v10 =	vmul.f32 v10, v6;
	v14 =	vmul.f32 $7.135481390e-02, v20  }
0x202: {  	v20 =	vld [tilespmem:s19+$0x5310];
	v24 =	vmul.f32 $7.135481390e-02, v24;
	v13 =	vmul.f32 v13, v5  }
0x203: {  	v10 =	vmul.f32 $1.442695020e+00, v10;
	v15 =	vadd.f32 v21, v15;
	v21 =	vld [tilespmem:s19+$0x3F10];
	v14 =	vsub.f32 $-1.595769170e+00, v14  }
0x204: {  	v12 =	vld [tilespmem:s19+$0x6700];
	v26 =	vadd.f32 v11, v26;
	v24 =	vsub.f32 $-1.595769170e+00, v24;
	v13 =	vmul.f32 $1.442695020e+00, v13  }
0x205: {  	v11 =	vadd.f32 v22, v15;
	v15 =	vld [tilespmem:s19+$0x5330];
	(erf) = vpow2.f32 v10;
	v14 =	vmul.f32 v14, v9  }
0x206: {  	v10 =	vadd.f32 v25, v26;
	v22 =	vmul.f32 v24, v8;
	v24 =	vld [tilespmem:s19+$0x3F20];
	(erf) = vpow2.f32 v13  }
0x207: {  	v25 =	vadd.f32 v27, v28;
	v26 =	vld [tilespmem:s19+$0x3F30];
	v13 =	vmul.f32 v11, v11;
	v14 =	vmul.f32 $1.442695020e+00, v14  }
0x208: {  	v27 =	vmul.f32 v10, v10;
	v22 =	vmul.f32 $1.442695020e+00, v22;
	v20 =	vadd.f32 v20, v21;
	v21 =	vld [tilespmem:s19+$0x6720]  }
0x209: {  	v28 =	vmul.f32 $7.135481390e-02, v13;
	v13 =	vadd.f32 v12, v25;
	v25 =	vld [tilespmem:s19+$0x6730];
	(erf) = vpow2.f32 v14  }
0x20a: {  	v14 =	vmul.f32 $7.135481390e-02, v27;
	v12 =	vadd.f32 v23, v20;
	(erf) = vpow2.f32 v22  }
0x20b: {  	v20 =	vsub.f32 $-1.595769170e+00, v28;
	v22 =	vmul.f32 v13, v13;
	v23 =	vadd.f32 v29, v24  }
0x20c: {  	v26 =	vadd.f32 v15, v26;
	v14 =	vsub.f32 $-1.595769170e+00, v14;
	v24 =	vmul.f32 v12, v12  }
0x20d: {  	v20 =	vmul.f32 v20, v11;
	v22 =	vmul.f32 $7.135481390e-02, v22;
	v15 =	vadd.f32 v21, v23  }
0x20e: {  	v21 =	vmul.f32 v14, v10;
	v23 =	vmul.f32 $7.135481390e-02, v24;
	v14 =	vadd.f32 v25, v26  }
0x20f: {  	v25 =	vpop (erf);
	v20 =	vmul.f32 $1.442695020e+00, v20;
	v22 =	vsub.f32 $-1.595769170e+00, v22;
	v24 =	vmul.f32 v15, v15  }
0x210: {  	v27 =	vpop (erf);
	v21 =	vmul.f32 $1.442695020e+00, v21;
	v26 =	vmul.f32 v14, v14  }
0x211: {  	v23 =	vsub.f32 $-1.595769170e+00, v23;
	v28 =	vpop (erf);
	v22 =	vmul.f32 v22, v13;
	v24 =	vmul.f32 $7.135481390e-02, v24  }
0x212: {  	v30 =	vpop (erf);
	(erf) = vpow2.f32 v20;
	v26 =	vmul.f32 $7.135481390e-02, v26  }
0x213: {  	v23 =	vmul.f32 v23, v12;
	(erf) = vpow2.f32 v21;
	v24 =	vsub.f32 $-1.595769170e+00, v24;
	v20 =	vpop (erf)  }
0x214: {  	v22 =	vmul.f32 $1.442695020e+00, v22;
	v26 =	vsub.f32 $-1.595769170e+00, v26;
	v21 =	vpop (erf);
	v20 =	vadd.f32 $1.000000000e+00, v20  }
0x215: {  	v23 =	vmul.f32 $1.442695020e+00, v23;
	v24 =	vmul.f32 v24, v15;
	v21 =	vadd.f32 $1.000000000e+00, v21  }
0x216: {  	(erf) = vpow2.f32 v22;
	v22 =	vmul.f32 v26, v14  }
0x217: {  	v31 =	vld [tilespmem:s19+$0x6750];
	(erf) = vpow2.f32 v23;
	v23 =	vmul.f32 $1.442695020e+00, v24  }
0x218: {  	v57 =	vld [tilespmem:s19+$0x5350];
	(erf) = vrcp.f32 v20;
	v20 =	vpop (erf);
	v24 =	vmul.f32 $1.442695020e+00, v22  }
0x219: {  	v58 =	vld [tilespmem:s19+$0x3F40];
	(erf) = vrcp.f32 v21;
	v22 =	vmul.f32 v25, v17;
	v21 =	vpop (erf);
	v17 =	vadd.f32 $1.000000000e+00, v20  }
0x21a: {  	v20 =	vld [tilespmem:s19+$0x3F50];
	(erf) = vpow2.f32 v23;
	v23 =	vmul.f32 v27, v16;
	v59 =	vpop (erf);
	v16 =	vadd.f32 $1.000000000e+00, v21  }
0x21b: {  	v26 =	vld [tilespmem:s19+$0x5340];
	v25 =	vmul.f32 v28, v18;
	(erf) = vpow2.f32 v24;
	v27 =	vpop (erf);
	v18 =	vadd.f32 $1.000000000e+00, v59  }
0x21c: {  	v55 =	vld [tilespmem:s19+$0x6760];
	(erf) = vrcp.f32 v17;
	v17 =	vadd.f32 $1.000000000e+00, v27  }
0x21d: {  	v29 =	vld [tilespmem:s19+$0x6740]  }
0x21e: {  	v56 =	vld [tilespmem:s19+$0x6770];
	(erf) = vrcp.f32 v16;
	v16 =	vpop (erf)  }
0x21f: {  	v62 =	vld [tilespmem:s19+$0x3F70];
	v24 =	vmul.f32 v30, v19;
	(erf) = vrcp.f32 v18;
	v20 =	vadd.f32 v57, v20;
	v18 =	vpop (erf)  }
0x220: {  	v19 =	vld [tilespmem:s19+$0x5360];
	v27 =	vadd.f32 $1.000000000e+00, v16;
	v16 =	vadd.f32 v26, v58;
	(erf) = vrcp.f32 v17;
	v17 =	vpop (erf)  }
0x221: {  	v30 =	vld [tilespmem:s19+$0x3F60];
	v18 =	vadd.f32 $1.000000000e+00, v18;
	v61 =	vadd.f32 $1.000000000e+00, v17;
	v17 =	vpop (erf)  }
0x222: {  	v26 =	vld [tilespmem:s19+$0x5370];
	v16 =	vadd.f32 v29, v16;
	(erf) = vrcp.f32 v27;
	v27 =	vadd.f32 $1.000000000e+00, v17  }
0x223: {  	v60 =	vld [tilespmem:s19+$0x6790];
	v17 =	vadd.f32 v31, v20  }
0x224: {  	v63 =	vld [tilespmem:s19+$0x67A0];
	v29 =	vpop (erf);
	(erf) = vrcp.f32 v18;
	v18 =	vmul.f32 v16, v16  }
0x225: {  	v46 =	vld [tilespmem:s19+$0x67B0];
	v28 =	vpop (erf);
	(erf) = vrcp.f32 v61;
	v20 =	vmul.f32 v17, v17  }
0x226: {  	v48 =	vld [tilespmem:s19+$0x3F80];
	v19 =	vadd.f32 v19, v30;
	(erf) = vrcp.f32 v27;
	v18 =	vmul.f32 $7.135481390e-02, v18;
	v27 =	vpop (erf)  }
0x227: {  	v50 =	vld [tilespmem:s19+$0x3F90];
	v26 =	vadd.f32 v26, v62;
	v27 =	vadd.f32 $1.000000000e+00, v27  }
0x228: {  	v31 =	vld [tilespmem:s19+$0x5380];
	v20 =	vmul.f32 $7.135481390e-02, v20;
	v47 =	vpop (erf);
	v49 =	vsub.f32 $-1.595769170e+00, v18;
	v18 =	vadd.f32 v55, v19  }
0x229: {  	v30 =	vld [tilespmem:s19+$0x5390];
	v19 =	vadd.f32 v56, v26;
	v34 =	vadd.f32 $1.000000000e+00, v47  }
0x22a: {  	v21 =	vld [tilespmem:s19+$0x6780];
	v20 =	vsub.f32 $-1.595769170e+00, v20;
	(erf) = vrcp.f32 v27;
	v27 =	vmul.f32 v49, v16  }
0x22b: {  	v52 =	vld [tilespmem:s19+$0x53B0];
	v51 =	vmul.f32 v18, v18;
	v53 =	vmul.f32 v19, v19  }
0x22c: {  	v54 =	vld [tilespmem:s19+$0x3FA0];
	(erf) = vrcp.f32 v34;
	v20 =	vmul.f32 v20, v17  }
0x22d: {  	v26 =	vld [tilespmem:s19+$0x53A0];
	v31 =	vadd.f32 v31, v48;
	v27 =	vmul.f32 $1.442695020e+00, v27;
	v33 =	vmul.f32 $7.135481390e-02, v51  }
0x22e: {  	v30 =	vadd.f32 v30, v50;
	v55 =	vld [tilespmem:s19+$0x3FB0];
	v36 =	vpop (erf);
	v34 =	vmul.f32 $7.135481390e-02, v53;
	v56 =	vmul.f32 $1.442695020e+00, v20  }
0x22f: {  	v40 =	vld [tilespmem:s19+$0x67C0];
	v37 =	vpop (erf);
	v20 =	vadd.f32 v21, v31;
	v57 =	vsub.f32 $-1.595769170e+00, v33;
	(erf) = vpow2.f32 v27  }
0x230: {  	v41 =	vld [tilespmem:s19+$0x67D0];
	v35 =	vpop (erf);
	v21 =	vadd.f32 v60, v30;
	(erf) = vpow2.f32 v56  }
0x231: {  	v42 =	vld [tilespmem:s19+$0x53C0];
	v27 =	vsub.f32 $-1.595769170e+00, v34;
	v58 =	vmul.f32 v20, v20;
	v33 =	vpop (erf);
	v30 =	vmul.f32 v57, v18  }
0x232: {  	v43 =	vld [tilespmem:s19+$0x53D0];
	v26 =	vadd.f32 v26, v54;
	v59 =	vmul.f32 v21, v21;
	v31 =	vpop (erf)  }
0x233: {  	v44 =	vld [tilespmem:s19+$0x53E0];
	v60 =	vadd.f32 v52, v55;
	v27 =	vmul.f32 v27, v19;
	v38 =	vmul.f32 $7.135481390e-02, v58;
	v34 =	vpop (erf)  }
0x234: {  	v45 =	vld [tilespmem:s19+$0x53F0];
	v26 =	vadd.f32 v63, v26;
	v61 =	vmul.f32 $1.442695020e+00, v30;
	v32 =	vpop (erf)  }
0x235: {  	v47 =	vld [tilespmem:s19+$0x3FC0];
	v63 =	vmul.f32 $7.135481390e-02, v59;
	v62 =	vmul.f32 $1.442695020e+00, v27;
	v27 =	vadd.f32 v46, v60;
	v30 =	vpop (erf)  }
0x236: {  	v50 =	vmul.f32 v26, v26;
	v46 =	vld [tilespmem:s19+$0x3FD0];
	v49 =	vsub.f32 $-1.595769170e+00, v38;
	(erf) = vpow2.f32 v61;
	v39 =	vpop (erf)  }
0x237: {  	s22 =	simm.s32 $0x800;
	v48 =	vld [tilespmem:s19+$0x3FE0];
	v51 =	vsub.f32 $-1.595769170e+00, v63;
	v52 =	vmul.f32 v27, v27;
	(erf) = vpow2.f32 v62;
	v38 =	vpop (erf)  }
.LBB2_5:
0x238: {  	p2 =	sne.s32 s22, $0x4800;
	v49 =	vmul.f32 v49, v20;
	v50 =	vmul.f32 $7.135481390e-02, v50;
	v53 =	vld [tilespmem:s19+$0x3FF0]  }
0x239: {  	v51 =	vmul.f32 v51, v21;
	v52 =	vmul.f32 $7.135481390e-02, v52;
	v54 =	vld [tilespmem:s19+$0x67E0];
	v55 =	vpop (erf)  }
0x23a: {  	v49 =	vmul.f32 $1.442695020e+00, v49;
	v50 =	vsub.f32 $-1.595769170e+00, v50;
	v42 =	vadd.f32 v42, v47;
	v47 =	vld [tilespmem:s19+$0x67F0];
	v56 =	vpop (erf)  }
0x23b: {  	v51 =	vmul.f32 $1.442695020e+00, v51;
	v52 =	vsub.f32 $-1.595769170e+00, v52;
	v46 =	vadd.f32 v43, v46  }
0x23c: {  	v43 =	vadd.f32 v40, v42;
	v40 =	vadd.f32 v44, v48;
	(erf) = vpow2.f32 v49  }
0x23d: {  	v41 =	vadd.f32 v41, v46;
	v53 =	vadd.f32 v45, v53;
	(erf) = vpow2.f32 v51  }
0x23e: {  	v45 =	vmul.f32 v50, v26;
	v46 =	vmul.f32 v43, v43;
	v42 =	vadd.f32 v54, v40  }
0x23f: {  	v48 =	vmul.f32 v52, v27;
	v49 =	vmul.f32 v41, v41;
	v40 =	vadd.f32 v47, v53;
	v44 =	vpop (erf)  }
0x240: {  	v46 =	vmul.f32 $7.135481390e-02, v46;
	v47 =	vmul.f32 v42, v42;
	v50 =	vpop (erf)  }
0x241: {  	v49 =	vmul.f32 $7.135481390e-02, v49;
	v51 =	vmul.f32 v40, v40  }
0x242: {  	v45 =	vmul.f32 $1.442695020e+00, v45;
	v46 =	vsub.f32 $-1.595769170e+00, v46;
	v52 =	vmul.f32 $7.135481390e-02, v47  }
0x243: {  	v48 =	vmul.f32 $1.442695020e+00, v48;
	v49 =	vsub.f32 $-1.595769170e+00, v49;
	v51 =	vmul.f32 $7.135481390e-02, v51  }
0x244: {  	[tilespmem:s19+$0x3E00] =	vst v7;
	v7 =	vmul.f32 v46, v43;
	v52 =	vsub.f32 $-1.595769170e+00, v52;
	(erf) = vpow2.f32 v45  }
0x245: {  	[tilespmem:s19+$0x3E10] =	vst v3;
	v3 =	vmul.f32 v49, v41;
	v45 =	vsub.f32 $-1.595769170e+00, v51;
	v47 =	vpop (erf);
	(erf) = vpow2.f32 v48  }
0x246: {  	[tilespmem:s19+$0x3E20] =	vst v2;
	v2 =	vmul.f32 $1.442695020e+00, v7;
	v7 =	vmul.f32 v52, v42;
	v46 =	vpop (erf)  }
0x247: {  	[tilespmem:s19+$0x3E30] =	vst v4;
	v3 =	vmul.f32 $1.442695020e+00, v3;
	v4 =	vmul.f32 v45, v40  }
0x248: {  	[tilespmem:s19+$0x3E40] =	vst v22;
	v7 =	vmul.f32 $1.442695020e+00, v7;
	(erf) = vpow2.f32 v2  }
0x249: {  	[tilespmem:s19+$0x3E50] =	vst v23;
	v2 =	vmul.f32 $1.442695020e+00, v4;
	(erf) = vpow2.f32 v3  }
0x24a: {  	v0 =	vmul.f32 v29, v0;
	v3 =	vadd.f32 $1.000000000e+00, v55;
	[tilespmem:s19+$0x3E60] =	vst v25;
	(erf) = vpow2.f32 v7  }
0x24b: {  	v1 =	vmul.f32 v28, v1;
	v7 =	vadd.f32 $1.000000000e+00, v56;
	[tilespmem:s19+$0x3E70] =	vst v24;
	(erf) = vpow2.f32 v2  }
0x24c: {  	[tilespmem:s19+$0x3E80] =	vst v0;
	v0 =	vmul.f32 v36, v6;
	v6 =	vadd.f32 $1.000000000e+00, v44;
	(erf) = vrcp.f32 v3  }
0x24d: {  	v3 =	vadd.f32 $1.000000000e+00, v50;
	[tilespmem:s19+$0x3E90] =	vst v1;
	v1 =	vmul.f32 v37, v5;
	(erf) = vrcp.f32 v7;
	v4 =	vpop (erf)  }
0x24e: {  	s23 =	sshra.s32 s22, $0x2;
	v5 =	vadd.f32 $1.000000000e+00, v47;
	[tilespmem:s19+$0x3EA0] =	vst v0;
	v0 =	vmul.f32 v35, v9;
	(erf) = vrcp.f32 v6;
	v2 =	vpop (erf)  }
0x24f: {  	v6 =	vld [tilespmem:s23+$0x6600];
	[tilespmem:s19+$0x3EB0] =	vst v1;
	v1 =	vmul.f32 v33, v8;
	v8 =	vadd.f32 $1.000000000e+00, v46;
	(erf) = vrcp.f32 v3  }
0x250: {  	v9 =	vadd.f32 $1.000000000e+00, v4;
	v3 =	vld [tilespmem:s23+$0x6610];
	[tilespmem:s19+$0x3EC0] =	vst v0;
	v0 =	vmul.f32 v31, v11;
	(erf) = vrcp.f32 v5  }
0x251: {  	v5 =	vld [tilespmem:s23+$0x5200];
	[tilespmem:s19+$0x3ED0] =	vst v1;
	v1 =	vmul.f32 v34, v10;
	v10 =	vadd.f32 $1.000000000e+00, v2;
	(erf) = vrcp.f32 v8;
	v7 =	vpop (erf)  }
0x252: {  	v8 =	vld [tilespmem:s23+$0x5210];
	[tilespmem:s19+$0x3EE0] =	vst v0;
	v0 =	vmul.f32 v32, v13;
	v11 =	vadd.f32 $1.000000000e+00, v7;
	(erf) = vrcp.f32 v9;
	v4 =	vpop (erf)  }
0x253: {  	v9 =	vld [tilespmem:s23+$0x3E00];
	[tilespmem:s19+$0x3EF0] =	vst v1;
	v1 =	vmul.f32 v30, v12;
	v4 =	vadd.f32 $1.000000000e+00, v4;
	(erf) = vrcp.f32 v10;
	v2 =	vpop (erf)  }
0x254: {  	v10 =	vld [tilespmem:s23+$0x3E10];
	[tilespmem:s19+$0x3F00] =	vst v0;
	v0 =	vmul.f32 v39, v15;
	v2 =	vadd.f32 $1.000000000e+00, v2;
	(erf) = vrcp.f32 v11;
	v7 =	vpop (erf)  }
0x255: {  	v11 =	vld [tilespmem:s23+$0x5220];
	[tilespmem:s19+$0x3F10] =	vst v1;
	v1 =	vmul.f32 v38, v14;
	v7 =	vadd.f32 $1.000000000e+00, v7;
	v12 =	vpop (erf);
	(erf) = vrcp.f32 v4  }
0x256: {  	v4 =	vld [tilespmem:s23+$0x5230];
	[tilespmem:s19+$0x3F20] =	vst v0;
	v13 =	vmul.f32 v12, v16;
	v12 =	vpop (erf);
	(erf) = vrcp.f32 v2  }
0x257: {  	v2 =	vld [tilespmem:s23+$0x3E20];
	[tilespmem:s19+$0x3F30] =	vst v1;
	v14 =	vmul.f32 v12, v17;
	v12 =	vpop (erf);
	(erf) = vrcp.f32 v7  }
0x258: {  	v5 =	vadd.f32 v5, v9;
	v7 =	vld [tilespmem:s23+$0x3E30];
	[tilespmem:s19+$0x3F40] =	vst v13;
	v13 =	vmul.f32 v12, v18;
	v0 =	vpop (erf)  }
0x259: {  	v15 =	vadd.f32 v8, v10;
	v10 =	vld [tilespmem:s23+$0x6620];
	[tilespmem:s19+$0x3F50] =	vst v14;
	v12 =	vmul.f32 v0, v19;
	v1 =	vpop (erf)  }
0x25a: {  	v0 =	vadd.f32 v6, v5;
	v5 =	vld [tilespmem:s23+$0x6630];
	[tilespmem:s19+$0x3F60] =	vst v13;
	v6 =	vmul.f32 v1, v20;
	v9 =	vpop (erf)  }
0x25b: {  	v1 =	vadd.f32 v3, v15;
	[tilespmem:s19+$0x3F70] =	vst v12;
	v3 =	vmul.f32 v9, v21;
	v8 =	vpop (erf)  }
0x25c: {  	v9 =	vmul.f32 v0, v0;
	v2 =	vadd.f32 v11, v2;
	[tilespmem:s19+$0x3F80] =	vst v6;
	v6 =	vmul.f32 v8, v26;
	v8 =	vpop (erf)  }
0x25d: {  	v11 =	vmul.f32 v1, v1;
	v4 =	vadd.f32 v4, v7;
	[tilespmem:s19+$0x3F90] =	vst v3;
	v3 =	vmul.f32 v8, v27;
	v7 =	vpop (erf)  }
0x25e: {  	v8 =	vmul.f32 $7.135481390e-02, v9;
	v2 =	vadd.f32 v10, v2;
	[tilespmem:s19+$0x3FA0] =	vst v6;
	v10 =	vmul.f32 v7, v43;
	v7 =	vpop (erf)  }
0x25f: {  	v9 =	vmul.f32 $7.135481390e-02, v11;
	v4 =	vadd.f32 v5, v4;
	[tilespmem:s19+$0x3FB0] =	vst v3;
	v3 =	vmul.f32 v7, v41;
	v5 =	vpop (erf)  }
0x260: {  	v7 =	vsub.f32 $-1.595769170e+00, v8;
	v8 =	vmul.f32 v2, v2;
	[tilespmem:s19+$0x3FC0] =	vst v10;
	v5 =	vmul.f32 v5, v42;
	v6 =	vpop (erf)  }
0x261: {  	v9 =	vsub.f32 $-1.595769170e+00, v9;
	v10 =	vmul.f32 v4, v4;
	v11 =	vld [tilespmem:s23+$0x6640];
	[tilespmem:s19+$0x3FD0] =	vst v3;
	v3 =	vmul.f32 v6, v40  }
0x262: {  	v6 =	vmul.f32 v7, v0;
	v7 =	vmul.f32 $7.135481390e-02, v8;
	v8 =	vld [tilespmem:s23+$0x6650];
	[tilespmem:s19+$0x3FE0] =	vst v5  }
0x263: {  	v5 =	vmul.f32 v9, v1;
	v9 =	vmul.f32 $7.135481390e-02, v10;
	v10 =	vld [tilespmem:s23+$0x5240];
	[tilespmem:s19+$0x3FF0] =	vst v3;
	s19 =	smov.u32 s23  }
0x264: {  	v3 =	vmul.f32 $1.442695020e+00, v6;
	v6 =	vsub.f32 $-1.595769170e+00, v7;
	v7 =	vld [tilespmem:s19+$0x5250]  }
0x265: {  	v5 =	vmul.f32 $1.442695020e+00, v5;
	v9 =	vsub.f32 $-1.595769170e+00, v9;
	v12 =	vld [tilespmem:s19+$0x3E40]  }
0x266: {  	v6 =	vmul.f32 v6, v2;
	v13 =	vld [tilespmem:s19+$0x3E50];
	(erf) = vpow2.f32 v3  }
0x267: {  	v3 =	vmul.f32 v9, v4;
	v9 =	vld [tilespmem:s19+$0x5260];
	(erf) = vpow2.f32 v5  }
0x268: {  	v5 =	vmul.f32 $1.442695020e+00, v6;
	v6 =	vld [tilespmem:s19+$0x5270]  }
0x269: {  	v3 =	vmul.f32 $1.442695020e+00, v3;
	v14 =	vld [tilespmem:s19+$0x3E60]  }
0x26a: {  	v10 =	vadd.f32 v10, v12;
	v12 =	vld [tilespmem:s19+$0x3E70];
	(erf) = vpow2.f32 v5  }
0x26b: {  	v5 =	vadd.f32 v7, v13;
	v7 =	vld [tilespmem:s19+$0x6660];
	(erf) = vpow2.f32 v3  }
0x26c: {  	v17 =	vadd.f32 v11, v10;
	v3 =	vld [tilespmem:s19+$0x6670]  }
0x26d: {  	v16 =	vadd.f32 v8, v5  }
0x26e: {  	v5 =	vmul.f32 v17, v17;
	v8 =	vadd.f32 v9, v14  }
0x26f: {  	v9 =	vmul.f32 v16, v16;
	v6 =	vadd.f32 v6, v12;
	v10 =	vpop (erf)  }
0x270: {  	v10 =	vadd.f32 $1.000000000e+00, v10;
	v5 =	vmul.f32 $7.135481390e-02, v5;
	v18 =	vadd.f32 v7, v8;
	v7 =	vpop (erf)  }
0x271: {  	v11 =	vadd.f32 $1.000000000e+00, v7;
	v8 =	vmul.f32 $7.135481390e-02, v9;
	v19 =	vadd.f32 v3, v6  }
0x272: {  	v3 =	vsub.f32 $-1.595769170e+00, v5;
	v5 =	vmul.f32 v18, v18;
	(erf) = vrcp.f32 v10  }
0x273: {  	v6 =	vsub.f32 $-1.595769170e+00, v8;
	v8 =	vmul.f32 v19, v19;
	(erf) = vrcp.f32 v11;
	v7 =	vpop (erf)  }
0x274: {  	v7 =	vadd.f32 $1.000000000e+00, v7;
	v3 =	vmul.f32 v3, v17;
	v5 =	vmul.f32 $7.135481390e-02, v5;
	v9 =	vpop (erf)  }
0x275: {  	v9 =	vadd.f32 $1.000000000e+00, v9;
	v6 =	vmul.f32 v6, v16;
	v8 =	vmul.f32 $7.135481390e-02, v8;
	v10 =	vld [tilespmem:s19+$0x6680]  }
0x276: {  	v3 =	vmul.f32 $1.442695020e+00, v3;
	v5 =	vsub.f32 $-1.595769170e+00, v5;
	v11 =	vld [tilespmem:s19+$0x6690];
	(erf) = vrcp.f32 v7  }
0x277: {  	v6 =	vmul.f32 $1.442695020e+00, v6;
	v7 =	vsub.f32 $-1.595769170e+00, v8;
	v8 =	vld [tilespmem:s19+$0x66A0];
	(erf) = vrcp.f32 v9  }
0x278: {  	v5 =	vmul.f32 v5, v18;
	v9 =	vld [tilespmem:s19+$0x66B0];
	(erf) = vpow2.f32 v3  }
0x279: {  	v3 =	vmul.f32 v7, v19;
	v7 =	vld [tilespmem:s19+$0x5280];
	(erf) = vpow2.f32 v6  }
0x27a: {  	v5 =	vmul.f32 $1.442695020e+00, v5;
	v6 =	vld [tilespmem:s19+$0x5290]  }
0x27b: {  	v3 =	vmul.f32 $1.442695020e+00, v3;
	v12 =	vld [tilespmem:s19+$0x3E80];
	v13 =	vpop (erf)  }
0x27c: {  	v14 =	vld [tilespmem:s19+$0x3E90];
	v15 =	vpop (erf);
	(erf) = vpow2.f32 v5  }
0x27d: {  	v20 =	vld [tilespmem:s19+$0x66C0];
	(erf) = vpow2.f32 v3  }
0x27e: {  	v21 =	vld [tilespmem:s19+$0x66D0]  }
0x27f: {  	v5 =	vld [tilespmem:s19+$0x52A0];
	v22 =	vpop (erf)  }
0x280: {  	v25 =	vadd.f32 v7, v12;
	v23 =	vld [tilespmem:s19+$0x52B0];
	v24 =	vpop (erf)  }
0x281: {  	v3 =	vmul.f32 v15, v1;
	v7 =	vmul.f32 v13, v0;
	v1 =	vadd.f32 v6, v14;
	v6 =	vld [tilespmem:s19+$0x3EA0];
	v0 =	vpop (erf)  }
0x282: {  	v2 =	vmul.f32 v22, v2;
	v13 =	vadd.f32 $1.000000000e+00, v0;
	v0 =	vadd.f32 v10, v25;
	v10 =	vld [tilespmem:s19+$0x3EB0];
	v12 =	vpop (erf)  }
0x283: {  	v4 =	vmul.f32 v24, v4;
	v24 =	vadd.f32 $1.000000000e+00, v12;
	v1 =	vadd.f32 v11, v1;
	v11 =	vld [tilespmem:s19+$0x52C0]  }
0x284: {  	v14 =	vmul.f32 v0, v0;
	v15 =	vld [tilespmem:s19+$0x52D0];
	(erf) = vrcp.f32 v13  }
0x285: {  	v13 =	vmul.f32 v1, v1;
	v22 =	vld [tilespmem:s19+$0x3EC0];
	(erf) = vrcp.f32 v24;
	v12 =	vpop (erf)  }
0x286: {  	v12 =	vadd.f32 $1.000000000e+00, v12;
	v14 =	vmul.f32 $7.135481390e-02, v14;
	v5 =	vadd.f32 v5, v6;
	v24 =	vld [tilespmem:s19+$0x3ED0];
	v6 =	vpop (erf)  }
0x287: {  	v25 =	vadd.f32 $1.000000000e+00, v6;
	v13 =	vmul.f32 $7.135481390e-02, v13;
	v10 =	vadd.f32 v23, v10;
	v23 =	vld [tilespmem:s19+$0x66E0]  }
0x288: {  	v14 =	vsub.f32 $-1.595769170e+00, v14;
	v6 =	vadd.f32 v8, v5;
	v26 =	vld [tilespmem:s19+$0x66F0];
	(erf) = vrcp.f32 v12  }
0x289: {  	v8 =	vsub.f32 $-1.595769170e+00, v13;
	v5 =	vadd.f32 v9, v10;
	v12 =	vld [tilespmem:s19+$0x6700];
	(erf) = vrcp.f32 v25  }
0x28a: {  	v9 =	vmul.f32 v14, v0;
	v10 =	vmul.f32 v6, v6;
	v11 =	vadd.f32 v11, v22;
	v14 =	vld [tilespmem:s19+$0x6710]  }
0x28b: {  	v8 =	vmul.f32 v8, v1;
	v13 =	vmul.f32 v5, v5;
	v15 =	vadd.f32 v15, v24;
	v22 =	vld [tilespmem:s19+$0x52E0]  }
0x28c: {  	v24 =	vmul.f32 $1.442695020e+00, v9;
	v10 =	vmul.f32 $7.135481390e-02, v10;
	v9 =	vadd.f32 v20, v11;
	v11 =	vld [tilespmem:s19+$0x52F0]  }
0x28d: {  	v20 =	vmul.f32 $1.442695020e+00, v8;
	v13 =	vmul.f32 $7.135481390e-02, v13;
	v8 =	vadd.f32 v21, v15;
	v15 =	vld [tilespmem:s19+$0x3EE0];
	v21 =	vpop (erf)  }
0x28e: {  	v10 =	vsub.f32 $-1.595769170e+00, v10;
	v25 =	vmul.f32 v9, v9;
	v27 =	vld [tilespmem:s19+$0x3EF0];
	v28 =	vpop (erf);
	(erf) = vpow2.f32 v24  }
0x28f: {  	v13 =	vsub.f32 $-1.595769170e+00, v13;
	v24 =	vmul.f32 v8, v8;
	v29 =	vld [tilespmem:s19+$0x5300];
	(erf) = vpow2.f32 v20  }
0x290: {  	v10 =	vmul.f32 v10, v6;
	v20 =	vmul.f32 $7.135481390e-02, v25;
	v25 =	vld [tilespmem:s19+$0x5310]  }
0x291: {  	v13 =	vmul.f32 v13, v5;
	v24 =	vmul.f32 $7.135481390e-02, v24;
	v30 =	vld [tilespmem:s19+$0x3F00];
	v31 =	vpop (erf)  }
0x292: {  	v10 =	vmul.f32 $1.442695020e+00, v10;
	v20 =	vsub.f32 $-1.595769170e+00, v20;
	v15 =	vadd.f32 v22, v15;
	v22 =	vld [tilespmem:s19+$0x3F10];
	v32 =	vpop (erf)  }
0x293: {  	v13 =	vmul.f32 $1.442695020e+00, v13;
	v24 =	vsub.f32 $-1.595769170e+00, v24;
	v27 =	vadd.f32 v11, v27;
	v33 =	vld [tilespmem:s19+$0x5320]  }
0x294: {  	v20 =	vmul.f32 v20, v9;
	v11 =	vadd.f32 v23, v15;
	v15 =	vld [tilespmem:s19+$0x5330];
	(erf) = vpow2.f32 v10  }
0x295: {  	v23 =	vmul.f32 v24, v8;
	v10 =	vadd.f32 v26, v27;
	v24 =	vld [tilespmem:s19+$0x3F20];
	(erf) = vpow2.f32 v13  }
0x296: {  	v20 =	vmul.f32 $1.442695020e+00, v20;
	v13 =	vmul.f32 v11, v11;
	v26 =	vadd.f32 v29, v30;
	v27 =	vld [tilespmem:s19+$0x3F30]  }
0x297: {  	v23 =	vmul.f32 $1.442695020e+00, v23;
	v29 =	vmul.f32 v10, v10;
	v22 =	vadd.f32 v25, v22;
	v25 =	vld [tilespmem:s19+$0x6720];
	v30 =	vpop (erf)  }
0x298: {  	v34 =	vmul.f32 $7.135481390e-02, v13;
	v13 =	vadd.f32 v12, v26;
	v26 =	vld [tilespmem:s19+$0x6730];
	v35 =	vpop (erf);
	(erf) = vpow2.f32 v20  }
0x299: {  	v20 =	vmul.f32 $7.135481390e-02, v29;
	v12 =	vadd.f32 v14, v22;
	(erf) = vpow2.f32 v23  }
0x29a: {  	v14 =	vsub.f32 $-1.595769170e+00, v34;
	v22 =	vmul.f32 v13, v13;
	v23 =	vadd.f32 v33, v24  }
0x29b: {  	v20 =	vsub.f32 $-1.595769170e+00, v20;
	v33 =	vmul.f32 v12, v12;
	v34 =	vadd.f32 v15, v27  }
0x29c: {  	v29 =	vmul.f32 v14, v11;
	v22 =	vmul.f32 $7.135481390e-02, v22;
	v15 =	vadd.f32 v25, v23  }
0x29d: {  	v20 =	vmul.f32 v20, v10;
	v23 =	vmul.f32 $7.135481390e-02, v33;
	v14 =	vadd.f32 v26, v34;
	v24 =	vpop (erf)  }
0x29e: {  	v25 =	vmul.f32 $1.442695020e+00, v29;
	v22 =	vsub.f32 $-1.595769170e+00, v22;
	v26 =	vmul.f32 v15, v15;
	v27 =	vpop (erf)  }
0x29f: {  	v20 =	vmul.f32 $1.442695020e+00, v20;
	v23 =	vsub.f32 $-1.595769170e+00, v23;
	v29 =	vmul.f32 v14, v14  }
0x2a0: {  	v22 =	vmul.f32 v22, v13;
	v26 =	vmul.f32 $7.135481390e-02, v26  }
0x2a1: {  	v23 =	vmul.f32 v23, v12;
	v29 =	vmul.f32 $7.135481390e-02, v29;
	v33 =	vld [tilespmem:s19+$0x6740];
	v34 =	vpop (erf)  }
0x2a2: {  	v22 =	vmul.f32 $1.442695020e+00, v22;
	v26 =	vsub.f32 $-1.595769170e+00, v26;
	v36 =	vld [tilespmem:s19+$0x6750];
	v37 =	vpop (erf);
	(erf) = vpow2.f32 v25  }
0x2a3: {  	v23 =	vmul.f32 $1.442695020e+00, v23;
	v25 =	vsub.f32 $-1.595769170e+00, v29;
	v38 =	vld [tilespmem:s19+$0x6760];
	(erf) = vpow2.f32 v20  }
0x2a4: {  	v20 =	vadd.f32 $1.000000000e+00, v30;
	v26 =	vmul.f32 v26, v15;
	v30 =	vld [tilespmem:s19+$0x6770];
	(erf) = vpow2.f32 v22  }
0x2a5: {  	v22 =	vadd.f32 $1.000000000e+00, v35;
	v25 =	vmul.f32 v25, v14;
	v29 =	vld [tilespmem:s19+$0x5340];
	(erf) = vpow2.f32 v23  }
0x2a6: {  	v23 =	vmul.f32 $1.442695020e+00, v26;
	v26 =	vld [tilespmem:s19+$0x5350];
	(erf) = vrcp.f32 v20  }
0x2a7: {  	v20 =	vmul.f32 $1.442695020e+00, v25;
	v35 =	vld [tilespmem:s19+$0x3F40];
	(erf) = vrcp.f32 v22  }
0x2a8: {  	v22 =	vmul.f32 v21, v17;
	v17 =	vadd.f32 $1.000000000e+00, v24;
	v21 =	vld [tilespmem:s19+$0x3F50];
	(erf) = vpow2.f32 v23  }
0x2a9: {  	v23 =	vmul.f32 v28, v16;
	v28 =	vadd.f32 $1.000000000e+00, v27;
	v27 =	vld [tilespmem:s19+$0x6780];
	(erf) = vpow2.f32 v20  }
0x2aa: {  	v34 =	vadd.f32 $1.000000000e+00, v34;
	v25 =	vmul.f32 v31, v18;
	v39 =	vld [tilespmem:s19+$0x6790];
	(erf) = vrcp.f32 v17  }
0x2ab: {  	v24 =	vmul.f32 v32, v19;
	v32 =	vadd.f32 $1.000000000e+00, v37;
	v19 =	vld [tilespmem:s19+$0x5360];
	(erf) = vrcp.f32 v28;
	v16 =	vpop (erf)  }
0x2ac: {  	v20 =	vadd.f32 $1.000000000e+00, v16;
	v16 =	vadd.f32 v29, v35;
	v31 =	vld [tilespmem:s19+$0x5370];
	(erf) = vrcp.f32 v34;
	v18 =	vpop (erf)  }
0x2ad: {  	v18 =	vadd.f32 $1.000000000e+00, v18;
	v21 =	vadd.f32 v26, v21;
	v26 =	vld [tilespmem:s19+$0x3F60];
	(erf) = vrcp.f32 v32;
	v17 =	vpop (erf)  }
0x2ae: {  	v32 =	vadd.f32 $1.000000000e+00, v17;
	v16 =	vadd.f32 v33, v16;
	v33 =	vld [tilespmem:s19+$0x3F70];
	(erf) = vrcp.f32 v20;
	v17 =	vpop (erf)  }
0x2af: {  	v35 =	vadd.f32 $1.000000000e+00, v17;
	v17 =	vadd.f32 v36, v21;
	v45 =	vld [tilespmem:s19+$0x67A0];
	v29 =	vpop (erf);
	(erf) = vrcp.f32 v18  }
0x2b0: {  	v18 =	vmul.f32 v16, v16;
	v46 =	vld [tilespmem:s19+$0x67B0];
	v28 =	vpop (erf);
	(erf) = vrcp.f32 v32  }
0x2b1: {  	v21 =	vmul.f32 v17, v17;
	v32 =	vld [tilespmem:s19+$0x5380];
	(erf) = vrcp.f32 v35;
	v20 =	vpop (erf)  }
0x2b2: {  	v20 =	vadd.f32 $1.000000000e+00, v20;
	v18 =	vmul.f32 $7.135481390e-02, v18;
	v19 =	vadd.f32 v19, v26;
	v26 =	vld [tilespmem:s19+$0x5390];
	v34 =	vpop (erf)  }
0x2b3: {  	v34 =	vadd.f32 $1.000000000e+00, v34;
	v21 =	vmul.f32 $7.135481390e-02, v21;
	v31 =	vadd.f32 v31, v33;
	v40 =	vld [tilespmem:s19+$0x3F80];
	v36 =	vpop (erf)  }
0x2b4: {  	v41 =	vsub.f32 $-1.595769170e+00, v18;
	v18 =	vadd.f32 v38, v19;
	v38 =	vld [tilespmem:s19+$0x3F90];
	v37 =	vpop (erf);
	(erf) = vrcp.f32 v20  }
0x2b5: {  	v20 =	vsub.f32 $-1.595769170e+00, v21;
	v19 =	vadd.f32 v30, v31;
	v43 =	vld [tilespmem:s19+$0x53A0];
	v35 =	vpop (erf);
	(erf) = vrcp.f32 v34  }
0x2b6: {  	v21 =	vmul.f32 v41, v16;
	v30 =	vmul.f32 v18, v18;
	v44 =	vld [tilespmem:s19+$0x53B0];
	v33 =	vpop (erf)  }
0x2b7: {  	v20 =	vmul.f32 v20, v17;
	v41 =	vmul.f32 v19, v19;
	v47 =	vld [tilespmem:s19+$0x3FA0];
	v31 =	vpop (erf)  }
0x2b8: {  	v21 =	vmul.f32 $1.442695020e+00, v21;
	v51 =	vmul.f32 $7.135481390e-02, v30;
	v42 =	vadd.f32 v32, v40;
	v48 =	vld [tilespmem:s19+$0x3FB0];
	v34 =	vpop (erf)  }
0x2b9: {  	v49 =	vmul.f32 $1.442695020e+00, v20;
	v50 =	vmul.f32 $7.135481390e-02, v41;
	v26 =	vadd.f32 v26, v38;
	v40 =	vld [tilespmem:s19+$0x67C0];
	v32 =	vpop (erf)  }
0x2ba: {  	v38 =	vsub.f32 $-1.595769170e+00, v51;
	v20 =	vadd.f32 v27, v42;
	v41 =	vld [tilespmem:s19+$0x67D0];
	v30 =	vpop (erf);
	(erf) = vpow2.f32 v21  }
0x2bb: {  	v27 =	vsub.f32 $-1.595769170e+00, v50;
	v21 =	vadd.f32 v39, v26;
	v42 =	vld [tilespmem:s19+$0x53C0];
	(erf) = vpow2.f32 v49  }
0x2bc: {  	v26 =	vmul.f32 v38, v18;
	v52 =	vmul.f32 v20, v20;
	v47 =	vadd.f32 v43, v47;
	v43 =	vld [tilespmem:s19+$0x53D0]  }
.Ltmp3:
0x2bd: {  	v27 =	vmul.f32 v27, v19;
	v49 =	vmul.f32 v21, v21;
	v48 =	vadd.f32 v44, v48;
	v44 =	vld [tilespmem:s19+$0x53E0];
	v39 =	vpop (erf);
	(pc) =	sbr.rel @p2 .LBB2_5-.Ltmp3, $4  }
0x2be: {  	v51 =	vmul.f32 $1.442695020e+00, v26;
	v50 =	vmul.f32 $7.135481390e-02, v52;
	v26 =	vadd.f32 v45, v47;
	v45 =	vld [tilespmem:s19+$0x53F0];
	v38 =	vpop (erf)  }
0x2bf: {  	v53 =	vmul.f32 $1.442695020e+00, v27;
	v52 =	vmul.f32 $7.135481390e-02, v49;
	v27 =	vadd.f32 v46, v48;
	v47 =	vld [tilespmem:s19+$0x3FC0]  }
0x2c0: {  	v49 =	vsub.f32 $-1.595769170e+00, v50;
	v50 =	vmul.f32 v26, v26;
	v46 =	vld [tilespmem:s19+$0x3FD0];
	(erf) = vpow2.f32 v51  }
0x2c1: {  	s22 =	sadd.s32 $0x800, s22;
	v51 =	vsub.f32 $-1.595769170e+00, v52;
	v52 =	vmul.f32 v27, v27;
	v48 =	vld [tilespmem:s19+$0x3FE0];
	(erf) = vpow2.f32 v53  }
0x2c2: {  	v49 =	vmul.f32 v49, v20;
	v50 =	vmul.f32 $7.135481390e-02, v50  }
0x2c3: {  	v53 =	vld [tilespmem:s19+$0x3FF0];
	v0 =	vmul.f32 v29, v0;
	v1 =	vmul.f32 v28, v1  }
0x2c4: {  	v54 =	vld [tilespmem:s19+$0x67E0];
	v51 =	vmul.f32 v51, v21;
	v52 =	vmul.f32 $7.135481390e-02, v52  }
0x2c5: {  	v63 =	vld [tilespmem:s19+$0x67F0];
	v49 =	vmul.f32 $1.442695020e+00, v49;
	v50 =	vsub.f32 $-1.595769170e+00, v50;
	v42 =	vadd.f32 v42, v47  }
0x2c6: {  	v51 =	vmul.f32 $1.442695020e+00, v51;
	v52 =	vsub.f32 $-1.595769170e+00, v52;
	v43 =	vadd.f32 v43, v46  }
0x2c7: {  	v40 =	vadd.f32 v40, v42;
	v48 =	vadd.f32 v44, v48;
	(erf) = vpow2.f32 v49  }
0x2c8: {  	v56 =	vmul.f32 v50, v26;
	v41 =	vadd.f32 v41, v43;
	v55 =	vadd.f32 v45, v53  }
0x2c9: {  	(erf) = vpow2.f32 v51;
	v57 =	vmul.f32 v40, v40;
	v42 =	vadd.f32 v54, v48  }
0x2ca: {  	v58 =	vmul.f32 v52, v27;
	v59 =	vmul.f32 v41, v41;
	v43 =	vadd.f32 v63, v55  }
0x2cb: {  	v45 =	vmul.f32 $7.135481390e-02, v57;
	v60 =	vmul.f32 v42, v42  }
0x2cc: {  	v48 =	vmul.f32 $7.135481390e-02, v59;
	v61 =	vmul.f32 v43, v43  }
0x2cd: {  	v44 =	vmul.f32 $1.442695020e+00, v56;
	v45 =	vsub.f32 $-1.595769170e+00, v45;
	v47 =	vmul.f32 $7.135481390e-02, v60  }
0x2ce: {  	v46 =	vmul.f32 $1.442695020e+00, v58;
	v48 =	vsub.f32 $-1.595769170e+00, v48;
	v49 =	vmul.f32 $7.135481390e-02, v61  }
0x2cf: {  	[tilespmem:s19+$0x3E00] =	vst v7;
	(erf) = vpow2.f32 v44;
	v62 =	vmul.f32 v45, v40;
	v63 =	vsub.f32 $-1.595769170e+00, v47  }
0x2d0: {  	[tilespmem:s19+$0x3E10] =	vst v3;
	(erf) = vpow2.f32 v46;
	v48 =	vmul.f32 v48, v41;
	v49 =	vsub.f32 $-1.595769170e+00, v49  }
0x2d1: {  	[tilespmem:s19+$0x3E20] =	vst v2;
	v50 =	vmul.f32 $1.442695020e+00, v62;
	v51 =	vmul.f32 v63, v42  }
0x2d2: {  	[tilespmem:s19+$0x3E30] =	vst v4;
	v3 =	vmul.f32 $1.442695020e+00, v48;
	v52 =	vmul.f32 v49, v43  }
0x2d3: {  	[tilespmem:s19+$0x3E40] =	vst v22;
	v7 =	vmul.f32 $1.442695020e+00, v51;
	(erf) = vpow2.f32 v50  }
0x2d4: {  	[tilespmem:s19+$0x3E50] =	vst v23;
	v53 =	vpop (erf);
	v4 =	vmul.f32 $1.442695020e+00, v52;
	(erf) = vpow2.f32 v3  }
0x2d5: {  	[tilespmem:s19+$0x3E60] =	vst v25;
	v8 =	vmul.f32 v33, v8;
	v54 =	vpop (erf);
	v2 =	vadd.f32 $1.000000000e+00, v53;
	(erf) = vpow2.f32 v7  }
0x2d6: {  	[tilespmem:s19+$0x3E70] =	vst v24;
	v22 =	vmul.f32 v31, v11;
	v55 =	vpop (erf);
	v3 =	vadd.f32 $1.000000000e+00, v54;
	(erf) = vpow2.f32 v4  }
0x2d7: {  	v23 =	vmul.f32 v34, v10;
	[tilespmem:s19+$0x3E80] =	vst v0;
	v56 =	vpop (erf);
	v58 =	vadd.f32 $1.000000000e+00, v55;
	(erf) = vrcp.f32 v2  }
0x2d8: {  	v28 =	vmul.f32 v32, v13;
	[tilespmem:s19+$0x3E90] =	vst v1;
	v59 =	vpop (erf);
	v4 =	vadd.f32 $1.000000000e+00, v56;
	(erf) = vrcp.f32 v3  }
0x2d9: {  	v31 =	vmul.f32 v30, v12;
	[tilespmem:s19+$0x3ED0] =	vst v8;
	v61 =	vpop (erf);
	v2 =	vadd.f32 $1.000000000e+00, v59;
	(erf) = vrcp.f32 v58  }
0x2da: {  	[tilespmem:s19+$0x3EE0] =	vst v22;
	v60 =	vmul.f32 v37, v5;
	v63 =	vpop (erf);
	v3 =	vadd.f32 $1.000000000e+00, v61;
	(erf) = vrcp.f32 v4  }
0x2db: {  	[tilespmem:s19+$0x3EF0] =	vst v23;
	v62 =	vmul.f32 v35, v9;
	v9 =	vpop (erf);
	v5 =	vadd.f32 $1.000000000e+00, v63;
	(erf) = vrcp.f32 v2  }
0x2dc: {  	v33 =	vmul.f32 v39, v15;
	[tilespmem:s19+$0x3F00] =	vst v28;
	v24 =	vadd.f32 $1.000000000e+00, v9;
	(erf) = vrcp.f32 v3;
	v25 =	vpop (erf)  }
0x2dd: {  	[tilespmem:s19+$0x3F10] =	vst v31;
	v57 =	vmul.f32 v36, v6;
	v3 =	vadd.f32 $1.000000000e+00, v25;
	(erf) = vrcp.f32 v5;
	v29 =	vpop (erf)  }
0x2de: {  	[tilespmem:s19+$0x3F20] =	vst v33;
	v4 =	vadd.f32 $1.000000000e+00, v29;
	(erf) = vrcp.f32 v24;
	v32 =	vpop (erf)  }
0x2df: {  	[tilespmem:s19+$0x3EA0] =	vst v57;
	v2 =	vadd.f32 $1.000000000e+00, v32;
	(erf) = vrcp.f32 v3;
	v34 =	vpop (erf)  }
0x2e0: {  	[tilespmem:s19+$0x3EB0] =	vst v60;
	v35 =	vmul.f32 v38, v14;
	v3 =	vadd.f32 $1.000000000e+00, v34;
	v36 =	vpop (erf);
	(erf) = vrcp.f32 v4  }
0x2e1: {  	[tilespmem:s19+$0x3EC0] =	vst v62;
	v37 =	vmul.f32 v36, v16;
	v38 =	vpop (erf);
	(erf) = vrcp.f32 v2  }
0x2e2: {  	[tilespmem:s19+$0x3F30] =	vst v35;
	v39 =	vmul.f32 v38, v17;
	v44 =	vpop (erf);
	(erf) = vrcp.f32 v3  }
0x2e3: {  	[tilespmem:s19+$0x3F40] =	vst v37;
	v45 =	vmul.f32 v44, v18;
	v46 =	vpop (erf)  }
0x2e4: {  	[tilespmem:s19+$0x3F50] =	vst v39;
	v47 =	vmul.f32 v46, v19;
	v48 =	vpop (erf)  }
0x2e5: {  	[tilespmem:s19+$0x3F60] =	vst v45;
	v49 =	vmul.f32 v48, v20;
	v50 =	vpop (erf)  }
0x2e6: {  	[tilespmem:s19+$0x3F70] =	vst v47;
	v51 =	vmul.f32 v50, v21;
	v52 =	vpop (erf)  }
0x2e7: {  	[tilespmem:s19+$0x3F80] =	vst v49;
	v53 =	vmul.f32 v52, v26;
	v54 =	vpop (erf)  }
0x2e8: {  	[tilespmem:s19+$0x3F90] =	vst v51;
	v55 =	vmul.f32 v54, v27;
	v56 =	vpop (erf)  }
0x2e9: {  	[tilespmem:s19+$0x3FA0] =	vst v53;
	v57 =	vmul.f32 v56, v40;
	v58 =	vpop (erf)  }
0x2ea: {  	[tilespmem:s19+$0x3FB0] =	vst v55;
	v59 =	vmul.f32 v58, v41;
	v60 =	vpop (erf)  }
0x2eb: {  	[tilespmem:s19+$0x3FC0] =	vst v57;
	v61 =	vmul.f32 v60, v42;
	v62 =	vpop (erf)  }
0x2ec: {  	[tilespmem:s19+$0x3FD0] =	vst v59;
	v63 =	vmul.f32 v62, v43  }
0x2ed: {  	[tilespmem:s19+$0x3FE0] =	vst v61  }
.Ltmp4:
0x2ee: {  	[tilespmem:s19+$0x3FF0] =	vst v63;
	(pc) =	sbr.rel @p1 .LBB2_8-.Ltmp4, $4  }
0x2ef: {  	[spmem:s1] =	stream.indirect.scatter.add.f32 [tilespmem:s9], [sflag:$0x5], $0x80, s2, s28, $0xb8;
	[tilespmem:$0x1B280] =	vst v63  }
0x2f0: {  	_ =	swait.ge [sflag:s25], $0x1400  }
0x2f1: {  	[sflag:s25] =	ssyncset.done $0x0  }
0x2f2: {  	[sflag:s25] =	ssyncadd.s32 $0xFFFFEC00  }
0x2f3: {  	s14 =	sadd.s32 s18, s21  }
.Ltmp5:
0x2f4: {  	s14 =	sshrl.u32 s14, $0x3;
	(pc) =	sbr.rel .LBB2_2-.Ltmp5, $4  }
0x2f5: {  	s24 =	sadd.s32 s7, s14  }
0x2f6: {  	[tilespmem:s0], [sflag:$0x2] =	stream.linear.gather [hbm4b:s24+s3], $0x28, $0x38;
	[tilespmem:$0x1B280] =	vst v63  }
0x2f7: {  	s17 =	sadd.s32 $0x1, s17;
	s14 =	sadd.s32 s8, s14  }
0x2f8: {  	[tilespmem:s2], [sflag:$0x2] =	stream.linear.gather [hbm4b:s14+s3], $0x28, $0x38;
	[tilespmem:$0x1B280] =	vst v63  }
.LBB2_9:
0x2f9: {  	_ =	sfence.sel $0x180000  }
0x2fa: {  	[bflag:$0x0] =	sbarrier.arrive $0xFFFF  }
0x2fb: {  	_ =	strace $0x90000047  }
0x2fc: {  	s0 =	stileid.u32;
	[bflag:$0x2] =	sbarrier.arrive $0xFFFF  }
0x2fd: {  	p0 =	sne.s32 s0, $0x0;
	s0 =	rddreg [dreg:$0x3]  }
0x2fe: {  	s0 =	sadd.s32 @!p0 $0x100000, s0  }
0x2ff: {  	[sflag:s0] =	ssyncadd.tile.s32 @!p0 $0x1;
	_ =	shalt  }
.Lfunc_end2:
_tile_overlayer_lowered:
.L_overlay_start_2:
0x300: {  	(tag) =	ssettag $0x2  }
0x301: {  	s0 =	rddreg [dreg:$0x0];
	s2 =	stileid.u32  }
0x302: {  	s1 =	rddreg [dreg:$0x1];
	p0 =	sne.s32 s2, $0x0  }
0x303: {  	s3 =	rddreg [dreg:$0x2];
	[bflag:$0x3] =	sbarrier.arrive $0xFFFF;
	s2 =	simm.s32 @!p0 $0x1C05  }
0x304: {  	[timem:s3], [sflag:s2] =	dma.local @!p0 [hbm:s0], s1  }
0x305: {  	s0 =	simm.s32 @!p0 $0x5  }
0x306: {  	_ =	swait.ge @!p0 [sflag:s0], s1  }
0x307: {  	s1 =	ssub.s32 @!p0 $0x0, s1;
	[sflag:s0] =	ssyncset.done @!p0 $0x0  }
0x308: {  	[sflag:s0] =	ssyncadd.s32 @!p0 s1  }
0x309: {  	[bflag:$0x3] =	sbarrier.arrive $0xFFFF  }
0x30a: {  	_ =	shalt  }

</sc_bundles>
